<compile_context>
chip_gen: v7x
topology: tpu7x:2x2x1
jax: 0.10.2.dev20260603
libtpu: 0.0.44.dev20260713+nightly
codegen_flags: <defaults>
</compile_context>

<pallas_src>
import functools

import jax
import jax.numpy as jnp
import numpy as np
from jax import lax
from jax.experimental import pallas as pl
from jax.experimental.pallas import tpu as pltpu
from jax.experimental.pallas import tpu_sc as plsc

N_ATOMS = 8192
N_EDGES = 24576
EH = N_EDGES
H = 64
HP = 128
P = 16
T_STEPS = 3

NC = 2
NS = 16
NW = NC * NS
E_PER_W = EH // NW
CHUNK = 128
NCHUNK = E_PER_W // CHUNK
STRIPE = N_ATOMS // NS


@functools.lru_cache(maxsize=None)
def _build_sc_kernels():
    mesh = plsc.VectorSubcoreMesh(
        core_axis_name="c", subcore_axis_name="s",
        num_cores=NC, num_subcores=NS)

    @functools.partial(
        pl.kernel,
        out_type=jax.ShapeDtypeStruct((EH, HP), jnp.float32),
        mesh=mesh,
        scratch_types=[
            pltpu.VMEM((NCHUNK, CHUNK), jnp.int32),
            pltpu.VMEM((E_PER_W, HP), jnp.float32),
            pltpu.SemaphoreType.DMA,
        ],
    )
    def sc_gather(table_hbm, idx_hbm, out_hbm, idx_v, rows_v, sem):
        c = lax.axis_index("c")
        s = lax.axis_index("s")
        wid = s * NC + c
        base = wid * E_PER_W
        pltpu.sync_copy(idx_hbm.at[wid], idx_v)
        copies = [
            pltpu.async_copy(table_hbm.at[idx_v.at[j]],
                             rows_v.at[pl.ds(j * CHUNK, CHUNK)], sem)
            for j in range(NCHUNK)
        ]
        for cp in copies:
            cp.wait()
        pltpu.sync_copy(rows_v, out_hbm.at[pl.ds(base, E_PER_W)])

    @functools.partial(
        pl.kernel,
        out_type=jax.ShapeDtypeStruct((NC, N_ATOMS, HP), jnp.float32),
        mesh=mesh,
        scratch_types=[
            pltpu.VMEM((NCHUNK, CHUNK), jnp.int32),
            pltpu.VMEM((NCHUNK, CHUNK), jnp.int32),
            pltpu.VMEM((3 * CHUNK, HP), jnp.float32),
            pltpu.VMEM_SHARED((N_ATOMS, HP), jnp.float32),
            pltpu.SemaphoreType.DMA,
            pltpu.SemaphoreType.DMA,
            pltpu.SemaphoreType.DMA,
        ],
    )
    def sc_scatter_add(msg_hbm, idx_hbm, eidx_hbm, zeros_hbm,
                       out_hbm, idx_v, eidx_v, rows_v, acc, sem, sem2, sem3):
        c = lax.axis_index("c")
        s = lax.axis_index("s")
        wid = s * NC + c
        pltpu.sync_copy(zeros_hbm.at[pl.ds(s * STRIPE, STRIPE)],
                        acc.at[pl.ds(s * STRIPE, STRIPE)])
        pltpu.sync_copy(idx_hbm.at[wid], idx_v)
        pltpu.sync_copy(eidx_hbm.at[wid], eidx_v)
        plsc.subcore_barrier()
        nch = NCHUNK
        sems = (sem, sem2, sem3)

        def fetch(k):
            return pltpu.async_copy(
                msg_hbm.at[eidx_v.at[k]],
                rows_v.at[pl.ds((k % 3) * CHUNK, CHUNK)], sems[k % 3])

        pend = [fetch(0), fetch(1)]
        for k in range(nch):
            cur = pend.pop(0)
            if k + 2 < nch:
                pend.append(fetch(k + 2))
            cur.wait()
            pltpu.sync_copy(rows_v.at[pl.ds((k % 3) * CHUNK, CHUNK)],
                            acc.at[idx_v.at[k]], add=True)
        plsc.subcore_barrier()
        pltpu.sync_copy(acc.at[pl.ds(s * STRIPE, STRIPE)],
                        out_hbm.at[c, pl.ds(s * STRIPE, STRIPE)])

    return sc_gather, sc_scatter_add


def _sc_gather(table, idx3):
    return _build_sc_kernels()[0](table, idx3)


def _sc_scatter_add(msg, idx3, eidx3, zeros):
    return _build_sc_kernels()[1](msg, idx3, eidx3, zeros)


_BE = 4096


def _msg_body(g_ref, pair_ref, wt_ref, rep_ref, red_ref, b_ref, o_ref):
    f32 = jnp.float32
    g = g_ref[...]
    y = jnp.dot(g[:, :H], wt_ref[...], preferred_element_type=f32)
    pr = jnp.dot(pair_ref[...], rep_ref[...], preferred_element_type=f32)
    u = y[:, :512] * pr[:, :512] + y[:, 512:] * pr[:, 512:]
    u = u[:, :256] + u[:, 256:]
    u = u[:, :128] + u[:, 128:]
    msg = jnp.dot(u, red_ref[...], preferred_element_type=f32)
    o_ref[...] = msg + jnp.dot(g, b_ref[...], preferred_element_type=f32)


def _tc_msg(g, pair, wt, rep, red, bmat):
    return pl.pallas_call(
        _msg_body,
        grid=(EH // _BE,),
        in_specs=[
            pl.BlockSpec((_BE, HP), lambda i: (i, 0)),
            pl.BlockSpec((_BE, P), lambda i: (i, 0)),
            pl.BlockSpec((H, P * H), lambda i: (0, 0)),
            pl.BlockSpec((P, P * H), lambda i: (0, 0)),
            pl.BlockSpec((HP, HP), lambda i: (0, 0)),
            pl.BlockSpec((HP, HP), lambda i: (0, 0)),
        ],
        out_specs=pl.BlockSpec((_BE, HP), lambda i: (i, 0)),
        out_shape=jax.ShapeDtypeStruct((EH, HP), jnp.float32),
        compiler_params=pltpu.CompilerParams(
            vmem_limit_bytes=100 * 1024 * 1024),
    )(g, pair, wt, rep, red, bmat)


_BA = 2048


def _gru_compute(parts_ref, h_ref, wz_ref, wr_ref, wh_ref, uz_ref, ur_ref,
                 uh_ref, bz_ref, br_ref, bh_ref):
    m = parts_ref[0] + parts_ref[1]
    h = h_ref[...]
    f32 = jnp.float32
    z = jax.nn.sigmoid(jnp.dot(m, wz_ref[...], preferred_element_type=f32)
                       + jnp.dot(h, uz_ref[...], preferred_element_type=f32)
                       + bz_ref[...])
    r = jax.nn.sigmoid(jnp.dot(m, wr_ref[...], preferred_element_type=f32)
                       + jnp.dot(h, ur_ref[...], preferred_element_type=f32)
                       + br_ref[...])
    ht = jnp.tanh(jnp.dot(m, wh_ref[...], preferred_element_type=f32)
                  + jnp.dot(h * r, uh_ref[...], preferred_element_type=f32)
                  + bh_ref[...])
    return (1.0 - z) * ht + z * h


def _gru_body(parts_ref, h_ref, *refs):
    refs[-1][...] = _gru_compute(parts_ref, h_ref, *refs[:-1])


def _gru_body_final(parts_ref, h_ref, *refs):
    refs[-1][...] = _gru_compute(parts_ref, h_ref, *refs[:-1])[:, :H]


def _tc_gru(parts, h, wz, wr, wh, uz, ur, uh, bz, br, bh, final=False):
    full = pl.BlockSpec((HP, HP), lambda i: (0, 0))
    bias = pl.BlockSpec((1, HP), lambda i: (0, 0))
    blk = pl.BlockSpec((_BA, HP), lambda i: (i, 0))
    pblk = pl.BlockSpec((NC, _BA, HP), lambda i: (0, i, 0))
    owidth = H if final else HP
    return pl.pallas_call(
        _gru_body_final if final else _gru_body,
        grid=(N_ATOMS // _BA,),
        in_specs=[pblk, blk, full, full, full, full, full, full,
                  bias, bias, bias],
        out_specs=pl.BlockSpec((_BA, owidth), lambda i: (i, 0)),
        out_shape=jax.ShapeDtypeStruct((N_ATOMS, owidth), jnp.float32),
    )(parts, h, wz, wr, wh, uz, ur, uh, bz, br, bh)


def _pad_w(w):
    return jnp.pad(w, ((0, HP - H), (0, HP - H)))


def kernel(atom_features, pair_features, atom_to_pair, W, b,
           Wz, Wr, Wh, Uz, Ur, Uh, bz, br, bh):
    dst3 = atom_to_pair[:, 0].astype(jnp.int32).reshape(NW, NCHUNK, CHUNK)
    src3 = atom_to_pair[:, 1].astype(jnp.int32).reshape(NW, NCHUNK, CHUNK)
    eidx = jnp.arange(EH, dtype=jnp.int32).reshape(NW, NCHUNK, CHUNK)
    wt = W.reshape(P, H, H).swapaxes(0, 1).reshape(H, P * H)
    bmat = jnp.pad(b.reshape(H, H), ((0, HP - H), (0, HP - H)))
    pair16 = pair_features.astype(jnp.bfloat16)
    kk = np.arange(P * H)
    rep = jnp.asarray((kk[None, :] // H == np.arange(P)[:, None])
                      .astype(np.float32)).astype(jnp.bfloat16)
    kk2 = np.arange(HP)
    red = jnp.asarray((kk2[:, None] % H == np.arange(HP)[None, :])
                      .astype(np.float32) * (kk2[None, :] < H))
    zeros = jnp.zeros((N_ATOMS, HP), jnp.float32)
    bz2, br2, bh2 = (jnp.pad(x, (0, HP - H)).reshape(1, HP)
                     for x in (bz, br, bh))
    wz, wr, wh = _pad_w(Wz), _pad_w(Wr), _pad_w(Wh)
    uz, ur, uh = _pad_w(Uz), _pad_w(Ur), _pad_w(Uh)

    out = jnp.pad(atom_features, ((0, 0), (0, HP - H)))
    for t in range(T_STEPS):
        g = _sc_gather(out, src3)
        msg = _tc_msg(g, pair16, wt, rep, red, bmat)
        parts = _sc_scatter_add(msg, dst3, eidx, zeros)
        out = _tc_gru(parts, out, wz, wr, wh, uz, ur, uh, bz2, br2, bh2,
                      final=(t == T_STEPS - 1))
    return out

# --- scband reference (transcript-rebuilt; emitter-appended) ---
"""Pipeline reference for scband-message-passing-76063870812672 (READ-ONLY COPY).

The authoritative reference and input builder live on the scoring server;
editing this copy changes nothing except your own understanding.
"""

import jax, jax.numpy as jnp
import numpy as np

N_ATOMS = 8192
N_EDGES = 24576
N_HIDDEN = 64
N_PAIR_FEAT = 16
T_STEPS = 3


def _glorot(key, shape):
    fan_in, fan_out = shape[0], shape[1]
    limit = np.sqrt(6.0 / (fan_in + fan_out))
    return jax.random.uniform(key, shape, jnp.float32, -limit, limit)


def setup_inputs(seed: int = 0) -> dict:
    key = jax.random.key(seed)
    ks = jax.random.split(key, 16)
    atom_features = jax.random.normal(ks[0], (N_ATOMS, N_HIDDEN), jnp.float32)
    pair_features = jax.random.normal(ks[1], (N_EDGES, N_PAIR_FEAT), jnp.float32)
    # tf.segment_sum requires sorted segment ids -> sort destination column
    col0 = jnp.sort(jax.random.randint(ks[2], (N_EDGES,), 0, N_ATOMS))
    col1 = jax.random.randint(ks[3], (N_EDGES,), 0, N_ATOMS)
    atom_to_pair = jnp.stack([col0, col1], axis=1).astype(jnp.int64)
    # EdgeNetwork params
    W = _glorot(ks[4], (N_PAIR_FEAT, N_HIDDEN * N_HIDDEN))
    b = jnp.zeros((N_HIDDEN * N_HIDDEN,), jnp.float32)
    # GRU params
    Wz = _glorot(ks[5], (N_HIDDEN, N_HIDDEN))
    Wr = _glorot(ks[6], (N_HIDDEN, N_HIDDEN))
    Wh = _glorot(ks[7], (N_HIDDEN, N_HIDDEN))
    Uz = _glorot(ks[8], (N_HIDDEN, N_HIDDEN))
    Ur = _glorot(ks[9], (N_HIDDEN, N_HIDDEN))
    Uh = _glorot(ks[10], (N_HIDDEN, N_HIDDEN))
    bz = jnp.zeros((N_HIDDEN,), jnp.float32)
    br = jnp.zeros((N_HIDDEN,), jnp.float32)
    bh = jnp.zeros((N_HIDDEN,), jnp.float32)
    return {"atom_features": atom_features, "pair_features": pair_features,
            "atom_to_pair": atom_to_pair, "W": W, "b": b,
            "Wz": Wz, "Wr": Wr, "Wh": Wh, "Uz": Uz, "Ur": Ur, "Uh": Uh,
            "bz": bz, "br": br, "bh": bh}


def reference(atom_features, pair_features, atom_to_pair, W, b,
              Wz, Wr, Wh, Uz, Ur, Uh, bz, br, bh):
    # EdgeNetwork precompute: A = xw_plus_b(pair_features, W, b) -> [E, h, h]
    A = (pair_features @ W + b).reshape(-1, N_HIDDEN, N_HIDDEN)
    # n_atom_features == n_hidden -> no padding needed
    out = atom_features
    dst = atom_to_pair[:, 0]
    src = atom_to_pair[:, 1]
    for _ in range(T_STEPS):
        # message function (EdgeNetwork.forward)
        gathered = jnp.take(out, src, axis=0)            # [E, h]
        msg_e = jnp.sum(gathered[:, :, None] * A, axis=1)  # [E, h]
        message = jax.ops.segment_sum(msg_e, dst, num_segments=N_ATOMS)
        # update function (GatedRecurrentUnit.forward)
        z = jax.nn.sigmoid(message @ Wz + out @ Uz + bz)
        r = jax.nn.sigmoid(message @ Wr + out @ Ur + br)
        h = (1 - z) * jnp.tanh(message @ Wh + (out * r) @ Uh + bh) + z * out
        out = h
    return out

if __name__ == "__main__":
    import jax
    _d = setup_inputs()
    print(jax.jit(kernel)(*tuple(_d.values())))

</pallas_src>

<mosaic_0001>
#map = affine_map<(d0, d1) -> (0, 0)>
#map1 = affine_map<(d0, d1) -> (0, 0, 0)>
module attributes {stable_mosaic.version = 14 : i64} {
  func.func @sc_scatter_add(%arg0: i32, %arg1: i32, %arg2: memref<24576x128xf32, #tpu.memory_space<hbm>>, %arg3: memref<32x6x128xi32, #tpu.memory_space<hbm>>, %arg4: memref<32x6x128xi32, #tpu.memory_space<hbm>>, %arg5: memref<8192x128xf32, #tpu.memory_space<hbm>>, %arg6: memref<2x8192x128xf32, #tpu.memory_space<hbm>>, %arg7: memref<6x128xi32, #tpu.memory_space<vmem>>, %arg8: memref<6x128xi32, #tpu.memory_space<vmem>>, %arg9: memref<384x128xf32, #tpu.memory_space<vmem>>, %arg10: memref<8192x128xf32, #tpu.memory_space<vmem_shared>>, %arg11: memref<!tpu.dma_semaphore, #tpu.memory_space<semaphore_mem>>, %arg12: memref<!tpu.dma_semaphore, #tpu.memory_space<semaphore_mem>>, %arg13: memref<!tpu.dma_semaphore, #tpu.memory_space<semaphore_mem>>) attributes {dimension_semantics = [#tpu.dimension_semantics<core_parallel>, #tpu.dimension_semantics<subcore_parallel>], iteration_bounds = array<i64: 2, 16>, scalar_prefetch = 0 : i64, scratch_operands = 7 : i64, tpu.core_type = #tpu.core_type<sc_vector_subcore>, window_params = [{transform_indices = #map}, {transform_indices = #map1}, {transform_indices = #map1}, {transform_indices = #map}, {transform_indices = #map1}]} {
    %mul3A = arith.constant 2 : i32
    %mul3A_0 = arith.muli %arg1, %mul3A : i32
    %add3A = arith.addi %mul3A_0, %arg0 : i32
    %mul3A_1 = arith.constant 512 : i32
    %mul3A_2 = arith.muli %arg1, %mul3A_1 : i32
    %mul3A_3 = arith.constant 512 : i32
    %mul3A_4 = arith.muli %arg1, %mul3A_3 : i32
    "tpu.region"() ({
      %run_scoped3A_133 = tpu.sem_alloc : memref<!tpu.dma_semaphore, #tpu.memory_space<semaphore_mem>>
      %dma_start3A_134 = arith.constant 0 : i32
      %dma_start3A_135 = tpu.memref_slice %arg10[%mul3A_4, %dma_start3A_134] : memref<8192x128xf32, #tpu.memory_space<vmem_shared>> -> memref<512x128xf32, #tpu.memory_space<vmem_shared>>
      %dma_start3A_136 = arith.constant 0 : i32
      %dma_start3A_137 = tpu.memref_slice %arg5[%mul3A_2, %dma_start3A_136] : memref<8192x128xf32, #tpu.memory_space<hbm>> -> memref<512x128xf32, #tpu.memory_space<hbm>>
      tpu.enqueue_dma source(%dma_start3A_137 : memref<512x128xf32, #tpu.memory_space<hbm>>) target(%dma_start3A_135 : memref<512x128xf32, #tpu.memory_space<vmem_shared>>) target_semaphore(%run_scoped3A_133 : memref<!tpu.dma_semaphore, #tpu.memory_space<semaphore_mem>>)
      %dma_wait3A_138 = arith.constant 0 : i32
      %dma_wait3A_139 = tpu.memref_slice %arg10[%mul3A_4, %dma_wait3A_138] : memref<8192x128xf32, #tpu.memory_space<vmem_shared>> -> memref<512x128xf32, #tpu.memory_space<vmem_shared>>
      %dma_wait3A_140 = arith.constant 0 : i32
      %dma_wait3A_141 = tpu.memref_slice %arg5[%mul3A_2, %dma_wait3A_140] : memref<8192x128xf32, #tpu.memory_space<hbm>> -> memref<512x128xf32, #tpu.memory_space<hbm>>
      tpu.wait_dma2 semaphore(%run_scoped3A_133 : memref<!tpu.dma_semaphore, #tpu.memory_space<semaphore_mem>>) src(%dma_wait3A_141 : memref<512x128xf32, #tpu.memory_space<hbm>>) dst(%dma_wait3A_139 : memref<512x128xf32, #tpu.memory_space<vmem_shared>>)
      tpu.yield
    }) : () -> ()
    "tpu.region"() ({
      %run_scoped3A_133 = tpu.sem_alloc : memref<!tpu.dma_semaphore, #tpu.memory_space<semaphore_mem>>
      %dma_start3A_134 = arith.constant 0 : i32
      %dma_start3A_135 = arith.constant 0 : i32
      %dma_start3A_136 = tpu.memref_slice %arg3[%add3A, %dma_start3A_134, %dma_start3A_135] : memref<32x6x128xi32, #tpu.memory_space<hbm>> -> memref<1x6x128xi32, #tpu.memory_space<hbm>>
      %dma_start3A_137 = tpu.memref_squeeze %dma_start3A_136 : memref<1x6x128xi32, #tpu.memory_space<hbm>> -> memref<6x128xi32, #tpu.memory_space<hbm>>
      %dma_start3A_138 = arith.constant 0 : i32
      %dma_start3A_139 = arith.constant 0 : i32
      %dma_start3A_140 = tpu.memref_slice %arg3[%add3A, %dma_start3A_138, %dma_start3A_139] : memref<32x6x128xi32, #tpu.memory_space<hbm>> -> memref<1x6x128xi32, #tpu.memory_space<hbm>>
      %dma_start3A_141 = tpu.memref_squeeze %dma_start3A_140 : memref<1x6x128xi32, #tpu.memory_space<hbm>> -> memref<6x128xi32, #tpu.memory_space<hbm>>
      tpu.enqueue_dma source(%dma_start3A_141 : memref<6x128xi32, #tpu.memory_space<hbm>>) target(%arg7 : memref<6x128xi32, #tpu.memory_space<vmem>>) target_semaphore(%run_scoped3A_133 : memref<!tpu.dma_semaphore, #tpu.memory_space<semaphore_mem>>)
      %dma_wait3A_142 = arith.constant 0 : i32
      %dma_wait3A_143 = arith.constant 0 : i32
      %dma_wait3A_144 = tpu.memref_slice %arg3[%add3A, %dma_wait3A_142, %dma_wait3A_143] : memref<32x6x128xi32, #tpu.memory_space<hbm>> -> memref<1x6x128xi32, #tpu.memory_space<hbm>>
      %dma_wait3A_145 = tpu.memref_squeeze %dma_wait3A_144 : memref<1x6x128xi32, #tpu.memory_space<hbm>> -> memref<6x128xi32, #tpu.memory_space<hbm>>
      %dma_wait3A_146 = arith.constant 0 : i32
      %dma_wait3A_147 = arith.constant 0 : i32
      %dma_wait3A_148 = tpu.memref_slice %arg3[%add3A, %dma_wait3A_146, %dma_wait3A_147] : memref<32x6x128xi32, #tpu.memory_space<hbm>> -> memref<1x6x128xi32, #tpu.memory_space<hbm>>
      %dma_wait3A_149 = tpu.memref_squeeze %dma_wait3A_148 : memref<1x6x128xi32, #tpu.memory_space<hbm>> -> memref<6x128xi32, #tpu.memory_space<hbm>>
      tpu.wait_dma2 semaphore(%run_scoped3A_133 : memref<!tpu.dma_semaphore, #tpu.memory_space<semaphore_mem>>) src(%dma_wait3A_149 : memref<6x128xi32, #tpu.memory_space<hbm>>) dst(%arg7 : memref<6x128xi32, #tpu.memory_space<vmem>>)
      tpu.yield
    }) : () -> ()
    "tpu.region"() ({
      %run_scoped3A_133 = tpu.sem_alloc : memref<!tpu.dma_semaphore, #tpu.memory_space<semaphore_mem>>
      %dma_start3A_134 = arith.constant 0 : i32
      %dma_start3A_135 = arith.constant 0 : i32
      %dma_start3A_136 = tpu.memref_slice %arg4[%add3A, %dma_start3A_134, %dma_start3A_135] : memref<32x6x128xi32, #tpu.memory_space<hbm>> -> memref<1x6x128xi32, #tpu.memory_space<hbm>>
      %dma_start3A_137 = tpu.memref_squeeze %dma_start3A_136 : memref<1x6x128xi32, #tpu.memory_space<hbm>> -> memref<6x128xi32, #tpu.memory_space<hbm>>
      %dma_start3A_138 = arith.constant 0 : i32
      %dma_start3A_139 = arith.constant 0 : i32
      %dma_start3A_140 = tpu.memref_slice %arg4[%add3A, %dma_start3A_138, %dma_start3A_139] : memref<32x6x128xi32, #tpu.memory_space<hbm>> -> memref<1x6x128xi32, #tpu.memory_space<hbm>>
      %dma_start3A_141 = tpu.memref_squeeze %dma_start3A_140 : memref<1x6x128xi32, #tpu.memory_space<hbm>> -> memref<6x128xi32, #tpu.memory_space<hbm>>
      tpu.enqueue_dma source(%dma_start3A_141 : memref<6x128xi32, #tpu.memory_space<hbm>>) target(%arg8 : memref<6x128xi32, #tpu.memory_space<vmem>>) target_semaphore(%run_scoped3A_133 : memref<!tpu.dma_semaphore, #tpu.memory_space<semaphore_mem>>)
      %dma_wait3A_142 = arith.constant 0 : i32
      %dma_wait3A_143 = arith.constant 0 : i32
      %dma_wait3A_144 = tpu.memref_slice %arg4[%add3A, %dma_wait3A_142, %dma_wait3A_143] : memref<32x6x128xi32, #tpu.memory_space<hbm>> -> memref<1x6x128xi32, #tpu.memory_space<hbm>>
      %dma_wait3A_145 = tpu.memref_squeeze %dma_wait3A_144 : memref<1x6x128xi32, #tpu.memory_space<hbm>> -> memref<6x128xi32, #tpu.memory_space<hbm>>
      %dma_wait3A_146 = arith.constant 0 : i32
      %dma_wait3A_147 = arith.constant 0 : i32
      %dma_wait3A_148 = tpu.memref_slice %arg4[%add3A, %dma_wait3A_146, %dma_wait3A_147] : memref<32x6x128xi32, #tpu.memory_space<hbm>> -> memref<1x6x128xi32, #tpu.memory_space<hbm>>
      %dma_wait3A_149 = tpu.memref_squeeze %dma_wait3A_148 : memref<1x6x128xi32, #tpu.memory_space<hbm>> -> memref<6x128xi32, #tpu.memory_space<hbm>>
      tpu.wait_dma2 semaphore(%run_scoped3A_133 : memref<!tpu.dma_semaphore, #tpu.memory_space<semaphore_mem>>) src(%dma_wait3A_149 : memref<6x128xi32, #tpu.memory_space<hbm>>) dst(%arg8 : memref<6x128xi32, #tpu.memory_space<vmem>>)
      tpu.yield
    }) : () -> ()
    %barrier3A = arith.constant 0 : index
    tpu.barrier barrier_id(%barrier3A)
    %dma_start3A = arith.constant 0 : i32
    %dma_start3A_5 = arith.constant 0 : i32
    %dma_start3A_6 = arith.constant 0 : i32
    %dma_start3A_7 = tpu.memref_slice %arg9[%dma_start3A_5, %dma_start3A_6] : memref<384x128xf32, #tpu.memory_space<vmem>> -> memref<128x128xf32, #tpu.memory_space<vmem>>
    %dma_start3A_8 = arith.constant 0 : i32
    %dma_start3A_9 = tpu.memref_slice %arg8[%dma_start3A, %dma_start3A_8] : memref<6x128xi32, #tpu.memory_space<vmem>> -> memref<1x128xi32, #tpu.memory_space<vmem>>
    %dma_start3A_10 = tpu.memref_squeeze %dma_start3A_9 : memref<1x128xi32, #tpu.memory_space<vmem>> -> memref<128xi32, #tpu.memory_space<vmem>>
    %dma_start3A_11 = arith.constant 0 : i32
    %dma_start3A_12 = arith.constant 0 : i32
    %dma_start3A_13 = tpu.memref_slice %arg2[%dma_start3A_11, %dma_start3A_12] : memref<24576x128xf32, #tpu.memory_space<hbm>> -> memref<24576x128xf32, #tpu.memory_space<hbm>>
    tpu.enqueue_indirect_dma source(%dma_start3A_13 : memref<24576x128xf32, #tpu.memory_space<hbm>>) target(%dma_start3A_7 : memref<128x128xf32, #tpu.memory_space<vmem>>) offsets(%dma_start3A_10 : memref<128xi32, #tpu.memory_space<vmem>>) semaphore(%arg11 : memref<!tpu.dma_semaphore, #tpu.memory_space<semaphore_mem>>)
    %dma_start3A_14 = arith.constant 1 : i32
    %dma_start3A_15 = arith.constant 128 : i32
    %dma_start3A_16 = arith.constant 0 : i32
    %dma_start3A_17 = tpu.memref_slice %arg9[%dma_start3A_15, %dma_start3A_16] : memref<384x128xf32, #tpu.memory_space<vmem>> -> memref<128x128xf32, #tpu.memory_space<vmem>>
    %dma_start3A_18 = arith.constant 0 : i32
    %dma_start3A_19 = tpu.memref_slice %arg8[%dma_start3A_14, %dma_start3A_18] : memref<6x128xi32, #tpu.memory_space<vmem>> -> memref<1x128xi32, #tpu.memory_space<vmem>>
    %dma_start3A_20 = tpu.memref_squeeze %dma_start3A_19 : memref<1x128xi32, #tpu.memory_space<vmem>> -> memref<128xi32, #tpu.memory_space<vmem>>
    %dma_start3A_21 = arith.constant 0 : i32
    %dma_start3A_22 = arith.constant 0 : i32
    %dma_start3A_23 = tpu.memref_slice %arg2[%dma_start3A_21, %dma_start3A_22] : memref<24576x128xf32, #tpu.memory_space<hbm>> -> memref<24576x128xf32, #tpu.memory_space<hbm>>
    tpu.enqueue_indirect_dma source(%dma_start3A_23 : memref<24576x128xf32, #tpu.memory_space<hbm>>) target(%dma_start3A_17 : memref<128x128xf32, #tpu.memory_space<vmem>>) offsets(%dma_start3A_20 : memref<128xi32, #tpu.memory_space<vmem>>) semaphore(%arg12 : memref<!tpu.dma_semaphore, #tpu.memory_space<semaphore_mem>>)
    %dma_start3A_24 = arith.constant 2 : i32
    %dma_start3A_25 = arith.constant 256 : i32
    %dma_start3A_26 = arith.constant 0 : i32
    %dma_start3A_27 = tpu.memref_slice %arg9[%dma_start3A_25, %dma_start3A_26] : memref<384x128xf32, #tpu.memory_space<vmem>> -> memref<128x128xf32, #tpu.memory_space<vmem>>
    %dma_start3A_28 = arith.constant 0 : i32
    %dma_start3A_29 = tpu.memref_slice %arg8[%dma_start3A_24, %dma_start3A_28] : memref<6x128xi32, #tpu.memory_space<vmem>> -> memref<1x128xi32, #tpu.memory_space<vmem>>
    %dma_start3A_30 = tpu.memref_squeeze %dma_start3A_29 : memref<1x128xi32, #tpu.memory_space<vmem>> -> memref<128xi32, #tpu.memory_space<vmem>>
    %dma_start3A_31 = arith.constant 0 : i32
    %dma_start3A_32 = arith.constant 0 : i32
    %dma_start3A_33 = tpu.memref_slice %arg2[%dma_start3A_31, %dma_start3A_32] : memref<24576x128xf32, #tpu.memory_space<hbm>> -> memref<24576x128xf32, #tpu.memory_space<hbm>>
    tpu.enqueue_indirect_dma source(%dma_start3A_33 : memref<24576x128xf32, #tpu.memory_space<hbm>>) target(%dma_start3A_27 : memref<128x128xf32, #tpu.memory_space<vmem>>) offsets(%dma_start3A_30 : memref<128xi32, #tpu.memory_space<vmem>>) semaphore(%arg13 : memref<!tpu.dma_semaphore, #tpu.memory_space<semaphore_mem>>)
    %dma_wait3A = arith.constant 0 : i32
    %dma_wait3A_34 = arith.constant 0 : i32
    %dma_wait3A_35 = arith.constant 0 : i32
    %dma_wait3A_36 = tpu.memref_slice %arg9[%dma_wait3A_34, %dma_wait3A_35] : memref<384x128xf32, #tpu.memory_space<vmem>> -> memref<128x128xf32, #tpu.memory_space<vmem>>
    %dma_wait3A_37 = arith.constant 0 : i32
    %dma_wait3A_38 = tpu.memref_slice %arg8[%dma_wait3A, %dma_wait3A_37] : memref<6x128xi32, #tpu.memory_space<vmem>> -> memref<1x128xi32, #tpu.memory_space<vmem>>
    %dma_wait3A_39 = tpu.memref_squeeze %dma_wait3A_38 : memref<1x128xi32, #tpu.memory_space<vmem>> -> memref<128xi32, #tpu.memory_space<vmem>>
    %dma_wait3A_40 = arith.constant 0 : i32
    %dma_wait3A_41 = arith.constant 0 : i32
    %dma_wait3A_42 = tpu.memref_slice %arg2[%dma_wait3A_40, %dma_wait3A_41] : memref<24576x128xf32, #tpu.memory_space<hbm>> -> memref<24576x128xf32, #tpu.memory_space<hbm>>
    tpu.wait_indirect_dma semaphore(%arg11 : memref<!tpu.dma_semaphore, #tpu.memory_space<semaphore_mem>>) src(%dma_wait3A_42 : memref<24576x128xf32, #tpu.memory_space<hbm>>) dst(%dma_wait3A_36 : memref<128x128xf32, #tpu.memory_space<vmem>>)
    %run_scoped3A = arith.constant 0 : i32
    "tpu.region"() ({
      %run_scoped3A_133 = tpu.sem_alloc : memref<!tpu.dma_semaphore, #tpu.memory_space<semaphore_mem>>
      %dma_start3A_134 = arith.constant 0 : i32
      %dma_start3A_135 = arith.constant 0 : i32
      %dma_start3A_136 = tpu.memref_slice %arg9[%dma_start3A_134, %dma_start3A_135] : memref<384x128xf32, #tpu.memory_space<vmem>> -> memref<128x128xf32, #tpu.memory_space<vmem>>
      %dma_start3A_137 = arith.constant 0 : i32
      %dma_start3A_138 = tpu.memref_slice %arg7[%run_scoped3A, %dma_start3A_137] : memref<6x128xi32, #tpu.memory_space<vmem>> -> memref<1x128xi32, #tpu.memory_space<vmem>>
      %dma_start3A_139 = tpu.memref_squeeze %dma_start3A_138 : memref<1x128xi32, #tpu.memory_space<vmem>> -> memref<128xi32, #tpu.memory_space<vmem>>
      %dma_start3A_140 = arith.constant 0 : i32
      %dma_start3A_141 = arith.constant 0 : i32
      %dma_start3A_142 = tpu.memref_slice %arg10[%dma_start3A_140, %dma_start3A_141] : memref<8192x128xf32, #tpu.memory_space<vmem_shared>> -> memref<8192x128xf32, #tpu.memory_space<vmem_shared>>
      tpu.enqueue_indirect_dma source(%dma_start3A_136 : memref<128x128xf32, #tpu.memory_space<vmem>>) target(%dma_start3A_142 : memref<8192x128xf32, #tpu.memory_space<vmem_shared>>) offsets(%dma_start3A_139 : memref<128xi32, #tpu.memory_space<vmem>>) semaphore(%run_scoped3A_133 : memref<!tpu.dma_semaphore, #tpu.memory_space<semaphore_mem>>) {add = true}
      %dma_wait3A_143 = arith.constant 0 : i32
      %dma_wait3A_144 = arith.constant 0 : i32
      %dma_wait3A_145 = tpu.memref_slice %arg9[%dma_wait3A_143, %dma_wait3A_144] : memref<384x128xf32, #tpu.memory_space<vmem>> -> memref<128x128xf32, #tpu.memory_space<vmem>>
      %dma_wait3A_146 = arith.constant 0 : i32
      %dma_wait3A_147 = tpu.memref_slice %arg7[%run_scoped3A, %dma_wait3A_146] : memref<6x128xi32, #tpu.memory_space<vmem>> -> memref<1x128xi32, #tpu.memory_space<vmem>>
      %dma_wait3A_148 = tpu.memref_squeeze %dma_wait3A_147 : memref<1x128xi32, #tpu.memory_space<vmem>> -> memref<128xi32, #tpu.memory_space<vmem>>
      %dma_wait3A_149 = arith.constant 0 : i32
      %dma_wait3A_150 = arith.constant 0 : i32
      %dma_wait3A_151 = tpu.memref_slice %arg10[%dma_wait3A_149, %dma_wait3A_150] : memref<8192x128xf32, #tpu.memory_space<vmem_shared>> -> memref<8192x128xf32, #tpu.memory_space<vmem_shared>>
      tpu.wait_indirect_dma semaphore(%run_scoped3A_133 : memref<!tpu.dma_semaphore, #tpu.memory_space<semaphore_mem>>) src(%dma_wait3A_145 : memref<128x128xf32, #tpu.memory_space<vmem>>) dst(%dma_wait3A_151 : memref<8192x128xf32, #tpu.memory_space<vmem_shared>>)
      tpu.yield
    }) : () -> ()
    %dma_start3A_43 = arith.constant 3 : i32
    %dma_start3A_44 = arith.constant 0 : i32
    %dma_start3A_45 = arith.constant 0 : i32
    %dma_start3A_46 = tpu.memref_slice %arg9[%dma_start3A_44, %dma_start3A_45] : memref<384x128xf32, #tpu.memory_space<vmem>> -> memref<128x128xf32, #tpu.memory_space<vmem>>
    %dma_start3A_47 = arith.constant 0 : i32
    %dma_start3A_48 = tpu.memref_slice %arg8[%dma_start3A_43, %dma_start3A_47] : memref<6x128xi32, #tpu.memory_space<vmem>> -> memref<1x128xi32, #tpu.memory_space<vmem>>
    %dma_start3A_49 = tpu.memref_squeeze %dma_start3A_48 : memref<1x128xi32, #tpu.memory_space<vmem>> -> memref<128xi32, #tpu.memory_space<vmem>>
    %dma_start3A_50 = arith.constant 0 : i32
    %dma_start3A_51 = arith.constant 0 : i32
    %dma_start3A_52 = tpu.memref_slice %arg2[%dma_start3A_50, %dma_start3A_51] : memref<24576x128xf32, #tpu.memory_space<hbm>> -> memref<24576x128xf32, #tpu.memory_space<hbm>>
    tpu.enqueue_indirect_dma source(%dma_start3A_52 : memref<24576x128xf32, #tpu.memory_space<hbm>>) target(%dma_start3A_46 : memref<128x128xf32, #tpu.memory_space<vmem>>) offsets(%dma_start3A_49 : memref<128xi32, #tpu.memory_space<vmem>>) semaphore(%arg11 : memref<!tpu.dma_semaphore, #tpu.memory_space<semaphore_mem>>)
    %dma_wait3A_53 = arith.constant 1 : i32
    %dma_wait3A_54 = arith.constant 128 : i32
    %dma_wait3A_55 = arith.constant 0 : i32
    %dma_wait3A_56 = tpu.memref_slice %arg9[%dma_wait3A_54, %dma_wait3A_55] : memref<384x128xf32, #tpu.memory_space<vmem>> -> memref<128x128xf32, #tpu.memory_space<vmem>>
    %dma_wait3A_57 = arith.constant 0 : i32
    %dma_wait3A_58 = tpu.memref_slice %arg8[%dma_wait3A_53, %dma_wait3A_57] : memref<6x128xi32, #tpu.memory_space<vmem>> -> memref<1x128xi32, #tpu.memory_space<vmem>>
    %dma_wait3A_59 = tpu.memref_squeeze %dma_wait3A_58 : memref<1x128xi32, #tpu.memory_space<vmem>> -> memref<128xi32, #tpu.memory_space<vmem>>
    %dma_wait3A_60 = arith.constant 0 : i32
    %dma_wait3A_61 = arith.constant 0 : i32
    %dma_wait3A_62 = tpu.memref_slice %arg2[%dma_wait3A_60, %dma_wait3A_61] : memref<24576x128xf32, #tpu.memory_space<hbm>> -> memref<24576x128xf32, #tpu.memory_space<hbm>>
    tpu.wait_indirect_dma semaphore(%arg12 : memref<!tpu.dma_semaphore, #tpu.memory_space<semaphore_mem>>) src(%dma_wait3A_62 : memref<24576x128xf32, #tpu.memory_space<hbm>>) dst(%dma_wait3A_56 : memref<128x128xf32, #tpu.memory_space<vmem>>)
    %run_scoped3A_63 = arith.constant 1 : i32
    "tpu.region"() ({
      %run_scoped3A_133 = tpu.sem_alloc : memref<!tpu.dma_semaphore, #tpu.memory_space<semaphore_mem>>
      %dma_start3A_134 = arith.constant 128 : i32
      %dma_start3A_135 = arith.constant 0 : i32
      %dma_start3A_136 = tpu.memref_slice %arg9[%dma_start3A_134, %dma_start3A_135] : memref<384x128xf32, #tpu.memory_space<vmem>> -> memref<128x128xf32, #tpu.memory_space<vmem>>
      %dma_start3A_137 = arith.constant 0 : i32
      %dma_start3A_138 = tpu.memref_slice %arg7[%run_scoped3A_63, %dma_start3A_137] : memref<6x128xi32, #tpu.memory_space<vmem>> -> memref<1x128xi32, #tpu.memory_space<vmem>>
      %dma_start3A_139 = tpu.memref_squeeze %dma_start3A_138 : memref<1x128xi32, #tpu.memory_space<vmem>> -> memref<128xi32, #tpu.memory_space<vmem>>
      %dma_start3A_140 = arith.constant 0 : i32
      %dma_start3A_141 = arith.constant 0 : i32
      %dma_start3A_142 = tpu.memref_slice %arg10[%dma_start3A_140, %dma_start3A_141] : memref<8192x128xf32, #tpu.memory_space<vmem_shared>> -> memref<8192x128xf32, #tpu.memory_space<vmem_shared>>
      tpu.enqueue_indirect_dma source(%dma_start3A_136 : memref<128x128xf32, #tpu.memory_space<vmem>>) target(%dma_start3A_142 : memref<8192x128xf32, #tpu.memory_space<vmem_shared>>) offsets(%dma_start3A_139 : memref<128xi32, #tpu.memory_space<vmem>>) semaphore(%run_scoped3A_133 : memref<!tpu.dma_semaphore, #tpu.memory_space<semaphore_mem>>) {add = true}
      %dma_wait3A_143 = arith.constant 128 : i32
      %dma_wait3A_144 = arith.constant 0 : i32
      %dma_wait3A_145 = tpu.memref_slice %arg9[%dma_wait3A_143, %dma_wait3A_144] : memref<384x128xf32, #tpu.memory_space<vmem>> -> memref<128x128xf32, #tpu.memory_space<vmem>>
      %dma_wait3A_146 = arith.constant 0 : i32
      %dma_wait3A_147 = tpu.memref_slice %arg7[%run_scoped3A_63, %dma_wait3A_146] : memref<6x128xi32, #tpu.memory_space<vmem>> -> memref<1x128xi32, #tpu.memory_space<vmem>>
      %dma_wait3A_148 = tpu.memref_squeeze %dma_wait3A_147 : memref<1x128xi32, #tpu.memory_space<vmem>> -> memref<128xi32, #tpu.memory_space<vmem>>
      %dma_wait3A_149 = arith.constant 0 : i32
      %dma_wait3A_150 = arith.constant 0 : i32
      %dma_wait3A_151 = tpu.memref_slice %arg10[%dma_wait3A_149, %dma_wait3A_150] : memref<8192x128xf32, #tpu.memory_space<vmem_shared>> -> memref<8192x128xf32, #tpu.memory_space<vmem_shared>>
      tpu.wait_indirect_dma semaphore(%run_scoped3A_133 : memref<!tpu.dma_semaphore, #tpu.memory_space<semaphore_mem>>) src(%dma_wait3A_145 : memref<128x128xf32, #tpu.memory_space<vmem>>) dst(%dma_wait3A_151 : memref<8192x128xf32, #tpu.memory_space<vmem_shared>>)
      tpu.yield
    }) : () -> ()
    %dma_start3A_64 = arith.constant 4 : i32
    %dma_start3A_65 = arith.constant 128 : i32
    %dma_start3A_66 = arith.constant 0 : i32
    %dma_start3A_67 = tpu.memref_slice %arg9[%dma_start3A_65, %dma_start3A_66] : memref<384x128xf32, #tpu.memory_space<vmem>> -> memref<128x128xf32, #tpu.memory_space<vmem>>
    %dma_start3A_68 = arith.constant 0 : i32
    %dma_start3A_69 = tpu.memref_slice %arg8[%dma_start3A_64, %dma_start3A_68] : memref<6x128xi32, #tpu.memory_space<vmem>> -> memref<1x128xi32, #tpu.memory_space<vmem>>
    %dma_start3A_70 = tpu.memref_squeeze %dma_start3A_69 : memref<1x128xi32, #tpu.memory_space<vmem>> -> memref<128xi32, #tpu.memory_space<vmem>>
    %dma_start3A_71 = arith.constant 0 : i32
    %dma_start3A_72 = arith.constant 0 : i32
    %dma_start3A_73 = tpu.memref_slice %arg2[%dma_start3A_71, %dma_start3A_72] : memref<24576x128xf32, #tpu.memory_space<hbm>> -> memref<24576x128xf32, #tpu.memory_space<hbm>>
    tpu.enqueue_indirect_dma source(%dma_start3A_73 : memref<24576x128xf32, #tpu.memory_space<hbm>>) target(%dma_start3A_67 : memref<128x128xf32, #tpu.memory_space<vmem>>) offsets(%dma_start3A_70 : memref<128xi32, #tpu.memory_space<vmem>>) semaphore(%arg12 : memref<!tpu.dma_semaphore, #tpu.memory_space<semaphore_mem>>)
    %dma_wait3A_74 = arith.constant 2 : i32
    %dma_wait3A_75 = arith.constant 256 : i32
    %dma_wait3A_76 = arith.constant 0 : i32
    %dma_wait3A_77 = tpu.memref_slice %arg9[%dma_wait3A_75, %dma_wait3A_76] : memref<384x128xf32, #tpu.memory_space<vmem>> -> memref<128x128xf32, #tpu.memory_space<vmem>>
    %dma_wait3A_78 = arith.constant 0 : i32
    %dma_wait3A_79 = tpu.memref_slice %arg8[%dma_wait3A_74, %dma_wait3A_78] : memref<6x128xi32, #tpu.memory_space<vmem>> -> memref<1x128xi32, #tpu.memory_space<vmem>>
    %dma_wait3A_80 = tpu.memref_squeeze %dma_wait3A_79 : memref<1x128xi32, #tpu.memory_space<vmem>> -> memref<128xi32, #tpu.memory_space<vmem>>
    %dma_wait3A_81 = arith.constant 0 : i32
    %dma_wait3A_82 = arith.constant 0 : i32
    %dma_wait3A_83 = tpu.memref_slice %arg2[%dma_wait3A_81, %dma_wait3A_82] : memref<24576x128xf32, #tpu.memory_space<hbm>> -> memref<24576x128xf32, #tpu.memory_space<hbm>>
    tpu.wait_indirect_dma semaphore(%arg13 : memref<!tpu.dma_semaphore, #tpu.memory_space<semaphore_mem>>) src(%dma_wait3A_83 : memref<24576x128xf32, #tpu.memory_space<hbm>>) dst(%dma_wait3A_77 : memref<128x128xf32, #tpu.memory_space<vmem>>)
    %run_scoped3A_84 = arith.constant 2 : i32
    "tpu.region"() ({
      %run_scoped3A_133 = tpu.sem_alloc : memref<!tpu.dma_semaphore, #tpu.memory_space<semaphore_mem>>
      %dma_start3A_134 = arith.constant 256 : i32
      %dma_start3A_135 = arith.constant 0 : i32
      %dma_start3A_136 = tpu.memref_slice %arg9[%dma_start3A_134, %dma_start3A_135] : memref<384x128xf32, #tpu.memory_space<vmem>> -> memref<128x128xf32, #tpu.memory_space<vmem>>
      %dma_start3A_137 = arith.constant 0 : i32
      %dma_start3A_138 = tpu.memref_slice %arg7[%run_scoped3A_84, %dma_start3A_137] : memref<6x128xi32, #tpu.memory_space<vmem>> -> memref<1x128xi32, #tpu.memory_space<vmem>>
      %dma_start3A_139 = tpu.memref_squeeze %dma_start3A_138 : memref<1x128xi32, #tpu.memory_space<vmem>> -> memref<128xi32, #tpu.memory_space<vmem>>
      %dma_start3A_140 = arith.constant 0 : i32
      %dma_start3A_141 = arith.constant 0 : i32
      %dma_start3A_142 = tpu.memref_slice %arg10[%dma_start3A_140, %dma_start3A_141] : memref<8192x128xf32, #tpu.memory_space<vmem_shared>> -> memref<8192x128xf32, #tpu.memory_space<vmem_shared>>
      tpu.enqueue_indirect_dma source(%dma_start3A_136 : memref<128x128xf32, #tpu.memory_space<vmem>>) target(%dma_start3A_142 : memref<8192x128xf32, #tpu.memory_space<vmem_shared>>) offsets(%dma_start3A_139 : memref<128xi32, #tpu.memory_space<vmem>>) semaphore(%run_scoped3A_133 : memref<!tpu.dma_semaphore, #tpu.memory_space<semaphore_mem>>) {add = true}
      %dma_wait3A_143 = arith.constant 256 : i32
      %dma_wait3A_144 = arith.constant 0 : i32
      %dma_wait3A_145 = tpu.memref_slice %arg9[%dma_wait3A_143, %dma_wait3A_144] : memref<384x128xf32, #tpu.memory_space<vmem>> -> memref<128x128xf32, #tpu.memory_space<vmem>>
      %dma_wait3A_146 = arith.constant 0 : i32
      %dma_wait3A_147 = tpu.memref_slice %arg7[%run_scoped3A_84, %dma_wait3A_146] : memref<6x128xi32, #tpu.memory_space<vmem>> -> memref<1x128xi32, #tpu.memory_space<vmem>>
      %dma_wait3A_148 = tpu.memref_squeeze %dma_wait3A_147 : memref<1x128xi32, #tpu.memory_space<vmem>> -> memref<128xi32, #tpu.memory_space<vmem>>
      %dma_wait3A_149 = arith.constant 0 : i32
      %dma_wait3A_150 = arith.constant 0 : i32
      %dma_wait3A_151 = tpu.memref_slice %arg10[%dma_wait3A_149, %dma_wait3A_150] : memref<8192x128xf32, #tpu.memory_space<vmem_shared>> -> memref<8192x128xf32, #tpu.memory_space<vmem_shared>>
      tpu.wait_indirect_dma semaphore(%run_scoped3A_133 : memref<!tpu.dma_semaphore, #tpu.memory_space<semaphore_mem>>) src(%dma_wait3A_145 : memref<128x128xf32, #tpu.memory_space<vmem>>) dst(%dma_wait3A_151 : memref<8192x128xf32, #tpu.memory_space<vmem_shared>>)
      tpu.yield
    }) : () -> ()
    %dma_start3A_85 = arith.constant 5 : i32
    %dma_start3A_86 = arith.constant 256 : i32
    %dma_start3A_87 = arith.constant 0 : i32
    %dma_start3A_88 = tpu.memref_slice %arg9[%dma_start3A_86, %dma_start3A_87] : memref<384x128xf32, #tpu.memory_space<vmem>> -> memref<128x128xf32, #tpu.memory_space<vmem>>
    %dma_start3A_89 = arith.constant 0 : i32
    %dma_start3A_90 = tpu.memref_slice %arg8[%dma_start3A_85, %dma_start3A_89] : memref<6x128xi32, #tpu.memory_space<vmem>> -> memref<1x128xi32, #tpu.memory_space<vmem>>
    %dma_start3A_91 = tpu.memref_squeeze %dma_start3A_90 : memref<1x128xi32, #tpu.memory_space<vmem>> -> memref<128xi32, #tpu.memory_space<vmem>>
    %dma_start3A_92 = arith.constant 0 : i32
    %dma_start3A_93 = arith.constant 0 : i32
    %dma_start3A_94 = tpu.memref_slice %arg2[%dma_start3A_92, %dma_start3A_93] : memref<24576x128xf32, #tpu.memory_space<hbm>> -> memref<24576x128xf32, #tpu.memory_space<hbm>>
    tpu.enqueue_indirect_dma source(%dma_start3A_94 : memref<24576x128xf32, #tpu.memory_space<hbm>>) target(%dma_start3A_88 : memref<128x128xf32, #tpu.memory_space<vmem>>) offsets(%dma_start3A_91 : memref<128xi32, #tpu.memory_space<vmem>>) semaphore(%arg13 : memref<!tpu.dma_semaphore, #tpu.memory_space<semaphore_mem>>)
    %dma_wait3A_95 = arith.constant 3 : i32
    %dma_wait3A_96 = arith.constant 0 : i32
    %dma_wait3A_97 = arith.constant 0 : i32
    %dma_wait3A_98 = tpu.memref_slice %arg9[%dma_wait3A_96, %dma_wait3A_97] : memref<384x128xf32, #tpu.memory_space<vmem>> -> memref<128x128xf32, #tpu.memory_space<vmem>>
    %dma_wait3A_99 = arith.constant 0 : i32
    %dma_wait3A_100 = tpu.memref_slice %arg8[%dma_wait3A_95, %dma_wait3A_99] : memref<6x128xi32, #tpu.memory_space<vmem>> -> memref<1x128xi32, #tpu.memory_space<vmem>>
    %dma_wait3A_101 = tpu.memref_squeeze %dma_wait3A_100 : memref<1x128xi32, #tpu.memory_space<vmem>> -> memref<128xi32, #tpu.memory_space<vmem>>
    %dma_wait3A_102 = arith.constant 0 : i32
    %dma_wait3A_103 = arith.constant 0 : i32
    %dma_wait3A_104 = tpu.memref_slice %arg2[%dma_wait3A_102, %dma_wait3A_103] : memref<24576x128xf32, #tpu.memory_space<hbm>> -> memref<24576x128xf32, #tpu.memory_space<hbm>>
    tpu.wait_indirect_dma semaphore(%arg11 : memref<!tpu.dma_semaphore, #tpu.memory_space<semaphore_mem>>) src(%dma_wait3A_104 : memref<24576x128xf32, #tpu.memory_space<hbm>>) dst(%dma_wait3A_98 : memref<128x128xf32, #tpu.memory_space<vmem>>)
    %run_scoped3A_105 = arith.constant 3 : i32
    "tpu.region"() ({
      %run_scoped3A_133 = tpu.sem_alloc : memref<!tpu.dma_semaphore, #tpu.memory_space<semaphore_mem>>
      %dma_start3A_134 = arith.constant 0 : i32
      %dma_start3A_135 = arith.constant 0 : i32
      %dma_start3A_136 = tpu.memref_slice %arg9[%dma_start3A_134, %dma_start3A_135] : memref<384x128xf32, #tpu.memory_space<vmem>> -> memref<128x128xf32, #tpu.memory_space<vmem>>
      %dma_start3A_137 = arith.constant 0 : i32
      %dma_start3A_138 = tpu.memref_slice %arg7[%run_scoped3A_105, %dma_start3A_137] : memref<6x128xi32, #tpu.memory_space<vmem>> -> memref<1x128xi32, #tpu.memory_space<vmem>>
      %dma_start3A_139 = tpu.memref_squeeze %dma_start3A_138 : memref<1x128xi32, #tpu.memory_space<vmem>> -> memref<128xi32, #tpu.memory_space<vmem>>
      %dma_start3A_140 = arith.constant 0 : i32
      %dma_start3A_141 = arith.constant 0 : i32
      %dma_start3A_142 = tpu.memref_slice %arg10[%dma_start3A_140, %dma_start3A_141] : memref<8192x128xf32, #tpu.memory_space<vmem_shared>> -> memref<8192x128xf32, #tpu.memory_space<vmem_shared>>
      tpu.enqueue_indirect_dma source(%dma_start3A_136 : memref<128x128xf32, #tpu.memory_space<vmem>>) target(%dma_start3A_142 : memref<8192x128xf32, #tpu.memory_space<vmem_shared>>) offsets(%dma_start3A_139 : memref<128xi32, #tpu.memory_space<vmem>>) semaphore(%run_scoped3A_133 : memref<!tpu.dma_semaphore, #tpu.memory_space<semaphore_mem>>) {add = true}
      %dma_wait3A_143 = arith.constant 0 : i32
      %dma_wait3A_144 = arith.constant 0 : i32
      %dma_wait3A_145 = tpu.memref_slice %arg9[%dma_wait3A_143, %dma_wait3A_144] : memref<384x128xf32, #tpu.memory_space<vmem>> -> memref<128x128xf32, #tpu.memory_space<vmem>>
      %dma_wait3A_146 = arith.constant 0 : i32
      %dma_wait3A_147 = tpu.memref_slice %arg7[%run_scoped3A_105, %dma_wait3A_146] : memref<6x128xi32, #tpu.memory_space<vmem>> -> memref<1x128xi32, #tpu.memory_space<vmem>>
      %dma_wait3A_148 = tpu.memref_squeeze %dma_wait3A_147 : memref<1x128xi32, #tpu.memory_space<vmem>> -> memref<128xi32, #tpu.memory_space<vmem>>
      %dma_wait3A_149 = arith.constant 0 : i32
      %dma_wait3A_150 = arith.constant 0 : i32
      %dma_wait3A_151 = tpu.memref_slice %arg10[%dma_wait3A_149, %dma_wait3A_150] : memref<8192x128xf32, #tpu.memory_space<vmem_shared>> -> memref<8192x128xf32, #tpu.memory_space<vmem_shared>>
      tpu.wait_indirect_dma semaphore(%run_scoped3A_133 : memref<!tpu.dma_semaphore, #tpu.memory_space<semaphore_mem>>) src(%dma_wait3A_145 : memref<128x128xf32, #tpu.memory_space<vmem>>) dst(%dma_wait3A_151 : memref<8192x128xf32, #tpu.memory_space<vmem_shared>>)
      tpu.yield
    }) : () -> ()
    %dma_wait3A_106 = arith.constant 4 : i32
    %dma_wait3A_107 = arith.constant 128 : i32
    %dma_wait3A_108 = arith.constant 0 : i32
    %dma_wait3A_109 = tpu.memref_slice %arg9[%dma_wait3A_107, %dma_wait3A_108] : memref<384x128xf32, #tpu.memory_space<vmem>> -> memref<128x128xf32, #tpu.memory_space<vmem>>
    %dma_wait3A_110 = arith.constant 0 : i32
    %dma_wait3A_111 = tpu.memref_slice %arg8[%dma_wait3A_106, %dma_wait3A_110] : memref<6x128xi32, #tpu.memory_space<vmem>> -> memref<1x128xi32, #tpu.memory_space<vmem>>
    %dma_wait3A_112 = tpu.memref_squeeze %dma_wait3A_111 : memref<1x128xi32, #tpu.memory_space<vmem>> -> memref<128xi32, #tpu.memory_space<vmem>>
    %dma_wait3A_113 = arith.constant 0 : i32
    %dma_wait3A_114 = arith.constant 0 : i32
    %dma_wait3A_115 = tpu.memref_slice %arg2[%dma_wait3A_113, %dma_wait3A_114] : memref<24576x128xf32, #tpu.memory_space<hbm>> -> memref<24576x128xf32, #tpu.memory_space<hbm>>
    tpu.wait_indirect_dma semaphore(%arg12 : memref<!tpu.dma_semaphore, #tpu.memory_space<semaphore_mem>>) src(%dma_wait3A_115 : memref<24576x128xf32, #tpu.memory_space<hbm>>) dst(%dma_wait3A_109 : memref<128x128xf32, #tpu.memory_space<vmem>>)
    %run_scoped3A_116 = arith.constant 4 : i32
    "tpu.region"() ({
      %run_scoped3A_133 = tpu.sem_alloc : memref<!tpu.dma_semaphore, #tpu.memory_space<semaphore_mem>>
      %dma_start3A_134 = arith.constant 128 : i32
      %dma_start3A_135 = arith.constant 0 : i32
      %dma_start3A_136 = tpu.memref_slice %arg9[%dma_start3A_134, %dma_start3A_135] : memref<384x128xf32, #tpu.memory_space<vmem>> -> memref<128x128xf32, #tpu.memory_space<vmem>>
      %dma_start3A_137 = arith.constant 0 : i32
      %dma_start3A_138 = tpu.memref_slice %arg7[%run_scoped3A_116, %dma_start3A_137] : memref<6x128xi32, #tpu.memory_space<vmem>> -> memref<1x128xi32, #tpu.memory_space<vmem>>
      %dma_start3A_139 = tpu.memref_squeeze %dma_start3A_138 : memref<1x128xi32, #tpu.memory_space<vmem>> -> memref<128xi32, #tpu.memory_space<vmem>>
      %dma_start3A_140 = arith.constant 0 : i32
      %dma_start3A_141 = arith.constant 0 : i32
      %dma_start3A_142 = tpu.memref_slice %arg10[%dma_start3A_140, %dma_start3A_141] : memref<8192x128xf32, #tpu.memory_space<vmem_shared>> -> memref<8192x128xf32, #tpu.memory_space<vmem_shared>>
      tpu.enqueue_indirect_dma source(%dma_start3A_136 : memref<128x128xf32, #tpu.memory_space<vmem>>) target(%dma_start3A_142 : memref<8192x128xf32, #tpu.memory_space<vmem_shared>>) offsets(%dma_start3A_139 : memref<128xi32, #tpu.memory_space<vmem>>) semaphore(%run_scoped3A_133 : memref<!tpu.dma_semaphore, #tpu.memory_space<semaphore_mem>>) {add = true}
      %dma_wait3A_143 = arith.constant 128 : i32
      %dma_wait3A_144 = arith.constant 0 : i32
      %dma_wait3A_145 = tpu.memref_slice %arg9[%dma_wait3A_143, %dma_wait3A_144] : memref<384x128xf32, #tpu.memory_space<vmem>> -> memref<128x128xf32, #tpu.memory_space<vmem>>
      %dma_wait3A_146 = arith.constant 0 : i32
      %dma_wait3A_147 = tpu.memref_slice %arg7[%run_scoped3A_116, %dma_wait3A_146] : memref<6x128xi32, #tpu.memory_space<vmem>> -> memref<1x128xi32, #tpu.memory_space<vmem>>
      %dma_wait3A_148 = tpu.memref_squeeze %dma_wait3A_147 : memref<1x128xi32, #tpu.memory_space<vmem>> -> memref<128xi32, #tpu.memory_space<vmem>>
      %dma_wait3A_149 = arith.constant 0 : i32
      %dma_wait3A_150 = arith.constant 0 : i32
      %dma_wait3A_151 = tpu.memref_slice %arg10[%dma_wait3A_149, %dma_wait3A_150] : memref<8192x128xf32, #tpu.memory_space<vmem_shared>> -> memref<8192x128xf32, #tpu.memory_space<vmem_shared>>
      tpu.wait_indirect_dma semaphore(%run_scoped3A_133 : memref<!tpu.dma_semaphore, #tpu.memory_space<semaphore_mem>>) src(%dma_wait3A_145 : memref<128x128xf32, #tpu.memory_space<vmem>>) dst(%dma_wait3A_151 : memref<8192x128xf32, #tpu.memory_space<vmem_shared>>)
      tpu.yield
    }) : () -> ()
    %dma_wait3A_117 = arith.constant 5 : i32
    %dma_wait3A_118 = arith.constant 256 : i32
    %dma_wait3A_119 = arith.constant 0 : i32
    %dma_wait3A_120 = tpu.memref_slice %arg9[%dma_wait3A_118, %dma_wait3A_119] : memref<384x128xf32, #tpu.memory_space<vmem>> -> memref<128x128xf32, #tpu.memory_space<vmem>>
    %dma_wait3A_121 = arith.constant 0 : i32
    %dma_wait3A_122 = tpu.memref_slice %arg8[%dma_wait3A_117, %dma_wait3A_121] : memref<6x128xi32, #tpu.memory_space<vmem>> -> memref<1x128xi32, #tpu.memory_space<vmem>>
    %dma_wait3A_123 = tpu.memref_squeeze %dma_wait3A_122 : memref<1x128xi32, #tpu.memory_space<vmem>> -> memref<128xi32, #tpu.memory_space<vmem>>
    %dma_wait3A_124 = arith.constant 0 : i32
    %dma_wait3A_125 = arith.constant 0 : i32
    %dma_wait3A_126 = tpu.memref_slice %arg2[%dma_wait3A_124, %dma_wait3A_125] : memref<24576x128xf32, #tpu.memory_space<hbm>> -> memref<24576x128xf32, #tpu.memory_space<hbm>>
    tpu.wait_indirect_dma semaphore(%arg13 : memref<!tpu.dma_semaphore, #tpu.memory_space<semaphore_mem>>) src(%dma_wait3A_126 : memref<24576x128xf32, #tpu.memory_space<hbm>>) dst(%dma_wait3A_120 : memref<128x128xf32, #tpu.memory_space<vmem>>)
    %run_scoped3A_127 = arith.constant 5 : i32
    "tpu.region"() ({
      %run_scoped3A_133 = tpu.sem_alloc : memref<!tpu.dma_semaphore, #tpu.memory_space<semaphore_mem>>
      %dma_start3A_134 = arith.constant 256 : i32
      %dma_start3A_135 = arith.constant 0 : i32
      %dma_start3A_136 = tpu.memref_slice %arg9[%dma_start3A_134, %dma_start3A_135] : memref<384x128xf32, #tpu.memory_space<vmem>> -> memref<128x128xf32, #tpu.memory_space<vmem>>
      %dma_start3A_137 = arith.constant 0 : i32
      %dma_start3A_138 = tpu.memref_slice %arg7[%run_scoped3A_127, %dma_start3A_137] : memref<6x128xi32, #tpu.memory_space<vmem>> -> memref<1x128xi32, #tpu.memory_space<vmem>>
      %dma_start3A_139 = tpu.memref_squeeze %dma_start3A_138 : memref<1x128xi32, #tpu.memory_space<vmem>> -> memref<128xi32, #tpu.memory_space<vmem>>
      %dma_start3A_140 = arith.constant 0 : i32
      %dma_start3A_141 = arith.constant 0 : i32
      %dma_start3A_142 = tpu.memref_slice %arg10[%dma_start3A_140, %dma_start3A_141] : memref<8192x128xf32, #tpu.memory_space<vmem_shared>> -> memref<8192x128xf32, #tpu.memory_space<vmem_shared>>
      tpu.enqueue_indirect_dma source(%dma_start3A_136 : memref<128x128xf32, #tpu.memory_space<vmem>>) target(%dma_start3A_142 : memref<8192x128xf32, #tpu.memory_space<vmem_shared>>) offsets(%dma_start3A_139 : memref<128xi32, #tpu.memory_space<vmem>>) semaphore(%run_scoped3A_133 : memref<!tpu.dma_semaphore, #tpu.memory_space<semaphore_mem>>) {add = true}
      %dma_wait3A_143 = arith.constant 256 : i32
      %dma_wait3A_144 = arith.constant 0 : i32
      %dma_wait3A_145 = tpu.memref_slice %arg9[%dma_wait3A_143, %dma_wait3A_144] : memref<384x128xf32, #tpu.memory_space<vmem>> -> memref<128x128xf32, #tpu.memory_space<vmem>>
      %dma_wait3A_146 = arith.constant 0 : i32
      %dma_wait3A_147 = tpu.memref_slice %arg7[%run_scoped3A_127, %dma_wait3A_146] : memref<6x128xi32, #tpu.memory_space<vmem>> -> memref<1x128xi32, #tpu.memory_space<vmem>>
      %dma_wait3A_148 = tpu.memref_squeeze %dma_wait3A_147 : memref<1x128xi32, #tpu.memory_space<vmem>> -> memref<128xi32, #tpu.memory_space<vmem>>
      %dma_wait3A_149 = arith.constant 0 : i32
      %dma_wait3A_150 = arith.constant 0 : i32
      %dma_wait3A_151 = tpu.memref_slice %arg10[%dma_wait3A_149, %dma_wait3A_150] : memref<8192x128xf32, #tpu.memory_space<vmem_shared>> -> memref<8192x128xf32, #tpu.memory_space<vmem_shared>>
      tpu.wait_indirect_dma semaphore(%run_scoped3A_133 : memref<!tpu.dma_semaphore, #tpu.memory_space<semaphore_mem>>) src(%dma_wait3A_145 : memref<128x128xf32, #tpu.memory_space<vmem>>) dst(%dma_wait3A_151 : memref<8192x128xf32, #tpu.memory_space<vmem_shared>>)
      tpu.yield
    }) : () -> ()
    %barrier3A_128 = arith.constant 0 : index
    tpu.barrier barrier_id(%barrier3A_128)
    %mul3A_129 = arith.constant 512 : i32
    %mul3A_130 = arith.muli %arg1, %mul3A_129 : i32
    %mul3A_131 = arith.constant 512 : i32
    %mul3A_132 = arith.muli %arg1, %mul3A_131 : i32
    "tpu.region"() ({
      %run_scoped3A_133 = tpu.sem_alloc : memref<!tpu.dma_semaphore, #tpu.memory_space<semaphore_mem>>
      %dma_start3A_134 = arith.constant 0 : i32
      %dma_start3A_135 = tpu.memref_slice %arg6[%arg0, %mul3A_132, %dma_start3A_134] : memref<2x8192x128xf32, #tpu.memory_space<hbm>> -> memref<1x512x128xf32, #tpu.memory_space<hbm>>
      %dma_start3A_136 = tpu.memref_squeeze %dma_start3A_135 : memref<1x512x128xf32, #tpu.memory_space<hbm>> -> memref<512x128xf32, #tpu.memory_space<hbm>>
      %dma_start3A_137 = arith.constant 0 : i32
      %dma_start3A_138 = tpu.memref_slice %arg10[%mul3A_130, %dma_start3A_137] : memref<8192x128xf32, #tpu.memory_space<vmem_shared>> -> memref<512x128xf32, #tpu.memory_space<vmem_shared>>
      tpu.enqueue_dma source(%dma_start3A_138 : memref<512x128xf32, #tpu.memory_space<vmem_shared>>) target(%dma_start3A_136 : memref<512x128xf32, #tpu.memory_space<hbm>>) target_semaphore(%run_scoped3A_133 : memref<!tpu.dma_semaphore, #tpu.memory_space<semaphore_mem>>)
      %dma_wait3A_139 = arith.constant 0 : i32
      %dma_wait3A_140 = tpu.memref_slice %arg6[%arg0, %mul3A_132, %dma_wait3A_139] : memref<2x8192x128xf32, #tpu.memory_space<hbm>> -> memref<1x512x128xf32, #tpu.memory_space<hbm>>
      %dma_wait3A_141 = tpu.memref_squeeze %dma_wait3A_140 : memref<1x512x128xf32, #tpu.memory_space<hbm>> -> memref<512x128xf32, #tpu.memory_space<hbm>>
      %dma_wait3A_142 = arith.constant 0 : i32
      %dma_wait3A_143 = tpu.memref_slice %arg10[%mul3A_130, %dma_wait3A_142] : memref<8192x128xf32, #tpu.memory_space<vmem_shared>> -> memref<512x128xf32, #tpu.memory_space<vmem_shared>>
      tpu.wait_dma2 semaphore(%run_scoped3A_133 : memref<!tpu.dma_semaphore, #tpu.memory_space<semaphore_mem>>) src(%dma_wait3A_143 : memref<512x128xf32, #tpu.memory_space<vmem_shared>>) dst(%dma_wait3A_141 : memref<512x128xf32, #tpu.memory_space<hbm>>)
      tpu.yield
    }) : () -> ()
    return
  }
}

#map = affine_map<(d0, d1) -> (0, 0)>
#map1 = affine_map<(d0, d1) -> (0, 0, 0)>
module attributes {stable_mosaic.version = 14 : i64} {
  func.func @sc_gather(%arg0: i32, %arg1: i32, %arg2: memref<8192x128xf32, #tpu.memory_space<hbm>>, %arg3: memref<32x6x128xi32, #tpu.memory_space<hbm>>, %arg4: memref<24576x128xf32, #tpu.memory_space<hbm>>, %arg5: memref<6x128xi32, #tpu.memory_space<vmem>>, %arg6: memref<768x128xf32, #tpu.memory_space<vmem>>, %arg7: memref<!tpu.dma_semaphore, #tpu.memory_space<semaphore_mem>>) attributes {dimension_semantics = [#tpu.dimension_semantics<core_parallel>, #tpu.dimension_semantics<subcore_parallel>], iteration_bounds = array<i64: 2, 16>, scalar_prefetch = 0 : i64, scratch_operands = 3 : i64, tpu.core_type = #tpu.core_type<sc_vector_subcore>, window_params = [{transform_indices = #map}, {transform_indices = #map1}, {transform_indices = #map}]} {
    %mul3A = arith.constant 2 : i32
    %mul3A_0 = arith.muli %arg1, %mul3A : i32
    %add3A = arith.addi %mul3A_0, %arg0 : i32
    %mul3A_1 = arith.constant 768 : i32
    %mul3A_2 = arith.muli %add3A, %mul3A_1 : i32
    "tpu.region"() ({
      %run_scoped3A = tpu.sem_alloc : memref<!tpu.dma_semaphore, #tpu.memory_space<semaphore_mem>>
      %dma_start3A_121 = arith.constant 0 : i32
      %dma_start3A_122 = arith.constant 0 : i32
      %dma_start3A_123 = tpu.memref_slice %arg3[%add3A, %dma_start3A_121, %dma_start3A_122] : memref<32x6x128xi32, #tpu.memory_space<hbm>> -> memref<1x6x128xi32, #tpu.memory_space<hbm>>
      %dma_start3A_124 = tpu.memref_squeeze %dma_start3A_123 : memref<1x6x128xi32, #tpu.memory_space<hbm>> -> memref<6x128xi32, #tpu.memory_space<hbm>>
      %dma_start3A_125 = arith.constant 0 : i32
      %dma_start3A_126 = arith.constant 0 : i32
      %dma_start3A_127 = tpu.memref_slice %arg3[%add3A, %dma_start3A_125, %dma_start3A_126] : memref<32x6x128xi32, #tpu.memory_space<hbm>> -> memref<1x6x128xi32, #tpu.memory_space<hbm>>
      %dma_start3A_128 = tpu.memref_squeeze %dma_start3A_127 : memref<1x6x128xi32, #tpu.memory_space<hbm>> -> memref<6x128xi32, #tpu.memory_space<hbm>>
      tpu.enqueue_dma source(%dma_start3A_128 : memref<6x128xi32, #tpu.memory_space<hbm>>) target(%arg5 : memref<6x128xi32, #tpu.memory_space<vmem>>) target_semaphore(%run_scoped3A : memref<!tpu.dma_semaphore, #tpu.memory_space<semaphore_mem>>)
      %dma_wait3A_129 = arith.constant 0 : i32
      %dma_wait3A_130 = arith.constant 0 : i32
      %dma_wait3A_131 = tpu.memref_slice %arg3[%add3A, %dma_wait3A_129, %dma_wait3A_130] : memref<32x6x128xi32, #tpu.memory_space<hbm>> -> memref<1x6x128xi32, #tpu.memory_space<hbm>>
      %dma_wait3A_132 = tpu.memref_squeeze %dma_wait3A_131 : memref<1x6x128xi32, #tpu.memory_space<hbm>> -> memref<6x128xi32, #tpu.memory_space<hbm>>
      %dma_wait3A_133 = arith.constant 0 : i32
      %dma_wait3A_134 = arith.constant 0 : i32
      %dma_wait3A_135 = tpu.memref_slice %arg3[%add3A, %dma_wait3A_133, %dma_wait3A_134] : memref<32x6x128xi32, #tpu.memory_space<hbm>> -> memref<1x6x128xi32, #tpu.memory_space<hbm>>
      %dma_wait3A_136 = tpu.memref_squeeze %dma_wait3A_135 : memref<1x6x128xi32, #tpu.memory_space<hbm>> -> memref<6x128xi32, #tpu.memory_space<hbm>>
      tpu.wait_dma2 semaphore(%run_scoped3A : memref<!tpu.dma_semaphore, #tpu.memory_space<semaphore_mem>>) src(%dma_wait3A_136 : memref<6x128xi32, #tpu.memory_space<hbm>>) dst(%arg5 : memref<6x128xi32, #tpu.memory_space<vmem>>)
      tpu.yield
    }) : () -> ()
    %dma_start3A = arith.constant 0 : i32
    %dma_start3A_3 = arith.constant 0 : i32
    %dma_start3A_4 = arith.constant 0 : i32
    %dma_start3A_5 = tpu.memref_slice %arg6[%dma_start3A_3, %dma_start3A_4] : memref<768x128xf32, #tpu.memory_space<vmem>> -> memref<128x128xf32, #tpu.memory_space<vmem>>
    %dma_start3A_6 = arith.constant 0 : i32
    %dma_start3A_7 = tpu.memref_slice %arg5[%dma_start3A, %dma_start3A_6] : memref<6x128xi32, #tpu.memory_space<vmem>> -> memref<1x128xi32, #tpu.memory_space<vmem>>
    %dma_start3A_8 = tpu.memref_squeeze %dma_start3A_7 : memref<1x128xi32, #tpu.memory_space<vmem>> -> memref<128xi32, #tpu.memory_space<vmem>>
    %dma_start3A_9 = arith.constant 0 : i32
    %dma_start3A_10 = arith.constant 0 : i32
    %dma_start3A_11 = tpu.memref_slice %arg2[%dma_start3A_9, %dma_start3A_10] : memref<8192x128xf32, #tpu.memory_space<hbm>> -> memref<8192x128xf32, #tpu.memory_space<hbm>>
    tpu.enqueue_indirect_dma source(%dma_start3A_11 : memref<8192x128xf32, #tpu.memory_space<hbm>>) target(%dma_start3A_5 : memref<128x128xf32, #tpu.memory_space<vmem>>) offsets(%dma_start3A_8 : memref<128xi32, #tpu.memory_space<vmem>>) semaphore(%arg7 : memref<!tpu.dma_semaphore, #tpu.memory_space<semaphore_mem>>)
    %dma_start3A_12 = arith.constant 1 : i32
    %dma_start3A_13 = arith.constant 128 : i32
    %dma_start3A_14 = arith.constant 0 : i32
    %dma_start3A_15 = tpu.memref_slice %arg6[%dma_start3A_13, %dma_start3A_14] : memref<768x128xf32, #tpu.memory_space<vmem>> -> memref<128x128xf32, #tpu.memory_space<vmem>>
    %dma_start3A_16 = arith.constant 0 : i32
    %dma_start3A_17 = tpu.memref_slice %arg5[%dma_start3A_12, %dma_start3A_16] : memref<6x128xi32, #tpu.memory_space<vmem>> -> memref<1x128xi32, #tpu.memory_space<vmem>>
    %dma_start3A_18 = tpu.memref_squeeze %dma_start3A_17 : memref<1x128xi32, #tpu.memory_space<vmem>> -> memref<128xi32, #tpu.memory_space<vmem>>
    %dma_start3A_19 = arith.constant 0 : i32
    %dma_start3A_20 = arith.constant 0 : i32
    %dma_start3A_21 = tpu.memref_slice %arg2[%dma_start3A_19, %dma_start3A_20] : memref<8192x128xf32, #tpu.memory_space<hbm>> -> memref<8192x128xf32, #tpu.memory_space<hbm>>
    tpu.enqueue_indirect_dma source(%dma_start3A_21 : memref<8192x128xf32, #tpu.memory_space<hbm>>) target(%dma_start3A_15 : memref<128x128xf32, #tpu.memory_space<vmem>>) offsets(%dma_start3A_18 : memref<128xi32, #tpu.memory_space<vmem>>) semaphore(%arg7 : memref<!tpu.dma_semaphore, #tpu.memory_space<semaphore_mem>>)
    %dma_start3A_22 = arith.constant 2 : i32
    %dma_start3A_23 = arith.constant 256 : i32
    %dma_start3A_24 = arith.constant 0 : i32
    %dma_start3A_25 = tpu.memref_slice %arg6[%dma_start3A_23, %dma_start3A_24] : memref<768x128xf32, #tpu.memory_space<vmem>> -> memref<128x128xf32, #tpu.memory_space<vmem>>
    %dma_start3A_26 = arith.constant 0 : i32
    %dma_start3A_27 = tpu.memref_slice %arg5[%dma_start3A_22, %dma_start3A_26] : memref<6x128xi32, #tpu.memory_space<vmem>> -> memref<1x128xi32, #tpu.memory_space<vmem>>
    %dma_start3A_28 = tpu.memref_squeeze %dma_start3A_27 : memref<1x128xi32, #tpu.memory_space<vmem>> -> memref<128xi32, #tpu.memory_space<vmem>>
    %dma_start3A_29 = arith.constant 0 : i32
    %dma_start3A_30 = arith.constant 0 : i32
    %dma_start3A_31 = tpu.memref_slice %arg2[%dma_start3A_29, %dma_start3A_30] : memref<8192x128xf32, #tpu.memory_space<hbm>> -> memref<8192x128xf32, #tpu.memory_space<hbm>>
    tpu.enqueue_indirect_dma source(%dma_start3A_31 : memref<8192x128xf32, #tpu.memory_space<hbm>>) target(%dma_start3A_25 : memref<128x128xf32, #tpu.memory_space<vmem>>) offsets(%dma_start3A_28 : memref<128xi32, #tpu.memory_space<vmem>>) semaphore(%arg7 : memref<!tpu.dma_semaphore, #tpu.memory_space<semaphore_mem>>)
    %dma_start3A_32 = arith.constant 3 : i32
    %dma_start3A_33 = arith.constant 384 : i32
    %dma_start3A_34 = arith.constant 0 : i32
    %dma_start3A_35 = tpu.memref_slice %arg6[%dma_start3A_33, %dma_start3A_34] : memref<768x128xf32, #tpu.memory_space<vmem>> -> memref<128x128xf32, #tpu.memory_space<vmem>>
    %dma_start3A_36 = arith.constant 0 : i32
    %dma_start3A_37 = tpu.memref_slice %arg5[%dma_start3A_32, %dma_start3A_36] : memref<6x128xi32, #tpu.memory_space<vmem>> -> memref<1x128xi32, #tpu.memory_space<vmem>>
    %dma_start3A_38 = tpu.memref_squeeze %dma_start3A_37 : memref<1x128xi32, #tpu.memory_space<vmem>> -> memref<128xi32, #tpu.memory_space<vmem>>
    %dma_start3A_39 = arith.constant 0 : i32
    %dma_start3A_40 = arith.constant 0 : i32
    %dma_start3A_41 = tpu.memref_slice %arg2[%dma_start3A_39, %dma_start3A_40] : memref<8192x128xf32, #tpu.memory_space<hbm>> -> memref<8192x128xf32, #tpu.memory_space<hbm>>
    tpu.enqueue_indirect_dma source(%dma_start3A_41 : memref<8192x128xf32, #tpu.memory_space<hbm>>) target(%dma_start3A_35 : memref<128x128xf32, #tpu.memory_space<vmem>>) offsets(%dma_start3A_38 : memref<128xi32, #tpu.memory_space<vmem>>) semaphore(%arg7 : memref<!tpu.dma_semaphore, #tpu.memory_space<semaphore_mem>>)
    %dma_start3A_42 = arith.constant 4 : i32
    %dma_start3A_43 = arith.constant 512 : i32
    %dma_start3A_44 = arith.constant 0 : i32
    %dma_start3A_45 = tpu.memref_slice %arg6[%dma_start3A_43, %dma_start3A_44] : memref<768x128xf32, #tpu.memory_space<vmem>> -> memref<128x128xf32, #tpu.memory_space<vmem>>
    %dma_start3A_46 = arith.constant 0 : i32
    %dma_start3A_47 = tpu.memref_slice %arg5[%dma_start3A_42, %dma_start3A_46] : memref<6x128xi32, #tpu.memory_space<vmem>> -> memref<1x128xi32, #tpu.memory_space<vmem>>
    %dma_start3A_48 = tpu.memref_squeeze %dma_start3A_47 : memref<1x128xi32, #tpu.memory_space<vmem>> -> memref<128xi32, #tpu.memory_space<vmem>>
    %dma_start3A_49 = arith.constant 0 : i32
    %dma_start3A_50 = arith.constant 0 : i32
    %dma_start3A_51 = tpu.memref_slice %arg2[%dma_start3A_49, %dma_start3A_50] : memref<8192x128xf32, #tpu.memory_space<hbm>> -> memref<8192x128xf32, #tpu.memory_space<hbm>>
    tpu.enqueue_indirect_dma source(%dma_start3A_51 : memref<8192x128xf32, #tpu.memory_space<hbm>>) target(%dma_start3A_45 : memref<128x128xf32, #tpu.memory_space<vmem>>) offsets(%dma_start3A_48 : memref<128xi32, #tpu.memory_space<vmem>>) semaphore(%arg7 : memref<!tpu.dma_semaphore, #tpu.memory_space<semaphore_mem>>)
    %dma_start3A_52 = arith.constant 5 : i32
    %dma_start3A_53 = arith.constant 640 : i32
    %dma_start3A_54 = arith.constant 0 : i32
    %dma_start3A_55 = tpu.memref_slice %arg6[%dma_start3A_53, %dma_start3A_54] : memref<768x128xf32, #tpu.memory_space<vmem>> -> memref<128x128xf32, #tpu.memory_space<vmem>>
    %dma_start3A_56 = arith.constant 0 : i32
    %dma_start3A_57 = tpu.memref_slice %arg5[%dma_start3A_52, %dma_start3A_56] : memref<6x128xi32, #tpu.memory_space<vmem>> -> memref<1x128xi32, #tpu.memory_space<vmem>>
    %dma_start3A_58 = tpu.memref_squeeze %dma_start3A_57 : memref<1x128xi32, #tpu.memory_space<vmem>> -> memref<128xi32, #tpu.memory_space<vmem>>
    %dma_start3A_59 = arith.constant 0 : i32
    %dma_start3A_60 = arith.constant 0 : i32
    %dma_start3A_61 = tpu.memref_slice %arg2[%dma_start3A_59, %dma_start3A_60] : memref<8192x128xf32, #tpu.memory_space<hbm>> -> memref<8192x128xf32, #tpu.memory_space<hbm>>
    tpu.enqueue_indirect_dma source(%dma_start3A_61 : memref<8192x128xf32, #tpu.memory_space<hbm>>) target(%dma_start3A_55 : memref<128x128xf32, #tpu.memory_space<vmem>>) offsets(%dma_start3A_58 : memref<128xi32, #tpu.memory_space<vmem>>) semaphore(%arg7 : memref<!tpu.dma_semaphore, #tpu.memory_space<semaphore_mem>>)
    %dma_wait3A = arith.constant 0 : i32
    %dma_wait3A_62 = arith.constant 0 : i32
    %dma_wait3A_63 = arith.constant 0 : i32
    %dma_wait3A_64 = tpu.memref_slice %arg6[%dma_wait3A_62, %dma_wait3A_63] : memref<768x128xf32, #tpu.memory_space<vmem>> -> memref<128x128xf32, #tpu.memory_space<vmem>>
    %dma_wait3A_65 = arith.constant 0 : i32
    %dma_wait3A_66 = tpu.memref_slice %arg5[%dma_wait3A, %dma_wait3A_65] : memref<6x128xi32, #tpu.memory_space<vmem>> -> memref<1x128xi32, #tpu.memory_space<vmem>>
    %dma_wait3A_67 = tpu.memref_squeeze %dma_wait3A_66 : memref<1x128xi32, #tpu.memory_space<vmem>> -> memref<128xi32, #tpu.memory_space<vmem>>
    %dma_wait3A_68 = arith.constant 0 : i32
    %dma_wait3A_69 = arith.constant 0 : i32
    %dma_wait3A_70 = tpu.memref_slice %arg2[%dma_wait3A_68, %dma_wait3A_69] : memref<8192x128xf32, #tpu.memory_space<hbm>> -> memref<8192x128xf32, #tpu.memory_space<hbm>>
    tpu.wait_indirect_dma semaphore(%arg7 : memref<!tpu.dma_semaphore, #tpu.memory_space<semaphore_mem>>) src(%dma_wait3A_70 : memref<8192x128xf32, #tpu.memory_space<hbm>>) dst(%dma_wait3A_64 : memref<128x128xf32, #tpu.memory_space<vmem>>)
    %dma_wait3A_71 = arith.constant 1 : i32
    %dma_wait3A_72 = arith.constant 128 : i32
    %dma_wait3A_73 = arith.constant 0 : i32
    %dma_wait3A_74 = tpu.memref_slice %arg6[%dma_wait3A_72, %dma_wait3A_73] : memref<768x128xf32, #tpu.memory_space<vmem>> -> memref<128x128xf32, #tpu.memory_space<vmem>>
    %dma_wait3A_75 = arith.constant 0 : i32
    %dma_wait3A_76 = tpu.memref_slice %arg5[%dma_wait3A_71, %dma_wait3A_75] : memref<6x128xi32, #tpu.memory_space<vmem>> -> memref<1x128xi32, #tpu.memory_space<vmem>>
    %dma_wait3A_77 = tpu.memref_squeeze %dma_wait3A_76 : memref<1x128xi32, #tpu.memory_space<vmem>> -> memref<128xi32, #tpu.memory_space<vmem>>
    %dma_wait3A_78 = arith.constant 0 : i32
    %dma_wait3A_79 = arith.constant 0 : i32
    %dma_wait3A_80 = tpu.memref_slice %arg2[%dma_wait3A_78, %dma_wait3A_79] : memref<8192x128xf32, #tpu.memory_space<hbm>> -> memref<8192x128xf32, #tpu.memory_space<hbm>>
    tpu.wait_indirect_dma semaphore(%arg7 : memref<!tpu.dma_semaphore, #tpu.memory_space<semaphore_mem>>) src(%dma_wait3A_80 : memref<8192x128xf32, #tpu.memory_space<hbm>>) dst(%dma_wait3A_74 : memref<128x128xf32, #tpu.memory_space<vmem>>)
    %dma_wait3A_81 = arith.constant 2 : i32
    %dma_wait3A_82 = arith.constant 256 : i32
    %dma_wait3A_83 = arith.constant 0 : i32
    %dma_wait3A_84 = tpu.memref_slice %arg6[%dma_wait3A_82, %dma_wait3A_83] : memref<768x128xf32, #tpu.memory_space<vmem>> -> memref<128x128xf32, #tpu.memory_space<vmem>>
    %dma_wait3A_85 = arith.constant 0 : i32
    %dma_wait3A_86 = tpu.memref_slice %arg5[%dma_wait3A_81, %dma_wait3A_85] : memref<6x128xi32, #tpu.memory_space<vmem>> -> memref<1x128xi32, #tpu.memory_space<vmem>>
    %dma_wait3A_87 = tpu.memref_squeeze %dma_wait3A_86 : memref<1x128xi32, #tpu.memory_space<vmem>> -> memref<128xi32, #tpu.memory_space<vmem>>
    %dma_wait3A_88 = arith.constant 0 : i32
    %dma_wait3A_89 = arith.constant 0 : i32
    %dma_wait3A_90 = tpu.memref_slice %arg2[%dma_wait3A_88, %dma_wait3A_89] : memref<8192x128xf32, #tpu.memory_space<hbm>> -> memref<8192x128xf32, #tpu.memory_space<hbm>>
    tpu.wait_indirect_dma semaphore(%arg7 : memref<!tpu.dma_semaphore, #tpu.memory_space<semaphore_mem>>) src(%dma_wait3A_90 : memref<8192x128xf32, #tpu.memory_space<hbm>>) dst(%dma_wait3A_84 : memref<128x128xf32, #tpu.memory_space<vmem>>)
    %dma_wait3A_91 = arith.constant 3 : i32
    %dma_wait3A_92 = arith.constant 384 : i32
    %dma_wait3A_93 = arith.constant 0 : i32
    %dma_wait3A_94 = tpu.memref_slice %arg6[%dma_wait3A_92, %dma_wait3A_93] : memref<768x128xf32, #tpu.memory_space<vmem>> -> memref<128x128xf32, #tpu.memory_space<vmem>>
    %dma_wait3A_95 = arith.constant 0 : i32
    %dma_wait3A_96 = tpu.memref_slice %arg5[%dma_wait3A_91, %dma_wait3A_95] : memref<6x128xi32, #tpu.memory_space<vmem>> -> memref<1x128xi32, #tpu.memory_space<vmem>>
    %dma_wait3A_97 = tpu.memref_squeeze %dma_wait3A_96 : memref<1x128xi32, #tpu.memory_space<vmem>> -> memref<128xi32, #tpu.memory_space<vmem>>
    %dma_wait3A_98 = arith.constant 0 : i32
    %dma_wait3A_99 = arith.constant 0 : i32
    %dma_wait3A_100 = tpu.memref_slice %arg2[%dma_wait3A_98, %dma_wait3A_99] : memref<8192x128xf32, #tpu.memory_space<hbm>> -> memref<8192x128xf32, #tpu.memory_space<hbm>>
    tpu.wait_indirect_dma semaphore(%arg7 : memref<!tpu.dma_semaphore, #tpu.memory_space<semaphore_mem>>) src(%dma_wait3A_100 : memref<8192x128xf32, #tpu.memory_space<hbm>>) dst(%dma_wait3A_94 : memref<128x128xf32, #tpu.memory_space<vmem>>)
    %dma_wait3A_101 = arith.constant 4 : i32
    %dma_wait3A_102 = arith.constant 512 : i32
    %dma_wait3A_103 = arith.constant 0 : i32
    %dma_wait3A_104 = tpu.memref_slice %arg6[%dma_wait3A_102, %dma_wait3A_103] : memref<768x128xf32, #tpu.memory_space<vmem>> -> memref<128x128xf32, #tpu.memory_space<vmem>>
    %dma_wait3A_105 = arith.constant 0 : i32
    %dma_wait3A_106 = tpu.memref_slice %arg5[%dma_wait3A_101, %dma_wait3A_105] : memref<6x128xi32, #tpu.memory_space<vmem>> -> memref<1x128xi32, #tpu.memory_space<vmem>>
    %dma_wait3A_107 = tpu.memref_squeeze %dma_wait3A_106 : memref<1x128xi32, #tpu.memory_space<vmem>> -> memref<128xi32, #tpu.memory_space<vmem>>
    %dma_wait3A_108 = arith.constant 0 : i32
    %dma_wait3A_109 = arith.constant 0 : i32
    %dma_wait3A_110 = tpu.memref_slice %arg2[%dma_wait3A_108, %dma_wait3A_109] : memref<8192x128xf32, #tpu.memory_space<hbm>> -> memref<8192x128xf32, #tpu.memory_space<hbm>>
    tpu.wait_indirect_dma semaphore(%arg7 : memref<!tpu.dma_semaphore, #tpu.memory_space<semaphore_mem>>) src(%dma_wait3A_110 : memref<8192x128xf32, #tpu.memory_space<hbm>>) dst(%dma_wait3A_104 : memref<128x128xf32, #tpu.memory_space<vmem>>)
    %dma_wait3A_111 = arith.constant 5 : i32
    %dma_wait3A_112 = arith.constant 640 : i32
    %dma_wait3A_113 = arith.constant 0 : i32
    %dma_wait3A_114 = tpu.memref_slice %arg6[%dma_wait3A_112, %dma_wait3A_113] : memref<768x128xf32, #tpu.memory_space<vmem>> -> memref<128x128xf32, #tpu.memory_space<vmem>>
    %dma_wait3A_115 = arith.constant 0 : i32
    %dma_wait3A_116 = tpu.memref_slice %arg5[%dma_wait3A_111, %dma_wait3A_115] : memref<6x128xi32, #tpu.memory_space<vmem>> -> memref<1x128xi32, #tpu.memory_space<vmem>>
    %dma_wait3A_117 = tpu.memref_squeeze %dma_wait3A_116 : memref<1x128xi32, #tpu.memory_space<vmem>> -> memref<128xi32, #tpu.memory_space<vmem>>
    %dma_wait3A_118 = arith.constant 0 : i32
    %dma_wait3A_119 = arith.constant 0 : i32
    %dma_wait3A_120 = tpu.memref_slice %arg2[%dma_wait3A_118, %dma_wait3A_119] : memref<8192x128xf32, #tpu.memory_space<hbm>> -> memref<8192x128xf32, #tpu.memory_space<hbm>>
    tpu.wait_indirect_dma semaphore(%arg7 : memref<!tpu.dma_semaphore, #tpu.memory_space<semaphore_mem>>) src(%dma_wait3A_120 : memref<8192x128xf32, #tpu.memory_space<hbm>>) dst(%dma_wait3A_114 : memref<128x128xf32, #tpu.memory_space<vmem>>)
    "tpu.region"() ({
      %run_scoped3A = tpu.sem_alloc : memref<!tpu.dma_semaphore, #tpu.memory_space<semaphore_mem>>
      %dma_start3A_121 = arith.constant 0 : i32
      %dma_start3A_122 = tpu.memref_slice %arg4[%mul3A_2, %dma_start3A_121] : memref<24576x128xf32, #tpu.memory_space<hbm>> -> memref<768x128xf32, #tpu.memory_space<hbm>>
      %dma_start3A_123 = arith.constant 0 : i32
      %dma_start3A_124 = tpu.memref_slice %arg4[%mul3A_2, %dma_start3A_123] : memref<24576x128xf32, #tpu.memory_space<hbm>> -> memref<768x128xf32, #tpu.memory_space<hbm>>
      tpu.enqueue_dma source(%arg6 : memref<768x128xf32, #tpu.memory_space<vmem>>) target(%dma_start3A_124 : memref<768x128xf32, #tpu.memory_space<hbm>>) target_semaphore(%run_scoped3A : memref<!tpu.dma_semaphore, #tpu.memory_space<semaphore_mem>>)
      %dma_wait3A_125 = arith.constant 0 : i32
      %dma_wait3A_126 = tpu.memref_slice %arg4[%mul3A_2, %dma_wait3A_125] : memref<24576x128xf32, #tpu.memory_space<hbm>> -> memref<768x128xf32, #tpu.memory_space<hbm>>
      %dma_wait3A_127 = arith.constant 0 : i32
      %dma_wait3A_128 = tpu.memref_slice %arg4[%mul3A_2, %dma_wait3A_127] : memref<24576x128xf32, #tpu.memory_space<hbm>> -> memref<768x128xf32, #tpu.memory_space<hbm>>
      tpu.wait_dma2 semaphore(%run_scoped3A : memref<!tpu.dma_semaphore, #tpu.memory_space<semaphore_mem>>) src(%arg6 : memref<768x128xf32, #tpu.memory_space<vmem>>) dst(%dma_wait3A_128 : memref<768x128xf32, #tpu.memory_space<hbm>>)
      tpu.yield
    }) : () -> ()
    return
  }
}

#map = affine_map<(d0, d1) -> (0, 0)>
#map1 = affine_map<(d0, d1) -> (0, 0, 0)>
module attributes {stable_mosaic.version = 14 : i64} {
  func.func @sc_gather(%arg0: i32, %arg1: i32, %arg2: memref<8192x128xf32, #tpu.memory_space<hbm>>, %arg3: memref<32x6x128xi32, #tpu.memory_space<hbm>>, %arg4: memref<24576x128xf32, #tpu.memory_space<hbm>>, %arg5: memref<6x128xi32, #tpu.memory_space<vmem>>, %arg6: memref<768x128xf32, #tpu.memory_space<vmem>>, %arg7: memref<!tpu.dma_semaphore, #tpu.memory_space<semaphore_mem>>) attributes {dimension_semantics = [#tpu.dimension_semantics<core_parallel>, #tpu.dimension_semantics<subcore_parallel>], iteration_bounds = array<i64: 2, 16>, scalar_prefetch = 0 : i64, scratch_operands = 3 : i64, tpu.core_type = #tpu.core_type<sc_vector_subcore>, window_params = [{transform_indices = #map}, {transform_indices = #map1}, {transform_indices = #map}]} {
    %mul3A = arith.constant 2 : i32
    %mul3A_0 = arith.muli %arg1, %mul3A : i32
    %add3A = arith.addi %mul3A_0, %arg0 : i32
    %mul3A_1 = arith.constant 768 : i32
    %mul3A_2 = arith.muli %add3A, %mul3A_1 : i32
    "tpu.region"() ({
      %run_scoped3A = tpu.sem_alloc : memref<!tpu.dma_semaphore, #tpu.memory_space<semaphore_mem>>
      %dma_start3A_121 = arith.constant 0 : i32
      %dma_start3A_122 = arith.constant 0 : i32
      %dma_start3A_123 = tpu.memref_slice %arg3[%add3A, %dma_start3A_121, %dma_start3A_122] : memref<32x6x128xi32, #tpu.memory_space<hbm>> -> memref<1x6x128xi32, #tpu.memory_space<hbm>>
      %dma_start3A_124 = tpu.memref_squeeze %dma_start3A_123 : memref<1x6x128xi32, #tpu.memory_space<hbm>> -> memref<6x128xi32, #tpu.memory_space<hbm>>
      %dma_start3A_125 = arith.constant 0 : i32
      %dma_start3A_126 = arith.constant 0 : i32
      %dma_start3A_127 = tpu.memref_slice %arg3[%add3A, %dma_start3A_125, %dma_start3A_126] : memref<32x6x128xi32, #tpu.memory_space<hbm>> -> memref<1x6x128xi32, #tpu.memory_space<hbm>>
      %dma_start3A_128 = tpu.memref_squeeze %dma_start3A_127 : memref<1x6x128xi32, #tpu.memory_space<hbm>> -> memref<6x128xi32, #tpu.memory_space<hbm>>
      tpu.enqueue_dma source(%dma_start3A_128 : memref<6x128xi32, #tpu.memory_space<hbm>>) target(%arg5 : memref<6x128xi32, #tpu.memory_space<vmem>>) target_semaphore(%run_scoped3A : memref<!tpu.dma_semaphore, #tpu.memory_space<semaphore_mem>>)
      %dma_wait3A_129 = arith.constant 0 : i32
      %dma_wait3A_130 = arith.constant 0 : i32
      %dma_wait3A_131 = tpu.memref_slice %arg3[%add3A, %dma_wait3A_129, %dma_wait3A_130] : memref<32x6x128xi32, #tpu.memory_space<hbm>> -> memref<1x6x128xi32, #tpu.memory_space<hbm>>
      %dma_wait3A_132 = tpu.memref_squeeze %dma_wait3A_131 : memref<1x6x128xi32, #tpu.memory_space<hbm>> -> memref<6x128xi32, #tpu.memory_space<hbm>>
      %dma_wait3A_133 = arith.constant 0 : i32
      %dma_wait3A_134 = arith.constant 0 : i32
      %dma_wait3A_135 = tpu.memref_slice %arg3[%add3A, %dma_wait3A_133, %dma_wait3A_134] : memref<32x6x128xi32, #tpu.memory_space<hbm>> -> memref<1x6x128xi32, #tpu.memory_space<hbm>>
      %dma_wait3A_136 = tpu.memref_squeeze %dma_wait3A_135 : memref<1x6x128xi32, #tpu.memory_space<hbm>> -> memref<6x128xi32, #tpu.memory_space<hbm>>
      tpu.wait_dma2 semaphore(%run_scoped3A : memref<!tpu.dma_semaphore, #tpu.memory_space<semaphore_mem>>) src(%dma_wait3A_136 : memref<6x128xi32, #tpu.memory_space<hbm>>) dst(%arg5 : memref<6x128xi32, #tpu.memory_space<vmem>>)
      tpu.yield
    }) : () -> ()
    %dma_start3A = arith.constant 0 : i32
    %dma_start3A_3 = arith.constant 0 : i32
    %dma_start3A_4 = arith.constant 0 : i32
    %dma_start3A_5 = tpu.memref_slice %arg6[%dma_start3A_3, %dma_start3A_4] : memref<768x128xf32, #tpu.memory_space<vmem>> -> memref<128x128xf32, #tpu.memory_space<vmem>>
    %dma_start3A_6 = arith.constant 0 : i32
    %dma_start3A_7 = tpu.memref_slice %arg5[%dma_start3A, %dma_start3A_6] : memref<6x128xi32, #tpu.memory_space<vmem>> -> memref<1x128xi32, #tpu.memory_space<vmem>>
    %dma_start3A_8 = tpu.memref_squeeze %dma_start3A_7 : memref<1x128xi32, #tpu.memory_space<vmem>> -> memref<128xi32, #tpu.memory_space<vmem>>
    %dma_start3A_9 = arith.constant 0 : i32
    %dma_start3A_10 = arith.constant 0 : i32
    %dma_start3A_11 = tpu.memref_slice %arg2[%dma_start3A_9, %dma_start3A_10] : memref<8192x128xf32, #tpu.memory_space<hbm>> -> memref<8192x128xf32, #tpu.memory_space<hbm>>
    tpu.enqueue_indirect_dma source(%dma_start3A_11 : memref<8192x128xf32, #tpu.memory_space<hbm>>) target(%dma_start3A_5 : memref<128x128xf32, #tpu.memory_space<vmem>>) offsets(%dma_start3A_8 : memref<128xi32, #tpu.memory_space<vmem>>) semaphore(%arg7 : memref<!tpu.dma_semaphore, #tpu.memory_space<semaphore_mem>>)
    %dma_start3A_12 = arith.constant 1 : i32
    %dma_start3A_13 = arith.constant 128 : i32
    %dma_start3A_14 = arith.constant 0 : i32
    %dma_start3A_15 = tpu.memref_slice %arg6[%dma_start3A_13, %dma_start3A_14] : memref<768x128xf32, #tpu.memory_space<vmem>> -> memref<128x128xf32, #tpu.memory_space<vmem>>
    %dma_start3A_16 = arith.constant 0 : i32
    %dma_start3A_17 = tpu.memref_slice %arg5[%dma_start3A_12, %dma_start3A_16] : memref<6x128xi32, #tpu.memory_space<vmem>> -> memref<1x128xi32, #tpu.memory_space<vmem>>
    %dma_start3A_18 = tpu.memref_squeeze %dma_start3A_17 : memref<1x128xi32, #tpu.memory_space<vmem>> -> memref<128xi32, #tpu.memory_space<vmem>>
    %dma_start3A_19 = arith.constant 0 : i32
    %dma_start3A_20 = arith.constant 0 : i32
    %dma_start3A_21 = tpu.memref_slice %arg2[%dma_start3A_19, %dma_start3A_20] : memref<8192x128xf32, #tpu.memory_space<hbm>> -> memref<8192x128xf32, #tpu.memory_space<hbm>>
    tpu.enqueue_indirect_dma source(%dma_start3A_21 : memref<8192x128xf32, #tpu.memory_space<hbm>>) target(%dma_start3A_15 : memref<128x128xf32, #tpu.memory_space<vmem>>) offsets(%dma_start3A_18 : memref<128xi32, #tpu.memory_space<vmem>>) semaphore(%arg7 : memref<!tpu.dma_semaphore, #tpu.memory_space<semaphore_mem>>)
    %dma_start3A_22 = arith.constant 2 : i32
    %dma_start3A_23 = arith.constant 256 : i32
    %dma_start3A_24 = arith.constant 0 : i32
    %dma_start3A_25 = tpu.memref_slice %arg6[%dma_start3A_23, %dma_start3A_24] : memref<768x128xf32, #tpu.memory_space<vmem>> -> memref<128x128xf32, #tpu.memory_space<vmem>>
    %dma_start3A_26 = arith.constant 0 : i32
    %dma_start3A_27 = tpu.memref_slice %arg5[%dma_start3A_22, %dma_start3A_26] : memref<6x128xi32, #tpu.memory_space<vmem>> -> memref<1x128xi32, #tpu.memory_space<vmem>>
    %dma_start3A_28 = tpu.memref_squeeze %dma_start3A_27 : memref<1x128xi32, #tpu.memory_space<vmem>> -> memref<128xi32, #tpu.memory_space<vmem>>
    %dma_start3A_29 = arith.constant 0 : i32
    %dma_start3A_30 = arith.constant 0 : i32
    %dma_start3A_31 = tpu.memref_slice %arg2[%dma_start3A_29, %dma_start3A_30] : memref<8192x128xf32, #tpu.memory_space<hbm>> -> memref<8192x128xf32, #tpu.memory_space<hbm>>
    tpu.enqueue_indirect_dma source(%dma_start3A_31 : memref<8192x128xf32, #tpu.memory_space<hbm>>) target(%dma_start3A_25 : memref<128x128xf32, #tpu.memory_space<vmem>>) offsets(%dma_start3A_28 : memref<128xi32, #tpu.memory_space<vmem>>) semaphore(%arg7 : memref<!tpu.dma_semaphore, #tpu.memory_space<semaphore_mem>>)
    %dma_start3A_32 = arith.constant 3 : i32
    %dma_start3A_33 = arith.constant 384 : i32
    %dma_start3A_34 = arith.constant 0 : i32
    %dma_start3A_35 = tpu.memref_slice %arg6[%dma_start3A_33, %dma_start3A_34] : memref<768x128xf32, #tpu.memory_space<vmem>> -> memref<128x128xf32, #tpu.memory_space<vmem>>
    %dma_start3A_36 = arith.constant 0 : i32
    %dma_start3A_37 = tpu.memref_slice %arg5[%dma_start3A_32, %dma_start3A_36] : memref<6x128xi32, #tpu.memory_space<vmem>> -> memref<1x128xi32, #tpu.memory_space<vmem>>
    %dma_start3A_38 = tpu.memref_squeeze %dma_start3A_37 : memref<1x128xi32, #tpu.memory_space<vmem>> -> memref<128xi32, #tpu.memory_space<vmem>>
    %dma_start3A_39 = arith.constant 0 : i32
    %dma_start3A_40 = arith.constant 0 : i32
    %dma_start3A_41 = tpu.memref_slice %arg2[%dma_start3A_39, %dma_start3A_40] : memref<8192x128xf32, #tpu.memory_space<hbm>> -> memref<8192x128xf32, #tpu.memory_space<hbm>>
    tpu.enqueue_indirect_dma source(%dma_start3A_41 : memref<8192x128xf32, #tpu.memory_space<hbm>>) target(%dma_start3A_35 : memref<128x128xf32, #tpu.memory_space<vmem>>) offsets(%dma_start3A_38 : memref<128xi32, #tpu.memory_space<vmem>>) semaphore(%arg7 : memref<!tpu.dma_semaphore, #tpu.memory_space<semaphore_mem>>)
    %dma_start3A_42 = arith.constant 4 : i32
    %dma_start3A_43 = arith.constant 512 : i32
    %dma_start3A_44 = arith.constant 0 : i32
    %dma_start3A_45 = tpu.memref_slice %arg6[%dma_start3A_43, %dma_start3A_44] : memref<768x128xf32, #tpu.memory_space<vmem>> -> memref<128x128xf32, #tpu.memory_space<vmem>>
    %dma_start3A_46 = arith.constant 0 : i32
    %dma_start3A_47 = tpu.memref_slice %arg5[%dma_start3A_42, %dma_start3A_46] : memref<6x128xi32, #tpu.memory_space<vmem>> -> memref<1x128xi32, #tpu.memory_space<vmem>>
    %dma_start3A_48 = tpu.memref_squeeze %dma_start3A_47 : memref<1x128xi32, #tpu.memory_space<vmem>> -> memref<128xi32, #tpu.memory_space<vmem>>
    %dma_start3A_49 = arith.constant 0 : i32
    %dma_start3A_50 = arith.constant 0 : i32
    %dma_start3A_51 = tpu.memref_slice %arg2[%dma_start3A_49, %dma_start3A_50] : memref<8192x128xf32, #tpu.memory_space<hbm>> -> memref<8192x128xf32, #tpu.memory_space<hbm>>
    tpu.enqueue_indirect_dma source(%dma_start3A_51 : memref<8192x128xf32, #tpu.memory_space<hbm>>) target(%dma_start3A_45 : memref<128x128xf32, #tpu.memory_space<vmem>>) offsets(%dma_start3A_48 : memref<128xi32, #tpu.memory_space<vmem>>) semaphore(%arg7 : memref<!tpu.dma_semaphore, #tpu.memory_space<semaphore_mem>>)
    %dma_start3A_52 = arith.constant 5 : i32
    %dma_start3A_53 = arith.constant 640 : i32
    %dma_start3A_54 = arith.constant 0 : i32
    %dma_start3A_55 = tpu.memref_slice %arg6[%dma_start3A_53, %dma_start3A_54] : memref<768x128xf32, #tpu.memory_space<vmem>> -> memref<128x128xf32, #tpu.memory_space<vmem>>
    %dma_start3A_56 = arith.constant 0 : i32
    %dma_start3A_57 = tpu.memref_slice %arg5[%dma_start3A_52, %dma_start3A_56] : memref<6x128xi32, #tpu.memory_space<vmem>> -> memref<1x128xi32, #tpu.memory_space<vmem>>
    %dma_start3A_58 = tpu.memref_squeeze %dma_start3A_57 : memref<1x128xi32, #tpu.memory_space<vmem>> -> memref<128xi32, #tpu.memory_space<vmem>>
    %dma_start3A_59 = arith.constant 0 : i32
    %dma_start3A_60 = arith.constant 0 : i32
    %dma_start3A_61 = tpu.memref_slice %arg2[%dma_start3A_59, %dma_start3A_60] : memref<8192x128xf32, #tpu.memory_space<hbm>> -> memref<8192x128xf32, #tpu.memory_space<hbm>>
    tpu.enqueue_indirect_dma source(%dma_start3A_61 : memref<8192x128xf32, #tpu.memory_space<hbm>>) target(%dma_start3A_55 : memref<128x128xf32, #tpu.memory_space<vmem>>) offsets(%dma_start3A_58 : memref<128xi32, #tpu.memory_space<vmem>>) semaphore(%arg7 : memref<!tpu.dma_semaphore, #tpu.memory_space<semaphore_mem>>)
    %dma_wait3A = arith.constant 0 : i32
    %dma_wait3A_62 = arith.constant 0 : i32
    %dma_wait3A_63 = arith.constant 0 : i32
    %dma_wait3A_64 = tpu.memref_slice %arg6[%dma_wait3A_62, %dma_wait3A_63] : memref<768x128xf32, #tpu.memory_space<vmem>> -> memref<128x128xf32, #tpu.memory_space<vmem>>
    %dma_wait3A_65 = arith.constant 0 : i32
    %dma_wait3A_66 = tpu.memref_slice %arg5[%dma_wait3A, %dma_wait3A_65] : memref<6x128xi32, #tpu.memory_space<vmem>> -> memref<1x128xi32, #tpu.memory_space<vmem>>
    %dma_wait3A_67 = tpu.memref_squeeze %dma_wait3A_66 : memref<1x128xi32, #tpu.memory_space<vmem>> -> memref<128xi32, #tpu.memory_space<vmem>>
    %dma_wait3A_68 = arith.constant 0 : i32
    %dma_wait3A_69 = arith.constant 0 : i32
    %dma_wait3A_70 = tpu.memref_slice %arg2[%dma_wait3A_68, %dma_wait3A_69] : memref<8192x128xf32, #tpu.memory_space<hbm>> -> memref<8192x128xf32, #tpu.memory_space<hbm>>
    tpu.wait_indirect_dma semaphore(%arg7 : memref<!tpu.dma_semaphore, #tpu.memory_space<semaphore_mem>>) src(%dma_wait3A_70 : memref<8192x128xf32, #tpu.memory_space<hbm>>) dst(%dma_wait3A_64 : memref<128x128xf32, #tpu.memory_space<vmem>>)
    %dma_wait3A_71 = arith.constant 1 : i32
    %dma_wait3A_72 = arith.constant 128 : i32
    %dma_wait3A_73 = arith.constant 0 : i32
    %dma_wait3A_74 = tpu.memref_slice %arg6[%dma_wait3A_72, %dma_wait3A_73] : memref<768x128xf32, #tpu.memory_space<vmem>> -> memref<128x128xf32, #tpu.memory_space<vmem>>
    %dma_wait3A_75 = arith.constant 0 : i32
    %dma_wait3A_76 = tpu.memref_slice %arg5[%dma_wait3A_71, %dma_wait3A_75] : memref<6x128xi32, #tpu.memory_space<vmem>> -> memref<1x128xi32, #tpu.memory_space<vmem>>
    %dma_wait3A_77 = tpu.memref_squeeze %dma_wait3A_76 : memref<1x128xi32, #tpu.memory_space<vmem>> -> memref<128xi32, #tpu.memory_space<vmem>>
    %dma_wait3A_78 = arith.constant 0 : i32
    %dma_wait3A_79 = arith.constant 0 : i32
    %dma_wait3A_80 = tpu.memref_slice %arg2[%dma_wait3A_78, %dma_wait3A_79] : memref<8192x128xf32, #tpu.memory_space<hbm>> -> memref<8192x128xf32, #tpu.memory_space<hbm>>
    tpu.wait_indirect_dma semaphore(%arg7 : memref<!tpu.dma_semaphore, #tpu.memory_space<semaphore_mem>>) src(%dma_wait3A_80 : memref<8192x128xf32, #tpu.memory_space<hbm>>) dst(%dma_wait3A_74 : memref<128x128xf32, #tpu.memory_space<vmem>>)
    %dma_wait3A_81 = arith.constant 2 : i32
    %dma_wait3A_82 = arith.constant 256 : i32
    %dma_wait3A_83 = arith.constant 0 : i32
    %dma_wait3A_84 = tpu.memref_slice %arg6[%dma_wait3A_82, %dma_wait3A_83] : memref<768x128xf32, #tpu.memory_space<vmem>> -> memref<128x128xf32, #tpu.memory_space<vmem>>
    %dma_wait3A_85 = arith.constant 0 : i32
    %dma_wait3A_86 = tpu.memref_slice %arg5[%dma_wait3A_81, %dma_wait3A_85] : memref<6x128xi32, #tpu.memory_space<vmem>> -> memref<1x128xi32, #tpu.memory_space<vmem>>
    %dma_wait3A_87 = tpu.memref_squeeze %dma_wait3A_86 : memref<1x128xi32, #tpu.memory_space<vmem>> -> memref<128xi32, #tpu.memory_space<vmem>>
    %dma_wait3A_88 = arith.constant 0 : i32
    %dma_wait3A_89 = arith.constant 0 : i32
    %dma_wait3A_90 = tpu.memref_slice %arg2[%dma_wait3A_88, %dma_wait3A_89] : memref<8192x128xf32, #tpu.memory_space<hbm>> -> memref<8192x128xf32, #tpu.memory_space<hbm>>
    tpu.wait_indirect_dma semaphore(%arg7 : memref<!tpu.dma_semaphore, #tpu.memory_space<semaphore_mem>>) src(%dma_wait3A_90 : memref<8192x128xf32, #tpu.memory_space<hbm>>) dst(%dma_wait3A_84 : memref<128x128xf32, #tpu.memory_space<vmem>>)
    %dma_wait3A_91 = arith.constant 3 : i32
    %dma_wait3A_92 = arith.constant 384 : i32
    %dma_wait3A_93 = arith.constant 0 : i32
    %dma_wait3A_94 = tpu.memref_slice %arg6[%dma_wait3A_92, %dma_wait3A_93] : memref<768x128xf32, #tpu.memory_space<vmem>> -> memref<128x128xf32, #tpu.memory_space<vmem>>
    %dma_wait3A_95 = arith.constant 0 : i32
    %dma_wait3A_96 = tpu.memref_slice %arg5[%dma_wait3A_91, %dma_wait3A_95] : memref<6x128xi32, #tpu.memory_space<vmem>> -> memref<1x128xi32, #tpu.memory_space<vmem>>
    %dma_wait3A_97 = tpu.memref_squeeze %dma_wait3A_96 : memref<1x128xi32, #tpu.memory_space<vmem>> -> memref<128xi32, #tpu.memory_space<vmem>>
    %dma_wait3A_98 = arith.constant 0 : i32
    %dma_wait3A_99 = arith.constant 0 : i32
    %dma_wait3A_100 = tpu.memref_slice %arg2[%dma_wait3A_98, %dma_wait3A_99] : memref<8192x128xf32, #tpu.memory_space<hbm>> -> memref<8192x128xf32, #tpu.memory_space<hbm>>
    tpu.wait_indirect_dma semaphore(%arg7 : memref<!tpu.dma_semaphore, #tpu.memory_space<semaphore_mem>>) src(%dma_wait3A_100 : memref<8192x128xf32, #tpu.memory_space<hbm>>) dst(%dma_wait3A_94 : memref<128x128xf32, #tpu.memory_space<vmem>>)
    %dma_wait3A_101 = arith.constant 4 : i32
    %dma_wait3A_102 = arith.constant 512 : i32
    %dma_wait3A_103 = arith.constant 0 : i32
    %dma_wait3A_104 = tpu.memref_slice %arg6[%dma_wait3A_102, %dma_wait3A_103] : memref<768x128xf32, #tpu.memory_space<vmem>> -> memref<128x128xf32, #tpu.memory_space<vmem>>
    %dma_wait3A_105 = arith.constant 0 : i32
    %dma_wait3A_106 = tpu.memref_slice %arg5[%dma_wait3A_101, %dma_wait3A_105] : memref<6x128xi32, #tpu.memory_space<vmem>> -> memref<1x128xi32, #tpu.memory_space<vmem>>
    %dma_wait3A_107 = tpu.memref_squeeze %dma_wait3A_106 : memref<1x128xi32, #tpu.memory_space<vmem>> -> memref<128xi32, #tpu.memory_space<vmem>>
    %dma_wait3A_108 = arith.constant 0 : i32
    %dma_wait3A_109 = arith.constant 0 : i32
    %dma_wait3A_110 = tpu.memref_slice %arg2[%dma_wait3A_108, %dma_wait3A_109] : memref<8192x128xf32, #tpu.memory_space<hbm>> -> memref<8192x128xf32, #tpu.memory_space<hbm>>
    tpu.wait_indirect_dma semaphore(%arg7 : memref<!tpu.dma_semaphore, #tpu.memory_space<semaphore_mem>>) src(%dma_wait3A_110 : memref<8192x128xf32, #tpu.memory_space<hbm>>) dst(%dma_wait3A_104 : memref<128x128xf32, #tpu.memory_space<vmem>>)
    %dma_wait3A_111 = arith.constant 5 : i32
    %dma_wait3A_112 = arith.constant 640 : i32
    %dma_wait3A_113 = arith.constant 0 : i32
    %dma_wait3A_114 = tpu.memref_slice %arg6[%dma_wait3A_112, %dma_wait3A_113] : memref<768x128xf32, #tpu.memory_space<vmem>> -> memref<128x128xf32, #tpu.memory_space<vmem>>
    %dma_wait3A_115 = arith.constant 0 : i32
    %dma_wait3A_116 = tpu.memref_slice %arg5[%dma_wait3A_111, %dma_wait3A_115] : memref<6x128xi32, #tpu.memory_space<vmem>> -> memref<1x128xi32, #tpu.memory_space<vmem>>
    %dma_wait3A_117 = tpu.memref_squeeze %dma_wait3A_116 : memref<1x128xi32, #tpu.memory_space<vmem>> -> memref<128xi32, #tpu.memory_space<vmem>>
    %dma_wait3A_118 = arith.constant 0 : i32
    %dma_wait3A_119 = arith.constant 0 : i32
    %dma_wait3A_120 = tpu.memref_slice %arg2[%dma_wait3A_118, %dma_wait3A_119] : memref<8192x128xf32, #tpu.memory_space<hbm>> -> memref<8192x128xf32, #tpu.memory_space<hbm>>
    tpu.wait_indirect_dma semaphore(%arg7 : memref<!tpu.dma_semaphore, #tpu.memory_space<semaphore_mem>>) src(%dma_wait3A_120 : memref<8192x128xf32, #tpu.memory_space<hbm>>) dst(%dma_wait3A_114 : memref<128x128xf32, #tpu.memory_space<vmem>>)
    "tpu.region"() ({
      %run_scoped3A = tpu.sem_alloc : memref<!tpu.dma_semaphore, #tpu.memory_space<semaphore_mem>>
      %dma_start3A_121 = arith.constant 0 : i32
      %dma_start3A_122 = tpu.memref_slice %arg4[%mul3A_2, %dma_start3A_121] : memref<24576x128xf32, #tpu.memory_space<hbm>> -> memref<768x128xf32, #tpu.memory_space<hbm>>
      %dma_start3A_123 = arith.constant 0 : i32
      %dma_start3A_124 = tpu.memref_slice %arg4[%mul3A_2, %dma_start3A_123] : memref<24576x128xf32, #tpu.memory_space<hbm>> -> memref<768x128xf32, #tpu.memory_space<hbm>>
      tpu.enqueue_dma source(%arg6 : memref<768x128xf32, #tpu.memory_space<vmem>>) target(%dma_start3A_124 : memref<768x128xf32, #tpu.memory_space<hbm>>) target_semaphore(%run_scoped3A : memref<!tpu.dma_semaphore, #tpu.memory_space<semaphore_mem>>)
      %dma_wait3A_125 = arith.constant 0 : i32
      %dma_wait3A_126 = tpu.memref_slice %arg4[%mul3A_2, %dma_wait3A_125] : memref<24576x128xf32, #tpu.memory_space<hbm>> -> memref<768x128xf32, #tpu.memory_space<hbm>>
      %dma_wait3A_127 = arith.constant 0 : i32
      %dma_wait3A_128 = tpu.memref_slice %arg4[%mul3A_2, %dma_wait3A_127] : memref<24576x128xf32, #tpu.memory_space<hbm>> -> memref<768x128xf32, #tpu.memory_space<hbm>>
      tpu.wait_dma2 semaphore(%run_scoped3A : memref<!tpu.dma_semaphore, #tpu.memory_space<semaphore_mem>>) src(%arg6 : memref<768x128xf32, #tpu.memory_space<vmem>>) dst(%dma_wait3A_128 : memref<768x128xf32, #tpu.memory_space<hbm>>)
      tpu.yield
    }) : () -> ()
    return
  }
}

#map = affine_map<(d0, d1) -> (0, 0)>
#map1 = affine_map<(d0, d1) -> (0, 0, 0)>
module attributes {stable_mosaic.version = 14 : i64} {
  func.func @sc_scatter_add(%arg0: i32, %arg1: i32, %arg2: memref<24576x128xf32, #tpu.memory_space<hbm>>, %arg3: memref<32x6x128xi32, #tpu.memory_space<hbm>>, %arg4: memref<32x6x128xi32, #tpu.memory_space<hbm>>, %arg5: memref<8192x128xf32, #tpu.memory_space<hbm>>, %arg6: memref<2x8192x128xf32, #tpu.memory_space<hbm>>, %arg7: memref<6x128xi32, #tpu.memory_space<vmem>>, %arg8: memref<6x128xi32, #tpu.memory_space<vmem>>, %arg9: memref<384x128xf32, #tpu.memory_space<vmem>>, %arg10: memref<8192x128xf32, #tpu.memory_space<vmem_shared>>, %arg11: memref<!tpu.dma_semaphore, #tpu.memory_space<semaphore_mem>>, %arg12: memref<!tpu.dma_semaphore, #tpu.memory_space<semaphore_mem>>, %arg13: memref<!tpu.dma_semaphore, #tpu.memory_space<semaphore_mem>>) attributes {dimension_semantics = [#tpu.dimension_semantics<core_parallel>, #tpu.dimension_semantics<subcore_parallel>], iteration_bounds = array<i64: 2, 16>, scalar_prefetch = 0 : i64, scratch_operands = 7 : i64, tpu.core_type = #tpu.core_type<sc_vector_subcore>, window_params = [{transform_indices = #map}, {transform_indices = #map1}, {transform_indices = #map1}, {transform_indices = #map}, {transform_indices = #map1}]} {
    %mul3A = arith.constant 2 : i32
    %mul3A_0 = arith.muli %arg1, %mul3A : i32
    %add3A = arith.addi %mul3A_0, %arg0 : i32
    %mul3A_1 = arith.constant 512 : i32
    %mul3A_2 = arith.muli %arg1, %mul3A_1 : i32
    %mul3A_3 = arith.constant 512 : i32
    %mul3A_4 = arith.muli %arg1, %mul3A_3 : i32
    "tpu.region"() ({
      %run_scoped3A_133 = tpu.sem_alloc : memref<!tpu.dma_semaphore, #tpu.memory_space<semaphore_mem>>
      %dma_start3A_134 = arith.constant 0 : i32
      %dma_start3A_135 = tpu.memref_slice %arg10[%mul3A_4, %dma_start3A_134] : memref<8192x128xf32, #tpu.memory_space<vmem_shared>> -> memref<512x128xf32, #tpu.memory_space<vmem_shared>>
      %dma_start3A_136 = arith.constant 0 : i32
      %dma_start3A_137 = tpu.memref_slice %arg5[%mul3A_2, %dma_start3A_136] : memref<8192x128xf32, #tpu.memory_space<hbm>> -> memref<512x128xf32, #tpu.memory_space<hbm>>
      tpu.enqueue_dma source(%dma_start3A_137 : memref<512x128xf32, #tpu.memory_space<hbm>>) target(%dma_start3A_135 : memref<512x128xf32, #tpu.memory_space<vmem_shared>>) target_semaphore(%run_scoped3A_133 : memref<!tpu.dma_semaphore, #tpu.memory_space<semaphore_mem>>)
      %dma_wait3A_138 = arith.constant 0 : i32
      %dma_wait3A_139 = tpu.memref_slice %arg10[%mul3A_4, %dma_wait3A_138] : memref<8192x128xf32, #tpu.memory_space<vmem_shared>> -> memref<512x128xf32, #tpu.memory_space<vmem_shared>>
      %dma_wait3A_140 = arith.constant 0 : i32
      %dma_wait3A_141 = tpu.memref_slice %arg5[%mul3A_2, %dma_wait3A_140] : memref<8192x128xf32, #tpu.memory_space<hbm>> -> memref<512x128xf32, #tpu.memory_space<hbm>>
      tpu.wait_dma2 semaphore(%run_scoped3A_133 : memref<!tpu.dma_semaphore, #tpu.memory_space<semaphore_mem>>) src(%dma_wait3A_141 : memref<512x128xf32, #tpu.memory_space<hbm>>) dst(%dma_wait3A_139 : memref<512x128xf32, #tpu.memory_space<vmem_shared>>)
      tpu.yield
    }) : () -> ()
    "tpu.region"() ({
      %run_scoped3A_133 = tpu.sem_alloc : memref<!tpu.dma_semaphore, #tpu.memory_space<semaphore_mem>>
      %dma_start3A_134 = arith.constant 0 : i32
      %dma_start3A_135 = arith.constant 0 : i32
      %dma_start3A_136 = tpu.memref_slice %arg3[%add3A, %dma_start3A_134, %dma_start3A_135] : memref<32x6x128xi32, #tpu.memory_space<hbm>> -> memref<1x6x128xi32, #tpu.memory_space<hbm>>
      %dma_start3A_137 = tpu.memref_squeeze %dma_start3A_136 : memref<1x6x128xi32, #tpu.memory_space<hbm>> -> memref<6x128xi32, #tpu.memory_space<hbm>>
      %dma_start3A_138 = arith.constant 0 : i32
      %dma_start3A_139 = arith.constant 0 : i32
      %dma_start3A_140 = tpu.memref_slice %arg3[%add3A, %dma_start3A_138, %dma_start3A_139] : memref<32x6x128xi32, #tpu.memory_space<hbm>> -> memref<1x6x128xi32, #tpu.memory_space<hbm>>
      %dma_start3A_141 = tpu.memref_squeeze %dma_start3A_140 : memref<1x6x128xi32, #tpu.memory_space<hbm>> -> memref<6x128xi32, #tpu.memory_space<hbm>>
      tpu.enqueue_dma source(%dma_start3A_141 : memref<6x128xi32, #tpu.memory_space<hbm>>) target(%arg7 : memref<6x128xi32, #tpu.memory_space<vmem>>) target_semaphore(%run_scoped3A_133 : memref<!tpu.dma_semaphore, #tpu.memory_space<semaphore_mem>>)
      %dma_wait3A_142 = arith.constant 0 : i32
      %dma_wait3A_143 = arith.constant 0 : i32
      %dma_wait3A_144 = tpu.memref_slice %arg3[%add3A, %dma_wait3A_142, %dma_wait3A_143] : memref<32x6x128xi32, #tpu.memory_space<hbm>> -> memref<1x6x128xi32, #tpu.memory_space<hbm>>
      %dma_wait3A_145 = tpu.memref_squeeze %dma_wait3A_144 : memref<1x6x128xi32, #tpu.memory_space<hbm>> -> memref<6x128xi32, #tpu.memory_space<hbm>>
      %dma_wait3A_146 = arith.constant 0 : i32
      %dma_wait3A_147 = arith.constant 0 : i32
      %dma_wait3A_148 = tpu.memref_slice %arg3[%add3A, %dma_wait3A_146, %dma_wait3A_147] : memref<32x6x128xi32, #tpu.memory_space<hbm>> -> memref<1x6x128xi32, #tpu.memory_space<hbm>>
      %dma_wait3A_149 = tpu.memref_squeeze %dma_wait3A_148 : memref<1x6x128xi32, #tpu.memory_space<hbm>> -> memref<6x128xi32, #tpu.memory_space<hbm>>
      tpu.wait_dma2 semaphore(%run_scoped3A_133 : memref<!tpu.dma_semaphore, #tpu.memory_space<semaphore_mem>>) src(%dma_wait3A_149 : memref<6x128xi32, #tpu.memory_space<hbm>>) dst(%arg7 : memref<6x128xi32, #tpu.memory_space<vmem>>)
      tpu.yield
    }) : () -> ()
    "tpu.region"() ({
      %run_scoped3A_133 = tpu.sem_alloc : memref<!tpu.dma_semaphore, #tpu.memory_space<semaphore_mem>>
      %dma_start3A_134 = arith.constant 0 : i32
      %dma_start3A_135 = arith.constant 0 : i32
      %dma_start3A_136 = tpu.memref_slice %arg4[%add3A, %dma_start3A_134, %dma_start3A_135] : memref<32x6x128xi32, #tpu.memory_space<hbm>> -> memref<1x6x128xi32, #tpu.memory_space<hbm>>
      %dma_start3A_137 = tpu.memref_squeeze %dma_start3A_136 : memref<1x6x128xi32, #tpu.memory_space<hbm>> -> memref<6x128xi32, #tpu.memory_space<hbm>>
      %dma_start3A_138 = arith.constant 0 : i32
      %dma_start3A_139 = arith.constant 0 : i32
      %dma_start3A_140 = tpu.memref_slice %arg4[%add3A, %dma_start3A_138, %dma_start3A_139] : memref<32x6x128xi32, #tpu.memory_space<hbm>> -> memref<1x6x128xi32, #tpu.memory_space<hbm>>
      %dma_start3A_141 = tpu.memref_squeeze %dma_start3A_140 : memref<1x6x128xi32, #tpu.memory_space<hbm>> -> memref<6x128xi32, #tpu.memory_space<hbm>>
      tpu.enqueue_dma source(%dma_start3A_141 : memref<6x128xi32, #tpu.memory_space<hbm>>) target(%arg8 : memref<6x128xi32, #tpu.memory_space<vmem>>) target_semaphore(%run_scoped3A_133 : memref<!tpu.dma_semaphore, #tpu.memory_space<semaphore_mem>>)
      %dma_wait3A_142 = arith.constant 0 : i32
      %dma_wait3A_143 = arith.constant 0 : i32
      %dma_wait3A_144 = tpu.memref_slice %arg4[%add3A, %dma_wait3A_142, %dma_wait3A_143] : memref<32x6x128xi32, #tpu.memory_space<hbm>> -> memref<1x6x128xi32, #tpu.memory_space<hbm>>
      %dma_wait3A_145 = tpu.memref_squeeze %dma_wait3A_144 : memref<1x6x128xi32, #tpu.memory_space<hbm>> -> memref<6x128xi32, #tpu.memory_space<hbm>>
      %dma_wait3A_146 = arith.constant 0 : i32
      %dma_wait3A_147 = arith.constant 0 : i32
      %dma_wait3A_148 = tpu.memref_slice %arg4[%add3A, %dma_wait3A_146, %dma_wait3A_147] : memref<32x6x128xi32, #tpu.memory_space<hbm>> -> memref<1x6x128xi32, #tpu.memory_space<hbm>>
      %dma_wait3A_149 = tpu.memref_squeeze %dma_wait3A_148 : memref<1x6x128xi32, #tpu.memory_space<hbm>> -> memref<6x128xi32, #tpu.memory_space<hbm>>
      tpu.wait_dma2 semaphore(%run_scoped3A_133 : memref<!tpu.dma_semaphore, #tpu.memory_space<semaphore_mem>>) src(%dma_wait3A_149 : memref<6x128xi32, #tpu.memory_space<hbm>>) dst(%arg8 : memref<6x128xi32, #tpu.memory_space<vmem>>)
      tpu.yield
    }) : () -> ()
    %barrier3A = arith.constant 0 : index
    tpu.barrier barrier_id(%barrier3A)
    %dma_start3A = arith.constant 0 : i32
    %dma_start3A_5 = arith.constant 0 : i32
    %dma_start3A_6 = arith.constant 0 : i32
    %dma_start3A_7 = tpu.memref_slice %arg9[%dma_start3A_5, %dma_start3A_6] : memref<384x128xf32, #tpu.memory_space<vmem>> -> memref<128x128xf32, #tpu.memory_space<vmem>>
    %dma_start3A_8 = arith.constant 0 : i32
    %dma_start3A_9 = tpu.memref_slice %arg8[%dma_start3A, %dma_start3A_8] : memref<6x128xi32, #tpu.memory_space<vmem>> -> memref<1x128xi32, #tpu.memory_space<vmem>>
    %dma_start3A_10 = tpu.memref_squeeze %dma_start3A_9 : memref<1x128xi32, #tpu.memory_space<vmem>> -> memref<128xi32, #tpu.memory_space<vmem>>
    %dma_start3A_11 = arith.constant 0 : i32
    %dma_start3A_12 = arith.constant 0 : i32
    %dma_start3A_13 = tpu.memref_slice %arg2[%dma_start3A_11, %dma_start3A_12] : memref<24576x128xf32, #tpu.memory_space<hbm>> -> memref<24576x128xf32, #tpu.memory_space<hbm>>
    tpu.enqueue_indirect_dma source(%dma_start3A_13 : memref<24576x128xf32, #tpu.memory_space<hbm>>) target(%dma_start3A_7 : memref<128x128xf32, #tpu.memory_space<vmem>>) offsets(%dma_start3A_10 : memref<128xi32, #tpu.memory_space<vmem>>) semaphore(%arg11 : memref<!tpu.dma_semaphore, #tpu.memory_space<semaphore_mem>>)
    %dma_start3A_14 = arith.constant 1 : i32
    %dma_start3A_15 = arith.constant 128 : i32
    %dma_start3A_16 = arith.constant 0 : i32
    %dma_start3A_17 = tpu.memref_slice %arg9[%dma_start3A_15, %dma_start3A_16] : memref<384x128xf32, #tpu.memory_space<vmem>> -> memref<128x128xf32, #tpu.memory_space<vmem>>
    %dma_start3A_18 = arith.constant 0 : i32
    %dma_start3A_19 = tpu.memref_slice %arg8[%dma_start3A_14, %dma_start3A_18] : memref<6x128xi32, #tpu.memory_space<vmem>> -> memref<1x128xi32, #tpu.memory_space<vmem>>
    %dma_start3A_20 = tpu.memref_squeeze %dma_start3A_19 : memref<1x128xi32, #tpu.memory_space<vmem>> -> memref<128xi32, #tpu.memory_space<vmem>>
    %dma_start3A_21 = arith.constant 0 : i32
    %dma_start3A_22 = arith.constant 0 : i32
    %dma_start3A_23 = tpu.memref_slice %arg2[%dma_start3A_21, %dma_start3A_22] : memref<24576x128xf32, #tpu.memory_space<hbm>> -> memref<24576x128xf32, #tpu.memory_space<hbm>>
    tpu.enqueue_indirect_dma source(%dma_start3A_23 : memref<24576x128xf32, #tpu.memory_space<hbm>>) target(%dma_start3A_17 : memref<128x128xf32, #tpu.memory_space<vmem>>) offsets(%dma_start3A_20 : memref<128xi32, #tpu.memory_space<vmem>>) semaphore(%arg12 : memref<!tpu.dma_semaphore, #tpu.memory_space<semaphore_mem>>)
    %dma_start3A_24 = arith.constant 2 : i32
    %dma_start3A_25 = arith.constant 256 : i32
    %dma_start3A_26 = arith.constant 0 : i32
    %dma_start3A_27 = tpu.memref_slice %arg9[%dma_start3A_25, %dma_start3A_26] : memref<384x128xf32, #tpu.memory_space<vmem>> -> memref<128x128xf32, #tpu.memory_space<vmem>>
    %dma_start3A_28 = arith.constant 0 : i32
    %dma_start3A_29 = tpu.memref_slice %arg8[%dma_start3A_24, %dma_start3A_28] : memref<6x128xi32, #tpu.memory_space<vmem>> -> memref<1x128xi32, #tpu.memory_space<vmem>>
    %dma_start3A_30 = tpu.memref_squeeze %dma_start3A_29 : memref<1x128xi32, #tpu.memory_space<vmem>> -> memref<128xi32, #tpu.memory_space<vmem>>
    %dma_start3A_31 = arith.constant 0 : i32
    %dma_start3A_32 = arith.constant 0 : i32
    %dma_start3A_33 = tpu.memref_slice %arg2[%dma_start3A_31, %dma_start3A_32] : memref<24576x128xf32, #tpu.memory_space<hbm>> -> memref<24576x128xf32, #tpu.memory_space<hbm>>
    tpu.enqueue_indirect_dma source(%dma_start3A_33 : memref<24576x128xf32, #tpu.memory_space<hbm>>) target(%dma_start3A_27 : memref<128x128xf32, #tpu.memory_space<vmem>>) offsets(%dma_start3A_30 : memref<128xi32, #tpu.memory_space<vmem>>) semaphore(%arg13 : memref<!tpu.dma_semaphore, #tpu.memory_space<semaphore_mem>>)
    %dma_wait3A = arith.constant 0 : i32
    %dma_wait3A_34 = arith.constant 0 : i32
    %dma_wait3A_35 = arith.constant 0 : i32
    %dma_wait3A_36 = tpu.memref_slice %arg9[%dma_wait3A_34, %dma_wait3A_35] : memref<384x128xf32, #tpu.memory_space<vmem>> -> memref<128x128xf32, #tpu.memory_space<vmem>>
    %dma_wait3A_37 = arith.constant 0 : i32
    %dma_wait3A_38 = tpu.memref_slice %arg8[%dma_wait3A, %dma_wait3A_37] : memref<6x128xi32, #tpu.memory_space<vmem>> -> memref<1x128xi32, #tpu.memory_space<vmem>>
    %dma_wait3A_39 = tpu.memref_squeeze %dma_wait3A_38 : memref<1x128xi32, #tpu.memory_space<vmem>> -> memref<128xi32, #tpu.memory_space<vmem>>
    %dma_wait3A_40 = arith.constant 0 : i32
    %dma_wait3A_41 = arith.constant 0 : i32
    %dma_wait3A_42 = tpu.memref_slice %arg2[%dma_wait3A_40, %dma_wait3A_41] : memref<24576x128xf32, #tpu.memory_space<hbm>> -> memref<24576x128xf32, #tpu.memory_space<hbm>>
    tpu.wait_indirect_dma semaphore(%arg11 : memref<!tpu.dma_semaphore, #tpu.memory_space<semaphore_mem>>) src(%dma_wait3A_42 : memref<24576x128xf32, #tpu.memory_space<hbm>>) dst(%dma_wait3A_36 : memref<128x128xf32, #tpu.memory_space<vmem>>)
    %run_scoped3A = arith.constant 0 : i32
    "tpu.region"() ({
      %run_scoped3A_133 = tpu.sem_alloc : memref<!tpu.dma_semaphore, #tpu.memory_space<semaphore_mem>>
      %dma_start3A_134 = arith.constant 0 : i32
      %dma_start3A_135 = arith.constant 0 : i32
      %dma_start3A_136 = tpu.memref_slice %arg9[%dma_start3A_134, %dma_start3A_135] : memref<384x128xf32, #tpu.memory_space<vmem>> -> memref<128x128xf32, #tpu.memory_space<vmem>>
      %dma_start3A_137 = arith.constant 0 : i32
      %dma_start3A_138 = tpu.memref_slice %arg7[%run_scoped3A, %dma_start3A_137] : memref<6x128xi32, #tpu.memory_space<vmem>> -> memref<1x128xi32, #tpu.memory_space<vmem>>
      %dma_start3A_139 = tpu.memref_squeeze %dma_start3A_138 : memref<1x128xi32, #tpu.memory_space<vmem>> -> memref<128xi32, #tpu.memory_space<vmem>>
      %dma_start3A_140 = arith.constant 0 : i32
      %dma_start3A_141 = arith.constant 0 : i32
      %dma_start3A_142 = tpu.memref_slice %arg10[%dma_start3A_140, %dma_start3A_141] : memref<8192x128xf32, #tpu.memory_space<vmem_shared>> -> memref<8192x128xf32, #tpu.memory_space<vmem_shared>>
      tpu.enqueue_indirect_dma source(%dma_start3A_136 : memref<128x128xf32, #tpu.memory_space<vmem>>) target(%dma_start3A_142 : memref<8192x128xf32, #tpu.memory_space<vmem_shared>>) offsets(%dma_start3A_139 : memref<128xi32, #tpu.memory_space<vmem>>) semaphore(%run_scoped3A_133 : memref<!tpu.dma_semaphore, #tpu.memory_space<semaphore_mem>>) {add = true}
      %dma_wait3A_143 = arith.constant 0 : i32
      %dma_wait3A_144 = arith.constant 0 : i32
      %dma_wait3A_145 = tpu.memref_slice %arg9[%dma_wait3A_143, %dma_wait3A_144] : memref<384x128xf32, #tpu.memory_space<vmem>> -> memref<128x128xf32, #tpu.memory_space<vmem>>
      %dma_wait3A_146 = arith.constant 0 : i32
      %dma_wait3A_147 = tpu.memref_slice %arg7[%run_scoped3A, %dma_wait3A_146] : memref<6x128xi32, #tpu.memory_space<vmem>> -> memref<1x128xi32, #tpu.memory_space<vmem>>
      %dma_wait3A_148 = tpu.memref_squeeze %dma_wait3A_147 : memref<1x128xi32, #tpu.memory_space<vmem>> -> memref<128xi32, #tpu.memory_space<vmem>>
      %dma_wait3A_149 = arith.constant 0 : i32
      %dma_wait3A_150 = arith.constant 0 : i32
      %dma_wait3A_151 = tpu.memref_slice %arg10[%dma_wait3A_149, %dma_wait3A_150] : memref<8192x128xf32, #tpu.memory_space<vmem_shared>> -> memref<8192x128xf32, #tpu.memory_space<vmem_shared>>
      tpu.wait_indirect_dma semaphore(%run_scoped3A_133 : memref<!tpu.dma_semaphore, #tpu.memory_space<semaphore_mem>>) src(%dma_wait3A_145 : memref<128x128xf32, #tpu.memory_space<vmem>>) dst(%dma_wait3A_151 : memref<8192x128xf32, #tpu.memory_space<vmem_shared>>)
      tpu.yield
    }) : () -> ()
    %dma_start3A_43 = arith.constant 3 : i32
    %dma_start3A_44 = arith.constant 0 : i32
    %dma_start3A_45 = arith.constant 0 : i32
    %dma_start3A_46 = tpu.memref_slice %arg9[%dma_start3A_44, %dma_start3A_45] : memref<384x128xf32, #tpu.memory_space<vmem>> -> memref<128x128xf32, #tpu.memory_space<vmem>>
    %dma_start3A_47 = arith.constant 0 : i32
    %dma_start3A_48 = tpu.memref_slice %arg8[%dma_start3A_43, %dma_start3A_47] : memref<6x128xi32, #tpu.memory_space<vmem>> -> memref<1x128xi32, #tpu.memory_space<vmem>>
    %dma_start3A_49 = tpu.memref_squeeze %dma_start3A_48 : memref<1x128xi32, #tpu.memory_space<vmem>> -> memref<128xi32, #tpu.memory_space<vmem>>
    %dma_start3A_50 = arith.constant 0 : i32
    %dma_start3A_51 = arith.constant 0 : i32
    %dma_start3A_52 = tpu.memref_slice %arg2[%dma_start3A_50, %dma_start3A_51] : memref<24576x128xf32, #tpu.memory_space<hbm>> -> memref<24576x128xf32, #tpu.memory_space<hbm>>
    tpu.enqueue_indirect_dma source(%dma_start3A_52 : memref<24576x128xf32, #tpu.memory_space<hbm>>) target(%dma_start3A_46 : memref<128x128xf32, #tpu.memory_space<vmem>>) offsets(%dma_start3A_49 : memref<128xi32, #tpu.memory_space<vmem>>) semaphore(%arg11 : memref<!tpu.dma_semaphore, #tpu.memory_space<semaphore_mem>>)
    %dma_wait3A_53 = arith.constant 1 : i32
    %dma_wait3A_54 = arith.constant 128 : i32
    %dma_wait3A_55 = arith.constant 0 : i32
    %dma_wait3A_56 = tpu.memref_slice %arg9[%dma_wait3A_54, %dma_wait3A_55] : memref<384x128xf32, #tpu.memory_space<vmem>> -> memref<128x128xf32, #tpu.memory_space<vmem>>
    %dma_wait3A_57 = arith.constant 0 : i32
    %dma_wait3A_58 = tpu.memref_slice %arg8[%dma_wait3A_53, %dma_wait3A_57] : memref<6x128xi32, #tpu.memory_space<vmem>> -> memref<1x128xi32, #tpu.memory_space<vmem>>
    %dma_wait3A_59 = tpu.memref_squeeze %dma_wait3A_58 : memref<1x128xi32, #tpu.memory_space<vmem>> -> memref<128xi32, #tpu.memory_space<vmem>>
    %dma_wait3A_60 = arith.constant 0 : i32
    %dma_wait3A_61 = arith.constant 0 : i32
    %dma_wait3A_62 = tpu.memref_slice %arg2[%dma_wait3A_60, %dma_wait3A_61] : memref<24576x128xf32, #tpu.memory_space<hbm>> -> memref<24576x128xf32, #tpu.memory_space<hbm>>
    tpu.wait_indirect_dma semaphore(%arg12 : memref<!tpu.dma_semaphore, #tpu.memory_space<semaphore_mem>>) src(%dma_wait3A_62 : memref<24576x128xf32, #tpu.memory_space<hbm>>) dst(%dma_wait3A_56 : memref<128x128xf32, #tpu.memory_space<vmem>>)
    %run_scoped3A_63 = arith.constant 1 : i32
    "tpu.region"() ({
      %run_scoped3A_133 = tpu.sem_alloc : memref<!tpu.dma_semaphore, #tpu.memory_space<semaphore_mem>>
      %dma_start3A_134 = arith.constant 128 : i32
      %dma_start3A_135 = arith.constant 0 : i32
      %dma_start3A_136 = tpu.memref_slice %arg9[%dma_start3A_134, %dma_start3A_135] : memref<384x128xf32, #tpu.memory_space<vmem>> -> memref<128x128xf32, #tpu.memory_space<vmem>>
      %dma_start3A_137 = arith.constant 0 : i32
      %dma_start3A_138 = tpu.memref_slice %arg7[%run_scoped3A_63, %dma_start3A_137] : memref<6x128xi32, #tpu.memory_space<vmem>> -> memref<1x128xi32, #tpu.memory_space<vmem>>
      %dma_start3A_139 = tpu.memref_squeeze %dma_start3A_138 : memref<1x128xi32, #tpu.memory_space<vmem>> -> memref<128xi32, #tpu.memory_space<vmem>>
      %dma_start3A_140 = arith.constant 0 : i32
      %dma_start3A_141 = arith.constant 0 : i32
      %dma_start3A_142 = tpu.memref_slice %arg10[%dma_start3A_140, %dma_start3A_141] : memref<8192x128xf32, #tpu.memory_space<vmem_shared>> -> memref<8192x128xf32, #tpu.memory_space<vmem_shared>>
      tpu.enqueue_indirect_dma source(%dma_start3A_136 : memref<128x128xf32, #tpu.memory_space<vmem>>) target(%dma_start3A_142 : memref<8192x128xf32, #tpu.memory_space<vmem_shared>>) offsets(%dma_start3A_139 : memref<128xi32, #tpu.memory_space<vmem>>) semaphore(%run_scoped3A_133 : memref<!tpu.dma_semaphore, #tpu.memory_space<semaphore_mem>>) {add = true}
      %dma_wait3A_143 = arith.constant 128 : i32
      %dma_wait3A_144 = arith.constant 0 : i32
      %dma_wait3A_145 = tpu.memref_slice %arg9[%dma_wait3A_143, %dma_wait3A_144] : memref<384x128xf32, #tpu.memory_space<vmem>> -> memref<128x128xf32, #tpu.memory_space<vmem>>
      %dma_wait3A_146 = arith.constant 0 : i32
      %dma_wait3A_147 = tpu.memref_slice %arg7[%run_scoped3A_63, %dma_wait3A_146] : memref<6x128xi32, #tpu.memory_space<vmem>> -> memref<1x128xi32, #tpu.memory_space<vmem>>
      %dma_wait3A_148 = tpu.memref_squeeze %dma_wait3A_147 : memref<1x128xi32, #tpu.memory_space<vmem>> -> memref<128xi32, #tpu.memory_space<vmem>>
      %dma_wait3A_149 = arith.constant 0 : i32
      %dma_wait3A_150 = arith.constant 0 : i32
      %dma_wait3A_151 = tpu.memref_slice %arg10[%dma_wait3A_149, %dma_wait3A_150] : memref<8192x128xf32, #tpu.memory_space<vmem_shared>> -> memref<8192x128xf32, #tpu.memory_space<vmem_shared>>
      tpu.wait_indirect_dma semaphore(%run_scoped3A_133 : memref<!tpu.dma_semaphore, #tpu.memory_space<semaphore_mem>>) src(%dma_wait3A_145 : memref<128x128xf32, #tpu.memory_space<vmem>>) dst(%dma_wait3A_151 : memref<8192x128xf32, #tpu.memory_space<vmem_shared>>)
      tpu.yield
    }) : () -> ()
    %dma_start3A_64 = arith.constant 4 : i32
    %dma_start3A_65 = arith.constant 128 : i32
    %dma_start3A_66 = arith.constant 0 : i32
    %dma_start3A_67 = tpu.memref_slice %arg9[%dma_start3A_65, %dma_start3A_66] : memref<384x128xf32, #tpu.memory_space<vmem>> -> memref<128x128xf32, #tpu.memory_space<vmem>>
    %dma_start3A_68 = arith.constant 0 : i32
    %dma_start3A_69 = tpu.memref_slice %arg8[%dma_start3A_64, %dma_start3A_68] : memref<6x128xi32, #tpu.memory_space<vmem>> -> memref<1x128xi32, #tpu.memory_space<vmem>>
    %dma_start3A_70 = tpu.memref_squeeze %dma_start3A_69 : memref<1x128xi32, #tpu.memory_space<vmem>> -> memref<128xi32, #tpu.memory_space<vmem>>
    %dma_start3A_71 = arith.constant 0 : i32
    %dma_start3A_72 = arith.constant 0 : i32
    %dma_start3A_73 = tpu.memref_slice %arg2[%dma_start3A_71, %dma_start3A_72] : memref<24576x128xf32, #tpu.memory_space<hbm>> -> memref<24576x128xf32, #tpu.memory_space<hbm>>
    tpu.enqueue_indirect_dma source(%dma_start3A_73 : memref<24576x128xf32, #tpu.memory_space<hbm>>) target(%dma_start3A_67 : memref<128x128xf32, #tpu.memory_space<vmem>>) offsets(%dma_start3A_70 : memref<128xi32, #tpu.memory_space<vmem>>) semaphore(%arg12 : memref<!tpu.dma_semaphore, #tpu.memory_space<semaphore_mem>>)
    %dma_wait3A_74 = arith.constant 2 : i32
    %dma_wait3A_75 = arith.constant 256 : i32
    %dma_wait3A_76 = arith.constant 0 : i32
    %dma_wait3A_77 = tpu.memref_slice %arg9[%dma_wait3A_75, %dma_wait3A_76] : memref<384x128xf32, #tpu.memory_space<vmem>> -> memref<128x128xf32, #tpu.memory_space<vmem>>
    %dma_wait3A_78 = arith.constant 0 : i32
    %dma_wait3A_79 = tpu.memref_slice %arg8[%dma_wait3A_74, %dma_wait3A_78] : memref<6x128xi32, #tpu.memory_space<vmem>> -> memref<1x128xi32, #tpu.memory_space<vmem>>
    %dma_wait3A_80 = tpu.memref_squeeze %dma_wait3A_79 : memref<1x128xi32, #tpu.memory_space<vmem>> -> memref<128xi32, #tpu.memory_space<vmem>>
    %dma_wait3A_81 = arith.constant 0 : i32
    %dma_wait3A_82 = arith.constant 0 : i32
    %dma_wait3A_83 = tpu.memref_slice %arg2[%dma_wait3A_81, %dma_wait3A_82] : memref<24576x128xf32, #tpu.memory_space<hbm>> -> memref<24576x128xf32, #tpu.memory_space<hbm>>
    tpu.wait_indirect_dma semaphore(%arg13 : memref<!tpu.dma_semaphore, #tpu.memory_space<semaphore_mem>>) src(%dma_wait3A_83 : memref<24576x128xf32, #tpu.memory_space<hbm>>) dst(%dma_wait3A_77 : memref<128x128xf32, #tpu.memory_space<vmem>>)
    %run_scoped3A_84 = arith.constant 2 : i32
    "tpu.region"() ({
      %run_scoped3A_133 = tpu.sem_alloc : memref<!tpu.dma_semaphore, #tpu.memory_space<semaphore_mem>>
      %dma_start3A_134 = arith.constant 256 : i32
      %dma_start3A_135 = arith.constant 0 : i32
      %dma_start3A_136 = tpu.memref_slice %arg9[%dma_start3A_134, %dma_start3A_135] : memref<384x128xf32, #tpu.memory_space<vmem>> -> memref<128x128xf32, #tpu.memory_space<vmem>>
      %dma_start3A_137 = arith.constant 0 : i32
      %dma_start3A_138 = tpu.memref_slice %arg7[%run_scoped3A_84, %dma_start3A_137] : memref<6x128xi32, #tpu.memory_space<vmem>> -> memref<1x128xi32, #tpu.memory_space<vmem>>
      %dma_start3A_139 = tpu.memref_squeeze %dma_start3A_138 : memref<1x128xi32, #tpu.memory_space<vmem>> -> memref<128xi32, #tpu.memory_space<vmem>>
      %dma_start3A_140 = arith.constant 0 : i32
      %dma_start3A_141 = arith.constant 0 : i32
      %dma_start3A_142 = tpu.memref_slice %arg10[%dma_start3A_140, %dma_start3A_141] : memref<8192x128xf32, #tpu.memory_space<vmem_shared>> -> memref<8192x128xf32, #tpu.memory_space<vmem_shared>>
      tpu.enqueue_indirect_dma source(%dma_start3A_136 : memref<128x128xf32, #tpu.memory_space<vmem>>) target(%dma_start3A_142 : memref<8192x128xf32, #tpu.memory_space<vmem_shared>>) offsets(%dma_start3A_139 : memref<128xi32, #tpu.memory_space<vmem>>) semaphore(%run_scoped3A_133 : memref<!tpu.dma_semaphore, #tpu.memory_space<semaphore_mem>>) {add = true}
      %dma_wait3A_143 = arith.constant 256 : i32
      %dma_wait3A_144 = arith.constant 0 : i32
      %dma_wait3A_145 = tpu.memref_slice %arg9[%dma_wait3A_143, %dma_wait3A_144] : memref<384x128xf32, #tpu.memory_space<vmem>> -> memref<128x128xf32, #tpu.memory_space<vmem>>
      %dma_wait3A_146 = arith.constant 0 : i32
      %dma_wait3A_147 = tpu.memref_slice %arg7[%run_scoped3A_84, %dma_wait3A_146] : memref<6x128xi32, #tpu.memory_space<vmem>> -> memref<1x128xi32, #tpu.memory_space<vmem>>
      %dma_wait3A_148 = tpu.memref_squeeze %dma_wait3A_147 : memref<1x128xi32, #tpu.memory_space<vmem>> -> memref<128xi32, #tpu.memory_space<vmem>>
      %dma_wait3A_149 = arith.constant 0 : i32
      %dma_wait3A_150 = arith.constant 0 : i32
      %dma_wait3A_151 = tpu.memref_slice %arg10[%dma_wait3A_149, %dma_wait3A_150] : memref<8192x128xf32, #tpu.memory_space<vmem_shared>> -> memref<8192x128xf32, #tpu.memory_space<vmem_shared>>
      tpu.wait_indirect_dma semaphore(%run_scoped3A_133 : memref<!tpu.dma_semaphore, #tpu.memory_space<semaphore_mem>>) src(%dma_wait3A_145 : memref<128x128xf32, #tpu.memory_space<vmem>>) dst(%dma_wait3A_151 : memref<8192x128xf32, #tpu.memory_space<vmem_shared>>)
      tpu.yield
    }) : () -> ()
    %dma_start3A_85 = arith.constant 5 : i32
    %dma_start3A_86 = arith.constant 256 : i32
    %dma_start3A_87 = arith.constant 0 : i32
    %dma_start3A_88 = tpu.memref_slice %arg9[%dma_start3A_86, %dma_start3A_87] : memref<384x128xf32, #tpu.memory_space<vmem>> -> memref<128x128xf32, #tpu.memory_space<vmem>>
    %dma_start3A_89 = arith.constant 0 : i32
    %dma_start3A_90 = tpu.memref_slice %arg8[%dma_start3A_85, %dma_start3A_89] : memref<6x128xi32, #tpu.memory_space<vmem>> -> memref<1x128xi32, #tpu.memory_space<vmem>>
    %dma_start3A_91 = tpu.memref_squeeze %dma_start3A_90 : memref<1x128xi32, #tpu.memory_space<vmem>> -> memref<128xi32, #tpu.memory_space<vmem>>
    %dma_start3A_92 = arith.constant 0 : i32
    %dma_start3A_93 = arith.constant 0 : i32
    %dma_start3A_94 = tpu.memref_slice %arg2[%dma_start3A_92, %dma_start3A_93] : memref<24576x128xf32, #tpu.memory_space<hbm>> -> memref<24576x128xf32, #tpu.memory_space<hbm>>
    tpu.enqueue_indirect_dma source(%dma_start3A_94 : memref<24576x128xf32, #tpu.memory_space<hbm>>) target(%dma_start3A_88 : memref<128x128xf32, #tpu.memory_space<vmem>>) offsets(%dma_start3A_91 : memref<128xi32, #tpu.memory_space<vmem>>) semaphore(%arg13 : memref<!tpu.dma_semaphore, #tpu.memory_space<semaphore_mem>>)
    %dma_wait3A_95 = arith.constant 3 : i32
    %dma_wait3A_96 = arith.constant 0 : i32
    %dma_wait3A_97 = arith.constant 0 : i32
    %dma_wait3A_98 = tpu.memref_slice %arg9[%dma_wait3A_96, %dma_wait3A_97] : memref<384x128xf32, #tpu.memory_space<vmem>> -> memref<128x128xf32, #tpu.memory_space<vmem>>
    %dma_wait3A_99 = arith.constant 0 : i32
    %dma_wait3A_100 = tpu.memref_slice %arg8[%dma_wait3A_95, %dma_wait3A_99] : memref<6x128xi32, #tpu.memory_space<vmem>> -> memref<1x128xi32, #tpu.memory_space<vmem>>
    %dma_wait3A_101 = tpu.memref_squeeze %dma_wait3A_100 : memref<1x128xi32, #tpu.memory_space<vmem>> -> memref<128xi32, #tpu.memory_space<vmem>>
    %dma_wait3A_102 = arith.constant 0 : i32
    %dma_wait3A_103 = arith.constant 0 : i32
    %dma_wait3A_104 = tpu.memref_slice %arg2[%dma_wait3A_102, %dma_wait3A_103] : memref<24576x128xf32, #tpu.memory_space<hbm>> -> memref<24576x128xf32, #tpu.memory_space<hbm>>
    tpu.wait_indirect_dma semaphore(%arg11 : memref<!tpu.dma_semaphore, #tpu.memory_space<semaphore_mem>>) src(%dma_wait3A_104 : memref<24576x128xf32, #tpu.memory_space<hbm>>) dst(%dma_wait3A_98 : memref<128x128xf32, #tpu.memory_space<vmem>>)
    %run_scoped3A_105 = arith.constant 3 : i32
    "tpu.region"() ({
      %run_scoped3A_133 = tpu.sem_alloc : memref<!tpu.dma_semaphore, #tpu.memory_space<semaphore_mem>>
      %dma_start3A_134 = arith.constant 0 : i32
      %dma_start3A_135 = arith.constant 0 : i32
      %dma_start3A_136 = tpu.memref_slice %arg9[%dma_start3A_134, %dma_start3A_135] : memref<384x128xf32, #tpu.memory_space<vmem>> -> memref<128x128xf32, #tpu.memory_space<vmem>>
      %dma_start3A_137 = arith.constant 0 : i32
      %dma_start3A_138 = tpu.memref_slice %arg7[%run_scoped3A_105, %dma_start3A_137] : memref<6x128xi32, #tpu.memory_space<vmem>> -> memref<1x128xi32, #tpu.memory_space<vmem>>
      %dma_start3A_139 = tpu.memref_squeeze %dma_start3A_138 : memref<1x128xi32, #tpu.memory_space<vmem>> -> memref<128xi32, #tpu.memory_space<vmem>>
      %dma_start3A_140 = arith.constant 0 : i32
      %dma_start3A_141 = arith.constant 0 : i32
      %dma_start3A_142 = tpu.memref_slice %arg10[%dma_start3A_140, %dma_start3A_141] : memref<8192x128xf32, #tpu.memory_space<vmem_shared>> -> memref<8192x128xf32, #tpu.memory_space<vmem_shared>>
      tpu.enqueue_indirect_dma source(%dma_start3A_136 : memref<128x128xf32, #tpu.memory_space<vmem>>) target(%dma_start3A_142 : memref<8192x128xf32, #tpu.memory_space<vmem_shared>>) offsets(%dma_start3A_139 : memref<128xi32, #tpu.memory_space<vmem>>) semaphore(%run_scoped3A_133 : memref<!tpu.dma_semaphore, #tpu.memory_space<semaphore_mem>>) {add = true}
      %dma_wait3A_143 = arith.constant 0 : i32
      %dma_wait3A_144 = arith.constant 0 : i32
      %dma_wait3A_145 = tpu.memref_slice %arg9[%dma_wait3A_143, %dma_wait3A_144] : memref<384x128xf32, #tpu.memory_space<vmem>> -> memref<128x128xf32, #tpu.memory_space<vmem>>
      %dma_wait3A_146 = arith.constant 0 : i32
      %dma_wait3A_147 = tpu.memref_slice %arg7[%run_scoped3A_105, %dma_wait3A_146] : memref<6x128xi32, #tpu.memory_space<vmem>> -> memref<1x128xi32, #tpu.memory_space<vmem>>
      %dma_wait3A_148 = tpu.memref_squeeze %dma_wait3A_147 : memref<1x128xi32, #tpu.memory_space<vmem>> -> memref<128xi32, #tpu.memory_space<vmem>>
      %dma_wait3A_149 = arith.constant 0 : i32
      %dma_wait3A_150 = arith.constant 0 : i32
      %dma_wait3A_151 = tpu.memref_slice %arg10[%dma_wait3A_149, %dma_wait3A_150] : memref<8192x128xf32, #tpu.memory_space<vmem_shared>> -> memref<8192x128xf32, #tpu.memory_space<vmem_shared>>
      tpu.wait_indirect_dma semaphore(%run_scoped3A_133 : memref<!tpu.dma_semaphore, #tpu.memory_space<semaphore_mem>>) src(%dma_wait3A_145 : memref<128x128xf32, #tpu.memory_space<vmem>>) dst(%dma_wait3A_151 : memref<8192x128xf32, #tpu.memory_space<vmem_shared>>)
      tpu.yield
    }) : () -> ()
    %dma_wait3A_106 = arith.constant 4 : i32
    %dma_wait3A_107 = arith.constant 128 : i32
    %dma_wait3A_108 = arith.constant 0 : i32
    %dma_wait3A_109 = tpu.memref_slice %arg9[%dma_wait3A_107, %dma_wait3A_108] : memref<384x128xf32, #tpu.memory_space<vmem>> -> memref<128x128xf32, #tpu.memory_space<vmem>>
    %dma_wait3A_110 = arith.constant 0 : i32
    %dma_wait3A_111 = tpu.memref_slice %arg8[%dma_wait3A_106, %dma_wait3A_110] : memref<6x128xi32, #tpu.memory_space<vmem>> -> memref<1x128xi32, #tpu.memory_space<vmem>>
    %dma_wait3A_112 = tpu.memref_squeeze %dma_wait3A_111 : memref<1x128xi32, #tpu.memory_space<vmem>> -> memref<128xi32, #tpu.memory_space<vmem>>
    %dma_wait3A_113 = arith.constant 0 : i32
    %dma_wait3A_114 = arith.constant 0 : i32
    %dma_wait3A_115 = tpu.memref_slice %arg2[%dma_wait3A_113, %dma_wait3A_114] : memref<24576x128xf32, #tpu.memory_space<hbm>> -> memref<24576x128xf32, #tpu.memory_space<hbm>>
    tpu.wait_indirect_dma semaphore(%arg12 : memref<!tpu.dma_semaphore, #tpu.memory_space<semaphore_mem>>) src(%dma_wait3A_115 : memref<24576x128xf32, #tpu.memory_space<hbm>>) dst(%dma_wait3A_109 : memref<128x128xf32, #tpu.memory_space<vmem>>)
    %run_scoped3A_116 = arith.constant 4 : i32
    "tpu.region"() ({
      %run_scoped3A_133 = tpu.sem_alloc : memref<!tpu.dma_semaphore, #tpu.memory_space<semaphore_mem>>
      %dma_start3A_134 = arith.constant 128 : i32
      %dma_start3A_135 = arith.constant 0 : i32
      %dma_start3A_136 = tpu.memref_slice %arg9[%dma_start3A_134, %dma_start3A_135] : memref<384x128xf32, #tpu.memory_space<vmem>> -> memref<128x128xf32, #tpu.memory_space<vmem>>
      %dma_start3A_137 = arith.constant 0 : i32
      %dma_start3A_138 = tpu.memref_slice %arg7[%run_scoped3A_116, %dma_start3A_137] : memref<6x128xi32, #tpu.memory_space<vmem>> -> memref<1x128xi32, #tpu.memory_space<vmem>>
      %dma_start3A_139 = tpu.memref_squeeze %dma_start3A_138 : memref<1x128xi32, #tpu.memory_space<vmem>> -> memref<128xi32, #tpu.memory_space<vmem>>
      %dma_start3A_140 = arith.constant 0 : i32
      %dma_start3A_141 = arith.constant 0 : i32
      %dma_start3A_142 = tpu.memref_slice %arg10[%dma_start3A_140, %dma_start3A_141] : memref<8192x128xf32, #tpu.memory_space<vmem_shared>> -> memref<8192x128xf32, #tpu.memory_space<vmem_shared>>
      tpu.enqueue_indirect_dma source(%dma_start3A_136 : memref<128x128xf32, #tpu.memory_space<vmem>>) target(%dma_start3A_142 : memref<8192x128xf32, #tpu.memory_space<vmem_shared>>) offsets(%dma_start3A_139 : memref<128xi32, #tpu.memory_space<vmem>>) semaphore(%run_scoped3A_133 : memref<!tpu.dma_semaphore, #tpu.memory_space<semaphore_mem>>) {add = true}
      %dma_wait3A_143 = arith.constant 128 : i32
      %dma_wait3A_144 = arith.constant 0 : i32
      %dma_wait3A_145 = tpu.memref_slice %arg9[%dma_wait3A_143, %dma_wait3A_144] : memref<384x128xf32, #tpu.memory_space<vmem>> -> memref<128x128xf32, #tpu.memory_space<vmem>>
      %dma_wait3A_146 = arith.constant 0 : i32
      %dma_wait3A_147 = tpu.memref_slice %arg7[%run_scoped3A_116, %dma_wait3A_146] : memref<6x128xi32, #tpu.memory_space<vmem>> -> memref<1x128xi32, #tpu.memory_space<vmem>>
      %dma_wait3A_148 = tpu.memref_squeeze %dma_wait3A_147 : memref<1x128xi32, #tpu.memory_space<vmem>> -> memref<128xi32, #tpu.memory_space<vmem>>
      %dma_wait3A_149 = arith.constant 0 : i32
      %dma_wait3A_150 = arith.constant 0 : i32
      %dma_wait3A_151 = tpu.memref_slice %arg10[%dma_wait3A_149, %dma_wait3A_150] : memref<8192x128xf32, #tpu.memory_space<vmem_shared>> -> memref<8192x128xf32, #tpu.memory_space<vmem_shared>>
      tpu.wait_indirect_dma semaphore(%run_scoped3A_133 : memref<!tpu.dma_semaphore, #tpu.memory_space<semaphore_mem>>) src(%dma_wait3A_145 : memref<128x128xf32, #tpu.memory_space<vmem>>) dst(%dma_wait3A_151 : memref<8192x128xf32, #tpu.memory_space<vmem_shared>>)
      tpu.yield
    }) : () -> ()
    %dma_wait3A_117 = arith.constant 5 : i32
    %dma_wait3A_118 = arith.constant 256 : i32
    %dma_wait3A_119 = arith.constant 0 : i32
    %dma_wait3A_120 = tpu.memref_slice %arg9[%dma_wait3A_118, %dma_wait3A_119] : memref<384x128xf32, #tpu.memory_space<vmem>> -> memref<128x128xf32, #tpu.memory_space<vmem>>
    %dma_wait3A_121 = arith.constant 0 : i32
    %dma_wait3A_122 = tpu.memref_slice %arg8[%dma_wait3A_117, %dma_wait3A_121] : memref<6x128xi32, #tpu.memory_space<vmem>> -> memref<1x128xi32, #tpu.memory_space<vmem>>
    %dma_wait3A_123 = tpu.memref_squeeze %dma_wait3A_122 : memref<1x128xi32, #tpu.memory_space<vmem>> -> memref<128xi32, #tpu.memory_space<vmem>>
    %dma_wait3A_124 = arith.constant 0 : i32
    %dma_wait3A_125 = arith.constant 0 : i32
    %dma_wait3A_126 = tpu.memref_slice %arg2[%dma_wait3A_124, %dma_wait3A_125] : memref<24576x128xf32, #tpu.memory_space<hbm>> -> memref<24576x128xf32, #tpu.memory_space<hbm>>
    tpu.wait_indirect_dma semaphore(%arg13 : memref<!tpu.dma_semaphore, #tpu.memory_space<semaphore_mem>>) src(%dma_wait3A_126 : memref<24576x128xf32, #tpu.memory_space<hbm>>) dst(%dma_wait3A_120 : memref<128x128xf32, #tpu.memory_space<vmem>>)
    %run_scoped3A_127 = arith.constant 5 : i32
    "tpu.region"() ({
      %run_scoped3A_133 = tpu.sem_alloc : memref<!tpu.dma_semaphore, #tpu.memory_space<semaphore_mem>>
      %dma_start3A_134 = arith.constant 256 : i32
      %dma_start3A_135 = arith.constant 0 : i32
      %dma_start3A_136 = tpu.memref_slice %arg9[%dma_start3A_134, %dma_start3A_135] : memref<384x128xf32, #tpu.memory_space<vmem>> -> memref<128x128xf32, #tpu.memory_space<vmem>>
      %dma_start3A_137 = arith.constant 0 : i32
      %dma_start3A_138 = tpu.memref_slice %arg7[%run_scoped3A_127, %dma_start3A_137] : memref<6x128xi32, #tpu.memory_space<vmem>> -> memref<1x128xi32, #tpu.memory_space<vmem>>
      %dma_start3A_139 = tpu.memref_squeeze %dma_start3A_138 : memref<1x128xi32, #tpu.memory_space<vmem>> -> memref<128xi32, #tpu.memory_space<vmem>>
      %dma_start3A_140 = arith.constant 0 : i32
      %dma_start3A_141 = arith.constant 0 : i32
      %dma_start3A_142 = tpu.memref_slice %arg10[%dma_start3A_140, %dma_start3A_141] : memref<8192x128xf32, #tpu.memory_space<vmem_shared>> -> memref<8192x128xf32, #tpu.memory_space<vmem_shared>>
      tpu.enqueue_indirect_dma source(%dma_start3A_136 : memref<128x128xf32, #tpu.memory_space<vmem>>) target(%dma_start3A_142 : memref<8192x128xf32, #tpu.memory_space<vmem_shared>>) offsets(%dma_start3A_139 : memref<128xi32, #tpu.memory_space<vmem>>) semaphore(%run_scoped3A_133 : memref<!tpu.dma_semaphore, #tpu.memory_space<semaphore_mem>>) {add = true}
      %dma_wait3A_143 = arith.constant 256 : i32
      %dma_wait3A_144 = arith.constant 0 : i32
      %dma_wait3A_145 = tpu.memref_slice %arg9[%dma_wait3A_143, %dma_wait3A_144] : memref<384x128xf32, #tpu.memory_space<vmem>> -> memref<128x128xf32, #tpu.memory_space<vmem>>
      %dma_wait3A_146 = arith.constant 0 : i32
      %dma_wait3A_147 = tpu.memref_slice %arg7[%run_scoped3A_127, %dma_wait3A_146] : memref<6x128xi32, #tpu.memory_space<vmem>> -> memref<1x128xi32, #tpu.memory_space<vmem>>
      %dma_wait3A_148 = tpu.memref_squeeze %dma_wait3A_147 : memref<1x128xi32, #tpu.memory_space<vmem>> -> memref<128xi32, #tpu.memory_space<vmem>>
      %dma_wait3A_149 = arith.constant 0 : i32
      %dma_wait3A_150 = arith.constant 0 : i32
      %dma_wait3A_151 = tpu.memref_slice %arg10[%dma_wait3A_149, %dma_wait3A_150] : memref<8192x128xf32, #tpu.memory_space<vmem_shared>> -> memref<8192x128xf32, #tpu.memory_space<vmem_shared>>
      tpu.wait_indirect_dma semaphore(%run_scoped3A_133 : memref<!tpu.dma_semaphore, #tpu.memory_space<semaphore_mem>>) src(%dma_wait3A_145 : memref<128x128xf32, #tpu.memory_space<vmem>>) dst(%dma_wait3A_151 : memref<8192x128xf32, #tpu.memory_space<vmem_shared>>)
      tpu.yield
    }) : () -> ()
    %barrier3A_128 = arith.constant 0 : index
    tpu.barrier barrier_id(%barrier3A_128)
    %mul3A_129 = arith.constant 512 : i32
    %mul3A_130 = arith.muli %arg1, %mul3A_129 : i32
    %mul3A_131 = arith.constant 512 : i32
    %mul3A_132 = arith.muli %arg1, %mul3A_131 : i32
    "tpu.region"() ({
      %run_scoped3A_133 = tpu.sem_alloc : memref<!tpu.dma_semaphore, #tpu.memory_space<semaphore_mem>>
      %dma_start3A_134 = arith.constant 0 : i32
      %dma_start3A_135 = tpu.memref_slice %arg6[%arg0, %mul3A_132, %dma_start3A_134] : memref<2x8192x128xf32, #tpu.memory_space<hbm>> -> memref<1x512x128xf32, #tpu.memory_space<hbm>>
      %dma_start3A_136 = tpu.memref_squeeze %dma_start3A_135 : memref<1x512x128xf32, #tpu.memory_space<hbm>> -> memref<512x128xf32, #tpu.memory_space<hbm>>
      %dma_start3A_137 = arith.constant 0 : i32
      %dma_start3A_138 = tpu.memref_slice %arg10[%mul3A_130, %dma_start3A_137] : memref<8192x128xf32, #tpu.memory_space<vmem_shared>> -> memref<512x128xf32, #tpu.memory_space<vmem_shared>>
      tpu.enqueue_dma source(%dma_start3A_138 : memref<512x128xf32, #tpu.memory_space<vmem_shared>>) target(%dma_start3A_136 : memref<512x128xf32, #tpu.memory_space<hbm>>) target_semaphore(%run_scoped3A_133 : memref<!tpu.dma_semaphore, #tpu.memory_space<semaphore_mem>>)
      %dma_wait3A_139 = arith.constant 0 : i32
      %dma_wait3A_140 = tpu.memref_slice %arg6[%arg0, %mul3A_132, %dma_wait3A_139] : memref<2x8192x128xf32, #tpu.memory_space<hbm>> -> memref<1x512x128xf32, #tpu.memory_space<hbm>>
      %dma_wait3A_141 = tpu.memref_squeeze %dma_wait3A_140 : memref<1x512x128xf32, #tpu.memory_space<hbm>> -> memref<512x128xf32, #tpu.memory_space<hbm>>
      %dma_wait3A_142 = arith.constant 0 : i32
      %dma_wait3A_143 = tpu.memref_slice %arg10[%mul3A_130, %dma_wait3A_142] : memref<8192x128xf32, #tpu.memory_space<vmem_shared>> -> memref<512x128xf32, #tpu.memory_space<vmem_shared>>
      tpu.wait_dma2 semaphore(%run_scoped3A_133 : memref<!tpu.dma_semaphore, #tpu.memory_space<semaphore_mem>>) src(%dma_wait3A_143 : memref<512x128xf32, #tpu.memory_space<vmem_shared>>) dst(%dma_wait3A_141 : memref<512x128xf32, #tpu.memory_space<hbm>>)
      tpu.yield
    }) : () -> ()
    return
  }
}

#map = affine_map<(d0, d1) -> (0, 0)>
#map1 = affine_map<(d0, d1) -> (0, 0, 0)>
module attributes {stable_mosaic.version = 14 : i64} {
  func.func @sc_gather(%arg0: i32, %arg1: i32, %arg2: memref<8192x128xf32, #tpu.memory_space<hbm>>, %arg3: memref<32x6x128xi32, #tpu.memory_space<hbm>>, %arg4: memref<24576x128xf32, #tpu.memory_space<hbm>>, %arg5: memref<6x128xi32, #tpu.memory_space<vmem>>, %arg6: memref<768x128xf32, #tpu.memory_space<vmem>>, %arg7: memref<!tpu.dma_semaphore, #tpu.memory_space<semaphore_mem>>) attributes {dimension_semantics = [#tpu.dimension_semantics<core_parallel>, #tpu.dimension_semantics<subcore_parallel>], iteration_bounds = array<i64: 2, 16>, scalar_prefetch = 0 : i64, scratch_operands = 3 : i64, tpu.core_type = #tpu.core_type<sc_vector_subcore>, window_params = [{transform_indices = #map}, {transform_indices = #map1}, {transform_indices = #map}]} {
    %mul3A = arith.constant 2 : i32
    %mul3A_0 = arith.muli %arg1, %mul3A : i32
    %add3A = arith.addi %mul3A_0, %arg0 : i32
    %mul3A_1 = arith.constant 768 : i32
    %mul3A_2 = arith.muli %add3A, %mul3A_1 : i32
    "tpu.region"() ({
      %run_scoped3A = tpu.sem_alloc : memref<!tpu.dma_semaphore, #tpu.memory_space<semaphore_mem>>
      %dma_start3A_121 = arith.constant 0 : i32
      %dma_start3A_122 = arith.constant 0 : i32
      %dma_start3A_123 = tpu.memref_slice %arg3[%add3A, %dma_start3A_121, %dma_start3A_122] : memref<32x6x128xi32, #tpu.memory_space<hbm>> -> memref<1x6x128xi32, #tpu.memory_space<hbm>>
      %dma_start3A_124 = tpu.memref_squeeze %dma_start3A_123 : memref<1x6x128xi32, #tpu.memory_space<hbm>> -> memref<6x128xi32, #tpu.memory_space<hbm>>
      %dma_start3A_125 = arith.constant 0 : i32
      %dma_start3A_126 = arith.constant 0 : i32
      %dma_start3A_127 = tpu.memref_slice %arg3[%add3A, %dma_start3A_125, %dma_start3A_126] : memref<32x6x128xi32, #tpu.memory_space<hbm>> -> memref<1x6x128xi32, #tpu.memory_space<hbm>>
      %dma_start3A_128 = tpu.memref_squeeze %dma_start3A_127 : memref<1x6x128xi32, #tpu.memory_space<hbm>> -> memref<6x128xi32, #tpu.memory_space<hbm>>
      tpu.enqueue_dma source(%dma_start3A_128 : memref<6x128xi32, #tpu.memory_space<hbm>>) target(%arg5 : memref<6x128xi32, #tpu.memory_space<vmem>>) target_semaphore(%run_scoped3A : memref<!tpu.dma_semaphore, #tpu.memory_space<semaphore_mem>>)
      %dma_wait3A_129 = arith.constant 0 : i32
      %dma_wait3A_130 = arith.constant 0 : i32
      %dma_wait3A_131 = tpu.memref_slice %arg3[%add3A, %dma_wait3A_129, %dma_wait3A_130] : memref<32x6x128xi32, #tpu.memory_space<hbm>> -> memref<1x6x128xi32, #tpu.memory_space<hbm>>
      %dma_wait3A_132 = tpu.memref_squeeze %dma_wait3A_131 : memref<1x6x128xi32, #tpu.memory_space<hbm>> -> memref<6x128xi32, #tpu.memory_space<hbm>>
      %dma_wait3A_133 = arith.constant 0 : i32
      %dma_wait3A_134 = arith.constant 0 : i32
      %dma_wait3A_135 = tpu.memref_slice %arg3[%add3A, %dma_wait3A_133, %dma_wait3A_134] : memref<32x6x128xi32, #tpu.memory_space<hbm>> -> memref<1x6x128xi32, #tpu.memory_space<hbm>>
      %dma_wait3A_136 = tpu.memref_squeeze %dma_wait3A_135 : memref<1x6x128xi32, #tpu.memory_space<hbm>> -> memref<6x128xi32, #tpu.memory_space<hbm>>
      tpu.wait_dma2 semaphore(%run_scoped3A : memref<!tpu.dma_semaphore, #tpu.memory_space<semaphore_mem>>) src(%dma_wait3A_136 : memref<6x128xi32, #tpu.memory_space<hbm>>) dst(%arg5 : memref<6x128xi32, #tpu.memory_space<vmem>>)
      tpu.yield
    }) : () -> ()
    %dma_start3A = arith.constant 0 : i32
    %dma_start3A_3 = arith.constant 0 : i32
    %dma_start3A_4 = arith.constant 0 : i32
    %dma_start3A_5 = tpu.memref_slice %arg6[%dma_start3A_3, %dma_start3A_4] : memref<768x128xf32, #tpu.memory_space<vmem>> -> memref<128x128xf32, #tpu.memory_space<vmem>>
    %dma_start3A_6 = arith.constant 0 : i32
    %dma_start3A_7 = tpu.memref_slice %arg5[%dma_start3A, %dma_start3A_6] : memref<6x128xi32, #tpu.memory_space<vmem>> -> memref<1x128xi32, #tpu.memory_space<vmem>>
    %dma_start3A_8 = tpu.memref_squeeze %dma_start3A_7 : memref<1x128xi32, #tpu.memory_space<vmem>> -> memref<128xi32, #tpu.memory_space<vmem>>
    %dma_start3A_9 = arith.constant 0 : i32
    %dma_start3A_10 = arith.constant 0 : i32
    %dma_start3A_11 = tpu.memref_slice %arg2[%dma_start3A_9, %dma_start3A_10] : memref<8192x128xf32, #tpu.memory_space<hbm>> -> memref<8192x128xf32, #tpu.memory_space<hbm>>
    tpu.enqueue_indirect_dma source(%dma_start3A_11 : memref<8192x128xf32, #tpu.memory_space<hbm>>) target(%dma_start3A_5 : memref<128x128xf32, #tpu.memory_space<vmem>>) offsets(%dma_start3A_8 : memref<128xi32, #tpu.memory_space<vmem>>) semaphore(%arg7 : memref<!tpu.dma_semaphore, #tpu.memory_space<semaphore_mem>>)
    %dma_start3A_12 = arith.constant 1 : i32
    %dma_start3A_13 = arith.constant 128 : i32
    %dma_start3A_14 = arith.constant 0 : i32
    %dma_start3A_15 = tpu.memref_slice %arg6[%dma_start3A_13, %dma_start3A_14] : memref<768x128xf32, #tpu.memory_space<vmem>> -> memref<128x128xf32, #tpu.memory_space<vmem>>
    %dma_start3A_16 = arith.constant 0 : i32
    %dma_start3A_17 = tpu.memref_slice %arg5[%dma_start3A_12, %dma_start3A_16] : memref<6x128xi32, #tpu.memory_space<vmem>> -> memref<1x128xi32, #tpu.memory_space<vmem>>
    %dma_start3A_18 = tpu.memref_squeeze %dma_start3A_17 : memref<1x128xi32, #tpu.memory_space<vmem>> -> memref<128xi32, #tpu.memory_space<vmem>>
    %dma_start3A_19 = arith.constant 0 : i32
    %dma_start3A_20 = arith.constant 0 : i32
    %dma_start3A_21 = tpu.memref_slice %arg2[%dma_start3A_19, %dma_start3A_20] : memref<8192x128xf32, #tpu.memory_space<hbm>> -> memref<8192x128xf32, #tpu.memory_space<hbm>>
    tpu.enqueue_indirect_dma source(%dma_start3A_21 : memref<8192x128xf32, #tpu.memory_space<hbm>>) target(%dma_start3A_15 : memref<128x128xf32, #tpu.memory_space<vmem>>) offsets(%dma_start3A_18 : memref<128xi32, #tpu.memory_space<vmem>>) semaphore(%arg7 : memref<!tpu.dma_semaphore, #tpu.memory_space<semaphore_mem>>)
    %dma_start3A_22 = arith.constant 2 : i32
    %dma_start3A_23 = arith.constant 256 : i32
    %dma_start3A_24 = arith.constant 0 : i32
    %dma_start3A_25 = tpu.memref_slice %arg6[%dma_start3A_23, %dma_start3A_24] : memref<768x128xf32, #tpu.memory_space<vmem>> -> memref<128x128xf32, #tpu.memory_space<vmem>>
    %dma_start3A_26 = arith.constant 0 : i32
    %dma_start3A_27 = tpu.memref_slice %arg5[%dma_start3A_22, %dma_start3A_26] : memref<6x128xi32, #tpu.memory_space<vmem>> -> memref<1x128xi32, #tpu.memory_space<vmem>>
    %dma_start3A_28 = tpu.memref_squeeze %dma_start3A_27 : memref<1x128xi32, #tpu.memory_space<vmem>> -> memref<128xi32, #tpu.memory_space<vmem>>
    %dma_start3A_29 = arith.constant 0 : i32
    %dma_start3A_30 = arith.constant 0 : i32
    %dma_start3A_31 = tpu.memref_slice %arg2[%dma_start3A_29, %dma_start3A_30] : memref<8192x128xf32, #tpu.memory_space<hbm>> -> memref<8192x128xf32, #tpu.memory_space<hbm>>
    tpu.enqueue_indirect_dma source(%dma_start3A_31 : memref<8192x128xf32, #tpu.memory_space<hbm>>) target(%dma_start3A_25 : memref<128x128xf32, #tpu.memory_space<vmem>>) offsets(%dma_start3A_28 : memref<128xi32, #tpu.memory_space<vmem>>) semaphore(%arg7 : memref<!tpu.dma_semaphore, #tpu.memory_space<semaphore_mem>>)
    %dma_start3A_32 = arith.constant 3 : i32
    %dma_start3A_33 = arith.constant 384 : i32
    %dma_start3A_34 = arith.constant 0 : i32
    %dma_start3A_35 = tpu.memref_slice %arg6[%dma_start3A_33, %dma_start3A_34] : memref<768x128xf32, #tpu.memory_space<vmem>> -> memref<128x128xf32, #tpu.memory_space<vmem>>
    %dma_start3A_36 = arith.constant 0 : i32
    %dma_start3A_37 = tpu.memref_slice %arg5[%dma_start3A_32, %dma_start3A_36] : memref<6x128xi32, #tpu.memory_space<vmem>> -> memref<1x128xi32, #tpu.memory_space<vmem>>
    %dma_start3A_38 = tpu.memref_squeeze %dma_start3A_37 : memref<1x128xi32, #tpu.memory_space<vmem>> -> memref<128xi32, #tpu.memory_space<vmem>>
    %dma_start3A_39 = arith.constant 0 : i32
    %dma_start3A_40 = arith.constant 0 : i32
    %dma_start3A_41 = tpu.memref_slice %arg2[%dma_start3A_39, %dma_start3A_40] : memref<8192x128xf32, #tpu.memory_space<hbm>> -> memref<8192x128xf32, #tpu.memory_space<hbm>>
    tpu.enqueue_indirect_dma source(%dma_start3A_41 : memref<8192x128xf32, #tpu.memory_space<hbm>>) target(%dma_start3A_35 : memref<128x128xf32, #tpu.memory_space<vmem>>) offsets(%dma_start3A_38 : memref<128xi32, #tpu.memory_space<vmem>>) semaphore(%arg7 : memref<!tpu.dma_semaphore, #tpu.memory_space<semaphore_mem>>)
    %dma_start3A_42 = arith.constant 4 : i32
    %dma_start3A_43 = arith.constant 512 : i32
    %dma_start3A_44 = arith.constant 0 : i32
    %dma_start3A_45 = tpu.memref_slice %arg6[%dma_start3A_43, %dma_start3A_44] : memref<768x128xf32, #tpu.memory_space<vmem>> -> memref<128x128xf32, #tpu.memory_space<vmem>>
    %dma_start3A_46 = arith.constant 0 : i32
    %dma_start3A_47 = tpu.memref_slice %arg5[%dma_start3A_42, %dma_start3A_46] : memref<6x128xi32, #tpu.memory_space<vmem>> -> memref<1x128xi32, #tpu.memory_space<vmem>>
    %dma_start3A_48 = tpu.memref_squeeze %dma_start3A_47 : memref<1x128xi32, #tpu.memory_space<vmem>> -> memref<128xi32, #tpu.memory_space<vmem>>
    %dma_start3A_49 = arith.constant 0 : i32
    %dma_start3A_50 = arith.constant 0 : i32
    %dma_start3A_51 = tpu.memref_slice %arg2[%dma_start3A_49, %dma_start3A_50] : memref<8192x128xf32, #tpu.memory_space<hbm>> -> memref<8192x128xf32, #tpu.memory_space<hbm>>
    tpu.enqueue_indirect_dma source(%dma_start3A_51 : memref<8192x128xf32, #tpu.memory_space<hbm>>) target(%dma_start3A_45 : memref<128x128xf32, #tpu.memory_space<vmem>>) offsets(%dma_start3A_48 : memref<128xi32, #tpu.memory_space<vmem>>) semaphore(%arg7 : memref<!tpu.dma_semaphore, #tpu.memory_space<semaphore_mem>>)
    %dma_start3A_52 = arith.constant 5 : i32
    %dma_start3A_53 = arith.constant 640 : i32
    %dma_start3A_54 = arith.constant 0 : i32
    %dma_start3A_55 = tpu.memref_slice %arg6[%dma_start3A_53, %dma_start3A_54] : memref<768x128xf32, #tpu.memory_space<vmem>> -> memref<128x128xf32, #tpu.memory_space<vmem>>
    %dma_start3A_56 = arith.constant 0 : i32
    %dma_start3A_57 = tpu.memref_slice %arg5[%dma_start3A_52, %dma_start3A_56] : memref<6x128xi32, #tpu.memory_space<vmem>> -> memref<1x128xi32, #tpu.memory_space<vmem>>
    %dma_start3A_58 = tpu.memref_squeeze %dma_start3A_57 : memref<1x128xi32, #tpu.memory_space<vmem>> -> memref<128xi32, #tpu.memory_space<vmem>>
    %dma_start3A_59 = arith.constant 0 : i32
    %dma_start3A_60 = arith.constant 0 : i32
    %dma_start3A_61 = tpu.memref_slice %arg2[%dma_start3A_59, %dma_start3A_60] : memref<8192x128xf32, #tpu.memory_space<hbm>> -> memref<8192x128xf32, #tpu.memory_space<hbm>>
    tpu.enqueue_indirect_dma source(%dma_start3A_61 : memref<8192x128xf32, #tpu.memory_space<hbm>>) target(%dma_start3A_55 : memref<128x128xf32, #tpu.memory_space<vmem>>) offsets(%dma_start3A_58 : memref<128xi32, #tpu.memory_space<vmem>>) semaphore(%arg7 : memref<!tpu.dma_semaphore, #tpu.memory_space<semaphore_mem>>)
    %dma_wait3A = arith.constant 0 : i32
    %dma_wait3A_62 = arith.constant 0 : i32
    %dma_wait3A_63 = arith.constant 0 : i32
    %dma_wait3A_64 = tpu.memref_slice %arg6[%dma_wait3A_62, %dma_wait3A_63] : memref<768x128xf32, #tpu.memory_space<vmem>> -> memref<128x128xf32, #tpu.memory_space<vmem>>
    %dma_wait3A_65 = arith.constant 0 : i32
    %dma_wait3A_66 = tpu.memref_slice %arg5[%dma_wait3A, %dma_wait3A_65] : memref<6x128xi32, #tpu.memory_space<vmem>> -> memref<1x128xi32, #tpu.memory_space<vmem>>
    %dma_wait3A_67 = tpu.memref_squeeze %dma_wait3A_66 : memref<1x128xi32, #tpu.memory_space<vmem>> -> memref<128xi32, #tpu.memory_space<vmem>>
    %dma_wait3A_68 = arith.constant 0 : i32
    %dma_wait3A_69 = arith.constant 0 : i32
    %dma_wait3A_70 = tpu.memref_slice %arg2[%dma_wait3A_68, %dma_wait3A_69] : memref<8192x128xf32, #tpu.memory_space<hbm>> -> memref<8192x128xf32, #tpu.memory_space<hbm>>
    tpu.wait_indirect_dma semaphore(%arg7 : memref<!tpu.dma_semaphore, #tpu.memory_space<semaphore_mem>>) src(%dma_wait3A_70 : memref<8192x128xf32, #tpu.memory_space<hbm>>) dst(%dma_wait3A_64 : memref<128x128xf32, #tpu.memory_space<vmem>>)
    %dma_wait3A_71 = arith.constant 1 : i32
    %dma_wait3A_72 = arith.constant 128 : i32
    %dma_wait3A_73 = arith.constant 0 : i32
    %dma_wait3A_74 = tpu.memref_slice %arg6[%dma_wait3A_72, %dma_wait3A_73] : memref<768x128xf32, #tpu.memory_space<vmem>> -> memref<128x128xf32, #tpu.memory_space<vmem>>
    %dma_wait3A_75 = arith.constant 0 : i32
    %dma_wait3A_76 = tpu.memref_slice %arg5[%dma_wait3A_71, %dma_wait3A_75] : memref<6x128xi32, #tpu.memory_space<vmem>> -> memref<1x128xi32, #tpu.memory_space<vmem>>
    %dma_wait3A_77 = tpu.memref_squeeze %dma_wait3A_76 : memref<1x128xi32, #tpu.memory_space<vmem>> -> memref<128xi32, #tpu.memory_space<vmem>>
    %dma_wait3A_78 = arith.constant 0 : i32
    %dma_wait3A_79 = arith.constant 0 : i32
    %dma_wait3A_80 = tpu.memref_slice %arg2[%dma_wait3A_78, %dma_wait3A_79] : memref<8192x128xf32, #tpu.memory_space<hbm>> -> memref<8192x128xf32, #tpu.memory_space<hbm>>
    tpu.wait_indirect_dma semaphore(%arg7 : memref<!tpu.dma_semaphore, #tpu.memory_space<semaphore_mem>>) src(%dma_wait3A_80 : memref<8192x128xf32, #tpu.memory_space<hbm>>) dst(%dma_wait3A_74 : memref<128x128xf32, #tpu.memory_space<vmem>>)
    %dma_wait3A_81 = arith.constant 2 : i32
    %dma_wait3A_82 = arith.constant 256 : i32
    %dma_wait3A_83 = arith.constant 0 : i32
    %dma_wait3A_84 = tpu.memref_slice %arg6[%dma_wait3A_82, %dma_wait3A_83] : memref<768x128xf32, #tpu.memory_space<vmem>> -> memref<128x128xf32, #tpu.memory_space<vmem>>
    %dma_wait3A_85 = arith.constant 0 : i32
    %dma_wait3A_86 = tpu.memref_slice %arg5[%dma_wait3A_81, %dma_wait3A_85] : memref<6x128xi32, #tpu.memory_space<vmem>> -> memref<1x128xi32, #tpu.memory_space<vmem>>
    %dma_wait3A_87 = tpu.memref_squeeze %dma_wait3A_86 : memref<1x128xi32, #tpu.memory_space<vmem>> -> memref<128xi32, #tpu.memory_space<vmem>>
    %dma_wait3A_88 = arith.constant 0 : i32
    %dma_wait3A_89 = arith.constant 0 : i32
    %dma_wait3A_90 = tpu.memref_slice %arg2[%dma_wait3A_88, %dma_wait3A_89] : memref<8192x128xf32, #tpu.memory_space<hbm>> -> memref<8192x128xf32, #tpu.memory_space<hbm>>
    tpu.wait_indirect_dma semaphore(%arg7 : memref<!tpu.dma_semaphore, #tpu.memory_space<semaphore_mem>>) src(%dma_wait3A_90 : memref<8192x128xf32, #tpu.memory_space<hbm>>) dst(%dma_wait3A_84 : memref<128x128xf32, #tpu.memory_space<vmem>>)
    %dma_wait3A_91 = arith.constant 3 : i32
    %dma_wait3A_92 = arith.constant 384 : i32
    %dma_wait3A_93 = arith.constant 0 : i32
    %dma_wait3A_94 = tpu.memref_slice %arg6[%dma_wait3A_92, %dma_wait3A_93] : memref<768x128xf32, #tpu.memory_space<vmem>> -> memref<128x128xf32, #tpu.memory_space<vmem>>
    %dma_wait3A_95 = arith.constant 0 : i32
    %dma_wait3A_96 = tpu.memref_slice %arg5[%dma_wait3A_91, %dma_wait3A_95] : memref<6x128xi32, #tpu.memory_space<vmem>> -> memref<1x128xi32, #tpu.memory_space<vmem>>
    %dma_wait3A_97 = tpu.memref_squeeze %dma_wait3A_96 : memref<1x128xi32, #tpu.memory_space<vmem>> -> memref<128xi32, #tpu.memory_space<vmem>>
    %dma_wait3A_98 = arith.constant 0 : i32
    %dma_wait3A_99 = arith.constant 0 : i32
    %dma_wait3A_100 = tpu.memref_slice %arg2[%dma_wait3A_98, %dma_wait3A_99] : memref<8192x128xf32, #tpu.memory_space<hbm>> -> memref<8192x128xf32, #tpu.memory_space<hbm>>
    tpu.wait_indirect_dma semaphore(%arg7 : memref<!tpu.dma_semaphore, #tpu.memory_space<semaphore_mem>>) src(%dma_wait3A_100 : memref<8192x128xf32, #tpu.memory_space<hbm>>) dst(%dma_wait3A_94 : memref<128x128xf32, #tpu.memory_space<vmem>>)
    %dma_wait3A_101 = arith.constant 4 : i32
    %dma_wait3A_102 = arith.constant 512 : i32
    %dma_wait3A_103 = arith.constant 0 : i32
    %dma_wait3A_104 = tpu.memref_slice %arg6[%dma_wait3A_102, %dma_wait3A_103] : memref<768x128xf32, #tpu.memory_space<vmem>> -> memref<128x128xf32, #tpu.memory_space<vmem>>
    %dma_wait3A_105 = arith.constant 0 : i32
    %dma_wait3A_106 = tpu.memref_slice %arg5[%dma_wait3A_101, %dma_wait3A_105] : memref<6x128xi32, #tpu.memory_space<vmem>> -> memref<1x128xi32, #tpu.memory_space<vmem>>
    %dma_wait3A_107 = tpu.memref_squeeze %dma_wait3A_106 : memref<1x128xi32, #tpu.memory_space<vmem>> -> memref<128xi32, #tpu.memory_space<vmem>>
    %dma_wait3A_108 = arith.constant 0 : i32
    %dma_wait3A_109 = arith.constant 0 : i32
    %dma_wait3A_110 = tpu.memref_slice %arg2[%dma_wait3A_108, %dma_wait3A_109] : memref<8192x128xf32, #tpu.memory_space<hbm>> -> memref<8192x128xf32, #tpu.memory_space<hbm>>
    tpu.wait_indirect_dma semaphore(%arg7 : memref<!tpu.dma_semaphore, #tpu.memory_space<semaphore_mem>>) src(%dma_wait3A_110 : memref<8192x128xf32, #tpu.memory_space<hbm>>) dst(%dma_wait3A_104 : memref<128x128xf32, #tpu.memory_space<vmem>>)
    %dma_wait3A_111 = arith.constant 5 : i32
    %dma_wait3A_112 = arith.constant 640 : i32
    %dma_wait3A_113 = arith.constant 0 : i32
    %dma_wait3A_114 = tpu.memref_slice %arg6[%dma_wait3A_112, %dma_wait3A_113] : memref<768x128xf32, #tpu.memory_space<vmem>> -> memref<128x128xf32, #tpu.memory_space<vmem>>
    %dma_wait3A_115 = arith.constant 0 : i32
    %dma_wait3A_116 = tpu.memref_slice %arg5[%dma_wait3A_111, %dma_wait3A_115] : memref<6x128xi32, #tpu.memory_space<vmem>> -> memref<1x128xi32, #tpu.memory_space<vmem>>
    %dma_wait3A_117 = tpu.memref_squeeze %dma_wait3A_116 : memref<1x128xi32, #tpu.memory_space<vmem>> -> memref<128xi32, #tpu.memory_space<vmem>>
    %dma_wait3A_118 = arith.constant 0 : i32
    %dma_wait3A_119 = arith.constant 0 : i32
    %dma_wait3A_120 = tpu.memref_slice %arg2[%dma_wait3A_118, %dma_wait3A_119] : memref<8192x128xf32, #tpu.memory_space<hbm>> -> memref<8192x128xf32, #tpu.memory_space<hbm>>
    tpu.wait_indirect_dma semaphore(%arg7 : memref<!tpu.dma_semaphore, #tpu.memory_space<semaphore_mem>>) src(%dma_wait3A_120 : memref<8192x128xf32, #tpu.memory_space<hbm>>) dst(%dma_wait3A_114 : memref<128x128xf32, #tpu.memory_space<vmem>>)
    "tpu.region"() ({
      %run_scoped3A = tpu.sem_alloc : memref<!tpu.dma_semaphore, #tpu.memory_space<semaphore_mem>>
      %dma_start3A_121 = arith.constant 0 : i32
      %dma_start3A_122 = tpu.memref_slice %arg4[%mul3A_2, %dma_start3A_121] : memref<24576x128xf32, #tpu.memory_space<hbm>> -> memref<768x128xf32, #tpu.memory_space<hbm>>
      %dma_start3A_123 = arith.constant 0 : i32
      %dma_start3A_124 = tpu.memref_slice %arg4[%mul3A_2, %dma_start3A_123] : memref<24576x128xf32, #tpu.memory_space<hbm>> -> memref<768x128xf32, #tpu.memory_space<hbm>>
      tpu.enqueue_dma source(%arg6 : memref<768x128xf32, #tpu.memory_space<vmem>>) target(%dma_start3A_124 : memref<768x128xf32, #tpu.memory_space<hbm>>) target_semaphore(%run_scoped3A : memref<!tpu.dma_semaphore, #tpu.memory_space<semaphore_mem>>)
      %dma_wait3A_125 = arith.constant 0 : i32
      %dma_wait3A_126 = tpu.memref_slice %arg4[%mul3A_2, %dma_wait3A_125] : memref<24576x128xf32, #tpu.memory_space<hbm>> -> memref<768x128xf32, #tpu.memory_space<hbm>>
      %dma_wait3A_127 = arith.constant 0 : i32
      %dma_wait3A_128 = tpu.memref_slice %arg4[%mul3A_2, %dma_wait3A_127] : memref<24576x128xf32, #tpu.memory_space<hbm>> -> memref<768x128xf32, #tpu.memory_space<hbm>>
      tpu.wait_dma2 semaphore(%run_scoped3A : memref<!tpu.dma_semaphore, #tpu.memory_space<semaphore_mem>>) src(%arg6 : memref<768x128xf32, #tpu.memory_space<vmem>>) dst(%dma_wait3A_128 : memref<768x128xf32, #tpu.memory_space<hbm>>)
      tpu.yield
    }) : () -> ()
    return
  }
}

#map = affine_map<(d0, d1) -> (0, 0)>
#map1 = affine_map<(d0, d1) -> (0, 0, 0)>
module attributes {stable_mosaic.version = 14 : i64} {
  func.func @sc_scatter_add(%arg0: i32, %arg1: i32, %arg2: memref<24576x128xf32, #tpu.memory_space<hbm>>, %arg3: memref<32x6x128xi32, #tpu.memory_space<hbm>>, %arg4: memref<32x6x128xi32, #tpu.memory_space<hbm>>, %arg5: memref<8192x128xf32, #tpu.memory_space<hbm>>, %arg6: memref<2x8192x128xf32, #tpu.memory_space<hbm>>, %arg7: memref<6x128xi32, #tpu.memory_space<vmem>>, %arg8: memref<6x128xi32, #tpu.memory_space<vmem>>, %arg9: memref<384x128xf32, #tpu.memory_space<vmem>>, %arg10: memref<8192x128xf32, #tpu.memory_space<vmem_shared>>, %arg11: memref<!tpu.dma_semaphore, #tpu.memory_space<semaphore_mem>>, %arg12: memref<!tpu.dma_semaphore, #tpu.memory_space<semaphore_mem>>, %arg13: memref<!tpu.dma_semaphore, #tpu.memory_space<semaphore_mem>>) attributes {dimension_semantics = [#tpu.dimension_semantics<core_parallel>, #tpu.dimension_semantics<subcore_parallel>], iteration_bounds = array<i64: 2, 16>, scalar_prefetch = 0 : i64, scratch_operands = 7 : i64, tpu.core_type = #tpu.core_type<sc_vector_subcore>, window_params = [{transform_indices = #map}, {transform_indices = #map1}, {transform_indices = #map1}, {transform_indices = #map}, {transform_indices = #map1}]} {
    %mul3A = arith.constant 2 : i32
    %mul3A_0 = arith.muli %arg1, %mul3A : i32
    %add3A = arith.addi %mul3A_0, %arg0 : i32
    %mul3A_1 = arith.constant 512 : i32
    %mul3A_2 = arith.muli %arg1, %mul3A_1 : i32
    %mul3A_3 = arith.constant 512 : i32
    %mul3A_4 = arith.muli %arg1, %mul3A_3 : i32
    "tpu.region"() ({
      %run_scoped3A_133 = tpu.sem_alloc : memref<!tpu.dma_semaphore, #tpu.memory_space<semaphore_mem>>
      %dma_start3A_134 = arith.constant 0 : i32
      %dma_start3A_135 = tpu.memref_slice %arg10[%mul3A_4, %dma_start3A_134] : memref<8192x128xf32, #tpu.memory_space<vmem_shared>> -> memref<512x128xf32, #tpu.memory_space<vmem_shared>>
      %dma_start3A_136 = arith.constant 0 : i32
      %dma_start3A_137 = tpu.memref_slice %arg5[%mul3A_2, %dma_start3A_136] : memref<8192x128xf32, #tpu.memory_space<hbm>> -> memref<512x128xf32, #tpu.memory_space<hbm>>
      tpu.enqueue_dma source(%dma_start3A_137 : memref<512x128xf32, #tpu.memory_space<hbm>>) target(%dma_start3A_135 : memref<512x128xf32, #tpu.memory_space<vmem_shared>>) target_semaphore(%run_scoped3A_133 : memref<!tpu.dma_semaphore, #tpu.memory_space<semaphore_mem>>)
      %dma_wait3A_138 = arith.constant 0 : i32
      %dma_wait3A_139 = tpu.memref_slice %arg10[%mul3A_4, %dma_wait3A_138] : memref<8192x128xf32, #tpu.memory_space<vmem_shared>> -> memref<512x128xf32, #tpu.memory_space<vmem_shared>>
      %dma_wait3A_140 = arith.constant 0 : i32
      %dma_wait3A_141 = tpu.memref_slice %arg5[%mul3A_2, %dma_wait3A_140] : memref<8192x128xf32, #tpu.memory_space<hbm>> -> memref<512x128xf32, #tpu.memory_space<hbm>>
      tpu.wait_dma2 semaphore(%run_scoped3A_133 : memref<!tpu.dma_semaphore, #tpu.memory_space<semaphore_mem>>) src(%dma_wait3A_141 : memref<512x128xf32, #tpu.memory_space<hbm>>) dst(%dma_wait3A_139 : memref<512x128xf32, #tpu.memory_space<vmem_shared>>)
      tpu.yield
    }) : () -> ()
    "tpu.region"() ({
      %run_scoped3A_133 = tpu.sem_alloc : memref<!tpu.dma_semaphore, #tpu.memory_space<semaphore_mem>>
      %dma_start3A_134 = arith.constant 0 : i32
      %dma_start3A_135 = arith.constant 0 : i32
      %dma_start3A_136 = tpu.memref_slice %arg3[%add3A, %dma_start3A_134, %dma_start3A_135] : memref<32x6x128xi32, #tpu.memory_space<hbm>> -> memref<1x6x128xi32, #tpu.memory_space<hbm>>
      %dma_start3A_137 = tpu.memref_squeeze %dma_start3A_136 : memref<1x6x128xi32, #tpu.memory_space<hbm>> -> memref<6x128xi32, #tpu.memory_space<hbm>>
      %dma_start3A_138 = arith.constant 0 : i32
      %dma_start3A_139 = arith.constant 0 : i32
      %dma_start3A_140 = tpu.memref_slice %arg3[%add3A, %dma_start3A_138, %dma_start3A_139] : memref<32x6x128xi32, #tpu.memory_space<hbm>> -> memref<1x6x128xi32, #tpu.memory_space<hbm>>
      %dma_start3A_141 = tpu.memref_squeeze %dma_start3A_140 : memref<1x6x128xi32, #tpu.memory_space<hbm>> -> memref<6x128xi32, #tpu.memory_space<hbm>>
      tpu.enqueue_dma source(%dma_start3A_141 : memref<6x128xi32, #tpu.memory_space<hbm>>) target(%arg7 : memref<6x128xi32, #tpu.memory_space<vmem>>) target_semaphore(%run_scoped3A_133 : memref<!tpu.dma_semaphore, #tpu.memory_space<semaphore_mem>>)
      %dma_wait3A_142 = arith.constant 0 : i32
      %dma_wait3A_143 = arith.constant 0 : i32
      %dma_wait3A_144 = tpu.memref_slice %arg3[%add3A, %dma_wait3A_142, %dma_wait3A_143] : memref<32x6x128xi32, #tpu.memory_space<hbm>> -> memref<1x6x128xi32, #tpu.memory_space<hbm>>
      %dma_wait3A_145 = tpu.memref_squeeze %dma_wait3A_144 : memref<1x6x128xi32, #tpu.memory_space<hbm>> -> memref<6x128xi32, #tpu.memory_space<hbm>>
      %dma_wait3A_146 = arith.constant 0 : i32
      %dma_wait3A_147 = arith.constant 0 : i32
      %dma_wait3A_148 = tpu.memref_slice %arg3[%add3A, %dma_wait3A_146, %dma_wait3A_147] : memref<32x6x128xi32, #tpu.memory_space<hbm>> -> memref<1x6x128xi32, #tpu.memory_space<hbm>>
      %dma_wait3A_149 = tpu.memref_squeeze %dma_wait3A_148 : memref<1x6x128xi32, #tpu.memory_space<hbm>> -> memref<6x128xi32, #tpu.memory_space<hbm>>
      tpu.wait_dma2 semaphore(%run_scoped3A_133 : memref<!tpu.dma_semaphore, #tpu.memory_space<semaphore_mem>>) src(%dma_wait3A_149 : memref<6x128xi32, #tpu.memory_space<hbm>>) dst(%arg7 : memref<6x128xi32, #tpu.memory_space<vmem>>)
      tpu.yield
    }) : () -> ()
    "tpu.region"() ({
      %run_scoped3A_133 = tpu.sem_alloc : memref<!tpu.dma_semaphore, #tpu.memory_space<semaphore_mem>>
      %dma_start3A_134 = arith.constant 0 : i32
      %dma_start3A_135 = arith.constant 0 : i32
      %dma_start3A_136 = tpu.memref_slice %arg4[%add3A, %dma_start3A_134, %dma_start3A_135] : memref<32x6x128xi32, #tpu.memory_space<hbm>> -> memref<1x6x128xi32, #tpu.memory_space<hbm>>
      %dma_start3A_137 = tpu.memref_squeeze %dma_start3A_136 : memref<1x6x128xi32, #tpu.memory_space<hbm>> -> memref<6x128xi32, #tpu.memory_space<hbm>>
      %dma_start3A_138 = arith.constant 0 : i32
      %dma_start3A_139 = arith.constant 0 : i32
      %dma_start3A_140 = tpu.memref_slice %arg4[%add3A, %dma_start3A_138, %dma_start3A_139] : memref<32x6x128xi32, #tpu.memory_space<hbm>> -> memref<1x6x128xi32, #tpu.memory_space<hbm>>
      %dma_start3A_141 = tpu.memref_squeeze %dma_start3A_140 : memref<1x6x128xi32, #tpu.memory_space<hbm>> -> memref<6x128xi32, #tpu.memory_space<hbm>>
      tpu.enqueue_dma source(%dma_start3A_141 : memref<6x128xi32, #tpu.memory_space<hbm>>) target(%arg8 : memref<6x128xi32, #tpu.memory_space<vmem>>) target_semaphore(%run_scoped3A_133 : memref<!tpu.dma_semaphore, #tpu.memory_space<semaphore_mem>>)
      %dma_wait3A_142 = arith.constant 0 : i32
      %dma_wait3A_143 = arith.constant 0 : i32
      %dma_wait3A_144 = tpu.memref_slice %arg4[%add3A, %dma_wait3A_142, %dma_wait3A_143] : memref<32x6x128xi32, #tpu.memory_space<hbm>> -> memref<1x6x128xi32, #tpu.memory_space<hbm>>
      %dma_wait3A_145 = tpu.memref_squeeze %dma_wait3A_144 : memref<1x6x128xi32, #tpu.memory_space<hbm>> -> memref<6x128xi32, #tpu.memory_space<hbm>>
      %dma_wait3A_146 = arith.constant 0 : i32
      %dma_wait3A_147 = arith.constant 0 : i32
      %dma_wait3A_148 = tpu.memref_slice %arg4[%add3A, %dma_wait3A_146, %dma_wait3A_147] : memref<32x6x128xi32, #tpu.memory_space<hbm>> -> memref<1x6x128xi32, #tpu.memory_space<hbm>>
      %dma_wait3A_149 = tpu.memref_squeeze %dma_wait3A_148 : memref<1x6x128xi32, #tpu.memory_space<hbm>> -> memref<6x128xi32, #tpu.memory_space<hbm>>
      tpu.wait_dma2 semaphore(%run_scoped3A_133 : memref<!tpu.dma_semaphore, #tpu.memory_space<semaphore_mem>>) src(%dma_wait3A_149 : memref<6x128xi32, #tpu.memory_space<hbm>>) dst(%arg8 : memref<6x128xi32, #tpu.memory_space<vmem>>)
      tpu.yield
    }) : () -> ()
    %barrier3A = arith.constant 0 : index
    tpu.barrier barrier_id(%barrier3A)
    %dma_start3A = arith.constant 0 : i32
    %dma_start3A_5 = arith.constant 0 : i32
    %dma_start3A_6 = arith.constant 0 : i32
    %dma_start3A_7 = tpu.memref_slice %arg9[%dma_start3A_5, %dma_start3A_6] : memref<384x128xf32, #tpu.memory_space<vmem>> -> memref<128x128xf32, #tpu.memory_space<vmem>>
    %dma_start3A_8 = arith.constant 0 : i32
    %dma_start3A_9 = tpu.memref_slice %arg8[%dma_start3A, %dma_start3A_8] : memref<6x128xi32, #tpu.memory_space<vmem>> -> memref<1x128xi32, #tpu.memory_space<vmem>>
    %dma_start3A_10 = tpu.memref_squeeze %dma_start3A_9 : memref<1x128xi32, #tpu.memory_space<vmem>> -> memref<128xi32, #tpu.memory_space<vmem>>
    %dma_start3A_11 = arith.constant 0 : i32
    %dma_start3A_12 = arith.constant 0 : i32
    %dma_start3A_13 = tpu.memref_slice %arg2[%dma_start3A_11, %dma_start3A_12] : memref<24576x128xf32, #tpu.memory_space<hbm>> -> memref<24576x128xf32, #tpu.memory_space<hbm>>
    tpu.enqueue_indirect_dma source(%dma_start3A_13 : memref<24576x128xf32, #tpu.memory_space<hbm>>) target(%dma_start3A_7 : memref<128x128xf32, #tpu.memory_space<vmem>>) offsets(%dma_start3A_10 : memref<128xi32, #tpu.memory_space<vmem>>) semaphore(%arg11 : memref<!tpu.dma_semaphore, #tpu.memory_space<semaphore_mem>>)
    %dma_start3A_14 = arith.constant 1 : i32
    %dma_start3A_15 = arith.constant 128 : i32
    %dma_start3A_16 = arith.constant 0 : i32
    %dma_start3A_17 = tpu.memref_slice %arg9[%dma_start3A_15, %dma_start3A_16] : memref<384x128xf32, #tpu.memory_space<vmem>> -> memref<128x128xf32, #tpu.memory_space<vmem>>
    %dma_start3A_18 = arith.constant 0 : i32
    %dma_start3A_19 = tpu.memref_slice %arg8[%dma_start3A_14, %dma_start3A_18] : memref<6x128xi32, #tpu.memory_space<vmem>> -> memref<1x128xi32, #tpu.memory_space<vmem>>
    %dma_start3A_20 = tpu.memref_squeeze %dma_start3A_19 : memref<1x128xi32, #tpu.memory_space<vmem>> -> memref<128xi32, #tpu.memory_space<vmem>>
    %dma_start3A_21 = arith.constant 0 : i32
    %dma_start3A_22 = arith.constant 0 : i32
    %dma_start3A_23 = tpu.memref_slice %arg2[%dma_start3A_21, %dma_start3A_22] : memref<24576x128xf32, #tpu.memory_space<hbm>> -> memref<24576x128xf32, #tpu.memory_space<hbm>>
    tpu.enqueue_indirect_dma source(%dma_start3A_23 : memref<24576x128xf32, #tpu.memory_space<hbm>>) target(%dma_start3A_17 : memref<128x128xf32, #tpu.memory_space<vmem>>) offsets(%dma_start3A_20 : memref<128xi32, #tpu.memory_space<vmem>>) semaphore(%arg12 : memref<!tpu.dma_semaphore, #tpu.memory_space<semaphore_mem>>)
    %dma_start3A_24 = arith.constant 2 : i32
    %dma_start3A_25 = arith.constant 256 : i32
    %dma_start3A_26 = arith.constant 0 : i32
    %dma_start3A_27 = tpu.memref_slice %arg9[%dma_start3A_25, %dma_start3A_26] : memref<384x128xf32, #tpu.memory_space<vmem>> -> memref<128x128xf32, #tpu.memory_space<vmem>>
    %dma_start3A_28 = arith.constant 0 : i32
    %dma_start3A_29 = tpu.memref_slice %arg8[%dma_start3A_24, %dma_start3A_28] : memref<6x128xi32, #tpu.memory_space<vmem>> -> memref<1x128xi32, #tpu.memory_space<vmem>>
    %dma_start3A_30 = tpu.memref_squeeze %dma_start3A_29 : memref<1x128xi32, #tpu.memory_space<vmem>> -> memref<128xi32, #tpu.memory_space<vmem>>
    %dma_start3A_31 = arith.constant 0 : i32
    %dma_start3A_32 = arith.constant 0 : i32
    %dma_start3A_33 = tpu.memref_slice %arg2[%dma_start3A_31, %dma_start3A_32] : memref<24576x128xf32, #tpu.memory_space<hbm>> -> memref<24576x128xf32, #tpu.memory_space<hbm>>
    tpu.enqueue_indirect_dma source(%dma_start3A_33 : memref<24576x128xf32, #tpu.memory_space<hbm>>) target(%dma_start3A_27 : memref<128x128xf32, #tpu.memory_space<vmem>>) offsets(%dma_start3A_30 : memref<128xi32, #tpu.memory_space<vmem>>) semaphore(%arg13 : memref<!tpu.dma_semaphore, #tpu.memory_space<semaphore_mem>>)
    %dma_wait3A = arith.constant 0 : i32
    %dma_wait3A_34 = arith.constant 0 : i32
    %dma_wait3A_35 = arith.constant 0 : i32
    %dma_wait3A_36 = tpu.memref_slice %arg9[%dma_wait3A_34, %dma_wait3A_35] : memref<384x128xf32, #tpu.memory_space<vmem>> -> memref<128x128xf32, #tpu.memory_space<vmem>>
    %dma_wait3A_37 = arith.constant 0 : i32
    %dma_wait3A_38 = tpu.memref_slice %arg8[%dma_wait3A, %dma_wait3A_37] : memref<6x128xi32, #tpu.memory_space<vmem>> -> memref<1x128xi32, #tpu.memory_space<vmem>>
    %dma_wait3A_39 = tpu.memref_squeeze %dma_wait3A_38 : memref<1x128xi32, #tpu.memory_space<vmem>> -> memref<128xi32, #tpu.memory_space<vmem>>
    %dma_wait3A_40 = arith.constant 0 : i32
    %dma_wait3A_41 = arith.constant 0 : i32
    %dma_wait3A_42 = tpu.memref_slice %arg2[%dma_wait3A_40, %dma_wait3A_41] : memref<24576x128xf32, #tpu.memory_space<hbm>> -> memref<24576x128xf32, #tpu.memory_space<hbm>>
    tpu.wait_indirect_dma semaphore(%arg11 : memref<!tpu.dma_semaphore, #tpu.memory_space<semaphore_mem>>) src(%dma_wait3A_42 : memref<24576x128xf32, #tpu.memory_space<hbm>>) dst(%dma_wait3A_36 : memref<128x128xf32, #tpu.memory_space<vmem>>)
    %run_scoped3A = arith.constant 0 : i32
    "tpu.region"() ({
      %run_scoped3A_133 = tpu.sem_alloc : memref<!tpu.dma_semaphore, #tpu.memory_space<semaphore_mem>>
      %dma_start3A_134 = arith.constant 0 : i32
      %dma_start3A_135 = arith.constant 0 : i32
      %dma_start3A_136 = tpu.memref_slice %arg9[%dma_start3A_134, %dma_start3A_135] : memref<384x128xf32, #tpu.memory_space<vmem>> -> memref<128x128xf32, #tpu.memory_space<vmem>>
      %dma_start3A_137 = arith.constant 0 : i32
      %dma_start3A_138 = tpu.memref_slice %arg7[%run_scoped3A, %dma_start3A_137] : memref<6x128xi32, #tpu.memory_space<vmem>> -> memref<1x128xi32, #tpu.memory_space<vmem>>
      %dma_start3A_139 = tpu.memref_squeeze %dma_start3A_138 : memref<1x128xi32, #tpu.memory_space<vmem>> -> memref<128xi32, #tpu.memory_space<vmem>>
      %dma_start3A_140 = arith.constant 0 : i32
      %dma_start3A_141 = arith.constant 0 : i32
      %dma_start3A_142 = tpu.memref_slice %arg10[%dma_start3A_140, %dma_start3A_141] : memref<8192x128xf32, #tpu.memory_space<vmem_shared>> -> memref<8192x128xf32, #tpu.memory_space<vmem_shared>>
      tpu.enqueue_indirect_dma source(%dma_start3A_136 : memref<128x128xf32, #tpu.memory_space<vmem>>) target(%dma_start3A_142 : memref<8192x128xf32, #tpu.memory_space<vmem_shared>>) offsets(%dma_start3A_139 : memref<128xi32, #tpu.memory_space<vmem>>) semaphore(%run_scoped3A_133 : memref<!tpu.dma_semaphore, #tpu.memory_space<semaphore_mem>>) {add = true}
      %dma_wait3A_143 = arith.constant 0 : i32
      %dma_wait3A_144 = arith.constant 0 : i32
      %dma_wait3A_145 = tpu.memref_slice %arg9[%dma_wait3A_143, %dma_wait3A_144] : memref<384x128xf32, #tpu.memory_space<vmem>> -> memref<128x128xf32, #tpu.memory_space<vmem>>
      %dma_wait3A_146 = arith.constant 0 : i32
      %dma_wait3A_147 = tpu.memref_slice %arg7[%run_scoped3A, %dma_wait3A_146] : memref<6x128xi32, #tpu.memory_space<vmem>> -> memref<1x128xi32, #tpu.memory_space<vmem>>
      %dma_wait3A_148 = tpu.memref_squeeze %dma_wait3A_147 : memref<1x128xi32, #tpu.memory_space<vmem>> -> memref<128xi32, #tpu.memory_space<vmem>>
      %dma_wait3A_149 = arith.constant 0 : i32
      %dma_wait3A_150 = arith.constant 0 : i32
      %dma_wait3A_151 = tpu.memref_slice %arg10[%dma_wait3A_149, %dma_wait3A_150] : memref<8192x128xf32, #tpu.memory_space<vmem_shared>> -> memref<8192x128xf32, #tpu.memory_space<vmem_shared>>
      tpu.wait_indirect_dma semaphore(%run_scoped3A_133 : memref<!tpu.dma_semaphore, #tpu.memory_space<semaphore_mem>>) src(%dma_wait3A_145 : memref<128x128xf32, #tpu.memory_space<vmem>>) dst(%dma_wait3A_151 : memref<8192x128xf32, #tpu.memory_space<vmem_shared>>)
      tpu.yield
    }) : () -> ()
    %dma_start3A_43 = arith.constant 3 : i32
    %dma_start3A_44 = arith.constant 0 : i32
    %dma_start3A_45 = arith.constant 0 : i32
    %dma_start3A_46 = tpu.memref_slice %arg9[%dma_start3A_44, %dma_start3A_45] : memref<384x128xf32, #tpu.memory_space<vmem>> -> memref<128x128xf32, #tpu.memory_space<vmem>>
    %dma_start3A_47 = arith.constant 0 : i32
    %dma_start3A_48 = tpu.memref_slice %arg8[%dma_start3A_43, %dma_start3A_47] : memref<6x128xi32, #tpu.memory_space<vmem>> -> memref<1x128xi32, #tpu.memory_space<vmem>>
    %dma_start3A_49 = tpu.memref_squeeze %dma_start3A_48 : memref<1x128xi32, #tpu.memory_space<vmem>> -> memref<128xi32, #tpu.memory_space<vmem>>
    %dma_start3A_50 = arith.constant 0 : i32
    %dma_start3A_51 = arith.constant 0 : i32
    %dma_start3A_52 = tpu.memref_slice %arg2[%dma_start3A_50, %dma_start3A_51] : memref<24576x128xf32, #tpu.memory_space<hbm>> -> memref<24576x128xf32, #tpu.memory_space<hbm>>
    tpu.enqueue_indirect_dma source(%dma_start3A_52 : memref<24576x128xf32, #tpu.memory_space<hbm>>) target(%dma_start3A_46 : memref<128x128xf32, #tpu.memory_space<vmem>>) offsets(%dma_start3A_49 : memref<128xi32, #tpu.memory_space<vmem>>) semaphore(%arg11 : memref<!tpu.dma_semaphore, #tpu.memory_space<semaphore_mem>>)
    %dma_wait3A_53 = arith.constant 1 : i32
    %dma_wait3A_54 = arith.constant 128 : i32
    %dma_wait3A_55 = arith.constant 0 : i32
    %dma_wait3A_56 = tpu.memref_slice %arg9[%dma_wait3A_54, %dma_wait3A_55] : memref<384x128xf32, #tpu.memory_space<vmem>> -> memref<128x128xf32, #tpu.memory_space<vmem>>
    %dma_wait3A_57 = arith.constant 0 : i32
    %dma_wait3A_58 = tpu.memref_slice %arg8[%dma_wait3A_53, %dma_wait3A_57] : memref<6x128xi32, #tpu.memory_space<vmem>> -> memref<1x128xi32, #tpu.memory_space<vmem>>
    %dma_wait3A_59 = tpu.memref_squeeze %dma_wait3A_58 : memref<1x128xi32, #tpu.memory_space<vmem>> -> memref<128xi32, #tpu.memory_space<vmem>>
    %dma_wait3A_60 = arith.constant 0 : i32
    %dma_wait3A_61 = arith.constant 0 : i32
    %dma_wait3A_62 = tpu.memref_slice %arg2[%dma_wait3A_60, %dma_wait3A_61] : memref<24576x128xf32, #tpu.memory_space<hbm>> -> memref<24576x128xf32, #tpu.memory_space<hbm>>
    tpu.wait_indirect_dma semaphore(%arg12 : memref<!tpu.dma_semaphore, #tpu.memory_space<semaphore_mem>>) src(%dma_wait3A_62 : memref<24576x128xf32, #tpu.memory_space<hbm>>) dst(%dma_wait3A_56 : memref<128x128xf32, #tpu.memory_space<vmem>>)
    %run_scoped3A_63 = arith.constant 1 : i32
    "tpu.region"() ({
      %run_scoped3A_133 = tpu.sem_alloc : memref<!tpu.dma_semaphore, #tpu.memory_space<semaphore_mem>>
      %dma_start3A_134 = arith.constant 128 : i32
      %dma_start3A_135 = arith.constant 0 : i32
      %dma_start3A_136 = tpu.memref_slice %arg9[%dma_start3A_134, %dma_start3A_135] : memref<384x128xf32, #tpu.memory_space<vmem>> -> memref<128x128xf32, #tpu.memory_space<vmem>>
      %dma_start3A_137 = arith.constant 0 : i32
      %dma_start3A_138 = tpu.memref_slice %arg7[%run_scoped3A_63, %dma_start3A_137] : memref<6x128xi32, #tpu.memory_space<vmem>> -> memref<1x128xi32, #tpu.memory_space<vmem>>
      %dma_start3A_139 = tpu.memref_squeeze %dma_start3A_138 : memref<1x128xi32, #tpu.memory_space<vmem>> -> memref<128xi32, #tpu.memory_space<vmem>>
      %dma_start3A_140 = arith.constant 0 : i32
      %dma_start3A_141 = arith.constant 0 : i32
      %dma_start3A_142 = tpu.memref_slice %arg10[%dma_start3A_140, %dma_start3A_141] : memref<8192x128xf32, #tpu.memory_space<vmem_shared>> -> memref<8192x128xf32, #tpu.memory_space<vmem_shared>>
      tpu.enqueue_indirect_dma source(%dma_start3A_136 : memref<128x128xf32, #tpu.memory_space<vmem>>) target(%dma_start3A_142 : memref<8192x128xf32, #tpu.memory_space<vmem_shared>>) offsets(%dma_start3A_139 : memref<128xi32, #tpu.memory_space<vmem>>) semaphore(%run_scoped3A_133 : memref<!tpu.dma_semaphore, #tpu.memory_space<semaphore_mem>>) {add = true}
      %dma_wait3A_143 = arith.constant 128 : i32
      %dma_wait3A_144 = arith.constant 0 : i32
      %dma_wait3A_145 = tpu.memref_slice %arg9[%dma_wait3A_143, %dma_wait3A_144] : memref<384x128xf32, #tpu.memory_space<vmem>> -> memref<128x128xf32, #tpu.memory_space<vmem>>
      %dma_wait3A_146 = arith.constant 0 : i32
      %dma_wait3A_147 = tpu.memref_slice %arg7[%run_scoped3A_63, %dma_wait3A_146] : memref<6x128xi32, #tpu.memory_space<vmem>> -> memref<1x128xi32, #tpu.memory_space<vmem>>
      %dma_wait3A_148 = tpu.memref_squeeze %dma_wait3A_147 : memref<1x128xi32, #tpu.memory_space<vmem>> -> memref<128xi32, #tpu.memory_space<vmem>>
      %dma_wait3A_149 = arith.constant 0 : i32
      %dma_wait3A_150 = arith.constant 0 : i32
      %dma_wait3A_151 = tpu.memref_slice %arg10[%dma_wait3A_149, %dma_wait3A_150] : memref<8192x128xf32, #tpu.memory_space<vmem_shared>> -> memref<8192x128xf32, #tpu.memory_space<vmem_shared>>
      tpu.wait_indirect_dma semaphore(%run_scoped3A_133 : memref<!tpu.dma_semaphore, #tpu.memory_space<semaphore_mem>>) src(%dma_wait3A_145 : memref<128x128xf32, #tpu.memory_space<vmem>>) dst(%dma_wait3A_151 : memref<8192x128xf32, #tpu.memory_space<vmem_shared>>)
      tpu.yield
    }) : () -> ()
    %dma_start3A_64 = arith.constant 4 : i32
    %dma_start3A_65 = arith.constant 128 : i32
    %dma_start3A_66 = arith.constant 0 : i32
    %dma_start3A_67 = tpu.memref_slice %arg9[%dma_start3A_65, %dma_start3A_66] : memref<384x128xf32, #tpu.memory_space<vmem>> -> memref<128x128xf32, #tpu.memory_space<vmem>>
    %dma_start3A_68 = arith.constant 0 : i32
    %dma_start3A_69 = tpu.memref_slice %arg8[%dma_start3A_64, %dma_start3A_68] : memref<6x128xi32, #tpu.memory_space<vmem>> -> memref<1x128xi32, #tpu.memory_space<vmem>>
    %dma_start3A_70 = tpu.memref_squeeze %dma_start3A_69 : memref<1x128xi32, #tpu.memory_space<vmem>> -> memref<128xi32, #tpu.memory_space<vmem>>
    %dma_start3A_71 = arith.constant 0 : i32
    %dma_start3A_72 = arith.constant 0 : i32
    %dma_start3A_73 = tpu.memref_slice %arg2[%dma_start3A_71, %dma_start3A_72] : memref<24576x128xf32, #tpu.memory_space<hbm>> -> memref<24576x128xf32, #tpu.memory_space<hbm>>
    tpu.enqueue_indirect_dma source(%dma_start3A_73 : memref<24576x128xf32, #tpu.memory_space<hbm>>) target(%dma_start3A_67 : memref<128x128xf32, #tpu.memory_space<vmem>>) offsets(%dma_start3A_70 : memref<128xi32, #tpu.memory_space<vmem>>) semaphore(%arg12 : memref<!tpu.dma_semaphore, #tpu.memory_space<semaphore_mem>>)
    %dma_wait3A_74 = arith.constant 2 : i32
    %dma_wait3A_75 = arith.constant 256 : i32
    %dma_wait3A_76 = arith.constant 0 : i32
    %dma_wait3A_77 = tpu.memref_slice %arg9[%dma_wait3A_75, %dma_wait3A_76] : memref<384x128xf32, #tpu.memory_space<vmem>> -> memref<128x128xf32, #tpu.memory_space<vmem>>
    %dma_wait3A_78 = arith.constant 0 : i32
    %dma_wait3A_79 = tpu.memref_slice %arg8[%dma_wait3A_74, %dma_wait3A_78] : memref<6x128xi32, #tpu.memory_space<vmem>> -> memref<1x128xi32, #tpu.memory_space<vmem>>
    %dma_wait3A_80 = tpu.memref_squeeze %dma_wait3A_79 : memref<1x128xi32, #tpu.memory_space<vmem>> -> memref<128xi32, #tpu.memory_space<vmem>>
    %dma_wait3A_81 = arith.constant 0 : i32
    %dma_wait3A_82 = arith.constant 0 : i32
    %dma_wait3A_83 = tpu.memref_slice %arg2[%dma_wait3A_81, %dma_wait3A_82] : memref<24576x128xf32, #tpu.memory_space<hbm>> -> memref<24576x128xf32, #tpu.memory_space<hbm>>
    tpu.wait_indirect_dma semaphore(%arg13 : memref<!tpu.dma_semaphore, #tpu.memory_space<semaphore_mem>>) src(%dma_wait3A_83 : memref<24576x128xf32, #tpu.memory_space<hbm>>) dst(%dma_wait3A_77 : memref<128x128xf32, #tpu.memory_space<vmem>>)
    %run_scoped3A_84 = arith.constant 2 : i32
    "tpu.region"() ({
      %run_scoped3A_133 = tpu.sem_alloc : memref<!tpu.dma_semaphore, #tpu.memory_space<semaphore_mem>>
      %dma_start3A_134 = arith.constant 256 : i32
      %dma_start3A_135 = arith.constant 0 : i32
      %dma_start3A_136 = tpu.memref_slice %arg9[%dma_start3A_134, %dma_start3A_135] : memref<384x128xf32, #tpu.memory_space<vmem>> -> memref<128x128xf32, #tpu.memory_space<vmem>>
      %dma_start3A_137 = arith.constant 0 : i32
      %dma_start3A_138 = tpu.memref_slice %arg7[%run_scoped3A_84, %dma_start3A_137] : memref<6x128xi32, #tpu.memory_space<vmem>> -> memref<1x128xi32, #tpu.memory_space<vmem>>
      %dma_start3A_139 = tpu.memref_squeeze %dma_start3A_138 : memref<1x128xi32, #tpu.memory_space<vmem>> -> memref<128xi32, #tpu.memory_space<vmem>>
      %dma_start3A_140 = arith.constant 0 : i32
      %dma_start3A_141 = arith.constant 0 : i32
      %dma_start3A_142 = tpu.memref_slice %arg10[%dma_start3A_140, %dma_start3A_141] : memref<8192x128xf32, #tpu.memory_space<vmem_shared>> -> memref<8192x128xf32, #tpu.memory_space<vmem_shared>>
      tpu.enqueue_indirect_dma source(%dma_start3A_136 : memref<128x128xf32, #tpu.memory_space<vmem>>) target(%dma_start3A_142 : memref<8192x128xf32, #tpu.memory_space<vmem_shared>>) offsets(%dma_start3A_139 : memref<128xi32, #tpu.memory_space<vmem>>) semaphore(%run_scoped3A_133 : memref<!tpu.dma_semaphore, #tpu.memory_space<semaphore_mem>>) {add = true}
      %dma_wait3A_143 = arith.constant 256 : i32
      %dma_wait3A_144 = arith.constant 0 : i32
      %dma_wait3A_145 = tpu.memref_slice %arg9[%dma_wait3A_143, %dma_wait3A_144] : memref<384x128xf32, #tpu.memory_space<vmem>> -> memref<128x128xf32, #tpu.memory_space<vmem>>
      %dma_wait3A_146 = arith.constant 0 : i32
      %dma_wait3A_147 = tpu.memref_slice %arg7[%run_scoped3A_84, %dma_wait3A_146] : memref<6x128xi32, #tpu.memory_space<vmem>> -> memref<1x128xi32, #tpu.memory_space<vmem>>
      %dma_wait3A_148 = tpu.memref_squeeze %dma_wait3A_147 : memref<1x128xi32, #tpu.memory_space<vmem>> -> memref<128xi32, #tpu.memory_space<vmem>>
      %dma_wait3A_149 = arith.constant 0 : i32
      %dma_wait3A_150 = arith.constant 0 : i32
      %dma_wait3A_151 = tpu.memref_slice %arg10[%dma_wait3A_149, %dma_wait3A_150] : memref<8192x128xf32, #tpu.memory_space<vmem_shared>> -> memref<8192x128xf32, #tpu.memory_space<vmem_shared>>
      tpu.wait_indirect_dma semaphore(%run_scoped3A_133 : memref<!tpu.dma_semaphore, #tpu.memory_space<semaphore_mem>>) src(%dma_wait3A_145 : memref<128x128xf32, #tpu.memory_space<vmem>>) dst(%dma_wait3A_151 : memref<8192x128xf32, #tpu.memory_space<vmem_shared>>)
      tpu.yield
    }) : () -> ()
    %dma_start3A_85 = arith.constant 5 : i32
    %dma_start3A_86 = arith.constant 256 : i32
    %dma_start3A_87 = arith.constant 0 : i32
    %dma_start3A_88 = tpu.memref_slice %arg9[%dma_start3A_86, %dma_start3A_87] : memref<384x128xf32, #tpu.memory_space<vmem>> -> memref<128x128xf32, #tpu.memory_space<vmem>>
    %dma_start3A_89 = arith.constant 0 : i32
    %dma_start3A_90 = tpu.memref_slice %arg8[%dma_start3A_85, %dma_start3A_89] : memref<6x128xi32, #tpu.memory_space<vmem>> -> memref<1x128xi32, #tpu.memory_space<vmem>>
    %dma_start3A_91 = tpu.memref_squeeze %dma_start3A_90 : memref<1x128xi32, #tpu.memory_space<vmem>> -> memref<128xi32, #tpu.memory_space<vmem>>
    %dma_start3A_92 = arith.constant 0 : i32
    %dma_start3A_93 = arith.constant 0 : i32
    %dma_start3A_94 = tpu.memref_slice %arg2[%dma_start3A_92, %dma_start3A_93] : memref<24576x128xf32, #tpu.memory_space<hbm>> -> memref<24576x128xf32, #tpu.memory_space<hbm>>
    tpu.enqueue_indirect_dma source(%dma_start3A_94 : memref<24576x128xf32, #tpu.memory_space<hbm>>) target(%dma_start3A_88 : memref<128x128xf32, #tpu.memory_space<vmem>>) offsets(%dma_start3A_91 : memref<128xi32, #tpu.memory_space<vmem>>) semaphore(%arg13 : memref<!tpu.dma_semaphore, #tpu.memory_space<semaphore_mem>>)
    %dma_wait3A_95 = arith.constant 3 : i32
    %dma_wait3A_96 = arith.constant 0 : i32
    %dma_wait3A_97 = arith.constant 0 : i32
    %dma_wait3A_98 = tpu.memref_slice %arg9[%dma_wait3A_96, %dma_wait3A_97] : memref<384x128xf32, #tpu.memory_space<vmem>> -> memref<128x128xf32, #tpu.memory_space<vmem>>
    %dma_wait3A_99 = arith.constant 0 : i32
    %dma_wait3A_100 = tpu.memref_slice %arg8[%dma_wait3A_95, %dma_wait3A_99] : memref<6x128xi32, #tpu.memory_space<vmem>> -> memref<1x128xi32, #tpu.memory_space<vmem>>
    %dma_wait3A_101 = tpu.memref_squeeze %dma_wait3A_100 : memref<1x128xi32, #tpu.memory_space<vmem>> -> memref<128xi32, #tpu.memory_space<vmem>>
    %dma_wait3A_102 = arith.constant 0 : i32
    %dma_wait3A_103 = arith.constant 0 : i32
    %dma_wait3A_104 = tpu.memref_slice %arg2[%dma_wait3A_102, %dma_wait3A_103] : memref<24576x128xf32, #tpu.memory_space<hbm>> -> memref<24576x128xf32, #tpu.memory_space<hbm>>
    tpu.wait_indirect_dma semaphore(%arg11 : memref<!tpu.dma_semaphore, #tpu.memory_space<semaphore_mem>>) src(%dma_wait3A_104 : memref<24576x128xf32, #tpu.memory_space<hbm>>) dst(%dma_wait3A_98 : memref<128x128xf32, #tpu.memory_space<vmem>>)
    %run_scoped3A_105 = arith.constant 3 : i32
    "tpu.region"() ({
      %run_scoped3A_133 = tpu.sem_alloc : memref<!tpu.dma_semaphore, #tpu.memory_space<semaphore_mem>>
      %dma_start3A_134 = arith.constant 0 : i32
      %dma_start3A_135 = arith.constant 0 : i32
      %dma_start3A_136 = tpu.memref_slice %arg9[%dma_start3A_134, %dma_start3A_135] : memref<384x128xf32, #tpu.memory_space<vmem>> -> memref<128x128xf32, #tpu.memory_space<vmem>>
      %dma_start3A_137 = arith.constant 0 : i32
      %dma_start3A_138 = tpu.memref_slice %arg7[%run_scoped3A_105, %dma_start3A_137] : memref<6x128xi32, #tpu.memory_space<vmem>> -> memref<1x128xi32, #tpu.memory_space<vmem>>
      %dma_start3A_139 = tpu.memref_squeeze %dma_start3A_138 : memref<1x128xi32, #tpu.memory_space<vmem>> -> memref<128xi32, #tpu.memory_space<vmem>>
      %dma_start3A_140 = arith.constant 0 : i32
      %dma_start3A_141 = arith.constant 0 : i32
      %dma_start3A_142 = tpu.memref_slice %arg10[%dma_start3A_140, %dma_start3A_141] : memref<8192x128xf32, #tpu.memory_space<vmem_shared>> -> memref<8192x128xf32, #tpu.memory_space<vmem_shared>>
      tpu.enqueue_indirect_dma source(%dma_start3A_136 : memref<128x128xf32, #tpu.memory_space<vmem>>) target(%dma_start3A_142 : memref<8192x128xf32, #tpu.memory_space<vmem_shared>>) offsets(%dma_start3A_139 : memref<128xi32, #tpu.memory_space<vmem>>) semaphore(%run_scoped3A_133 : memref<!tpu.dma_semaphore, #tpu.memory_space<semaphore_mem>>) {add = true}
      %dma_wait3A_143 = arith.constant 0 : i32
      %dma_wait3A_144 = arith.constant 0 : i32
      %dma_wait3A_145 = tpu.memref_slice %arg9[%dma_wait3A_143, %dma_wait3A_144] : memref<384x128xf32, #tpu.memory_space<vmem>> -> memref<128x128xf32, #tpu.memory_space<vmem>>
      %dma_wait3A_146 = arith.constant 0 : i32
      %dma_wait3A_147 = tpu.memref_slice %arg7[%run_scoped3A_105, %dma_wait3A_146] : memref<6x128xi32, #tpu.memory_space<vmem>> -> memref<1x128xi32, #tpu.memory_space<vmem>>
      %dma_wait3A_148 = tpu.memref_squeeze %dma_wait3A_147 : memref<1x128xi32, #tpu.memory_space<vmem>> -> memref<128xi32, #tpu.memory_space<vmem>>
      %dma_wait3A_149 = arith.constant 0 : i32
      %dma_wait3A_150 = arith.constant 0 : i32
      %dma_wait3A_151 = tpu.memref_slice %arg10[%dma_wait3A_149, %dma_wait3A_150] : memref<8192x128xf32, #tpu.memory_space<vmem_shared>> -> memref<8192x128xf32, #tpu.memory_space<vmem_shared>>
      tpu.wait_indirect_dma semaphore(%run_scoped3A_133 : memref<!tpu.dma_semaphore, #tpu.memory_space<semaphore_mem>>) src(%dma_wait3A_145 : memref<128x128xf32, #tpu.memory_space<vmem>>) dst(%dma_wait3A_151 : memref<8192x128xf32, #tpu.memory_space<vmem_shared>>)
      tpu.yield
    }) : () -> ()
    %dma_wait3A_106 = arith.constant 4 : i32
    %dma_wait3A_107 = arith.constant 128 : i32
    %dma_wait3A_108 = arith.constant 0 : i32
    %dma_wait3A_109 = tpu.memref_slice %arg9[%dma_wait3A_107, %dma_wait3A_108] : memref<384x128xf32, #tpu.memory_space<vmem>> -> memref<128x128xf32, #tpu.memory_space<vmem>>
    %dma_wait3A_110 = arith.constant 0 : i32
    %dma_wait3A_111 = tpu.memref_slice %arg8[%dma_wait3A_106, %dma_wait3A_110] : memref<6x128xi32, #tpu.memory_space<vmem>> -> memref<1x128xi32, #tpu.memory_space<vmem>>
    %dma_wait3A_112 = tpu.memref_squeeze %dma_wait3A_111 : memref<1x128xi32, #tpu.memory_space<vmem>> -> memref<128xi32, #tpu.memory_space<vmem>>
    %dma_wait3A_113 = arith.constant 0 : i32
    %dma_wait3A_114 = arith.constant 0 : i32
    %dma_wait3A_115 = tpu.memref_slice %arg2[%dma_wait3A_113, %dma_wait3A_114] : memref<24576x128xf32, #tpu.memory_space<hbm>> -> memref<24576x128xf32, #tpu.memory_space<hbm>>
    tpu.wait_indirect_dma semaphore(%arg12 : memref<!tpu.dma_semaphore, #tpu.memory_space<semaphore_mem>>) src(%dma_wait3A_115 : memref<24576x128xf32, #tpu.memory_space<hbm>>) dst(%dma_wait3A_109 : memref<128x128xf32, #tpu.memory_space<vmem>>)
    %run_scoped3A_116 = arith.constant 4 : i32
    "tpu.region"() ({
      %run_scoped3A_133 = tpu.sem_alloc : memref<!tpu.dma_semaphore, #tpu.memory_space<semaphore_mem>>
      %dma_start3A_134 = arith.constant 128 : i32
      %dma_start3A_135 = arith.constant 0 : i32
      %dma_start3A_136 = tpu.memref_slice %arg9[%dma_start3A_134, %dma_start3A_135] : memref<384x128xf32, #tpu.memory_space<vmem>> -> memref<128x128xf32, #tpu.memory_space<vmem>>
      %dma_start3A_137 = arith.constant 0 : i32
      %dma_start3A_138 = tpu.memref_slice %arg7[%run_scoped3A_116, %dma_start3A_137] : memref<6x128xi32, #tpu.memory_space<vmem>> -> memref<1x128xi32, #tpu.memory_space<vmem>>
      %dma_start3A_139 = tpu.memref_squeeze %dma_start3A_138 : memref<1x128xi32, #tpu.memory_space<vmem>> -> memref<128xi32, #tpu.memory_space<vmem>>
      %dma_start3A_140 = arith.constant 0 : i32
      %dma_start3A_141 = arith.constant 0 : i32
      %dma_start3A_142 = tpu.memref_slice %arg10[%dma_start3A_140, %dma_start3A_141] : memref<8192x128xf32, #tpu.memory_space<vmem_shared>> -> memref<8192x128xf32, #tpu.memory_space<vmem_shared>>
      tpu.enqueue_indirect_dma source(%dma_start3A_136 : memref<128x128xf32, #tpu.memory_space<vmem>>) target(%dma_start3A_142 : memref<8192x128xf32, #tpu.memory_space<vmem_shared>>) offsets(%dma_start3A_139 : memref<128xi32, #tpu.memory_space<vmem>>) semaphore(%run_scoped3A_133 : memref<!tpu.dma_semaphore, #tpu.memory_space<semaphore_mem>>) {add = true}
      %dma_wait3A_143 = arith.constant 128 : i32
      %dma_wait3A_144 = arith.constant 0 : i32
      %dma_wait3A_145 = tpu.memref_slice %arg9[%dma_wait3A_143, %dma_wait3A_144] : memref<384x128xf32, #tpu.memory_space<vmem>> -> memref<128x128xf32, #tpu.memory_space<vmem>>
      %dma_wait3A_146 = arith.constant 0 : i32
      %dma_wait3A_147 = tpu.memref_slice %arg7[%run_scoped3A_116, %dma_wait3A_146] : memref<6x128xi32, #tpu.memory_space<vmem>> -> memref<1x128xi32, #tpu.memory_space<vmem>>
      %dma_wait3A_148 = tpu.memref_squeeze %dma_wait3A_147 : memref<1x128xi32, #tpu.memory_space<vmem>> -> memref<128xi32, #tpu.memory_space<vmem>>
      %dma_wait3A_149 = arith.constant 0 : i32
      %dma_wait3A_150 = arith.constant 0 : i32
      %dma_wait3A_151 = tpu.memref_slice %arg10[%dma_wait3A_149, %dma_wait3A_150] : memref<8192x128xf32, #tpu.memory_space<vmem_shared>> -> memref<8192x128xf32, #tpu.memory_space<vmem_shared>>
      tpu.wait_indirect_dma semaphore(%run_scoped3A_133 : memref<!tpu.dma_semaphore, #tpu.memory_space<semaphore_mem>>) src(%dma_wait3A_145 : memref<128x128xf32, #tpu.memory_space<vmem>>) dst(%dma_wait3A_151 : memref<8192x128xf32, #tpu.memory_space<vmem_shared>>)
      tpu.yield
    }) : () -> ()
    %dma_wait3A_117 = arith.constant 5 : i32
    %dma_wait3A_118 = arith.constant 256 : i32
    %dma_wait3A_119 = arith.constant 0 : i32
    %dma_wait3A_120 = tpu.memref_slice %arg9[%dma_wait3A_118, %dma_wait3A_119] : memref<384x128xf32, #tpu.memory_space<vmem>> -> memref<128x128xf32, #tpu.memory_space<vmem>>
    %dma_wait3A_121 = arith.constant 0 : i32
    %dma_wait3A_122 = tpu.memref_slice %arg8[%dma_wait3A_117, %dma_wait3A_121] : memref<6x128xi32, #tpu.memory_space<vmem>> -> memref<1x128xi32, #tpu.memory_space<vmem>>
    %dma_wait3A_123 = tpu.memref_squeeze %dma_wait3A_122 : memref<1x128xi32, #tpu.memory_space<vmem>> -> memref<128xi32, #tpu.memory_space<vmem>>
    %dma_wait3A_124 = arith.constant 0 : i32
    %dma_wait3A_125 = arith.constant 0 : i32
    %dma_wait3A_126 = tpu.memref_slice %arg2[%dma_wait3A_124, %dma_wait3A_125] : memref<24576x128xf32, #tpu.memory_space<hbm>> -> memref<24576x128xf32, #tpu.memory_space<hbm>>
    tpu.wait_indirect_dma semaphore(%arg13 : memref<!tpu.dma_semaphore, #tpu.memory_space<semaphore_mem>>) src(%dma_wait3A_126 : memref<24576x128xf32, #tpu.memory_space<hbm>>) dst(%dma_wait3A_120 : memref<128x128xf32, #tpu.memory_space<vmem>>)
    %run_scoped3A_127 = arith.constant 5 : i32
    "tpu.region"() ({
      %run_scoped3A_133 = tpu.sem_alloc : memref<!tpu.dma_semaphore, #tpu.memory_space<semaphore_mem>>
      %dma_start3A_134 = arith.constant 256 : i32
      %dma_start3A_135 = arith.constant 0 : i32
      %dma_start3A_136 = tpu.memref_slice %arg9[%dma_start3A_134, %dma_start3A_135] : memref<384x128xf32, #tpu.memory_space<vmem>> -> memref<128x128xf32, #tpu.memory_space<vmem>>
      %dma_start3A_137 = arith.constant 0 : i32
      %dma_start3A_138 = tpu.memref_slice %arg7[%run_scoped3A_127, %dma_start3A_137] : memref<6x128xi32, #tpu.memory_space<vmem>> -> memref<1x128xi32, #tpu.memory_space<vmem>>
      %dma_start3A_139 = tpu.memref_squeeze %dma_start3A_138 : memref<1x128xi32, #tpu.memory_space<vmem>> -> memref<128xi32, #tpu.memory_space<vmem>>
      %dma_start3A_140 = arith.constant 0 : i32
      %dma_start3A_141 = arith.constant 0 : i32
      %dma_start3A_142 = tpu.memref_slice %arg10[%dma_start3A_140, %dma_start3A_141] : memref<8192x128xf32, #tpu.memory_space<vmem_shared>> -> memref<8192x128xf32, #tpu.memory_space<vmem_shared>>
      tpu.enqueue_indirect_dma source(%dma_start3A_136 : memref<128x128xf32, #tpu.memory_space<vmem>>) target(%dma_start3A_142 : memref<8192x128xf32, #tpu.memory_space<vmem_shared>>) offsets(%dma_start3A_139 : memref<128xi32, #tpu.memory_space<vmem>>) semaphore(%run_scoped3A_133 : memref<!tpu.dma_semaphore, #tpu.memory_space<semaphore_mem>>) {add = true}
      %dma_wait3A_143 = arith.constant 256 : i32
      %dma_wait3A_144 = arith.constant 0 : i32
      %dma_wait3A_145 = tpu.memref_slice %arg9[%dma_wait3A_143, %dma_wait3A_144] : memref<384x128xf32, #tpu.memory_space<vmem>> -> memref<128x128xf32, #tpu.memory_space<vmem>>
      %dma_wait3A_146 = arith.constant 0 : i32
      %dma_wait3A_147 = tpu.memref_slice %arg7[%run_scoped3A_127, %dma_wait3A_146] : memref<6x128xi32, #tpu.memory_space<vmem>> -> memref<1x128xi32, #tpu.memory_space<vmem>>
      %dma_wait3A_148 = tpu.memref_squeeze %dma_wait3A_147 : memref<1x128xi32, #tpu.memory_space<vmem>> -> memref<128xi32, #tpu.memory_space<vmem>>
      %dma_wait3A_149 = arith.constant 0 : i32
      %dma_wait3A_150 = arith.constant 0 : i32
      %dma_wait3A_151 = tpu.memref_slice %arg10[%dma_wait3A_149, %dma_wait3A_150] : memref<8192x128xf32, #tpu.memory_space<vmem_shared>> -> memref<8192x128xf32, #tpu.memory_space<vmem_shared>>
      tpu.wait_indirect_dma semaphore(%run_scoped3A_133 : memref<!tpu.dma_semaphore, #tpu.memory_space<semaphore_mem>>) src(%dma_wait3A_145 : memref<128x128xf32, #tpu.memory_space<vmem>>) dst(%dma_wait3A_151 : memref<8192x128xf32, #tpu.memory_space<vmem_shared>>)
      tpu.yield
    }) : () -> ()
    %barrier3A_128 = arith.constant 0 : index
    tpu.barrier barrier_id(%barrier3A_128)
    %mul3A_129 = arith.constant 512 : i32
    %mul3A_130 = arith.muli %arg1, %mul3A_129 : i32
    %mul3A_131 = arith.constant 512 : i32
    %mul3A_132 = arith.muli %arg1, %mul3A_131 : i32
    "tpu.region"() ({
      %run_scoped3A_133 = tpu.sem_alloc : memref<!tpu.dma_semaphore, #tpu.memory_space<semaphore_mem>>
      %dma_start3A_134 = arith.constant 0 : i32
      %dma_start3A_135 = tpu.memref_slice %arg6[%arg0, %mul3A_132, %dma_start3A_134] : memref<2x8192x128xf32, #tpu.memory_space<hbm>> -> memref<1x512x128xf32, #tpu.memory_space<hbm>>
      %dma_start3A_136 = tpu.memref_squeeze %dma_start3A_135 : memref<1x512x128xf32, #tpu.memory_space<hbm>> -> memref<512x128xf32, #tpu.memory_space<hbm>>
      %dma_start3A_137 = arith.constant 0 : i32
      %dma_start3A_138 = tpu.memref_slice %arg10[%mul3A_130, %dma_start3A_137] : memref<8192x128xf32, #tpu.memory_space<vmem_shared>> -> memref<512x128xf32, #tpu.memory_space<vmem_shared>>
      tpu.enqueue_dma source(%dma_start3A_138 : memref<512x128xf32, #tpu.memory_space<vmem_shared>>) target(%dma_start3A_136 : memref<512x128xf32, #tpu.memory_space<hbm>>) target_semaphore(%run_scoped3A_133 : memref<!tpu.dma_semaphore, #tpu.memory_space<semaphore_mem>>)
      %dma_wait3A_139 = arith.constant 0 : i32
      %dma_wait3A_140 = tpu.memref_slice %arg6[%arg0, %mul3A_132, %dma_wait3A_139] : memref<2x8192x128xf32, #tpu.memory_space<hbm>> -> memref<1x512x128xf32, #tpu.memory_space<hbm>>
      %dma_wait3A_141 = tpu.memref_squeeze %dma_wait3A_140 : memref<1x512x128xf32, #tpu.memory_space<hbm>> -> memref<512x128xf32, #tpu.memory_space<hbm>>
      %dma_wait3A_142 = arith.constant 0 : i32
      %dma_wait3A_143 = tpu.memref_slice %arg10[%mul3A_130, %dma_wait3A_142] : memref<8192x128xf32, #tpu.memory_space<vmem_shared>> -> memref<512x128xf32, #tpu.memory_space<vmem_shared>>
      tpu.wait_dma2 semaphore(%run_scoped3A_133 : memref<!tpu.dma_semaphore, #tpu.memory_space<semaphore_mem>>) src(%dma_wait3A_143 : memref<512x128xf32, #tpu.memory_space<vmem_shared>>) dst(%dma_wait3A_141 : memref<512x128xf32, #tpu.memory_space<hbm>>)
      tpu.yield
    }) : () -> ()
    return
  }
}

module attributes {stable_mosaic.version = 14 : i64} {
  func.func @_msg_body(%arg0: i32, %arg1: memref<4096x128xf32, #tpu.memory_space<vmem>>, %arg2: memref<4096x16xbf16, #tpu.memory_space<vmem>>, %arg3: memref<64x1024xf32, #tpu.memory_space<vmem>>, %arg4: memref<16x1024xbf16, #tpu.memory_space<vmem>>, %arg5: memref<128x128xf32, #tpu.memory_space<vmem>>, %arg6: memref<128x128xf32, #tpu.memory_space<vmem>>, %arg7: memref<4096x128xf32, #tpu.memory_space<vmem>>) attributes {dimension_semantics = [#tpu.dimension_semantics<arbitrary>], iteration_bounds = array<i64: 6>, scalar_prefetch = 0 : i64, scratch_operands = 0 : i64, tpu.core_type = #tpu.core_type<tc>, window_params = [{transform_indices = @transform_0, window_bounds = array<i64: 4096, 128>}, {transform_indices = @transform_1, window_bounds = array<i64: 4096, 16>}, {pipeline_mode = #tpu.pipeline_mode<synchronous>, transform_indices = @transform_2, window_bounds = array<i64: 64, 1024>}, {pipeline_mode = #tpu.pipeline_mode<synchronous>, transform_indices = @transform_3, window_bounds = array<i64: 16, 1024>}, {pipeline_mode = #tpu.pipeline_mode<synchronous>, transform_indices = @transform_4, window_bounds = array<i64: 128, 128>}, {pipeline_mode = #tpu.pipeline_mode<synchronous>, transform_indices = @transform_5, window_bounds = array<i64: 128, 128>}, {transform_indices = @transform_6, window_bounds = array<i64: 4096, 128>}]} {
    %get3A = arith.constant 0 : index
    %get3A_0 = arith.constant 0 : index
    %get3A_1 = vector.load %arg1[%get3A, %get3A_0] : memref<4096x128xf32, #tpu.memory_space<vmem>>, vector<4096x128xf32>
    %slice3A = vector.extract_strided_slice %get3A_1 {offsets = [0, 0], sizes = [4096, 64], strides = [1, 1]} : vector<4096x128xf32> to vector<4096x64xf32>
    %get3A_2 = arith.constant 0 : index
    %get3A_3 = arith.constant 0 : index
    %get3A_4 = vector.load %arg3[%get3A_2, %get3A_3] : memref<64x1024xf32, #tpu.memory_space<vmem>>, vector<64x1024xf32>
    %dot_general3A = arith.constant dense<0.000000e+00> : vector<4096x1024xf32>
    %dot_general3A_5 = tpu.matmul %slice3A, %get3A_4, %dot_general3A {dimension_numbers = #tpu.dot_dimension_numbers<[1], [0], [0], [1], [0, 0, 1, 1], [], []>, transpose_lhs_hint = false} : vector<4096x64xf32>, vector<64x1024xf32>, vector<4096x1024xf32> -> vector<4096x1024xf32>
    %get3A_6 = arith.constant 0 : index
    %get3A_7 = arith.constant 0 : index
    %get3A_8 = vector.load %arg2[%get3A_6, %get3A_7] : memref<4096x16xbf16, #tpu.memory_space<vmem>>, vector<4096x16xbf16>
    %get3A_9 = arith.constant 0 : index
    %get3A_10 = arith.constant 0 : index
    %get3A_11 = vector.load %arg4[%get3A_9, %get3A_10] : memref<16x1024xbf16, #tpu.memory_space<vmem>>, vector<16x1024xbf16>
    %dot_general3A_12 = arith.constant dense<0.000000e+00> : vector<4096x1024xf32>
    %dot_general3A_13 = tpu.matmul %get3A_8, %get3A_11, %dot_general3A_12 {dimension_numbers = #tpu.dot_dimension_numbers<[1], [0], [0], [1], [0, 0, 1, 1], [], []>, transpose_lhs_hint = false} : vector<4096x16xbf16>, vector<16x1024xbf16>, vector<4096x1024xf32> -> vector<4096x1024xf32>
    %slice3A_14 = vector.extract_strided_slice %dot_general3A_5 {offsets = [0, 0], sizes = [4096, 512], strides = [1, 1]} : vector<4096x1024xf32> to vector<4096x512xf32>
    %slice3A_15 = vector.extract_strided_slice %dot_general3A_13 {offsets = [0, 0], sizes = [4096, 512], strides = [1, 1]} : vector<4096x1024xf32> to vector<4096x512xf32>
    %mul3A = arith.mulf %slice3A_14, %slice3A_15 : vector<4096x512xf32>
    %slice3A_16 = vector.extract_strided_slice %dot_general3A_5 {offsets = [0, 512], sizes = [4096, 512], strides = [1, 1]} : vector<4096x1024xf32> to vector<4096x512xf32>
    %slice3A_17 = vector.extract_strided_slice %dot_general3A_13 {offsets = [0, 512], sizes = [4096, 512], strides = [1, 1]} : vector<4096x1024xf32> to vector<4096x512xf32>
    %mul3A_18 = arith.mulf %slice3A_16, %slice3A_17 : vector<4096x512xf32>
    %add3A = arith.addf %mul3A, %mul3A_18 : vector<4096x512xf32>
    %slice3A_19 = vector.extract_strided_slice %add3A {offsets = [0, 0], sizes = [4096, 256], strides = [1, 1]} : vector<4096x512xf32> to vector<4096x256xf32>
    %slice3A_20 = vector.extract_strided_slice %add3A {offsets = [0, 256], sizes = [4096, 256], strides = [1, 1]} : vector<4096x512xf32> to vector<4096x256xf32>
    %add3A_21 = arith.addf %slice3A_19, %slice3A_20 : vector<4096x256xf32>
    %slice3A_22 = vector.extract_strided_slice %add3A_21 {offsets = [0, 0], sizes = [4096, 128], strides = [1, 1]} : vector<4096x256xf32> to vector<4096x128xf32>
    %slice3A_23 = vector.extract_strided_slice %add3A_21 {offsets = [0, 128], sizes = [4096, 128], strides = [1, 1]} : vector<4096x256xf32> to vector<4096x128xf32>
    %add3A_24 = arith.addf %slice3A_22, %slice3A_23 : vector<4096x128xf32>
    %get3A_25 = arith.constant 0 : index
    %get3A_26 = arith.constant 0 : index
    %get3A_27 = vector.load %arg5[%get3A_25, %get3A_26] : memref<128x128xf32, #tpu.memory_space<vmem>>, vector<128x128xf32>
    %dot_general3A_28 = arith.constant dense<0.000000e+00> : vector<4096x128xf32>
    %dot_general3A_29 = tpu.matmul %add3A_24, %get3A_27, %dot_general3A_28 {dimension_numbers = #tpu.dot_dimension_numbers<[1], [0], [0], [1], [0, 0, 1, 1], [], []>, transpose_lhs_hint = false} : vector<4096x128xf32>, vector<128x128xf32>, vector<4096x128xf32> -> vector<4096x128xf32>
    %get3A_30 = arith.constant 0 : index
    %get3A_31 = arith.constant 0 : index
    %get3A_32 = vector.load %arg6[%get3A_30, %get3A_31] : memref<128x128xf32, #tpu.memory_space<vmem>>, vector<128x128xf32>
    %dot_general3A_33 = arith.constant dense<0.000000e+00> : vector<4096x128xf32>
    %dot_general3A_34 = tpu.matmul %get3A_1, %get3A_32, %dot_general3A_33 {dimension_numbers = #tpu.dot_dimension_numbers<[1], [0], [0], [1], [0, 0, 1, 1], [], []>, transpose_lhs_hint = false} : vector<4096x128xf32>, vector<128x128xf32>, vector<4096x128xf32> -> vector<4096x128xf32>
    %add3A_35 = arith.addf %dot_general3A_29, %dot_general3A_34 : vector<4096x128xf32>
    %swap3A = arith.constant 0 : index
    %swap3A_36 = arith.constant 0 : index
    %swap3A_37 = vector.load %arg7[%swap3A, %swap3A_36] : memref<4096x128xf32, #tpu.memory_space<vmem>>, vector<4096x128xf32>
    tpu.vector_store %arg7[%swap3A, %swap3A_36], %add3A_35 {strides = array<i32>} : memref<4096x128xf32, #tpu.memory_space<vmem>>, vector<4096x128xf32>,
    return
  }
  func.func @transform_0(%arg0: i32) -> (i32, i32) {
    %c0_i32 = arith.constant 0 : i32
    %c0_i32_0 = arith.constant 0 : i32
    return %arg0, %c0_i32 : i32, i32
  }
  func.func @transform_1(%arg0: i32) -> (i32, i32) {
    %c0_i32 = arith.constant 0 : i32
    %c0_i32_0 = arith.constant 0 : i32
    return %arg0, %c0_i32 : i32, i32
  }
  func.func @transform_2(%arg0: i32) -> (i32, i32) {
    %c0_i32 = arith.constant 0 : i32
    %c0_i32_0 = arith.constant 0 : i32
    %c0_i32_1 = arith.constant 0 : i32
    return %c0_i32, %c0_i32_0 : i32, i32
  }
  func.func @transform_3(%arg0: i32) -> (i32, i32) {
    %c0_i32 = arith.constant 0 : i32
    %c0_i32_0 = arith.constant 0 : i32
    %c0_i32_1 = arith.constant 0 : i32
    return %c0_i32, %c0_i32_0 : i32, i32
  }
  func.func @transform_4(%arg0: i32) -> (i32, i32) {
    %c0_i32 = arith.constant 0 : i32
    %c0_i32_0 = arith.constant 0 : i32
    %c0_i32_1 = arith.constant 0 : i32
    return %c0_i32, %c0_i32_0 : i32, i32
  }
  func.func @transform_5(%arg0: i32) -> (i32, i32) {
    %c0_i32 = arith.constant 0 : i32
    %c0_i32_0 = arith.constant 0 : i32
    %c0_i32_1 = arith.constant 0 : i32
    return %c0_i32, %c0_i32_0 : i32, i32
  }
  func.func @transform_6(%arg0: i32) -> (i32, i32) {
    %c0_i32 = arith.constant 0 : i32
    %c0_i32_0 = arith.constant 0 : i32
    return %arg0, %c0_i32 : i32, i32
  }
}

module attributes {stable_mosaic.version = 14 : i64} {
  func.func @_gru_body(%arg0: i32, %arg1: memref<2x2048x128xf32, #tpu.memory_space<vmem>>, %arg2: memref<2048x128xf32, #tpu.memory_space<vmem>>, %arg3: memref<128x128xf32, #tpu.memory_space<vmem>>, %arg4: memref<128x128xf32, #tpu.memory_space<vmem>>, %arg5: memref<128x128xf32, #tpu.memory_space<vmem>>, %arg6: memref<128x128xf32, #tpu.memory_space<vmem>>, %arg7: memref<128x128xf32, #tpu.memory_space<vmem>>, %arg8: memref<128x128xf32, #tpu.memory_space<vmem>>, %arg9: memref<1x128xf32, #tpu.memory_space<vmem>>, %arg10: memref<1x128xf32, #tpu.memory_space<vmem>>, %arg11: memref<1x128xf32, #tpu.memory_space<vmem>>, %arg12: memref<2048x128xf32, #tpu.memory_space<vmem>>) attributes {dimension_semantics = [#tpu.dimension_semantics<arbitrary>], iteration_bounds = array<i64: 4>, scalar_prefetch = 0 : i64, scratch_operands = 0 : i64, tpu.core_type = #tpu.core_type<tc>, window_params = [{transform_indices = @transform_0, window_bounds = array<i64: 2, 2048, 128>}, {transform_indices = @transform_1, window_bounds = array<i64: 2048, 128>}, {pipeline_mode = #tpu.pipeline_mode<synchronous>, transform_indices = @transform_2, window_bounds = array<i64: 128, 128>}, {pipeline_mode = #tpu.pipeline_mode<synchronous>, transform_indices = @transform_3, window_bounds = array<i64: 128, 128>}, {pipeline_mode = #tpu.pipeline_mode<synchronous>, transform_indices = @transform_4, window_bounds = array<i64: 128, 128>}, {pipeline_mode = #tpu.pipeline_mode<synchronous>, transform_indices = @transform_5, window_bounds = array<i64: 128, 128>}, {pipeline_mode = #tpu.pipeline_mode<synchronous>, transform_indices = @transform_6, window_bounds = array<i64: 128, 128>}, {pipeline_mode = #tpu.pipeline_mode<synchronous>, transform_indices = @transform_7, window_bounds = array<i64: 128, 128>}, {pipeline_mode = #tpu.pipeline_mode<synchronous>, transform_indices = @transform_8, window_bounds = array<i64: 1, 128>}, {pipeline_mode = #tpu.pipeline_mode<synchronous>, transform_indices = @transform_9, window_bounds = array<i64: 1, 128>}, {pipeline_mode = #tpu.pipeline_mode<synchronous>, transform_indices = @transform_10, window_bounds = array<i64: 1, 128>}, {transform_indices = @transform_11, window_bounds = array<i64: 2048, 128>}]} {
    %get3A = arith.constant 0 : index
    %get3A_0 = arith.constant 0 : index
    %get3A_1 = arith.constant 0 : index
    %get3A_2 = vector.load %arg1[%get3A, %get3A_0, %get3A_1] : memref<2x2048x128xf32, #tpu.memory_space<vmem>>, vector<1x2048x128xf32>
    %get3A_3 = vector.shape_cast %get3A_2 : vector<1x2048x128xf32> to vector<2048x128xf32>
    %get3A_4 = arith.constant 1 : index
    %get3A_5 = arith.constant 0 : index
    %get3A_6 = arith.constant 0 : index
    %get3A_7 = vector.load %arg1[%get3A_4, %get3A_5, %get3A_6] : memref<2x2048x128xf32, #tpu.memory_space<vmem>>, vector<1x2048x128xf32>
    %get3A_8 = vector.shape_cast %get3A_7 : vector<1x2048x128xf32> to vector<2048x128xf32>
    %add3A = arith.addf %get3A_3, %get3A_8 : vector<2048x128xf32>
    %get3A_9 = arith.constant 0 : index
    %get3A_10 = arith.constant 0 : index
    %get3A_11 = vector.load %arg2[%get3A_9, %get3A_10] : memref<2048x128xf32, #tpu.memory_space<vmem>>, vector<2048x128xf32>
    %get3A_12 = arith.constant 0 : index
    %get3A_13 = arith.constant 0 : index
    %get3A_14 = vector.load %arg3[%get3A_12, %get3A_13] : memref<128x128xf32, #tpu.memory_space<vmem>>, vector<128x128xf32>
    %dot_general3A = arith.constant dense<0.000000e+00> : vector<2048x128xf32>
    %dot_general3A_15 = tpu.matmul %add3A, %get3A_14, %dot_general3A {dimension_numbers = #tpu.dot_dimension_numbers<[1], [0], [0], [1], [0, 0, 1, 1], [], []>, transpose_lhs_hint = false} : vector<2048x128xf32>, vector<128x128xf32>, vector<2048x128xf32> -> vector<2048x128xf32>
    %get3A_16 = arith.constant 0 : index
    %get3A_17 = arith.constant 0 : index
    %get3A_18 = vector.load %arg6[%get3A_16, %get3A_17] : memref<128x128xf32, #tpu.memory_space<vmem>>, vector<128x128xf32>
    %dot_general3A_19 = arith.constant dense<0.000000e+00> : vector<2048x128xf32>
    %dot_general3A_20 = tpu.matmul %get3A_11, %get3A_18, %dot_general3A_19 {dimension_numbers = #tpu.dot_dimension_numbers<[1], [0], [0], [1], [0, 0, 1, 1], [], []>, transpose_lhs_hint = false} : vector<2048x128xf32>, vector<128x128xf32>, vector<2048x128xf32> -> vector<2048x128xf32>
    %add3A_21 = arith.addf %dot_general3A_15, %dot_general3A_20 : vector<2048x128xf32>
    %get3A_22 = arith.constant 0 : index
    %get3A_23 = arith.constant 0 : index
    %get3A_24 = vector.load %arg9[%get3A_22, %get3A_23] : memref<1x128xf32, #tpu.memory_space<vmem>>, vector<1x128xf32>
    %add3A_25 = vector.broadcast %get3A_24 : vector<1x128xf32> to vector<2048x128xf32>
    %add3A_26 = arith.addf %add3A_21, %add3A_25 : vector<2048x128xf32>
    %logistic3A = arith.negf %add3A_26 : vector<2048x128xf32>
    %logistic3A_27 = math.exp %logistic3A : vector<2048x128xf32>
    %logistic3A_28 = arith.constant 1.000000e+00 : f32
    %logistic3A_29 = vector.broadcast %logistic3A_28 : f32 to vector<2048x128xf32>
    %logistic3A_30 = arith.addf %logistic3A_29, %logistic3A_27 : vector<2048x128xf32>
    %logistic3A_31 = arith.divf %logistic3A_29, %logistic3A_30 : vector<2048x128xf32>
    %get3A_32 = arith.constant 0 : index
    %get3A_33 = arith.constant 0 : index
    %get3A_34 = vector.load %arg4[%get3A_32, %get3A_33] : memref<128x128xf32, #tpu.memory_space<vmem>>, vector<128x128xf32>
    %dot_general3A_35 = arith.constant dense<0.000000e+00> : vector<2048x128xf32>
    %dot_general3A_36 = tpu.matmul %add3A, %get3A_34, %dot_general3A_35 {dimension_numbers = #tpu.dot_dimension_numbers<[1], [0], [0], [1], [0, 0, 1, 1], [], []>, transpose_lhs_hint = false} : vector<2048x128xf32>, vector<128x128xf32>, vector<2048x128xf32> -> vector<2048x128xf32>
    %get3A_37 = arith.constant 0 : index
    %get3A_38 = arith.constant 0 : index
    %get3A_39 = vector.load %arg7[%get3A_37, %get3A_38] : memref<128x128xf32, #tpu.memory_space<vmem>>, vector<128x128xf32>
    %dot_general3A_40 = arith.constant dense<0.000000e+00> : vector<2048x128xf32>
    %dot_general3A_41 = tpu.matmul %get3A_11, %get3A_39, %dot_general3A_40 {dimension_numbers = #tpu.dot_dimension_numbers<[1], [0], [0], [1], [0, 0, 1, 1], [], []>, transpose_lhs_hint = false} : vector<2048x128xf32>, vector<128x128xf32>, vector<2048x128xf32> -> vector<2048x128xf32>
    %add3A_42 = arith.addf %dot_general3A_36, %dot_general3A_41 : vector<2048x128xf32>
    %get3A_43 = arith.constant 0 : index
    %get3A_44 = arith.constant 0 : index
    %get3A_45 = vector.load %arg10[%get3A_43, %get3A_44] : memref<1x128xf32, #tpu.memory_space<vmem>>, vector<1x128xf32>
    %add3A_46 = vector.broadcast %get3A_45 : vector<1x128xf32> to vector<2048x128xf32>
    %add3A_47 = arith.addf %add3A_42, %add3A_46 : vector<2048x128xf32>
    %logistic3A_48 = arith.negf %add3A_47 : vector<2048x128xf32>
    %logistic3A_49 = math.exp %logistic3A_48 : vector<2048x128xf32>
    %logistic3A_50 = arith.constant 1.000000e+00 : f32
    %logistic3A_51 = vector.broadcast %logistic3A_50 : f32 to vector<2048x128xf32>
    %logistic3A_52 = arith.addf %logistic3A_51, %logistic3A_49 : vector<2048x128xf32>
    %logistic3A_53 = arith.divf %logistic3A_51, %logistic3A_52 : vector<2048x128xf32>
    %get3A_54 = arith.constant 0 : index
    %get3A_55 = arith.constant 0 : index
    %get3A_56 = vector.load %arg5[%get3A_54, %get3A_55] : memref<128x128xf32, #tpu.memory_space<vmem>>, vector<128x128xf32>
    %dot_general3A_57 = arith.constant dense<0.000000e+00> : vector<2048x128xf32>
    %dot_general3A_58 = tpu.matmul %add3A, %get3A_56, %dot_general3A_57 {dimension_numbers = #tpu.dot_dimension_numbers<[1], [0], [0], [1], [0, 0, 1, 1], [], []>, transpose_lhs_hint = false} : vector<2048x128xf32>, vector<128x128xf32>, vector<2048x128xf32> -> vector<2048x128xf32>
    %mul3A = arith.mulf %get3A_11, %logistic3A_53 : vector<2048x128xf32>
    %get3A_59 = arith.constant 0 : index
    %get3A_60 = arith.constant 0 : index
    %get3A_61 = vector.load %arg8[%get3A_59, %get3A_60] : memref<128x128xf32, #tpu.memory_space<vmem>>, vector<128x128xf32>
    %dot_general3A_62 = arith.constant dense<0.000000e+00> : vector<2048x128xf32>
    %dot_general3A_63 = tpu.matmul %mul3A, %get3A_61, %dot_general3A_62 {dimension_numbers = #tpu.dot_dimension_numbers<[1], [0], [0], [1], [0, 0, 1, 1], [], []>, transpose_lhs_hint = false} : vector<2048x128xf32>, vector<128x128xf32>, vector<2048x128xf32> -> vector<2048x128xf32>
    %add3A_64 = arith.addf %dot_general3A_58, %dot_general3A_63 : vector<2048x128xf32>
    %get3A_65 = arith.constant 0 : index
    %get3A_66 = arith.constant 0 : index
    %get3A_67 = vector.load %arg11[%get3A_65, %get3A_66] : memref<1x128xf32, #tpu.memory_space<vmem>>, vector<1x128xf32>
    %add3A_68 = vector.broadcast %get3A_67 : vector<1x128xf32> to vector<2048x128xf32>
    %add3A_69 = arith.addf %add3A_64, %add3A_68 : vector<2048x128xf32>
    %tanh3A = math.tanh %add3A_69 : vector<2048x128xf32>
    %sub3A = arith.constant 1.000000e+00 : f32
    %sub3A_70 = vector.broadcast %sub3A : f32 to vector<2048x128xf32>
    %sub3A_71 = arith.subf %sub3A_70, %logistic3A_31 : vector<2048x128xf32>
    %mul3A_72 = arith.mulf %sub3A_71, %tanh3A : vector<2048x128xf32>
    %mul3A_73 = arith.mulf %logistic3A_31, %get3A_11 : vector<2048x128xf32>
    %add3A_74 = arith.addf %mul3A_72, %mul3A_73 : vector<2048x128xf32>
    %swap3A = arith.constant 0 : index
    %swap3A_75 = arith.constant 0 : index
    %swap3A_76 = vector.load %arg12[%swap3A, %swap3A_75] : memref<2048x128xf32, #tpu.memory_space<vmem>>, vector<2048x128xf32>
    tpu.vector_store %arg12[%swap3A, %swap3A_75], %add3A_74 {strides = array<i32>} : memref<2048x128xf32, #tpu.memory_space<vmem>>, vector<2048x128xf32>,
    return
  }
  func.func @transform_0(%arg0: i32) -> (i32, i32, i32) {
    %c0_i32 = arith.constant 0 : i32
    %c0_i32_0 = arith.constant 0 : i32
    %c0_i32_1 = arith.constant 0 : i32
    return %c0_i32, %arg0, %c0_i32_0 : i32, i32, i32
  }
  func.func @transform_1(%arg0: i32) -> (i32, i32) {
    %c0_i32 = arith.constant 0 : i32
    %c0_i32_0 = arith.constant 0 : i32
    return %arg0, %c0_i32 : i32, i32
  }
  func.func @transform_2(%arg0: i32) -> (i32, i32) {
    %c0_i32 = arith.constant 0 : i32
    %c0_i32_0 = arith.constant 0 : i32
    %c0_i32_1 = arith.constant 0 : i32
    return %c0_i32, %c0_i32_0 : i32, i32
  }
  func.func @transform_3(%arg0: i32) -> (i32, i32) {
    %c0_i32 = arith.constant 0 : i32
    %c0_i32_0 = arith.constant 0 : i32
    %c0_i32_1 = arith.constant 0 : i32
    return %c0_i32, %c0_i32_0 : i32, i32
  }
  func.func @transform_4(%arg0: i32) -> (i32, i32) {
    %c0_i32 = arith.constant 0 : i32
    %c0_i32_0 = arith.constant 0 : i32
    %c0_i32_1 = arith.constant 0 : i32
    return %c0_i32, %c0_i32_0 : i32, i32
  }
  func.func @transform_5(%arg0: i32) -> (i32, i32) {
    %c0_i32 = arith.constant 0 : i32
    %c0_i32_0 = arith.constant 0 : i32
    %c0_i32_1 = arith.constant 0 : i32
    return %c0_i32, %c0_i32_0 : i32, i32
  }
  func.func @transform_6(%arg0: i32) -> (i32, i32) {
    %c0_i32 = arith.constant 0 : i32
    %c0_i32_0 = arith.constant 0 : i32
    %c0_i32_1 = arith.constant 0 : i32
    return %c0_i32, %c0_i32_0 : i32, i32
  }
  func.func @transform_7(%arg0: i32) -> (i32, i32) {
    %c0_i32 = arith.constant 0 : i32
    %c0_i32_0 = arith.constant 0 : i32
    %c0_i32_1 = arith.constant 0 : i32
    return %c0_i32, %c0_i32_0 : i32, i32
  }
  func.func @transform_8(%arg0: i32) -> (i32, i32) {
    %c0_i32 = arith.constant 0 : i32
    %c0_i32_0 = arith.constant 0 : i32
    %c0_i32_1 = arith.constant 0 : i32
    return %c0_i32, %c0_i32_0 : i32, i32
  }
  func.func @transform_9(%arg0: i32) -> (i32, i32) {
    %c0_i32 = arith.constant 0 : i32
    %c0_i32_0 = arith.constant 0 : i32
    %c0_i32_1 = arith.constant 0 : i32
    return %c0_i32, %c0_i32_0 : i32, i32
  }
  func.func @transform_10(%arg0: i32) -> (i32, i32) {
    %c0_i32 = arith.constant 0 : i32
    %c0_i32_0 = arith.constant 0 : i32
    %c0_i32_1 = arith.constant 0 : i32
    return %c0_i32, %c0_i32_0 : i32, i32
  }
  func.func @transform_11(%arg0: i32) -> (i32, i32) {
    %c0_i32 = arith.constant 0 : i32
    %c0_i32_0 = arith.constant 0 : i32
    return %arg0, %c0_i32 : i32, i32
  }
}

module attributes {stable_mosaic.version = 14 : i64} {
  func.func @_gru_body_final(%arg0: i32, %arg1: memref<2x2048x128xf32, #tpu.memory_space<vmem>>, %arg2: memref<2048x128xf32, #tpu.memory_space<vmem>>, %arg3: memref<128x128xf32, #tpu.memory_space<vmem>>, %arg4: memref<128x128xf32, #tpu.memory_space<vmem>>, %arg5: memref<128x128xf32, #tpu.memory_space<vmem>>, %arg6: memref<128x128xf32, #tpu.memory_space<vmem>>, %arg7: memref<128x128xf32, #tpu.memory_space<vmem>>, %arg8: memref<128x128xf32, #tpu.memory_space<vmem>>, %arg9: memref<1x128xf32, #tpu.memory_space<vmem>>, %arg10: memref<1x128xf32, #tpu.memory_space<vmem>>, %arg11: memref<1x128xf32, #tpu.memory_space<vmem>>, %arg12: memref<2048x64xf32, #tpu.memory_space<vmem>>) attributes {dimension_semantics = [#tpu.dimension_semantics<arbitrary>], iteration_bounds = array<i64: 4>, scalar_prefetch = 0 : i64, scratch_operands = 0 : i64, tpu.core_type = #tpu.core_type<tc>, window_params = [{transform_indices = @transform_0, window_bounds = array<i64: 2, 2048, 128>}, {transform_indices = @transform_1, window_bounds = array<i64: 2048, 128>}, {pipeline_mode = #tpu.pipeline_mode<synchronous>, transform_indices = @transform_2, window_bounds = array<i64: 128, 128>}, {pipeline_mode = #tpu.pipeline_mode<synchronous>, transform_indices = @transform_3, window_bounds = array<i64: 128, 128>}, {pipeline_mode = #tpu.pipeline_mode<synchronous>, transform_indices = @transform_4, window_bounds = array<i64: 128, 128>}, {pipeline_mode = #tpu.pipeline_mode<synchronous>, transform_indices = @transform_5, window_bounds = array<i64: 128, 128>}, {pipeline_mode = #tpu.pipeline_mode<synchronous>, transform_indices = @transform_6, window_bounds = array<i64: 128, 128>}, {pipeline_mode = #tpu.pipeline_mode<synchronous>, transform_indices = @transform_7, window_bounds = array<i64: 128, 128>}, {pipeline_mode = #tpu.pipeline_mode<synchronous>, transform_indices = @transform_8, window_bounds = array<i64: 1, 128>}, {pipeline_mode = #tpu.pipeline_mode<synchronous>, transform_indices = @transform_9, window_bounds = array<i64: 1, 128>}, {pipeline_mode = #tpu.pipeline_mode<synchronous>, transform_indices = @transform_10, window_bounds = array<i64: 1, 128>}, {transform_indices = @transform_11, window_bounds = array<i64: 2048, 64>}]} {
    %get3A = arith.constant 0 : index
    %get3A_0 = arith.constant 0 : index
    %get3A_1 = arith.constant 0 : index
    %get3A_2 = vector.load %arg1[%get3A, %get3A_0, %get3A_1] : memref<2x2048x128xf32, #tpu.memory_space<vmem>>, vector<1x2048x128xf32>
    %get3A_3 = vector.shape_cast %get3A_2 : vector<1x2048x128xf32> to vector<2048x128xf32>
    %get3A_4 = arith.constant 1 : index
    %get3A_5 = arith.constant 0 : index
    %get3A_6 = arith.constant 0 : index
    %get3A_7 = vector.load %arg1[%get3A_4, %get3A_5, %get3A_6] : memref<2x2048x128xf32, #tpu.memory_space<vmem>>, vector<1x2048x128xf32>
    %get3A_8 = vector.shape_cast %get3A_7 : vector<1x2048x128xf32> to vector<2048x128xf32>
    %add3A = arith.addf %get3A_3, %get3A_8 : vector<2048x128xf32>
    %get3A_9 = arith.constant 0 : index
    %get3A_10 = arith.constant 0 : index
    %get3A_11 = vector.load %arg2[%get3A_9, %get3A_10] : memref<2048x128xf32, #tpu.memory_space<vmem>>, vector<2048x128xf32>
    %get3A_12 = arith.constant 0 : index
    %get3A_13 = arith.constant 0 : index
    %get3A_14 = vector.load %arg3[%get3A_12, %get3A_13] : memref<128x128xf32, #tpu.memory_space<vmem>>, vector<128x128xf32>
    %dot_general3A = arith.constant dense<0.000000e+00> : vector<2048x128xf32>
    %dot_general3A_15 = tpu.matmul %add3A, %get3A_14, %dot_general3A {dimension_numbers = #tpu.dot_dimension_numbers<[1], [0], [0], [1], [0, 0, 1, 1], [], []>, transpose_lhs_hint = false} : vector<2048x128xf32>, vector<128x128xf32>, vector<2048x128xf32> -> vector<2048x128xf32>
    %get3A_16 = arith.constant 0 : index
    %get3A_17 = arith.constant 0 : index
    %get3A_18 = vector.load %arg6[%get3A_16, %get3A_17] : memref<128x128xf32, #tpu.memory_space<vmem>>, vector<128x128xf32>
    %dot_general3A_19 = arith.constant dense<0.000000e+00> : vector<2048x128xf32>
    %dot_general3A_20 = tpu.matmul %get3A_11, %get3A_18, %dot_general3A_19 {dimension_numbers = #tpu.dot_dimension_numbers<[1], [0], [0], [1], [0, 0, 1, 1], [], []>, transpose_lhs_hint = false} : vector<2048x128xf32>, vector<128x128xf32>, vector<2048x128xf32> -> vector<2048x128xf32>
    %add3A_21 = arith.addf %dot_general3A_15, %dot_general3A_20 : vector<2048x128xf32>
    %get3A_22 = arith.constant 0 : index
    %get3A_23 = arith.constant 0 : index
    %get3A_24 = vector.load %arg9[%get3A_22, %get3A_23] : memref<1x128xf32, #tpu.memory_space<vmem>>, vector<1x128xf32>
    %add3A_25 = vector.broadcast %get3A_24 : vector<1x128xf32> to vector<2048x128xf32>
    %add3A_26 = arith.addf %add3A_21, %add3A_25 : vector<2048x128xf32>
    %logistic3A = arith.negf %add3A_26 : vector<2048x128xf32>
    %logistic3A_27 = math.exp %logistic3A : vector<2048x128xf32>
    %logistic3A_28 = arith.constant 1.000000e+00 : f32
    %logistic3A_29 = vector.broadcast %logistic3A_28 : f32 to vector<2048x128xf32>
    %logistic3A_30 = arith.addf %logistic3A_29, %logistic3A_27 : vector<2048x128xf32>
    %logistic3A_31 = arith.divf %logistic3A_29, %logistic3A_30 : vector<2048x128xf32>
    %get3A_32 = arith.constant 0 : index
    %get3A_33 = arith.constant 0 : index
    %get3A_34 = vector.load %arg4[%get3A_32, %get3A_33] : memref<128x128xf32, #tpu.memory_space<vmem>>, vector<128x128xf32>
    %dot_general3A_35 = arith.constant dense<0.000000e+00> : vector<2048x128xf32>
    %dot_general3A_36 = tpu.matmul %add3A, %get3A_34, %dot_general3A_35 {dimension_numbers = #tpu.dot_dimension_numbers<[1], [0], [0], [1], [0, 0, 1, 1], [], []>, transpose_lhs_hint = false} : vector<2048x128xf32>, vector<128x128xf32>, vector<2048x128xf32> -> vector<2048x128xf32>
    %get3A_37 = arith.constant 0 : index
    %get3A_38 = arith.constant 0 : index
    %get3A_39 = vector.load %arg7[%get3A_37, %get3A_38] : memref<128x128xf32, #tpu.memory_space<vmem>>, vector<128x128xf32>
    %dot_general3A_40 = arith.constant dense<0.000000e+00> : vector<2048x128xf32>
    %dot_general3A_41 = tpu.matmul %get3A_11, %get3A_39, %dot_general3A_40 {dimension_numbers = #tpu.dot_dimension_numbers<[1], [0], [0], [1], [0, 0, 1, 1], [], []>, transpose_lhs_hint = false} : vector<2048x128xf32>, vector<128x128xf32>, vector<2048x128xf32> -> vector<2048x128xf32>
    %add3A_42 = arith.addf %dot_general3A_36, %dot_general3A_41 : vector<2048x128xf32>
    %get3A_43 = arith.constant 0 : index
    %get3A_44 = arith.constant 0 : index
    %get3A_45 = vector.load %arg10[%get3A_43, %get3A_44] : memref<1x128xf32, #tpu.memory_space<vmem>>, vector<1x128xf32>
    %add3A_46 = vector.broadcast %get3A_45 : vector<1x128xf32> to vector<2048x128xf32>
    %add3A_47 = arith.addf %add3A_42, %add3A_46 : vector<2048x128xf32>
    %logistic3A_48 = arith.negf %add3A_47 : vector<2048x128xf32>
    %logistic3A_49 = math.exp %logistic3A_48 : vector<2048x128xf32>
    %logistic3A_50 = arith.constant 1.000000e+00 : f32
    %logistic3A_51 = vector.broadcast %logistic3A_50 : f32 to vector<2048x128xf32>
    %logistic3A_52 = arith.addf %logistic3A_51, %logistic3A_49 : vector<2048x128xf32>
    %logistic3A_53 = arith.divf %logistic3A_51, %logistic3A_52 : vector<2048x128xf32>
    %get3A_54 = arith.constant 0 : index
    %get3A_55 = arith.constant 0 : index
    %get3A_56 = vector.load %arg5[%get3A_54, %get3A_55] : memref<128x128xf32, #tpu.memory_space<vmem>>, vector<128x128xf32>
    %dot_general3A_57 = arith.constant dense<0.000000e+00> : vector<2048x128xf32>
    %dot_general3A_58 = tpu.matmul %add3A, %get3A_56, %dot_general3A_57 {dimension_numbers = #tpu.dot_dimension_numbers<[1], [0], [0], [1], [0, 0, 1, 1], [], []>, transpose_lhs_hint = false} : vector<2048x128xf32>, vector<128x128xf32>, vector<2048x128xf32> -> vector<2048x128xf32>
    %mul3A = arith.mulf %get3A_11, %logistic3A_53 : vector<2048x128xf32>
    %get3A_59 = arith.constant 0 : index
    %get3A_60 = arith.constant 0 : index
    %get3A_61 = vector.load %arg8[%get3A_59, %get3A_60] : memref<128x128xf32, #tpu.memory_space<vmem>>, vector<128x128xf32>
    %dot_general3A_62 = arith.constant dense<0.000000e+00> : vector<2048x128xf32>
    %dot_general3A_63 = tpu.matmul %mul3A, %get3A_61, %dot_general3A_62 {dimension_numbers = #tpu.dot_dimension_numbers<[1], [0], [0], [1], [0, 0, 1, 1], [], []>, transpose_lhs_hint = false} : vector<2048x128xf32>, vector<128x128xf32>, vector<2048x128xf32> -> vector<2048x128xf32>
    %add3A_64 = arith.addf %dot_general3A_58, %dot_general3A_63 : vector<2048x128xf32>
    %get3A_65 = arith.constant 0 : index
    %get3A_66 = arith.constant 0 : index
    %get3A_67 = vector.load %arg11[%get3A_65, %get3A_66] : memref<1x128xf32, #tpu.memory_space<vmem>>, vector<1x128xf32>
    %add3A_68 = vector.broadcast %get3A_67 : vector<1x128xf32> to vector<2048x128xf32>
    %add3A_69 = arith.addf %add3A_64, %add3A_68 : vector<2048x128xf32>
    %tanh3A = math.tanh %add3A_69 : vector<2048x128xf32>
    %sub3A = arith.constant 1.000000e+00 : f32
    %sub3A_70 = vector.broadcast %sub3A : f32 to vector<2048x128xf32>
    %sub3A_71 = arith.subf %sub3A_70, %logistic3A_31 : vector<2048x128xf32>
    %mul3A_72 = arith.mulf %sub3A_71, %tanh3A : vector<2048x128xf32>
    %mul3A_73 = arith.mulf %logistic3A_31, %get3A_11 : vector<2048x128xf32>
    %add3A_74 = arith.addf %mul3A_72, %mul3A_73 : vector<2048x128xf32>
    %slice3A = vector.extract_strided_slice %add3A_74 {offsets = [0, 0], sizes = [2048, 64], strides = [1, 1]} : vector<2048x128xf32> to vector<2048x64xf32>
    %swap3A = arith.constant 0 : index
    %swap3A_75 = arith.constant 0 : index
    %swap3A_76 = vector.load %arg12[%swap3A, %swap3A_75] : memref<2048x64xf32, #tpu.memory_space<vmem>>, vector<2048x64xf32>
    tpu.vector_store %arg12[%swap3A, %swap3A_75], %slice3A {strides = array<i32>} : memref<2048x64xf32, #tpu.memory_space<vmem>>, vector<2048x64xf32>,
    return
  }
  func.func @transform_0(%arg0: i32) -> (i32, i32, i32) {
    %c0_i32 = arith.constant 0 : i32
    %c0_i32_0 = arith.constant 0 : i32
    %c0_i32_1 = arith.constant 0 : i32
    return %c0_i32, %arg0, %c0_i32_0 : i32, i32, i32
  }
  func.func @transform_1(%arg0: i32) -> (i32, i32) {
    %c0_i32 = arith.constant 0 : i32
    %c0_i32_0 = arith.constant 0 : i32
    return %arg0, %c0_i32 : i32, i32
  }
  func.func @transform_2(%arg0: i32) -> (i32, i32) {
    %c0_i32 = arith.constant 0 : i32
    %c0_i32_0 = arith.constant 0 : i32
    %c0_i32_1 = arith.constant 0 : i32
    return %c0_i32, %c0_i32_0 : i32, i32
  }
  func.func @transform_3(%arg0: i32) -> (i32, i32) {
    %c0_i32 = arith.constant 0 : i32
    %c0_i32_0 = arith.constant 0 : i32
    %c0_i32_1 = arith.constant 0 : i32
    return %c0_i32, %c0_i32_0 : i32, i32
  }
  func.func @transform_4(%arg0: i32) -> (i32, i32) {
    %c0_i32 = arith.constant 0 : i32
    %c0_i32_0 = arith.constant 0 : i32
    %c0_i32_1 = arith.constant 0 : i32
    return %c0_i32, %c0_i32_0 : i32, i32
  }
  func.func @transform_5(%arg0: i32) -> (i32, i32) {
    %c0_i32 = arith.constant 0 : i32
    %c0_i32_0 = arith.constant 0 : i32
    %c0_i32_1 = arith.constant 0 : i32
    return %c0_i32, %c0_i32_0 : i32, i32
  }
  func.func @transform_6(%arg0: i32) -> (i32, i32) {
    %c0_i32 = arith.constant 0 : i32
    %c0_i32_0 = arith.constant 0 : i32
    %c0_i32_1 = arith.constant 0 : i32
    return %c0_i32, %c0_i32_0 : i32, i32
  }
  func.func @transform_7(%arg0: i32) -> (i32, i32) {
    %c0_i32 = arith.constant 0 : i32
    %c0_i32_0 = arith.constant 0 : i32
    %c0_i32_1 = arith.constant 0 : i32
    return %c0_i32, %c0_i32_0 : i32, i32
  }
  func.func @transform_8(%arg0: i32) -> (i32, i32) {
    %c0_i32 = arith.constant 0 : i32
    %c0_i32_0 = arith.constant 0 : i32
    %c0_i32_1 = arith.constant 0 : i32
    return %c0_i32, %c0_i32_0 : i32, i32
  }
  func.func @transform_9(%arg0: i32) -> (i32, i32) {
    %c0_i32 = arith.constant 0 : i32
    %c0_i32_0 = arith.constant 0 : i32
    %c0_i32_1 = arith.constant 0 : i32
    return %c0_i32, %c0_i32_0 : i32, i32
  }
  func.func @transform_10(%arg0: i32) -> (i32, i32) {
    %c0_i32 = arith.constant 0 : i32
    %c0_i32_0 = arith.constant 0 : i32
    %c0_i32_1 = arith.constant 0 : i32
    return %c0_i32, %c0_i32_0 : i32, i32
  }
  func.func @transform_11(%arg0: i32) -> (i32, i32) {
    %c0_i32 = arith.constant 0 : i32
    %c0_i32_0 = arith.constant 0 : i32
    return %arg0, %c0_i32 : i32, i32
  }
}

</mosaic_0001>

<sc_bundles>
// kernel: kernel.14.cloned.1.call-start
scs
__scs_entry_jumppad:
0x0: {  	(pc) =	sbr.rel $0x88, $3  }
0x1: {  	(tag) =	ssettag $0x0;
	lr =	simm.s32 $0x1  }
0x2: {  	[smem:$0x3F93] =	sst lr;
	_ =	strace $0xD0000000  }
0x3: {  	_ = 	snop  }
0x4: {  	_ = 	snop  }
0x5: {  	_ = 	snop  }
0x6: {  	_ = 	snop  }
0x7: {  	_ = 	snop  }
__scs_overlays_trampoline_lowered:
0x8: {  	[smem:$0x3FA2] =	sst s0  }
0x9: {  	[smem:$0x3FA3] =	sst s1  }
0xa: {  	[smem:$0x3FA4] =	sst s2  }
0xb: {  	[smem:$0x3FA5] =	sst s3  }
0xc: {  	[smem:$0x3FA6] =	sst s4  }
0xd: {  	[smem:$0x3FA7] =	sst s5  }
0xe: {  	[smem:$0x3FA8] =	sst s6  }
0xf: {  	[smem:$0x3FA9] =	sst s7  }
0x10: {  	[smem:$0x3FAA] =	sst s8  }
0x11: {  	[smem:$0x3FAB] =	sst s9;
	s0 =	simm.s32 @!p0 $0x0  }
0x12: {  	s1 =	sld [smem:$0x3F91];
	s0 =	simm.s32 @p0 $0x1  }
0x13: {  	[smem:$0x3FAC] =	sst s0;
	s0 =	simm.s32 @!p1 $0x0  }
0x14: {  	s2 =	sld [smem:$0x3F90];
	s0 =	simm.s32 @p1 $0x1  }
0x15: {  	[smem:$0x3FAD] =	sst s0;
	s0 =	simm.s32 @!p2 $0x0  }
0x16: {  	s3 =	sld [smem:$0x3FDB];
	s0 =	simm.s32 @p2 $0x1  }
0x17: {  	s4 =	simm.s32 $0x1BF5;
	[smem:$0x3FAF] =	sst s0  }
0x18: {  	s0 =	sld [smem:$0x3F92];
	_ =	swait.ge [sflag:s4], $0x0  }
0x19: {  	s7 =	sld [smem:$0x3F93]  }
0x1a: {  	s8 =	sadd.s32 $0xFFFFE003, lr  }
0x1b: {  	s9 =	sadd.s32 $0xFFFFFEF7, lr;
	s5 =	simm.s32 $0xFFFFFFFF;
	p2 =	slt.u32 s8, $0xFFFFF086  }
0x1c: {  	p1 =	slt.u32 s9, $0xF7A;
	s5 =	simm.s32 @!p2 $0x0  }
0x1d: {  	s5 =	simm.s32 @p1 $0x1;
	p0 =	seq.s32 s7, s2  }
0x1e: {  	s7 =	smul.u32 @!p0 $0xF7A, s2;
	p2 =	seq.s32 @!p0 s5, $0x0  }
0x1f: {  	s9 =	smul.u32 $0xF7A, s1;
	s8 =	simm.s32 @!p0 $0x1BF5;
	p2 =	por !p2, p0  }
0x20: {  	[sflag:s8] =	ssyncset.s32 @!p0 $0xFFFFF086;
	s6 =	sadd.s32 @!p0 s3, s7;
	s7 =	simm.s32 @!p0 $0x108  }
0x21: {  	s3 =	sadd.s32 s3, s9;
	s6 =	sadd.s32 @!p0 $0x88, s6;
	s7 =	simm.s32 @p2 $0x1082  }
0x22: {  	[simem:s7], [sflag:s8] =	dma.local @!p0 [hbm:s6], $0xF7A  }
0x23: {  	s9 =	sor.u32 $0xD0000000, s2;
	s6 =	simm.s32 $0x108;
	_ =	swait.ge @!p0 [sflag:s8], $0x0  }
0x24: {  	s3 =	sadd.s32 $0x88, s3;
	s6 =	simm.s32 @!p1 $0x1082;
	[sflag:s4] =	ssyncset.s32 $0xFFFFF086  }
0x25: {  	[simem:s6], [sflag:s4] =	dma.local [hbm:s3], $0xF7A  }
0x26: {  	[smem:$0x3F93] =	sst s1;
	(tag) =	ssettag s2;
	_ =	strace s9  }
0x27: {  	s1 =	sld [smem:$0x3FA3]  }
0x28: {  	s2 =	sld [smem:$0x3FA4]  }
0x29: {  	s4 =	sld [smem:$0x3FA6]  }
0x2a: {  	p0 =	seq.s32 s5, $0x0;
	s5 =	sld [smem:$0x3FA7]  }
0x2b: {  	s6 =	sld [smem:$0x3FA8]  }
0x2c: {  	s7 =	sld [smem:$0x3FA9]  }
0x2d: {  	s3 =	simm.s32 $0x108;
	s8 =	sld [smem:$0x3FAA]  }
0x2e: {  	s3 =	simm.s32 @!p0 $0x1082;
	s9 =	sld [smem:$0x3FAB]  }
0x2f: {  	lr =	sadd.s32 s0, s3;
	s0 =	sld [smem:$0x3FA2]  }
0x30: {  	s3 =	sld [smem:$0x3FA5]  }
0x31: {  	[smem:$0x3FAE] =	sst s10  }
0x32: {  	s10 =	sld [smem:$0x3FAC];
	_ =	sdelay $0x3  }
0x33: {  	p0 =	seq.s32 s10, $0x1;
	s10 =	sld [smem:$0x3FAE];
	_ =	sdelay $0x3  }
0x34: {  	[smem:$0x3FAE] =	sst s10  }
0x35: {  	s10 =	sld [smem:$0x3FAD];
	_ =	sdelay $0x3  }
0x36: {  	p1 =	seq.s32 s10, $0x1;
	s10 =	sld [smem:$0x3FAE];
	_ =	sdelay $0x3  }
0x37: {  	[smem:$0x3FAE] =	sst s10  }
0x38: {  	s10 =	sld [smem:$0x3FAF]  }
0x39: {  	_ = 	snop;
	(pc) =	sbr.ind lr, $3  }
0x3a: {  	_ = 	snop  }
0x3b: {  	_ = 	snop  }
0x3c: {  	p2 =	seq.s32 s10, $0x1;
	s10 =	sld [smem:$0x3FAE]  }
0x3d: {  	_ =	shalt  }
0x3e: {  	_ =	shalt  }
0x3f: {  	_ =	shalt  }
0x40: {  	_ =	shalt  }
0x41: {  	_ =	shalt  }
0x42: {  	_ =	shalt  }
0x43: {  	_ =	shalt  }
0x44: {  	_ =	shalt  }
0x45: {  	_ =	shalt  }
0x46: {  	_ =	shalt  }
0x47: {  	_ =	shalt  }
0x48: {  	_ =	shalt  }
0x49: {  	_ =	shalt  }
0x4a: {  	_ =	shalt  }
0x4b: {  	_ =	shalt  }
0x4c: {  	_ =	shalt  }
0x4d: {  	_ =	shalt  }
0x4e: {  	_ =	shalt  }
0x4f: {  	_ =	shalt  }
0x50: {  	_ =	shalt  }
0x51: {  	_ =	shalt  }
0x52: {  	_ =	shalt  }
0x53: {  	_ =	shalt  }
0x54: {  	_ =	shalt  }
0x55: {  	_ =	shalt  }
0x56: {  	_ =	shalt  }
0x57: {  	_ =	shalt  }
0x58: {  	_ =	shalt  }
0x59: {  	_ =	shalt  }
0x5a: {  	_ =	shalt  }
0x5b: {  	_ =	shalt  }
0x5c: {  	_ =	shalt  }
0x5d: {  	_ =	shalt  }
0x5e: {  	_ =	shalt  }
0x5f: {  	_ =	shalt  }
0x60: {  	_ =	shalt  }
0x61: {  	_ =	shalt  }
0x62: {  	_ =	shalt  }
0x63: {  	_ =	shalt  }
0x64: {  	_ =	shalt  }
0x65: {  	_ =	shalt  }
0x66: {  	_ =	shalt  }
0x67: {  	_ =	shalt  }
0x68: {  	_ =	shalt  }
0x69: {  	_ =	shalt  }
0x6a: {  	_ =	shalt  }
0x6b: {  	_ =	shalt  }
0x6c: {  	_ =	shalt  }
0x6d: {  	_ =	shalt  }
0x6e: {  	_ =	shalt  }
0x6f: {  	_ =	shalt  }
0x70: {  	_ =	shalt  }
0x71: {  	_ =	shalt  }
0x72: {  	_ =	shalt  }
0x73: {  	_ =	shalt  }
0x74: {  	_ =	shalt  }
0x75: {  	_ =	shalt  }
0x76: {  	_ =	shalt  }
0x77: {  	_ =	shalt  }
0x78: {  	_ =	shalt  }
0x79: {  	_ =	shalt  }
0x7a: {  	_ =	shalt  }
0x7b: {  	_ =	shalt  }
0x7c: {  	_ =	shalt  }
0x7d: {  	_ =	shalt  }
0x7e: {  	_ =	shalt  }
0x7f: {  	_ =	shalt  }
0x80: {  	_ =	shalt  }
0x81: {  	_ =	shalt  }
0x82: {  	_ =	shalt  }
0x83: {  	_ =	shalt  }
0x84: {  	_ =	shalt  }
0x85: {  	_ =	shalt  }
0x86: {  	_ =	shalt  }
0x87: {  	_ =	shalt  }
.Lfunc_end0:
.L_simem_size_0:
called_computation_lowered:
.L_overlay_start_0:
0x88: {  	s2 =	sld [smem:$0x3FD9]  }
0x89: {  	s3 =	sld [smem:$0x3FFE];
	_ =	sdelay $0x1  }
0x8a: {  	s1 =	srdreg.scid  }
0x8b: {  	s0 =	sand.u32 $0x1, s1  }
0x8c: {  	s16 =	sshll.u32 s0, $0xA;
	s2 =	sadd.s32 s3, s2  }
0x8d: {  	s2 =	sadd.s32 s2, s16  }
0x8e: {  	[smem:$0x3FBA] =	sst s2  }
0x8f: {  	_ = 	snop  }
0x90: {  	(tm) =	ssettm $0x1  }
0x91: {  	s17 =	sld [smem:$0x3FFB];
	_ =	sdelay $0x3  }
0x92: {  	_ =	strace s17  }
0x93: {  	s2 =	sld [smem:$0x3FFC];
	_ =	sdelay $0x3  }
0x94: {  	_ =	strace s2  }
0x95: {  	s2 =	sld [smem:$0x3FFD];
	_ =	sdelay $0x3  }
0x96: {  	_ =	strace s2  }
0x97: {  	_ =	strace $0x8FFFFFFF  }
0x98: {  	s18 =	sld [smem:$0x3FDB];
	_ =	sdelay $0x1  }
0x99: {  	s19 =	simm.s32 $_scs_section_size  }
0x9a: {  	s4 =	simm.s32 $_size__tile_overlayer_lowered;
	s5 =	simm.s32 $_tile_overlayer_lowered  }
0x9b: {  	s22 =	simm.s32 $0x1BFF;
	s21 =	sshll.u32 s5, $0x1;
	s2 =	sadd.s32 s19, s18  }
0x9c: {  	s6 =	simm.s32 $0x0;
	s20 =	sshll.u32 s4, $0x1;
	s4 =	sadd.s32 s21, s2  }
0x9d: {  	[timem:s6], [sflag:s22] =	dma.local [hbm:s4], s20  }
0x9e: {  	_ =	swait.ge [sflag:s22], s20  }
0x9f: {  	s3 =	ssub.s32 $0x0, s20;
	[sflag:s22] =	ssyncset.done $0x0  }
0xa0: {  	[sflag:s22] =	ssyncadd.s32 s3;
	_ =	sdelay $0x1  }
0xa1: {  	s23 =	simm.s32 $0x1B8B  }
0xa2: {  	_ =	swait.ge [sflag:s23], $0x1  }
0xa3: {  	[sflag:s23] =	ssyncset.done $0x0  }
0xa4: {  	s25 =	simm.s32 $0x1B8E;
	s24 =	sld [smem:$0x3FFE];
	[sflag:s23] =	ssyncadd.s32 $0xFFFFFFFF  }
0xa5: {  	s26 =	simm.s32 $execute0_lowered;
	[smem:$0x3FD2] =	sst s25  }
0xa6: {  	s4 =	sshll.u32 s26, $0x1;
	_ =	strace $0x80000046;
	[dreg:$0x1] =	wrdreg $0xFFFFFFFF  }
0xa7: {  	s28 =	simm.s32 $_size_execute0_lowered;
	s2 =	sadd.s32 s2, s4;
	[dreg:$0x0] =	wrdreg $0x0  }
0xa8: {  	s4 =	sshll.u32 s28, $0x1;
	[dreg:$0x2] =	wrdreg s2  }
0xa9: {  	[dreg:$0x3] =	wrdreg s4  }
0xaa: {  	[dreg:$0x4] =	wrdreg $0xC0  }
0xab: {  	_ =	task [dreg:s6], $0x5FFFF  }
0xac: {  	[dreg:$0x1] =	wrdreg $0xFFFFFFFF  }
0xad: {  	[dreg:$0x0] =	wrdreg $0x60  }
0xae: {  	[dreg:$0x2] =	wrdreg s24  }
0xaf: {  	[dreg:$0x3] =	wrdreg $0x9  }
0xb0: {  	_ =	task.clear_ibuf [dreg:s6], $0x4FFFF;
	_ =	strace $0x90000046  }
0xb1: {  	s29 =	simm.s32 $0x9;
	_ =	strace $0x80000048  }
0xb2: {  	_ =	swait.ge [sflag:s29], $0x1  }
0xb3: {  	[sflag:s29] =	ssyncadd.s32 $0xFFFFFFFF  }
0xb4: {  	_ =	strace $0x90000048  }
0xb5: {  	_ =	sfence  }
0xb6: {  	s30 =	sld [smem:$0x0];
	_ =	sdelay $0x2  }
0xb7: {  	s31 =	sshll.u32 s1, $0xD;
	s1 =	sshrl.u32 s1, $0x2  }
0xb8: {  	s3 =	sand.u32 $0x4000, s31;
	s1 =	sadd.s32 s1, s30  }
0xb9: {  	s0 =	sor.u32 s3, s0;
	s1 =	sshll.u32 s1, $0x11  }
0xba: {  	s0 =	sor.u32 s1, s0  }
0xbb: {  	s0 =	sadd.s32 $0x8F2B, s0  }
0xbc: {  	[sflag:s0] =	ssyncadd.remote.s32 $0x1  }
0xbd: {  	_ =	sfence.sel $0xFFFF  }
0xbe: {  	[dreg:$0x0] =	wrdreg $0xFFFFFFFF;
	(pc) =	sbr.abs _section_cstart, $3  }
0xbf: {  	[dreg:$0x1] =	wrdreg $0xFFFFFFFF  }
0xc0: {  	_ =	task.clear_ibuf [dreg:s6], $0x2FFFF;
	_ =	strace $0x9FFFFFFF  }
0xc1: {  	(tm) =	ssettm $0x7FFFFFFF  }
tec
execute0_lowered:
.L_overlay_start_1:
0x0: {  	(tag) =	ssettag $0x1  }
0x1: {  	s1 =	srdreg.scid;
	s0 =	stileid.u32  }
0x2: {  	s18 =	sand.u32 $0x1, s1;
	s29 =	sshll.u32 s0, $0x1  }
0x3: {  	s19 =	rddreg [dreg:$0x0];
	s20 =	sor.u32 s18, s29  }
0x4: {  	s2 =	simm.s32 $0x0;
	s1 =	rddreg [dreg:$0x1];
	s3 =	sshll.u32 s20, $0x7  }
0x5: {  	[smem:$0x7FF] =	sst s2;
	s3 =	sadd.s32 s3, s19  }
0x6: {  	_ =	strace $0x80000047;
	s4 =	sadd.s32 $0x7200, s3;
	s3 =	simm.s32 $0x2  }
0x7: {  	[tilespmem:s2], [sflag:$0x2] =	stream.linear.gather [hbm4b:s4+s2], $0x300, $0x38;
	[tilespmem:$0x18400] =	vst v63  }
0x8: {  	_ =	swait.ge [sflag:s3], $0x300  }
0x9: {  	s6 =	simm.s32 $0x80;
	[sflag:s3] =	ssyncset.done $0x0  }
0xa: {  	s7 =	simm.s32 $0x400;
	s5 =	sadd.s32 $0x8200, s19;
	[sflag:s3] =	ssyncadd.s32 $0xFFFFFD00  }
0xb: {  	[tilespmem:s7], [sflag:$0x1] =	stream.indirect.gather [hbm4b:s5+s6], $0x80, s2, s6, $0xb8;
	[tilespmem:$0x18400] =	vst v63  }
0xc: {  	s8 =	simm.s32 $0x4400  }
0xd: {  	[tilespmem:s8], [sflag:$0x1] =	stream.indirect.gather [hbm4b:s5+s6], $0x80, s6, s6, $0xb8;
	[tilespmem:$0x18400] =	vst v63  }
0xe: {  	s9 =	simm.s32 $0x100;
	s10 =	simm.s32 $0x8400  }
0xf: {  	[tilespmem:s10], [sflag:$0x1] =	stream.indirect.gather [hbm4b:s5+s6], $0x80, s9, s6, $0xb8;
	[tilespmem:$0x18400] =	vst v63  }
0x10: {  	s11 =	simm.s32 $0x180;
	s12 =	simm.s32 $0xC400  }
0x11: {  	[tilespmem:s12], [sflag:$0x1] =	stream.indirect.gather [hbm4b:s5+s6], $0x80, s11, s6, $0xb8;
	[tilespmem:$0x18400] =	vst v63  }
0x12: {  	s13 =	simm.s32 $0x200;
	s14 =	simm.s32 $0x10400  }
0x13: {  	[tilespmem:s14], [sflag:$0x1] =	stream.indirect.gather [hbm4b:s5+s6], $0x80, s13, s6, $0xb8;
	[tilespmem:$0x18400] =	vst v63  }
0x14: {  	s15 =	simm.s32 $0x280;
	s16 =	simm.s32 $0x14400;
	s17 =	simm.s32 $0x1  }
0x15: {  	[tilespmem:s16], [sflag:$0x1] =	stream.indirect.gather [hbm4b:s5+s6], $0x80, s15, s6, $0xb8;
	[tilespmem:$0x18400] =	vst v63  }
0x16: {  	_ =	swait.ge [sflag:s17], $0x4000  }
0x17: {  	[sflag:s17] =	ssyncset.done $0x0  }
0x18: {  	[sflag:s17] =	ssyncadd.s32 $0xFFFFC000  }
0x19: {  	_ =	swait.ge [sflag:s17], $0x4000  }
0x1a: {  	[sflag:s17] =	ssyncset.done $0x0  }
0x1b: {  	[sflag:s17] =	ssyncadd.s32 $0xFFFFC000  }
0x1c: {  	_ =	swait.ge [sflag:s17], $0x4000  }
0x1d: {  	[sflag:s17] =	ssyncset.done $0x0  }
0x1e: {  	[sflag:s17] =	ssyncadd.s32 $0xFFFFC000  }
0x1f: {  	_ =	swait.ge [sflag:s17], $0x4000  }
0x20: {  	[sflag:s17] =	ssyncset.done $0x0  }
0x21: {  	s18 =	ssub.s32 $0x2, s18;
	[sflag:s17] =	ssyncadd.s32 $0xFFFFC000  }
0x22: {  	s21 =	sshrl.u32 s18, $0x1;
	_ =	swait.ge [sflag:s17], $0x4000  }
0x23: {  	s30 =	ssub.s32 s18, s21;
	[sflag:s17] =	ssyncset.done $0x0  }
0x24: {  	s20 =	smul.u32 $0x3000, s20;
	s31 =	smax.u32 s30, $0x1;
	[sflag:s17] =	ssyncadd.s32 $0xFFFFC000  }
0x25: {  	p0 =	sne.s32 s31, $0x1;
	_ =	swait.ge [sflag:s17], $0x4000  }
.Ltmp0:
0x26: {  	s19 =	sadd.s32 s20, s19;
	[sflag:s17] =	ssyncset.done $0x0;
	(pc) =	sbr.rel @!p0 .LBB2_2-.Ltmp0, $4  }
0x27: {  	s18 =	sadd.s32 $0x28200, s19;
	[sflag:s17] =	ssyncadd.s32 $0xFFFFC000  }
0x28: {  	[hbm4b:s18+s2] =	stream.linear.scatter [tilespmem:s7], [sflag:$0x2], $0x18000, $0x38;
	[tilespmem:$0x18400] =	vst v63  }
0x29: {  	_ =	swait.ge [sflag:s3], $0x18000  }
0x2a: {  	s19 =	sadd.s32 $0xFFFFFFFF, s31;
	[sflag:s3] =	ssyncset.done $0x0  }
.LBB2_1:
0x2b: {  	p0 =	sne.s32 s19, $0x1;
	s19 =	sadd.s32 $0xFFFFFFFF, s19;
	[sflag:s3] =	ssyncadd.s32 $0xFFFE8000  }
0x2c: {  	[tilespmem:s2], [sflag:$0x2] =	stream.linear.gather [hbm4b:s4+s2], $0x300, $0x38;
	[tilespmem:$0x18400] =	vst v63  }
0x2d: {  	_ =	swait.ge [sflag:s3], $0x300  }
0x2e: {  	[sflag:s3] =	ssyncset.done $0x0  }
0x2f: {  	[sflag:s3] =	ssyncadd.s32 $0xFFFFFD00  }
0x30: {  	[tilespmem:s7], [sflag:$0x1] =	stream.indirect.gather [hbm4b:s5+s6], $0x80, s2, s6, $0xb8;
	[tilespmem:$0x18400] =	vst v63  }
0x31: {  	_ = 	snop  }
0x32: {  	[tilespmem:s8], [sflag:$0x1] =	stream.indirect.gather [hbm4b:s5+s6], $0x80, s6, s6, $0xb8;
	[tilespmem:$0x18400] =	vst v63  }
0x33: {  	_ = 	snop  }
0x34: {  	[tilespmem:s10], [sflag:$0x1] =	stream.indirect.gather [hbm4b:s5+s6], $0x80, s9, s6, $0xb8;
	[tilespmem:$0x18400] =	vst v63  }
0x35: {  	_ = 	snop  }
0x36: {  	[tilespmem:s12], [sflag:$0x1] =	stream.indirect.gather [hbm4b:s5+s6], $0x80, s11, s6, $0xb8;
	[tilespmem:$0x18400] =	vst v63  }
0x37: {  	_ = 	snop  }
0x38: {  	[tilespmem:s14], [sflag:$0x1] =	stream.indirect.gather [hbm4b:s5+s6], $0x80, s13, s6, $0xb8;
	[tilespmem:$0x18400] =	vst v63  }
0x39: {  	_ = 	snop  }
0x3a: {  	[tilespmem:s16], [sflag:$0x1] =	stream.indirect.gather [hbm4b:s5+s6], $0x80, s15, s6, $0xb8;
	[tilespmem:$0x18400] =	vst v63  }
0x3b: {  	_ =	swait.ge [sflag:s17], $0x4000  }
0x3c: {  	[sflag:s17] =	ssyncset.done $0x0  }
0x3d: {  	[sflag:s17] =	ssyncadd.s32 $0xFFFFC000  }
0x3e: {  	_ =	swait.ge [sflag:s17], $0x4000  }
0x3f: {  	[sflag:s17] =	ssyncset.done $0x0  }
0x40: {  	[sflag:s17] =	ssyncadd.s32 $0xFFFFC000  }
0x41: {  	_ =	swait.ge [sflag:s17], $0x4000  }
0x42: {  	[sflag:s17] =	ssyncset.done $0x0  }
0x43: {  	[sflag:s17] =	ssyncadd.s32 $0xFFFFC000  }
0x44: {  	_ =	swait.ge [sflag:s17], $0x4000  }
0x45: {  	[sflag:s17] =	ssyncset.done $0x0  }
0x46: {  	[sflag:s17] =	ssyncadd.s32 $0xFFFFC000  }
0x47: {  	_ =	swait.ge [sflag:s17], $0x4000  }
0x48: {  	[sflag:s17] =	ssyncset.done $0x0  }
0x49: {  	[sflag:s17] =	ssyncadd.s32 $0xFFFFC000  }
0x4a: {  	_ =	swait.ge [sflag:s17], $0x4000  }
.Ltmp1:
0x4b: {  	[sflag:s17] =	ssyncset.done $0x0;
	(pc) =	sbr.rel @p0 .LBB2_1-.Ltmp1, $4  }
0x4c: {  	[sflag:s17] =	ssyncadd.s32 $0xFFFFC000  }
0x4d: {  	[hbm4b:s18+s2] =	stream.linear.scatter [tilespmem:s7], [sflag:$0x2], $0x18000, $0x38;
	[tilespmem:$0x18400] =	vst v63  }
0x4e: {  	_ =	swait.ge [sflag:s3], $0x18000  }
0x4f: {  	[sflag:s3] =	ssyncset.done $0x0  }
.LBB2_2:
0x50: {  	[sflag:s3] =	ssyncadd.s32 $0xFFFE8000  }
0x51: {  	_ =	sfence.sel $0x180000  }
0x52: {  	[bflag:$0x0] =	sbarrier.arrive $0xFFFF  }
0x53: {  	p0 =	sne.s32 s0, $0x0;
	_ =	strace $0x90000047  }
0x54: {  	s0 =	sadd.s32 @!p0 $0x100000, s1;
	[bflag:$0x2] =	sbarrier.arrive $0xFFFF  }
0x55: {  	[sflag:s0] =	ssyncadd.tile.s32 @!p0 $0x1;
	_ =	shalt  }
.Lfunc_end2:
_tile_overlayer_lowered:
.L_overlay_start_2:
0x56: {  	(tag) =	ssettag $0x2  }
0x57: {  	s0 =	rddreg [dreg:$0x0];
	s2 =	stileid.u32  }
0x58: {  	s1 =	rddreg [dreg:$0x1];
	p0 =	sne.s32 s2, $0x0  }
0x59: {  	s3 =	rddreg [dreg:$0x2];
	[bflag:$0x3] =	sbarrier.arrive $0xFFFF;
	s2 =	simm.s32 @!p0 $0x1C02  }
0x5a: {  	[timem:s3], [sflag:s2] =	dma.local @!p0 [hbm:s0], s1  }
0x5b: {  	s0 =	simm.s32 @!p0 $0x2  }
0x5c: {  	_ =	swait.ge @!p0 [sflag:s0], s1  }
0x5d: {  	s1 =	ssub.s32 @!p0 $0x0, s1;
	[sflag:s0] =	ssyncset.done @!p0 $0x0  }
0x5e: {  	[sflag:s0] =	ssyncadd.s32 @!p0 s1  }
0x5f: {  	[bflag:$0x3] =	sbarrier.arrive $0xFFFF  }
0x60: {  	_ =	shalt  }

// kernel: kernel.17.cloned.1.call-start
scs
__scs_entry_jumppad:
0x0: {  	(pc) =	sbr.rel $0x88, $3  }
0x1: {  	(tag) =	ssettag $0x0;
	lr =	simm.s32 $0x1  }
0x2: {  	[smem:$0x3F93] =	sst lr;
	_ =	strace $0xD0000000  }
0x3: {  	_ = 	snop  }
0x4: {  	_ = 	snop  }
0x5: {  	_ = 	snop  }
0x6: {  	_ = 	snop  }
0x7: {  	_ = 	snop  }
__scs_overlays_trampoline_lowered:
0x8: {  	[smem:$0x3FA2] =	sst s0  }
0x9: {  	[smem:$0x3FA3] =	sst s1  }
0xa: {  	[smem:$0x3FA4] =	sst s2  }
0xb: {  	[smem:$0x3FA5] =	sst s3  }
0xc: {  	[smem:$0x3FA6] =	sst s4  }
0xd: {  	[smem:$0x3FA7] =	sst s5  }
0xe: {  	[smem:$0x3FA8] =	sst s6  }
0xf: {  	[smem:$0x3FA9] =	sst s7  }
0x10: {  	[smem:$0x3FAA] =	sst s8  }
0x11: {  	[smem:$0x3FAB] =	sst s9;
	s0 =	simm.s32 @!p0 $0x0  }
0x12: {  	s1 =	sld [smem:$0x3F91];
	s0 =	simm.s32 @p0 $0x1  }
0x13: {  	[smem:$0x3FAC] =	sst s0;
	s0 =	simm.s32 @!p1 $0x0  }
0x14: {  	s2 =	sld [smem:$0x3F90];
	s0 =	simm.s32 @p1 $0x1  }
0x15: {  	[smem:$0x3FAD] =	sst s0;
	s0 =	simm.s32 @!p2 $0x0  }
0x16: {  	s3 =	sld [smem:$0x3FDB];
	s0 =	simm.s32 @p2 $0x1  }
0x17: {  	s4 =	simm.s32 $0x1BF5;
	[smem:$0x3FAF] =	sst s0  }
0x18: {  	s0 =	sld [smem:$0x3F92];
	_ =	swait.ge [sflag:s4], $0x0  }
0x19: {  	s7 =	sld [smem:$0x3F93]  }
0x1a: {  	s8 =	sadd.s32 $0xFFFFE003, lr  }
0x1b: {  	s9 =	sadd.s32 $0xFFFFFEF7, lr;
	s5 =	simm.s32 $0xFFFFFFFF;
	p2 =	slt.u32 s8, $0xFFFFF086  }
0x1c: {  	p1 =	slt.u32 s9, $0xF7A;
	s5 =	simm.s32 @!p2 $0x0  }
0x1d: {  	s5 =	simm.s32 @p1 $0x1;
	p0 =	seq.s32 s7, s2  }
0x1e: {  	s7 =	smul.u32 @!p0 $0xF7A, s2;
	p2 =	seq.s32 @!p0 s5, $0x0  }
0x1f: {  	s9 =	smul.u32 $0xF7A, s1;
	s8 =	simm.s32 @!p0 $0x1BF5;
	p2 =	por !p2, p0  }
0x20: {  	[sflag:s8] =	ssyncset.s32 @!p0 $0xFFFFF086;
	s6 =	sadd.s32 @!p0 s3, s7;
	s7 =	simm.s32 @!p0 $0x108  }
0x21: {  	s3 =	sadd.s32 s3, s9;
	s6 =	sadd.s32 @!p0 $0x88, s6;
	s7 =	simm.s32 @p2 $0x1082  }
0x22: {  	[simem:s7], [sflag:s8] =	dma.local @!p0 [hbm:s6], $0xF7A  }
0x23: {  	s9 =	sor.u32 $0xD0000000, s2;
	s6 =	simm.s32 $0x108;
	_ =	swait.ge @!p0 [sflag:s8], $0x0  }
0x24: {  	s3 =	sadd.s32 $0x88, s3;
	s6 =	simm.s32 @!p1 $0x1082;
	[sflag:s4] =	ssyncset.s32 $0xFFFFF086  }
0x25: {  	[simem:s6], [sflag:s4] =	dma.local [hbm:s3], $0xF7A  }
0x26: {  	[smem:$0x3F93] =	sst s1;
	(tag) =	ssettag s2;
	_ =	strace s9  }
0x27: {  	s1 =	sld [smem:$0x3FA3]  }
0x28: {  	s2 =	sld [smem:$0x3FA4]  }
0x29: {  	s4 =	sld [smem:$0x3FA6]  }
0x2a: {  	p0 =	seq.s32 s5, $0x0;
	s5 =	sld [smem:$0x3FA7]  }
0x2b: {  	s6 =	sld [smem:$0x3FA8]  }
0x2c: {  	s7 =	sld [smem:$0x3FA9]  }
0x2d: {  	s3 =	simm.s32 $0x108;
	s8 =	sld [smem:$0x3FAA]  }
0x2e: {  	s3 =	simm.s32 @!p0 $0x1082;
	s9 =	sld [smem:$0x3FAB]  }
0x2f: {  	lr =	sadd.s32 s0, s3;
	s0 =	sld [smem:$0x3FA2]  }
0x30: {  	s3 =	sld [smem:$0x3FA5]  }
0x31: {  	[smem:$0x3FAE] =	sst s10  }
0x32: {  	s10 =	sld [smem:$0x3FAC];
	_ =	sdelay $0x3  }
0x33: {  	p0 =	seq.s32 s10, $0x1;
	s10 =	sld [smem:$0x3FAE];
	_ =	sdelay $0x3  }
0x34: {  	[smem:$0x3FAE] =	sst s10  }
0x35: {  	s10 =	sld [smem:$0x3FAD];
	_ =	sdelay $0x3  }
0x36: {  	p1 =	seq.s32 s10, $0x1;
	s10 =	sld [smem:$0x3FAE];
	_ =	sdelay $0x3  }
0x37: {  	[smem:$0x3FAE] =	sst s10  }
0x38: {  	s10 =	sld [smem:$0x3FAF]  }
0x39: {  	_ = 	snop;
	(pc) =	sbr.ind lr, $3  }
0x3a: {  	_ = 	snop  }
0x3b: {  	_ = 	snop  }
0x3c: {  	p2 =	seq.s32 s10, $0x1;
	s10 =	sld [smem:$0x3FAE]  }
0x3d: {  	_ =	shalt  }
0x3e: {  	_ =	shalt  }
0x3f: {  	_ =	shalt  }
0x40: {  	_ =	shalt  }
0x41: {  	_ =	shalt  }
0x42: {  	_ =	shalt  }
0x43: {  	_ =	shalt  }
0x44: {  	_ =	shalt  }
0x45: {  	_ =	shalt  }
0x46: {  	_ =	shalt  }
0x47: {  	_ =	shalt  }
0x48: {  	_ =	shalt  }
0x49: {  	_ =	shalt  }
0x4a: {  	_ =	shalt  }
0x4b: {  	_ =	shalt  }
0x4c: {  	_ =	shalt  }
0x4d: {  	_ =	shalt  }
0x4e: {  	_ =	shalt  }
0x4f: {  	_ =	shalt  }
0x50: {  	_ =	shalt  }
0x51: {  	_ =	shalt  }
0x52: {  	_ =	shalt  }
0x53: {  	_ =	shalt  }
0x54: {  	_ =	shalt  }
0x55: {  	_ =	shalt  }
0x56: {  	_ =	shalt  }
0x57: {  	_ =	shalt  }
0x58: {  	_ =	shalt  }
0x59: {  	_ =	shalt  }
0x5a: {  	_ =	shalt  }
0x5b: {  	_ =	shalt  }
0x5c: {  	_ =	shalt  }
0x5d: {  	_ =	shalt  }
0x5e: {  	_ =	shalt  }
0x5f: {  	_ =	shalt  }
0x60: {  	_ =	shalt  }
0x61: {  	_ =	shalt  }
0x62: {  	_ =	shalt  }
0x63: {  	_ =	shalt  }
0x64: {  	_ =	shalt  }
0x65: {  	_ =	shalt  }
0x66: {  	_ =	shalt  }
0x67: {  	_ =	shalt  }
0x68: {  	_ =	shalt  }
0x69: {  	_ =	shalt  }
0x6a: {  	_ =	shalt  }
0x6b: {  	_ =	shalt  }
0x6c: {  	_ =	shalt  }
0x6d: {  	_ =	shalt  }
0x6e: {  	_ =	shalt  }
0x6f: {  	_ =	shalt  }
0x70: {  	_ =	shalt  }
0x71: {  	_ =	shalt  }
0x72: {  	_ =	shalt  }
0x73: {  	_ =	shalt  }
0x74: {  	_ =	shalt  }
0x75: {  	_ =	shalt  }
0x76: {  	_ =	shalt  }
0x77: {  	_ =	shalt  }
0x78: {  	_ =	shalt  }
0x79: {  	_ =	shalt  }
0x7a: {  	_ =	shalt  }
0x7b: {  	_ =	shalt  }
0x7c: {  	_ =	shalt  }
0x7d: {  	_ =	shalt  }
0x7e: {  	_ =	shalt  }
0x7f: {  	_ =	shalt  }
0x80: {  	_ =	shalt  }
0x81: {  	_ =	shalt  }
0x82: {  	_ =	shalt  }
0x83: {  	_ =	shalt  }
0x84: {  	_ =	shalt  }
0x85: {  	_ =	shalt  }
0x86: {  	_ =	shalt  }
0x87: {  	_ =	shalt  }
.Lfunc_end0:
.L_simem_size_0:
called_computation.1_lowered:
.L_overlay_start_0:
0x88: {  	s2 =	sld [smem:$0x3FD9]  }
0x89: {  	s3 =	sld [smem:$0x3FFE];
	_ =	sdelay $0x1  }
0x8a: {  	s1 =	srdreg.scid  }
0x8b: {  	s0 =	sand.u32 $0x1, s1  }
0x8c: {  	s16 =	sshll.u32 s0, $0xA;
	s2 =	sadd.s32 s3, s2  }
0x8d: {  	s2 =	sadd.s32 s2, s16  }
0x8e: {  	[smem:$0x3FBA] =	sst s2  }
0x8f: {  	_ = 	snop  }
0x90: {  	(tm) =	ssettm $0x1  }
0x91: {  	s17 =	sld [smem:$0x3FFB];
	_ =	sdelay $0x3  }
0x92: {  	_ =	strace s17  }
0x93: {  	s2 =	sld [smem:$0x3FFC];
	_ =	sdelay $0x3  }
0x94: {  	_ =	strace s2  }
0x95: {  	s2 =	sld [smem:$0x3FFD];
	_ =	sdelay $0x3  }
0x96: {  	_ =	strace s2  }
0x97: {  	_ =	strace $0x8FFFFFFF  }
0x98: {  	s18 =	sld [smem:$0x3FDB];
	_ =	sdelay $0x1  }
0x99: {  	s19 =	simm.s32 $_scs_section_size  }
0x9a: {  	s4 =	simm.s32 $_size__tile_overlayer_lowered;
	s5 =	simm.s32 $_tile_overlayer_lowered  }
0x9b: {  	s22 =	simm.s32 $0x1BFF;
	s21 =	sshll.u32 s5, $0x1;
	s2 =	sadd.s32 s19, s18  }
0x9c: {  	s6 =	simm.s32 $0x0;
	s20 =	sshll.u32 s4, $0x1;
	s4 =	sadd.s32 s21, s2  }
0x9d: {  	[timem:s6], [sflag:s22] =	dma.local [hbm:s4], s20  }
0x9e: {  	_ =	swait.ge [sflag:s22], s20  }
0x9f: {  	s3 =	ssub.s32 $0x0, s20;
	[sflag:s22] =	ssyncset.done $0x0  }
0xa0: {  	[sflag:s22] =	ssyncadd.s32 s3;
	_ =	sdelay $0x1  }
0xa1: {  	s23 =	simm.s32 $0x1B8B  }
0xa2: {  	_ =	swait.ge [sflag:s23], $0x1  }
0xa3: {  	[sflag:s23] =	ssyncset.done $0x0  }
0xa4: {  	s25 =	simm.s32 $0x1B8E;
	s24 =	sld [smem:$0x3FFE];
	[sflag:s23] =	ssyncadd.s32 $0xFFFFFFFF  }
0xa5: {  	s26 =	simm.s32 $execute0_lowered;
	[smem:$0x3FD2] =	sst s25  }
0xa6: {  	s4 =	sshll.u32 s26, $0x1;
	_ =	strace $0x80000049;
	[dreg:$0x1] =	wrdreg $0xFFFFFFFF  }
0xa7: {  	s28 =	simm.s32 $_size_execute0_lowered;
	s2 =	sadd.s32 s2, s4;
	[dreg:$0x0] =	wrdreg $0x0  }
0xa8: {  	s4 =	sshll.u32 s28, $0x1;
	[dreg:$0x2] =	wrdreg s2  }
0xa9: {  	[dreg:$0x3] =	wrdreg s4  }
0xaa: {  	[dreg:$0x4] =	wrdreg $0xC0  }
0xab: {  	_ =	task [dreg:s6], $0x5FFFF  }
0xac: {  	[dreg:$0x1] =	wrdreg $0xFFFFFFFF  }
0xad: {  	[dreg:$0x0] =	wrdreg $0x60  }
0xae: {  	[dreg:$0x2] =	wrdreg s24  }
0xaf: {  	[dreg:$0x3] =	wrdreg $0xC8000  }
0xb0: {  	[dreg:$0x4] =	wrdreg $0x9  }
0xb1: {  	_ =	task.clear_ibuf [dreg:s6], $0x5FFFF;
	_ =	strace $0x90000049  }
0xb2: {  	s29 =	simm.s32 $0x9;
	_ =	strace $0x8000004B  }
0xb3: {  	_ =	swait.ge [sflag:s29], $0x1  }
0xb4: {  	[sflag:s29] =	ssyncadd.s32 $0xFFFFFFFF  }
0xb5: {  	_ =	strace $0x9000004B  }
0xb6: {  	_ =	sfence  }
0xb7: {  	s30 =	sld [smem:$0x0];
	_ =	sdelay $0x2  }
0xb8: {  	s31 =	sshll.u32 s1, $0xD;
	s1 =	sshrl.u32 s1, $0x2  }
0xb9: {  	s3 =	sand.u32 $0x4000, s31;
	s1 =	sadd.s32 s1, s30  }
0xba: {  	s0 =	sor.u32 s3, s0;
	s1 =	sshll.u32 s1, $0x11  }
0xbb: {  	s0 =	sor.u32 s1, s0  }
0xbc: {  	s0 =	sadd.s32 $0x8F2B, s0  }
0xbd: {  	[sflag:s0] =	ssyncadd.remote.s32 $0x1  }
0xbe: {  	_ =	sfence.sel $0xFFFF  }
0xbf: {  	[dreg:$0x0] =	wrdreg $0xFFFFFFFF;
	(pc) =	sbr.abs _section_cstart, $3  }
0xc0: {  	[dreg:$0x1] =	wrdreg $0xFFFFFFFF  }
0xc1: {  	_ =	task.clear_ibuf [dreg:s6], $0x2FFFF;
	_ =	strace $0x9FFFFFFF  }
0xc2: {  	(tm) =	ssettm $0x7FFFFFFF  }
0xc3: {  	_ =	shalt  }
tec
execute0_lowered:
.L_overlay_start_1:
0x0: {  	(tag) =	ssettag $0x1  }
0x1: {  	s11 =	rddreg [dreg:$0x0]  }
0x2: {  	s1 =	rddreg [dreg:$0x1];
	s3 =	simm.s32 $0x0;
	s4 =	srdreg.scid  }
0x3: {  	s2 =	stileid.u32;
	[smem:$0x7FF] =	sst s3;
	s29 =	sand.u32 $0x1, s4  }
0x4: {  	s8 =	sshll.u32 s2, $0x8;
	s26 =	sshll.u32 s2, $0xD;
	s31 =	sshll.u32 s2, $0x10  }
0x5: {  	s5 =	sshll.u32 s2, $0x6;
	_ =	strace $0x8000004A;
	s9 =	sshll.u32 s29, $0x7  }
0x6: {  	s30 =	sadd.s32 s26, s11;
	s6 =	sadd.s32 s31, s1;
	s5 =	sor.u32 $0x1C04, s5  }
0x7: {  	s4 =	sadd.s32 $0x28200, s30;
	s7 =	sshrl.u32 s6, $0x3;
	s6 =	simm.s32 $0x4  }
0x8: {  	[spmem:s7], [sflag:s5] =	dma.local [hbm:s4], $0x2000  }
0x9: {  	s8 =	sor.u32 s9, s8;
	_ =	swait.ge [sflag:s6], $0x2000  }
0xa: {  	s9 =	sadd.s32 s8, s11;
	[sflag:s6] =	ssyncset.done $0x0  }
0xb: {  	s8 =	sadd.s32 $0x88E00, s9;
	[sflag:s6] =	ssyncadd.s32 $0xFFFFE000  }
0xc: {  	[tilespmem:s3], [sflag:$0x4] =	stream.linear.gather [hbm4b:s8+s3], $0x300, $0x38;
	[tilespmem:$0x1C800] =	vst v63  }
0xd: {  	_ =	swait.ge [sflag:s6], $0x300  }
0xe: {  	[sflag:s6] =	ssyncset.done $0x0  }
0xf: {  	s10 =	simm.s32 $0x400;
	s9 =	sadd.s32 $0xB9E00, s9;
	[sflag:s6] =	ssyncadd.s32 $0xFFFFFD00  }
0x10: {  	[tilespmem:s10], [sflag:$0x4] =	stream.linear.gather [hbm4b:s9+s3], $0x300, $0x38;
	[tilespmem:$0x1C800] =	vst v63  }
0x11: {  	_ =	swait.ge [sflag:s6], $0x300  }
0x12: {  	[sflag:s6] =	ssyncset.done $0x0  }
0x13: {  	s12 =	simm.s32 $0x80;
	[sflag:s6] =	ssyncadd.s32 $0xFFFFFD00  }
0x14: {  	s13 =	simm.s32 $0x800;
	s11 =	sadd.s32 $0xBAE00, s11;
	[bflag:$0x0] =	sbarrier.arrive $0xFFFF  }
0x15: {  	[tilespmem:s13], [sflag:$0x1] =	stream.indirect.gather [hbm4b:s11+s12], $0x80, s10, s12, $0xb8;
	[tilespmem:$0x1C800] =	vst v63  }
0x16: {  	s14 =	simm.s32 $0x480;
	s15 =	simm.s32 $0x4800  }
0x17: {  	[tilespmem:s15], [sflag:$0x2] =	stream.indirect.gather [hbm4b:s11+s12], $0x80, s14, s12, $0xb8;
	[tilespmem:$0x1C800] =	vst v63  }
0x18: {  	s16 =	simm.s32 $0x500;
	s17 =	simm.s32 $0x8800;
	s18 =	simm.s32 $0x1  }
0x19: {  	[tilespmem:s17], [sflag:$0x3] =	stream.indirect.gather [hbm4b:s11+s12], $0x80, s16, s12, $0xb8;
	[tilespmem:$0x1C800] =	vst v63  }
0x1a: {  	_ =	swait.ge [sflag:s18], $0x4000  }
0x1b: {  	[sflag:s18] =	ssyncset.done $0x0  }
0x1c: {  	[sflag:s18] =	ssyncadd.s32 $0xFFFFC000  }
0x1d: {  	[spmem:s1] =	stream.indirect.scatter.add.f32 [tilespmem:s13], [sflag:$0x4], $0x80, s3, s12, $0xb8;
	[tilespmem:$0x1C800] =	vst v63  }
0x1e: {  	_ =	swait.ge [sflag:s6], $0x4000  }
0x1f: {  	[sflag:s6] =	ssyncset.done $0x0  }
0x20: {  	s19 =	simm.s32 $0x580;
	s20 =	simm.s32 $0x2;
	[sflag:s6] =	ssyncadd.s32 $0xFFFFC000  }
0x21: {  	[tilespmem:s13], [sflag:$0x1] =	stream.indirect.gather [hbm4b:s11+s12], $0x80, s19, s12, $0xb8;
	[tilespmem:$0x1C800] =	vst v63  }
0x22: {  	_ =	swait.ge [sflag:s20], $0x4000  }
0x23: {  	[sflag:s20] =	ssyncset.done $0x0  }
0x24: {  	[sflag:s20] =	ssyncadd.s32 $0xFFFFC000  }
0x25: {  	[spmem:s1] =	stream.indirect.scatter.add.f32 [tilespmem:s15], [sflag:$0x4], $0x80, s12, s12, $0xb8;
	[tilespmem:$0x1C800] =	vst v63  }
0x26: {  	_ =	swait.ge [sflag:s6], $0x4000  }
0x27: {  	[sflag:s6] =	ssyncset.done $0x0  }
0x28: {  	s21 =	simm.s32 $0x600;
	s22 =	simm.s32 $0x3;
	[sflag:s6] =	ssyncadd.s32 $0xFFFFC000  }
0x29: {  	[tilespmem:s15], [sflag:$0x2] =	stream.indirect.gather [hbm4b:s11+s12], $0x80, s21, s12, $0xb8;
	[tilespmem:$0x1C800] =	vst v63  }
0x2a: {  	_ =	swait.ge [sflag:s22], $0x4000  }
0x2b: {  	[sflag:s22] =	ssyncset.done $0x0  }
0x2c: {  	s23 =	simm.s32 $0x100;
	[sflag:s22] =	ssyncadd.s32 $0xFFFFC000  }
0x2d: {  	[spmem:s1] =	stream.indirect.scatter.add.f32 [tilespmem:s17], [sflag:$0x4], $0x80, s23, s12, $0xb8;
	[tilespmem:$0x1C800] =	vst v63  }
0x2e: {  	_ =	swait.ge [sflag:s6], $0x4000  }
0x2f: {  	[sflag:s6] =	ssyncset.done $0x0  }
0x30: {  	s24 =	simm.s32 $0x680;
	[sflag:s6] =	ssyncadd.s32 $0xFFFFC000  }
0x31: {  	[tilespmem:s17], [sflag:$0x3] =	stream.indirect.gather [hbm4b:s11+s12], $0x80, s24, s12, $0xb8;
	[tilespmem:$0x1C800] =	vst v63  }
0x32: {  	_ =	swait.ge [sflag:s18], $0x4000  }
0x33: {  	[sflag:s18] =	ssyncset.done $0x0  }
0x34: {  	s25 =	simm.s32 $0x180;
	[sflag:s18] =	ssyncadd.s32 $0xFFFFC000  }
0x35: {  	[spmem:s1] =	stream.indirect.scatter.add.f32 [tilespmem:s13], [sflag:$0x4], $0x80, s25, s12, $0xb8;
	[tilespmem:$0x1C800] =	vst v63  }
0x36: {  	_ =	swait.ge [sflag:s6], $0x4000  }
0x37: {  	[sflag:s6] =	ssyncset.done $0x0  }
0x38: {  	[sflag:s6] =	ssyncadd.s32 $0xFFFFC000  }
0x39: {  	_ =	swait.ge [sflag:s20], $0x4000  }
0x3a: {  	[sflag:s20] =	ssyncset.done $0x0  }
0x3b: {  	s26 =	simm.s32 $0x200;
	[sflag:s20] =	ssyncadd.s32 $0xFFFFC000  }
0x3c: {  	[spmem:s1] =	stream.indirect.scatter.add.f32 [tilespmem:s15], [sflag:$0x4], $0x80, s26, s12, $0xb8;
	[tilespmem:$0x1C800] =	vst v63  }
0x3d: {  	_ =	swait.ge [sflag:s6], $0x4000  }
0x3e: {  	[sflag:s6] =	ssyncset.done $0x0  }
0x3f: {  	[sflag:s6] =	ssyncadd.s32 $0xFFFFC000  }
0x40: {  	s31 =	ssub.s32 $0x2, s29;
	_ =	swait.ge [sflag:s22], $0x4000  }
0x41: {  	s0 =	sshrl.u32 s31, $0x1;
	[sflag:s22] =	ssyncset.done $0x0  }
0x42: {  	s28 =	simm.s32 $0x280;
	s0 =	ssub.s32 s31, s0;
	[sflag:s22] =	ssyncadd.s32 $0xFFFFC000  }
0x43: {  	[spmem:s1] =	stream.indirect.scatter.add.f32 [tilespmem:s17], [sflag:$0x4], $0x80, s28, s12, $0xb8;
	[tilespmem:$0x1C800] =	vst v63  }
0x44: {  	s0 =	smax.u32 s0, $0x1;
	_ =	swait.ge [sflag:s6], $0x4000  }
0x45: {  	s29 =	sshll.u32 s29, $0x11;
	p0 =	sne.s32 s0, $0x1;
	[sflag:s6] =	ssyncset.done $0x0  }
.Ltmp0:
0x46: {  	s29 =	sadd.s32 s29, s30;
	[sflag:s6] =	ssyncadd.s32 $0xFFFFC000;
	(pc) =	sbr.rel @!p0 .LBB2_2-.Ltmp0, $4  }
0x47: {  	s29 =	sadd.s32 $0x48200, s29;
	[bflag:$0x0] =	sbarrier.arrive $0xFFFF  }
0x48: {  	[hbm:s29], [sflag:s5] =	dma.local [spmem:s7], $0x2000  }
0x49: {  	_ =	swait.ge [sflag:s6], $0x2000  }
0x4a: {  	s30 =	sadd.s32 $0xFFFFFFFF, s0;
	[sflag:s6] =	ssyncset.done $0x0  }
.LBB2_1:
0x4b: {  	p0 =	sne.s32 s30, $0x1;
	s30 =	sadd.s32 $0xFFFFFFFF, s30;
	[sflag:s6] =	ssyncadd.s32 $0xFFFFE000  }
0x4c: {  	[spmem:s7], [sflag:s5] =	dma.local [hbm:s4], $0x2000  }
0x4d: {  	_ =	swait.ge [sflag:s6], $0x2000  }
0x4e: {  	[sflag:s6] =	ssyncset.done $0x0  }
0x4f: {  	[sflag:s6] =	ssyncadd.s32 $0xFFFFE000  }
0x50: {  	[tilespmem:s3], [sflag:$0x4] =	stream.linear.gather [hbm4b:s8+s3], $0x300, $0x38;
	[tilespmem:$0x1C800] =	vst v63  }
0x51: {  	_ =	swait.ge [sflag:s6], $0x300  }
0x52: {  	[sflag:s6] =	ssyncset.done $0x0  }
0x53: {  	[sflag:s6] =	ssyncadd.s32 $0xFFFFFD00  }
0x54: {  	[tilespmem:s10], [sflag:$0x4] =	stream.linear.gather [hbm4b:s9+s3], $0x300, $0x38;
	[tilespmem:$0x1C800] =	vst v63  }
0x55: {  	_ =	swait.ge [sflag:s6], $0x300  }
0x56: {  	[sflag:s6] =	ssyncset.done $0x0  }
0x57: {  	[sflag:s6] =	ssyncadd.s32 $0xFFFFFD00  }
0x58: {  	[bflag:$0x0] =	sbarrier.arrive $0xFFFF  }
0x59: {  	[tilespmem:s13], [sflag:$0x1] =	stream.indirect.gather [hbm4b:s11+s12], $0x80, s10, s12, $0xb8;
	[tilespmem:$0x1C800] =	vst v63  }
0x5a: {  	_ = 	snop  }
0x5b: {  	[tilespmem:s15], [sflag:$0x2] =	stream.indirect.gather [hbm4b:s11+s12], $0x80, s14, s12, $0xb8;
	[tilespmem:$0x1C800] =	vst v63  }
0x5c: {  	_ = 	snop  }
0x5d: {  	[tilespmem:s17], [sflag:$0x3] =	stream.indirect.gather [hbm4b:s11+s12], $0x80, s16, s12, $0xb8;
	[tilespmem:$0x1C800] =	vst v63  }
0x5e: {  	_ =	swait.ge [sflag:s18], $0x4000  }
0x5f: {  	[sflag:s18] =	ssyncset.done $0x0  }
0x60: {  	[sflag:s18] =	ssyncadd.s32 $0xFFFFC000  }
0x61: {  	[spmem:s1] =	stream.indirect.scatter.add.f32 [tilespmem:s13], [sflag:$0x4], $0x80, s3, s12, $0xb8;
	[tilespmem:$0x1C800] =	vst v63  }
0x62: {  	_ =	swait.ge [sflag:s6], $0x4000  }
0x63: {  	[sflag:s6] =	ssyncset.done $0x0  }
0x64: {  	[sflag:s6] =	ssyncadd.s32 $0xFFFFC000  }
0x65: {  	[tilespmem:s13], [sflag:$0x1] =	stream.indirect.gather [hbm4b:s11+s12], $0x80, s19, s12, $0xb8;
	[tilespmem:$0x1C800] =	vst v63  }
0x66: {  	_ =	swait.ge [sflag:s20], $0x4000  }
0x67: {  	[sflag:s20] =	ssyncset.done $0x0  }
0x68: {  	[sflag:s20] =	ssyncadd.s32 $0xFFFFC000  }
0x69: {  	[spmem:s1] =	stream.indirect.scatter.add.f32 [tilespmem:s15], [sflag:$0x4], $0x80, s12, s12, $0xb8;
	[tilespmem:$0x1C800] =	vst v63  }
0x6a: {  	_ =	swait.ge [sflag:s6], $0x4000  }
0x6b: {  	[sflag:s6] =	ssyncset.done $0x0  }
0x6c: {  	[sflag:s6] =	ssyncadd.s32 $0xFFFFC000  }
0x6d: {  	[tilespmem:s15], [sflag:$0x2] =	stream.indirect.gather [hbm4b:s11+s12], $0x80, s21, s12, $0xb8;
	[tilespmem:$0x1C800] =	vst v63  }
0x6e: {  	_ =	swait.ge [sflag:s22], $0x4000  }
0x6f: {  	[sflag:s22] =	ssyncset.done $0x0  }
0x70: {  	[sflag:s22] =	ssyncadd.s32 $0xFFFFC000  }
0x71: {  	[spmem:s1] =	stream.indirect.scatter.add.f32 [tilespmem:s17], [sflag:$0x4], $0x80, s23, s12, $0xb8;
	[tilespmem:$0x1C800] =	vst v63  }
0x72: {  	_ =	swait.ge [sflag:s6], $0x4000  }
0x73: {  	[sflag:s6] =	ssyncset.done $0x0  }
0x74: {  	[sflag:s6] =	ssyncadd.s32 $0xFFFFC000  }
0x75: {  	[tilespmem:s17], [sflag:$0x3] =	stream.indirect.gather [hbm4b:s11+s12], $0x80, s24, s12, $0xb8;
	[tilespmem:$0x1C800] =	vst v63  }
0x76: {  	_ =	swait.ge [sflag:s18], $0x4000  }
0x77: {  	[sflag:s18] =	ssyncset.done $0x0  }
0x78: {  	[sflag:s18] =	ssyncadd.s32 $0xFFFFC000  }
0x79: {  	[spmem:s1] =	stream.indirect.scatter.add.f32 [tilespmem:s13], [sflag:$0x4], $0x80, s25, s12, $0xb8;
	[tilespmem:$0x1C800] =	vst v63  }
0x7a: {  	_ =	swait.ge [sflag:s6], $0x4000  }
0x7b: {  	[sflag:s6] =	ssyncset.done $0x0  }
0x7c: {  	[sflag:s6] =	ssyncadd.s32 $0xFFFFC000  }
0x7d: {  	_ =	swait.ge [sflag:s20], $0x4000  }
0x7e: {  	[sflag:s20] =	ssyncset.done $0x0  }
0x7f: {  	[sflag:s20] =	ssyncadd.s32 $0xFFFFC000  }
0x80: {  	[spmem:s1] =	stream.indirect.scatter.add.f32 [tilespmem:s15], [sflag:$0x4], $0x80, s26, s12, $0xb8;
	[tilespmem:$0x1C800] =	vst v63  }
0x81: {  	_ =	swait.ge [sflag:s6], $0x4000  }
0x82: {  	[sflag:s6] =	ssyncset.done $0x0  }
0x83: {  	[sflag:s6] =	ssyncadd.s32 $0xFFFFC000  }
0x84: {  	_ =	swait.ge [sflag:s22], $0x4000  }
0x85: {  	[sflag:s22] =	ssyncset.done $0x0  }
0x86: {  	[sflag:s22] =	ssyncadd.s32 $0xFFFFC000  }
0x87: {  	[spmem:s1] =	stream.indirect.scatter.add.f32 [tilespmem:s17], [sflag:$0x4], $0x80, s28, s12, $0xb8;
	[tilespmem:$0x1C800] =	vst v63  }
0x88: {  	_ =	swait.ge [sflag:s6], $0x4000  }
0x89: {  	[sflag:s6] =	ssyncset.done $0x0  }
.Ltmp1:
0x8a: {  	[sflag:s6] =	ssyncadd.s32 $0xFFFFC000;
	(pc) =	sbr.rel @p0 .LBB2_1-.Ltmp1, $4  }
0x8b: {  	[bflag:$0x0] =	sbarrier.arrive $0xFFFF  }
0x8c: {  	[hbm:s29], [sflag:s5] =	dma.local [spmem:s7], $0x2000  }
0x8d: {  	_ =	swait.ge [sflag:s6], $0x2000  }
0x8e: {  	[sflag:s6] =	ssyncset.done $0x0  }
.LBB2_2:
0x8f: {  	[sflag:s6] =	ssyncadd.s32 $0xFFFFE000  }
0x90: {  	_ =	sfence.sel $0x180000  }
0x91: {  	[bflag:$0x0] =	sbarrier.arrive $0xFFFF  }
0x92: {  	_ =	strace $0x9000004A  }
0x93: {  	[bflag:$0x2] =	sbarrier.arrive $0xFFFF  }
0x94: {  	p0 =	sne.s32 s2, $0x0;
	s0 =	rddreg [dreg:$0x2]  }
0x95: {  	s0 =	sadd.s32 @!p0 $0x100000, s0  }
0x96: {  	[sflag:s0] =	ssyncadd.tile.s32 @!p0 $0x1;
	_ =	shalt  }
.Lfunc_end2:
_tile_overlayer_lowered:
.L_overlay_start_2:
0x97: {  	(tag) =	ssettag $0x2  }
0x98: {  	s0 =	rddreg [dreg:$0x0];
	s2 =	stileid.u32  }
0x99: {  	s1 =	rddreg [dreg:$0x1];
	p0 =	sne.s32 s2, $0x0  }
0x9a: {  	s3 =	rddreg [dreg:$0x2];
	[bflag:$0x3] =	sbarrier.arrive $0xFFFF;
	s2 =	simm.s32 @!p0 $0x1C04  }
0x9b: {  	[timem:s3], [sflag:s2] =	dma.local @!p0 [hbm:s0], s1  }
0x9c: {  	s0 =	simm.s32 @!p0 $0x4  }
0x9d: {  	_ =	swait.ge @!p0 [sflag:s0], s1  }
0x9e: {  	s1 =	ssub.s32 @!p0 $0x0, s1;
	[sflag:s0] =	ssyncset.done @!p0 $0x0  }
0x9f: {  	[sflag:s0] =	ssyncadd.s32 @!p0 s1  }
0xa0: {  	[bflag:$0x3] =	sbarrier.arrive $0xFFFF  }
0xa1: {  	_ =	shalt  }

// kernel: kernel.20.cloned.1.call-start
scs
__scs_entry_jumppad:
0x0: {  	(pc) =	sbr.rel $0x88, $3  }
0x1: {  	(tag) =	ssettag $0x0;
	lr =	simm.s32 $0x1  }
0x2: {  	[smem:$0x3F93] =	sst lr;
	_ =	strace $0xD0000000  }
0x3: {  	_ = 	snop  }
0x4: {  	_ = 	snop  }
0x5: {  	_ = 	snop  }
0x6: {  	_ = 	snop  }
0x7: {  	_ = 	snop  }
__scs_overlays_trampoline_lowered:
0x8: {  	[smem:$0x3FA2] =	sst s0  }
0x9: {  	[smem:$0x3FA3] =	sst s1  }
0xa: {  	[smem:$0x3FA4] =	sst s2  }
0xb: {  	[smem:$0x3FA5] =	sst s3  }
0xc: {  	[smem:$0x3FA6] =	sst s4  }
0xd: {  	[smem:$0x3FA7] =	sst s5  }
0xe: {  	[smem:$0x3FA8] =	sst s6  }
0xf: {  	[smem:$0x3FA9] =	sst s7  }
0x10: {  	[smem:$0x3FAA] =	sst s8  }
0x11: {  	[smem:$0x3FAB] =	sst s9;
	s0 =	simm.s32 @!p0 $0x0  }
0x12: {  	s1 =	sld [smem:$0x3F91];
	s0 =	simm.s32 @p0 $0x1  }
0x13: {  	[smem:$0x3FAC] =	sst s0;
	s0 =	simm.s32 @!p1 $0x0  }
0x14: {  	s2 =	sld [smem:$0x3F90];
	s0 =	simm.s32 @p1 $0x1  }
0x15: {  	[smem:$0x3FAD] =	sst s0;
	s0 =	simm.s32 @!p2 $0x0  }
0x16: {  	s3 =	sld [smem:$0x3FDB];
	s0 =	simm.s32 @p2 $0x1  }
0x17: {  	s4 =	simm.s32 $0x1BF5;
	[smem:$0x3FAF] =	sst s0  }
0x18: {  	s0 =	sld [smem:$0x3F92];
	_ =	swait.ge [sflag:s4], $0x0  }
0x19: {  	s7 =	sld [smem:$0x3F93]  }
0x1a: {  	s8 =	sadd.s32 $0xFFFFE003, lr  }
0x1b: {  	s9 =	sadd.s32 $0xFFFFFEF7, lr;
	s5 =	simm.s32 $0xFFFFFFFF;
	p2 =	slt.u32 s8, $0xFFFFF086  }
0x1c: {  	p1 =	slt.u32 s9, $0xF7A;
	s5 =	simm.s32 @!p2 $0x0  }
0x1d: {  	s5 =	simm.s32 @p1 $0x1;
	p0 =	seq.s32 s7, s2  }
0x1e: {  	s7 =	smul.u32 @!p0 $0xF7A, s2;
	p2 =	seq.s32 @!p0 s5, $0x0  }
0x1f: {  	s9 =	smul.u32 $0xF7A, s1;
	s8 =	simm.s32 @!p0 $0x1BF5;
	p2 =	por !p2, p0  }
0x20: {  	[sflag:s8] =	ssyncset.s32 @!p0 $0xFFFFF086;
	s6 =	sadd.s32 @!p0 s3, s7;
	s7 =	simm.s32 @!p0 $0x108  }
0x21: {  	s3 =	sadd.s32 s3, s9;
	s6 =	sadd.s32 @!p0 $0x88, s6;
	s7 =	simm.s32 @p2 $0x1082  }
0x22: {  	[simem:s7], [sflag:s8] =	dma.local @!p0 [hbm:s6], $0xF7A  }
0x23: {  	s9 =	sor.u32 $0xD0000000, s2;
	s6 =	simm.s32 $0x108;
	_ =	swait.ge @!p0 [sflag:s8], $0x0  }
0x24: {  	s3 =	sadd.s32 $0x88, s3;
	s6 =	simm.s32 @!p1 $0x1082;
	[sflag:s4] =	ssyncset.s32 $0xFFFFF086  }
0x25: {  	[simem:s6], [sflag:s4] =	dma.local [hbm:s3], $0xF7A  }
0x26: {  	[smem:$0x3F93] =	sst s1;
	(tag) =	ssettag s2;
	_ =	strace s9  }
0x27: {  	s1 =	sld [smem:$0x3FA3]  }
0x28: {  	s2 =	sld [smem:$0x3FA4]  }
0x29: {  	s4 =	sld [smem:$0x3FA6]  }
0x2a: {  	p0 =	seq.s32 s5, $0x0;
	s5 =	sld [smem:$0x3FA7]  }
0x2b: {  	s6 =	sld [smem:$0x3FA8]  }
0x2c: {  	s7 =	sld [smem:$0x3FA9]  }
0x2d: {  	s3 =	simm.s32 $0x108;
	s8 =	sld [smem:$0x3FAA]  }
0x2e: {  	s3 =	simm.s32 @!p0 $0x1082;
	s9 =	sld [smem:$0x3FAB]  }
0x2f: {  	lr =	sadd.s32 s0, s3;
	s0 =	sld [smem:$0x3FA2]  }
0x30: {  	s3 =	sld [smem:$0x3FA5]  }
0x31: {  	[smem:$0x3FAE] =	sst s10  }
0x32: {  	s10 =	sld [smem:$0x3FAC];
	_ =	sdelay $0x3  }
0x33: {  	p0 =	seq.s32 s10, $0x1;
	s10 =	sld [smem:$0x3FAE];
	_ =	sdelay $0x3  }
0x34: {  	[smem:$0x3FAE] =	sst s10  }
0x35: {  	s10 =	sld [smem:$0x3FAD];
	_ =	sdelay $0x3  }
0x36: {  	p1 =	seq.s32 s10, $0x1;
	s10 =	sld [smem:$0x3FAE];
	_ =	sdelay $0x3  }
0x37: {  	[smem:$0x3FAE] =	sst s10  }
0x38: {  	s10 =	sld [smem:$0x3FAF]  }
0x39: {  	_ = 	snop;
	(pc) =	sbr.ind lr, $3  }
0x3a: {  	_ = 	snop  }
0x3b: {  	_ = 	snop  }
0x3c: {  	p2 =	seq.s32 s10, $0x1;
	s10 =	sld [smem:$0x3FAE]  }
0x3d: {  	_ =	shalt  }
0x3e: {  	_ =	shalt  }
0x3f: {  	_ =	shalt  }
0x40: {  	_ =	shalt  }
0x41: {  	_ =	shalt  }
0x42: {  	_ =	shalt  }
0x43: {  	_ =	shalt  }
0x44: {  	_ =	shalt  }
0x45: {  	_ =	shalt  }
0x46: {  	_ =	shalt  }
0x47: {  	_ =	shalt  }
0x48: {  	_ =	shalt  }
0x49: {  	_ =	shalt  }
0x4a: {  	_ =	shalt  }
0x4b: {  	_ =	shalt  }
0x4c: {  	_ =	shalt  }
0x4d: {  	_ =	shalt  }
0x4e: {  	_ =	shalt  }
0x4f: {  	_ =	shalt  }
0x50: {  	_ =	shalt  }
0x51: {  	_ =	shalt  }
0x52: {  	_ =	shalt  }
0x53: {  	_ =	shalt  }
0x54: {  	_ =	shalt  }
0x55: {  	_ =	shalt  }
0x56: {  	_ =	shalt  }
0x57: {  	_ =	shalt  }
0x58: {  	_ =	shalt  }
0x59: {  	_ =	shalt  }
0x5a: {  	_ =	shalt  }
0x5b: {  	_ =	shalt  }
0x5c: {  	_ =	shalt  }
0x5d: {  	_ =	shalt  }
0x5e: {  	_ =	shalt  }
0x5f: {  	_ =	shalt  }
0x60: {  	_ =	shalt  }
0x61: {  	_ =	shalt  }
0x62: {  	_ =	shalt  }
0x63: {  	_ =	shalt  }
0x64: {  	_ =	shalt  }
0x65: {  	_ =	shalt  }
0x66: {  	_ =	shalt  }
0x67: {  	_ =	shalt  }
0x68: {  	_ =	shalt  }
0x69: {  	_ =	shalt  }
0x6a: {  	_ =	shalt  }
0x6b: {  	_ =	shalt  }
0x6c: {  	_ =	shalt  }
0x6d: {  	_ =	shalt  }
0x6e: {  	_ =	shalt  }
0x6f: {  	_ =	shalt  }
0x70: {  	_ =	shalt  }
0x71: {  	_ =	shalt  }
0x72: {  	_ =	shalt  }
0x73: {  	_ =	shalt  }
0x74: {  	_ =	shalt  }
0x75: {  	_ =	shalt  }
0x76: {  	_ =	shalt  }
0x77: {  	_ =	shalt  }
0x78: {  	_ =	shalt  }
0x79: {  	_ =	shalt  }
0x7a: {  	_ =	shalt  }
0x7b: {  	_ =	shalt  }
0x7c: {  	_ =	shalt  }
0x7d: {  	_ =	shalt  }
0x7e: {  	_ =	shalt  }
0x7f: {  	_ =	shalt  }
0x80: {  	_ =	shalt  }
0x81: {  	_ =	shalt  }
0x82: {  	_ =	shalt  }
0x83: {  	_ =	shalt  }
0x84: {  	_ =	shalt  }
0x85: {  	_ =	shalt  }
0x86: {  	_ =	shalt  }
0x87: {  	_ =	shalt  }
.Lfunc_end0:
.L_simem_size_0:
called_computation.2_lowered:
.L_overlay_start_0:
0x88: {  	s2 =	sld [smem:$0x3FD9]  }
0x89: {  	s3 =	sld [smem:$0x3FFE];
	_ =	sdelay $0x1  }
0x8a: {  	s1 =	srdreg.scid  }
0x8b: {  	s0 =	sand.u32 $0x1, s1  }
0x8c: {  	s16 =	sshll.u32 s0, $0xA;
	s2 =	sadd.s32 s3, s2  }
0x8d: {  	s2 =	sadd.s32 s2, s16  }
0x8e: {  	[smem:$0x3FBA] =	sst s2  }
0x8f: {  	_ = 	snop  }
0x90: {  	(tm) =	ssettm $0x1  }
0x91: {  	s17 =	sld [smem:$0x3FFB];
	_ =	sdelay $0x3  }
0x92: {  	_ =	strace s17  }
0x93: {  	s2 =	sld [smem:$0x3FFC];
	_ =	sdelay $0x3  }
0x94: {  	_ =	strace s2  }
0x95: {  	s2 =	sld [smem:$0x3FFD];
	_ =	sdelay $0x3  }
0x96: {  	_ =	strace s2  }
0x97: {  	_ =	strace $0x8FFFFFFF  }
0x98: {  	s18 =	sld [smem:$0x3FDB];
	_ =	sdelay $0x1  }
0x99: {  	s19 =	simm.s32 $_scs_section_size  }
0x9a: {  	s4 =	simm.s32 $_size__tile_overlayer_lowered;
	s5 =	simm.s32 $_tile_overlayer_lowered  }
0x9b: {  	s22 =	simm.s32 $0x1BFF;
	s21 =	sshll.u32 s5, $0x1;
	s2 =	sadd.s32 s19, s18  }
0x9c: {  	s6 =	simm.s32 $0x0;
	s20 =	sshll.u32 s4, $0x1;
	s4 =	sadd.s32 s21, s2  }
0x9d: {  	[timem:s6], [sflag:s22] =	dma.local [hbm:s4], s20  }
0x9e: {  	_ =	swait.ge [sflag:s22], s20  }
0x9f: {  	s3 =	ssub.s32 $0x0, s20;
	[sflag:s22] =	ssyncset.done $0x0  }
0xa0: {  	[sflag:s22] =	ssyncadd.s32 s3;
	_ =	sdelay $0x1  }
0xa1: {  	s23 =	simm.s32 $0x1B8B  }
0xa2: {  	_ =	swait.ge [sflag:s23], $0x1  }
0xa3: {  	[sflag:s23] =	ssyncset.done $0x0  }
0xa4: {  	s25 =	simm.s32 $0x1B8E;
	s24 =	sld [smem:$0x3FFE];
	[sflag:s23] =	ssyncadd.s32 $0xFFFFFFFF  }
0xa5: {  	s26 =	simm.s32 $execute0_lowered;
	[smem:$0x3FD2] =	sst s25  }
0xa6: {  	s4 =	sshll.u32 s26, $0x1;
	_ =	strace $0x8000004C;
	[dreg:$0x1] =	wrdreg $0xFFFFFFFF  }
0xa7: {  	s28 =	simm.s32 $_size_execute0_lowered;
	s2 =	sadd.s32 s2, s4;
	[dreg:$0x0] =	wrdreg $0x0  }
0xa8: {  	s4 =	sshll.u32 s28, $0x1;
	[dreg:$0x2] =	wrdreg s2  }
0xa9: {  	[dreg:$0x3] =	wrdreg s4  }
0xaa: {  	[dreg:$0x4] =	wrdreg $0xC0  }
0xab: {  	_ =	task [dreg:s6], $0x5FFFF  }
0xac: {  	[dreg:$0x1] =	wrdreg $0xFFFFFFFF  }
0xad: {  	[dreg:$0x0] =	wrdreg $0x60  }
0xae: {  	[dreg:$0x2] =	wrdreg s24  }
0xaf: {  	[dreg:$0x3] =	wrdreg $0x9  }
0xb0: {  	_ =	task.clear_ibuf [dreg:s6], $0x4FFFF;
	_ =	strace $0x9000004C  }
0xb1: {  	s29 =	simm.s32 $0x9;
	_ =	strace $0x8000004E  }
0xb2: {  	_ =	swait.ge [sflag:s29], $0x1  }
0xb3: {  	[sflag:s29] =	ssyncadd.s32 $0xFFFFFFFF  }
0xb4: {  	_ =	strace $0x9000004E  }
0xb5: {  	_ =	sfence  }
0xb6: {  	s30 =	sld [smem:$0x0];
	_ =	sdelay $0x2  }
0xb7: {  	s31 =	sshll.u32 s1, $0xD;
	s1 =	sshrl.u32 s1, $0x2  }
0xb8: {  	s3 =	sand.u32 $0x4000, s31;
	s1 =	sadd.s32 s1, s30  }
0xb9: {  	s0 =	sor.u32 s3, s0;
	s1 =	sshll.u32 s1, $0x11  }
0xba: {  	s0 =	sor.u32 s1, s0  }
0xbb: {  	s0 =	sadd.s32 $0x8F2B, s0  }
0xbc: {  	[sflag:s0] =	ssyncadd.remote.s32 $0x1  }
0xbd: {  	_ =	sfence.sel $0xFFFF  }
0xbe: {  	[dreg:$0x0] =	wrdreg $0xFFFFFFFF;
	(pc) =	sbr.abs _section_cstart, $3  }
0xbf: {  	[dreg:$0x1] =	wrdreg $0xFFFFFFFF  }
0xc0: {  	_ =	task.clear_ibuf [dreg:s6], $0x2FFFF;
	_ =	strace $0x9FFFFFFF  }
0xc1: {  	(tm) =	ssettm $0x7FFFFFFF  }
tec
execute0_lowered:
.L_overlay_start_1:
0x0: {  	(tag) =	ssettag $0x1  }
0x1: {  	s1 =	srdreg.scid;
	s0 =	stileid.u32  }
0x2: {  	s18 =	sand.u32 $0x1, s1;
	s29 =	sshll.u32 s0, $0x1  }
0x3: {  	s19 =	rddreg [dreg:$0x0];
	s20 =	sor.u32 s18, s29  }
0x4: {  	s2 =	simm.s32 $0x0;
	s1 =	rddreg [dreg:$0x1];
	s3 =	sshll.u32 s20, $0x7  }
0x5: {  	[smem:$0x7FF] =	sst s2;
	s3 =	sadd.s32 s3, s19  }
0x6: {  	_ =	strace $0x8000004D;
	s4 =	sadd.s32 $0x7200, s3;
	s3 =	simm.s32 $0x2  }
0x7: {  	[tilespmem:s2], [sflag:$0x2] =	stream.linear.gather [hbm4b:s4+s2], $0x300, $0x38;
	[tilespmem:$0x18400] =	vst v63  }
0x8: {  	_ =	swait.ge [sflag:s3], $0x300  }
0x9: {  	s6 =	simm.s32 $0x80;
	[sflag:s3] =	ssyncset.done $0x0  }
0xa: {  	s7 =	simm.s32 $0x400;
	s5 =	sadd.s32 $0x8200, s19;
	[sflag:s3] =	ssyncadd.s32 $0xFFFFFD00  }
0xb: {  	[tilespmem:s7], [sflag:$0x1] =	stream.indirect.gather [hbm4b:s5+s6], $0x80, s2, s6, $0xb8;
	[tilespmem:$0x18400] =	vst v63  }
0xc: {  	s8 =	simm.s32 $0x4400  }
0xd: {  	[tilespmem:s8], [sflag:$0x1] =	stream.indirect.gather [hbm4b:s5+s6], $0x80, s6, s6, $0xb8;
	[tilespmem:$0x18400] =	vst v63  }
0xe: {  	s9 =	simm.s32 $0x100;
	s10 =	simm.s32 $0x8400  }
0xf: {  	[tilespmem:s10], [sflag:$0x1] =	stream.indirect.gather [hbm4b:s5+s6], $0x80, s9, s6, $0xb8;
	[tilespmem:$0x18400] =	vst v63  }
0x10: {  	s11 =	simm.s32 $0x180;
	s12 =	simm.s32 $0xC400  }
0x11: {  	[tilespmem:s12], [sflag:$0x1] =	stream.indirect.gather [hbm4b:s5+s6], $0x80, s11, s6, $0xb8;
	[tilespmem:$0x18400] =	vst v63  }
0x12: {  	s13 =	simm.s32 $0x200;
	s14 =	simm.s32 $0x10400  }
0x13: {  	[tilespmem:s14], [sflag:$0x1] =	stream.indirect.gather [hbm4b:s5+s6], $0x80, s13, s6, $0xb8;
	[tilespmem:$0x18400] =	vst v63  }
0x14: {  	s15 =	simm.s32 $0x280;
	s16 =	simm.s32 $0x14400;
	s17 =	simm.s32 $0x1  }
0x15: {  	[tilespmem:s16], [sflag:$0x1] =	stream.indirect.gather [hbm4b:s5+s6], $0x80, s15, s6, $0xb8;
	[tilespmem:$0x18400] =	vst v63  }
0x16: {  	_ =	swait.ge [sflag:s17], $0x4000  }
0x17: {  	[sflag:s17] =	ssyncset.done $0x0  }
0x18: {  	[sflag:s17] =	ssyncadd.s32 $0xFFFFC000  }
0x19: {  	_ =	swait.ge [sflag:s17], $0x4000  }
0x1a: {  	[sflag:s17] =	ssyncset.done $0x0  }
0x1b: {  	[sflag:s17] =	ssyncadd.s32 $0xFFFFC000  }
0x1c: {  	_ =	swait.ge [sflag:s17], $0x4000  }
0x1d: {  	[sflag:s17] =	ssyncset.done $0x0  }
0x1e: {  	[sflag:s17] =	ssyncadd.s32 $0xFFFFC000  }
0x1f: {  	_ =	swait.ge [sflag:s17], $0x4000  }
0x20: {  	[sflag:s17] =	ssyncset.done $0x0  }
0x21: {  	s18 =	ssub.s32 $0x2, s18;
	[sflag:s17] =	ssyncadd.s32 $0xFFFFC000  }
0x22: {  	s21 =	sshrl.u32 s18, $0x1;
	_ =	swait.ge [sflag:s17], $0x4000  }
0x23: {  	s30 =	ssub.s32 s18, s21;
	[sflag:s17] =	ssyncset.done $0x0  }
0x24: {  	s20 =	smul.u32 $0x3000, s20;
	s31 =	smax.u32 s30, $0x1;
	[sflag:s17] =	ssyncadd.s32 $0xFFFFC000  }
0x25: {  	p0 =	sne.s32 s31, $0x1;
	_ =	swait.ge [sflag:s17], $0x4000  }
.Ltmp0:
0x26: {  	s19 =	sadd.s32 s20, s19;
	[sflag:s17] =	ssyncset.done $0x0;
	(pc) =	sbr.rel @!p0 .LBB2_2-.Ltmp0, $4  }
0x27: {  	s18 =	sadd.s32 $0xBAE00, s19;
	[sflag:s17] =	ssyncadd.s32 $0xFFFFC000  }
0x28: {  	[hbm4b:s18+s2] =	stream.linear.scatter [tilespmem:s7], [sflag:$0x2], $0x18000, $0x38;
	[tilespmem:$0x18400] =	vst v63  }
0x29: {  	_ =	swait.ge [sflag:s3], $0x18000  }
0x2a: {  	s19 =	sadd.s32 $0xFFFFFFFF, s31;
	[sflag:s3] =	ssyncset.done $0x0  }
.LBB2_1:
0x2b: {  	p0 =	sne.s32 s19, $0x1;
	s19 =	sadd.s32 $0xFFFFFFFF, s19;
	[sflag:s3] =	ssyncadd.s32 $0xFFFE8000  }
0x2c: {  	[tilespmem:s2], [sflag:$0x2] =	stream.linear.gather [hbm4b:s4+s2], $0x300, $0x38;
	[tilespmem:$0x18400] =	vst v63  }
0x2d: {  	_ =	swait.ge [sflag:s3], $0x300  }
0x2e: {  	[sflag:s3] =	ssyncset.done $0x0  }
0x2f: {  	[sflag:s3] =	ssyncadd.s32 $0xFFFFFD00  }
0x30: {  	[tilespmem:s7], [sflag:$0x1] =	stream.indirect.gather [hbm4b:s5+s6], $0x80, s2, s6, $0xb8;
	[tilespmem:$0x18400] =	vst v63  }
0x31: {  	_ = 	snop  }
0x32: {  	[tilespmem:s8], [sflag:$0x1] =	stream.indirect.gather [hbm4b:s5+s6], $0x80, s6, s6, $0xb8;
	[tilespmem:$0x18400] =	vst v63  }
0x33: {  	_ = 	snop  }
0x34: {  	[tilespmem:s10], [sflag:$0x1] =	stream.indirect.gather [hbm4b:s5+s6], $0x80, s9, s6, $0xb8;
	[tilespmem:$0x18400] =	vst v63  }
0x35: {  	_ = 	snop  }
0x36: {  	[tilespmem:s12], [sflag:$0x1] =	stream.indirect.gather [hbm4b:s5+s6], $0x80, s11, s6, $0xb8;
	[tilespmem:$0x18400] =	vst v63  }
0x37: {  	_ = 	snop  }
0x38: {  	[tilespmem:s14], [sflag:$0x1] =	stream.indirect.gather [hbm4b:s5+s6], $0x80, s13, s6, $0xb8;
	[tilespmem:$0x18400] =	vst v63  }
0x39: {  	_ = 	snop  }
0x3a: {  	[tilespmem:s16], [sflag:$0x1] =	stream.indirect.gather [hbm4b:s5+s6], $0x80, s15, s6, $0xb8;
	[tilespmem:$0x18400] =	vst v63  }
0x3b: {  	_ =	swait.ge [sflag:s17], $0x4000  }
0x3c: {  	[sflag:s17] =	ssyncset.done $0x0  }
0x3d: {  	[sflag:s17] =	ssyncadd.s32 $0xFFFFC000  }
0x3e: {  	_ =	swait.ge [sflag:s17], $0x4000  }
0x3f: {  	[sflag:s17] =	ssyncset.done $0x0  }
0x40: {  	[sflag:s17] =	ssyncadd.s32 $0xFFFFC000  }
0x41: {  	_ =	swait.ge [sflag:s17], $0x4000  }
0x42: {  	[sflag:s17] =	ssyncset.done $0x0  }
0x43: {  	[sflag:s17] =	ssyncadd.s32 $0xFFFFC000  }
0x44: {  	_ =	swait.ge [sflag:s17], $0x4000  }
0x45: {  	[sflag:s17] =	ssyncset.done $0x0  }
0x46: {  	[sflag:s17] =	ssyncadd.s32 $0xFFFFC000  }
0x47: {  	_ =	swait.ge [sflag:s17], $0x4000  }
0x48: {  	[sflag:s17] =	ssyncset.done $0x0  }
0x49: {  	[sflag:s17] =	ssyncadd.s32 $0xFFFFC000  }
0x4a: {  	_ =	swait.ge [sflag:s17], $0x4000  }
.Ltmp1:
0x4b: {  	[sflag:s17] =	ssyncset.done $0x0;
	(pc) =	sbr.rel @p0 .LBB2_1-.Ltmp1, $4  }
0x4c: {  	[sflag:s17] =	ssyncadd.s32 $0xFFFFC000  }
0x4d: {  	[hbm4b:s18+s2] =	stream.linear.scatter [tilespmem:s7], [sflag:$0x2], $0x18000, $0x38;
	[tilespmem:$0x18400] =	vst v63  }
0x4e: {  	_ =	swait.ge [sflag:s3], $0x18000  }
0x4f: {  	[sflag:s3] =	ssyncset.done $0x0  }
.LBB2_2:
0x50: {  	[sflag:s3] =	ssyncadd.s32 $0xFFFE8000  }
0x51: {  	_ =	sfence.sel $0x180000  }
0x52: {  	[bflag:$0x0] =	sbarrier.arrive $0xFFFF  }
0x53: {  	p0 =	sne.s32 s0, $0x0;
	_ =	strace $0x9000004D  }
0x54: {  	s0 =	sadd.s32 @!p0 $0x100000, s1;
	[bflag:$0x2] =	sbarrier.arrive $0xFFFF  }
0x55: {  	[sflag:s0] =	ssyncadd.tile.s32 @!p0 $0x1;
	_ =	shalt  }
.Lfunc_end2:
_tile_overlayer_lowered:
.L_overlay_start_2:
0x56: {  	(tag) =	ssettag $0x2  }
0x57: {  	s0 =	rddreg [dreg:$0x0];
	s2 =	stileid.u32  }
0x58: {  	s1 =	rddreg [dreg:$0x1];
	p0 =	sne.s32 s2, $0x0  }
0x59: {  	s3 =	rddreg [dreg:$0x2];
	[bflag:$0x3] =	sbarrier.arrive $0xFFFF;
	s2 =	simm.s32 @!p0 $0x1C02  }
0x5a: {  	[timem:s3], [sflag:s2] =	dma.local @!p0 [hbm:s0], s1  }
0x5b: {  	s0 =	simm.s32 @!p0 $0x2  }
0x5c: {  	_ =	swait.ge @!p0 [sflag:s0], s1  }
0x5d: {  	s1 =	ssub.s32 @!p0 $0x0, s1;
	[sflag:s0] =	ssyncset.done @!p0 $0x0  }
0x5e: {  	[sflag:s0] =	ssyncadd.s32 @!p0 s1  }
0x5f: {  	[bflag:$0x3] =	sbarrier.arrive $0xFFFF  }
0x60: {  	_ =	shalt  }

// kernel: kernel.23.cloned.1.call-start
scs
__scs_entry_jumppad:
0x0: {  	(pc) =	sbr.rel $0x88, $3  }
0x1: {  	(tag) =	ssettag $0x0;
	lr =	simm.s32 $0x1  }
0x2: {  	[smem:$0x3F93] =	sst lr;
	_ =	strace $0xD0000000  }
0x3: {  	_ = 	snop  }
0x4: {  	_ = 	snop  }
0x5: {  	_ = 	snop  }
0x6: {  	_ = 	snop  }
0x7: {  	_ = 	snop  }
__scs_overlays_trampoline_lowered:
0x8: {  	[smem:$0x3FA2] =	sst s0  }
0x9: {  	[smem:$0x3FA3] =	sst s1  }
0xa: {  	[smem:$0x3FA4] =	sst s2  }
0xb: {  	[smem:$0x3FA5] =	sst s3  }
0xc: {  	[smem:$0x3FA6] =	sst s4  }
0xd: {  	[smem:$0x3FA7] =	sst s5  }
0xe: {  	[smem:$0x3FA8] =	sst s6  }
0xf: {  	[smem:$0x3FA9] =	sst s7  }
0x10: {  	[smem:$0x3FAA] =	sst s8  }
0x11: {  	[smem:$0x3FAB] =	sst s9;
	s0 =	simm.s32 @!p0 $0x0  }
0x12: {  	s1 =	sld [smem:$0x3F91];
	s0 =	simm.s32 @p0 $0x1  }
0x13: {  	[smem:$0x3FAC] =	sst s0;
	s0 =	simm.s32 @!p1 $0x0  }
0x14: {  	s2 =	sld [smem:$0x3F90];
	s0 =	simm.s32 @p1 $0x1  }
0x15: {  	[smem:$0x3FAD] =	sst s0;
	s0 =	simm.s32 @!p2 $0x0  }
0x16: {  	s3 =	sld [smem:$0x3FDB];
	s0 =	simm.s32 @p2 $0x1  }
0x17: {  	s4 =	simm.s32 $0x1BF5;
	[smem:$0x3FAF] =	sst s0  }
0x18: {  	s0 =	sld [smem:$0x3F92];
	_ =	swait.ge [sflag:s4], $0x0  }
0x19: {  	s7 =	sld [smem:$0x3F93]  }
0x1a: {  	s8 =	sadd.s32 $0xFFFFE003, lr  }
0x1b: {  	s9 =	sadd.s32 $0xFFFFFEF7, lr;
	s5 =	simm.s32 $0xFFFFFFFF;
	p2 =	slt.u32 s8, $0xFFFFF086  }
0x1c: {  	p1 =	slt.u32 s9, $0xF7A;
	s5 =	simm.s32 @!p2 $0x0  }
0x1d: {  	s5 =	simm.s32 @p1 $0x1;
	p0 =	seq.s32 s7, s2  }
0x1e: {  	s7 =	smul.u32 @!p0 $0xF7A, s2;
	p2 =	seq.s32 @!p0 s5, $0x0  }
0x1f: {  	s9 =	smul.u32 $0xF7A, s1;
	s8 =	simm.s32 @!p0 $0x1BF5;
	p2 =	por !p2, p0  }
0x20: {  	[sflag:s8] =	ssyncset.s32 @!p0 $0xFFFFF086;
	s6 =	sadd.s32 @!p0 s3, s7;
	s7 =	simm.s32 @!p0 $0x108  }
0x21: {  	s3 =	sadd.s32 s3, s9;
	s6 =	sadd.s32 @!p0 $0x88, s6;
	s7 =	simm.s32 @p2 $0x1082  }
0x22: {  	[simem:s7], [sflag:s8] =	dma.local @!p0 [hbm:s6], $0xF7A  }
0x23: {  	s9 =	sor.u32 $0xD0000000, s2;
	s6 =	simm.s32 $0x108;
	_ =	swait.ge @!p0 [sflag:s8], $0x0  }
0x24: {  	s3 =	sadd.s32 $0x88, s3;
	s6 =	simm.s32 @!p1 $0x1082;
	[sflag:s4] =	ssyncset.s32 $0xFFFFF086  }
0x25: {  	[simem:s6], [sflag:s4] =	dma.local [hbm:s3], $0xF7A  }
0x26: {  	[smem:$0x3F93] =	sst s1;
	(tag) =	ssettag s2;
	_ =	strace s9  }
0x27: {  	s1 =	sld [smem:$0x3FA3]  }
0x28: {  	s2 =	sld [smem:$0x3FA4]  }
0x29: {  	s4 =	sld [smem:$0x3FA6]  }
0x2a: {  	p0 =	seq.s32 s5, $0x0;
	s5 =	sld [smem:$0x3FA7]  }
0x2b: {  	s6 =	sld [smem:$0x3FA8]  }
0x2c: {  	s7 =	sld [smem:$0x3FA9]  }
0x2d: {  	s3 =	simm.s32 $0x108;
	s8 =	sld [smem:$0x3FAA]  }
0x2e: {  	s3 =	simm.s32 @!p0 $0x1082;
	s9 =	sld [smem:$0x3FAB]  }
0x2f: {  	lr =	sadd.s32 s0, s3;
	s0 =	sld [smem:$0x3FA2]  }
0x30: {  	s3 =	sld [smem:$0x3FA5]  }
0x31: {  	[smem:$0x3FAE] =	sst s10  }
0x32: {  	s10 =	sld [smem:$0x3FAC];
	_ =	sdelay $0x3  }
0x33: {  	p0 =	seq.s32 s10, $0x1;
	s10 =	sld [smem:$0x3FAE];
	_ =	sdelay $0x3  }
0x34: {  	[smem:$0x3FAE] =	sst s10  }
0x35: {  	s10 =	sld [smem:$0x3FAD];
	_ =	sdelay $0x3  }
0x36: {  	p1 =	seq.s32 s10, $0x1;
	s10 =	sld [smem:$0x3FAE];
	_ =	sdelay $0x3  }
0x37: {  	[smem:$0x3FAE] =	sst s10  }
0x38: {  	s10 =	sld [smem:$0x3FAF]  }
0x39: {  	_ = 	snop;
	(pc) =	sbr.ind lr, $3  }
0x3a: {  	_ = 	snop  }
0x3b: {  	_ = 	snop  }
0x3c: {  	p2 =	seq.s32 s10, $0x1;
	s10 =	sld [smem:$0x3FAE]  }
0x3d: {  	_ =	shalt  }
0x3e: {  	_ =	shalt  }
0x3f: {  	_ =	shalt  }
0x40: {  	_ =	shalt  }
0x41: {  	_ =	shalt  }
0x42: {  	_ =	shalt  }
0x43: {  	_ =	shalt  }
0x44: {  	_ =	shalt  }
0x45: {  	_ =	shalt  }
0x46: {  	_ =	shalt  }
0x47: {  	_ =	shalt  }
0x48: {  	_ =	shalt  }
0x49: {  	_ =	shalt  }
0x4a: {  	_ =	shalt  }
0x4b: {  	_ =	shalt  }
0x4c: {  	_ =	shalt  }
0x4d: {  	_ =	shalt  }
0x4e: {  	_ =	shalt  }
0x4f: {  	_ =	shalt  }
0x50: {  	_ =	shalt  }
0x51: {  	_ =	shalt  }
0x52: {  	_ =	shalt  }
0x53: {  	_ =	shalt  }
0x54: {  	_ =	shalt  }
0x55: {  	_ =	shalt  }
0x56: {  	_ =	shalt  }
0x57: {  	_ =	shalt  }
0x58: {  	_ =	shalt  }
0x59: {  	_ =	shalt  }
0x5a: {  	_ =	shalt  }
0x5b: {  	_ =	shalt  }
0x5c: {  	_ =	shalt  }
0x5d: {  	_ =	shalt  }
0x5e: {  	_ =	shalt  }
0x5f: {  	_ =	shalt  }
0x60: {  	_ =	shalt  }
0x61: {  	_ =	shalt  }
0x62: {  	_ =	shalt  }
0x63: {  	_ =	shalt  }
0x64: {  	_ =	shalt  }
0x65: {  	_ =	shalt  }
0x66: {  	_ =	shalt  }
0x67: {  	_ =	shalt  }
0x68: {  	_ =	shalt  }
0x69: {  	_ =	shalt  }
0x6a: {  	_ =	shalt  }
0x6b: {  	_ =	shalt  }
0x6c: {  	_ =	shalt  }
0x6d: {  	_ =	shalt  }
0x6e: {  	_ =	shalt  }
0x6f: {  	_ =	shalt  }
0x70: {  	_ =	shalt  }
0x71: {  	_ =	shalt  }
0x72: {  	_ =	shalt  }
0x73: {  	_ =	shalt  }
0x74: {  	_ =	shalt  }
0x75: {  	_ =	shalt  }
0x76: {  	_ =	shalt  }
0x77: {  	_ =	shalt  }
0x78: {  	_ =	shalt  }
0x79: {  	_ =	shalt  }
0x7a: {  	_ =	shalt  }
0x7b: {  	_ =	shalt  }
0x7c: {  	_ =	shalt  }
0x7d: {  	_ =	shalt  }
0x7e: {  	_ =	shalt  }
0x7f: {  	_ =	shalt  }
0x80: {  	_ =	shalt  }
0x81: {  	_ =	shalt  }
0x82: {  	_ =	shalt  }
0x83: {  	_ =	shalt  }
0x84: {  	_ =	shalt  }
0x85: {  	_ =	shalt  }
0x86: {  	_ =	shalt  }
0x87: {  	_ =	shalt  }
.Lfunc_end0:
.L_simem_size_0:
called_computation.3_lowered:
.L_overlay_start_0:
0x88: {  	s2 =	sld [smem:$0x3FD9]  }
0x89: {  	s3 =	sld [smem:$0x3FFE];
	_ =	sdelay $0x1  }
0x8a: {  	s1 =	srdreg.scid  }
0x8b: {  	s0 =	sand.u32 $0x1, s1  }
0x8c: {  	s16 =	sshll.u32 s0, $0xA;
	s2 =	sadd.s32 s3, s2  }
0x8d: {  	s2 =	sadd.s32 s2, s16  }
0x8e: {  	[smem:$0x3FBA] =	sst s2  }
0x8f: {  	_ = 	snop  }
0x90: {  	(tm) =	ssettm $0x1  }
0x91: {  	s17 =	sld [smem:$0x3FFB];
	_ =	sdelay $0x3  }
0x92: {  	_ =	strace s17  }
0x93: {  	s2 =	sld [smem:$0x3FFC];
	_ =	sdelay $0x3  }
0x94: {  	_ =	strace s2  }
0x95: {  	s2 =	sld [smem:$0x3FFD];
	_ =	sdelay $0x3  }
0x96: {  	_ =	strace s2  }
0x97: {  	_ =	strace $0x8FFFFFFF  }
0x98: {  	s18 =	sld [smem:$0x3FDB];
	_ =	sdelay $0x1  }
0x99: {  	s19 =	simm.s32 $_scs_section_size  }
0x9a: {  	s4 =	simm.s32 $_size__tile_overlayer_lowered;
	s5 =	simm.s32 $_tile_overlayer_lowered  }
0x9b: {  	s22 =	simm.s32 $0x1BFF;
	s21 =	sshll.u32 s5, $0x1;
	s2 =	sadd.s32 s19, s18  }
0x9c: {  	s6 =	simm.s32 $0x0;
	s20 =	sshll.u32 s4, $0x1;
	s4 =	sadd.s32 s21, s2  }
0x9d: {  	[timem:s6], [sflag:s22] =	dma.local [hbm:s4], s20  }
0x9e: {  	_ =	swait.ge [sflag:s22], s20  }
0x9f: {  	s3 =	ssub.s32 $0x0, s20;
	[sflag:s22] =	ssyncset.done $0x0  }
0xa0: {  	[sflag:s22] =	ssyncadd.s32 s3;
	_ =	sdelay $0x1  }
0xa1: {  	s23 =	simm.s32 $0x1B8B  }
0xa2: {  	_ =	swait.ge [sflag:s23], $0x1  }
0xa3: {  	[sflag:s23] =	ssyncset.done $0x0  }
0xa4: {  	s25 =	simm.s32 $0x1B8E;
	s24 =	sld [smem:$0x3FFE];
	[sflag:s23] =	ssyncadd.s32 $0xFFFFFFFF  }
0xa5: {  	s26 =	simm.s32 $execute0_lowered;
	[smem:$0x3FD2] =	sst s25  }
0xa6: {  	s4 =	sshll.u32 s26, $0x1;
	_ =	strace $0x8000004F;
	[dreg:$0x1] =	wrdreg $0xFFFFFFFF  }
0xa7: {  	s28 =	simm.s32 $_size_execute0_lowered;
	s2 =	sadd.s32 s2, s4;
	[dreg:$0x0] =	wrdreg $0x0  }
0xa8: {  	s4 =	sshll.u32 s28, $0x1;
	[dreg:$0x2] =	wrdreg s2  }
0xa9: {  	[dreg:$0x3] =	wrdreg s4  }
0xaa: {  	[dreg:$0x4] =	wrdreg $0xC0  }
0xab: {  	_ =	task [dreg:s6], $0x5FFFF  }
0xac: {  	[dreg:$0x1] =	wrdreg $0xFFFFFFFF  }
0xad: {  	[dreg:$0x0] =	wrdreg $0x60  }
0xae: {  	[dreg:$0x2] =	wrdreg s24  }
0xaf: {  	[dreg:$0x3] =	wrdreg $0xC8000  }
0xb0: {  	[dreg:$0x4] =	wrdreg $0x9  }
0xb1: {  	_ =	task.clear_ibuf [dreg:s6], $0x5FFFF;
	_ =	strace $0x9000004F  }
0xb2: {  	s29 =	simm.s32 $0x9;
	_ =	strace $0x80000051  }
0xb3: {  	_ =	swait.ge [sflag:s29], $0x1  }
0xb4: {  	[sflag:s29] =	ssyncadd.s32 $0xFFFFFFFF  }
0xb5: {  	_ =	strace $0x90000051  }
0xb6: {  	_ =	sfence  }
0xb7: {  	s30 =	sld [smem:$0x0];
	_ =	sdelay $0x2  }
0xb8: {  	s31 =	sshll.u32 s1, $0xD;
	s1 =	sshrl.u32 s1, $0x2  }
0xb9: {  	s3 =	sand.u32 $0x4000, s31;
	s1 =	sadd.s32 s1, s30  }
0xba: {  	s0 =	sor.u32 s3, s0;
	s1 =	sshll.u32 s1, $0x11  }
0xbb: {  	s0 =	sor.u32 s1, s0  }
0xbc: {  	s0 =	sadd.s32 $0x8F2B, s0  }
0xbd: {  	[sflag:s0] =	ssyncadd.remote.s32 $0x1  }
0xbe: {  	_ =	sfence.sel $0xFFFF  }
0xbf: {  	[dreg:$0x0] =	wrdreg $0xFFFFFFFF;
	(pc) =	sbr.abs _section_cstart, $3  }
0xc0: {  	[dreg:$0x1] =	wrdreg $0xFFFFFFFF  }
0xc1: {  	_ =	task.clear_ibuf [dreg:s6], $0x2FFFF;
	_ =	strace $0x9FFFFFFF  }
0xc2: {  	(tm) =	ssettm $0x7FFFFFFF  }
0xc3: {  	_ =	shalt  }
tec
execute0_lowered:
.L_overlay_start_1:
0x0: {  	(tag) =	ssettag $0x1  }
0x1: {  	s11 =	rddreg [dreg:$0x0]  }
0x2: {  	s1 =	rddreg [dreg:$0x1];
	s3 =	simm.s32 $0x0;
	s4 =	srdreg.scid  }
0x3: {  	s2 =	stileid.u32;
	[smem:$0x7FF] =	sst s3;
	s29 =	sand.u32 $0x1, s4  }
0x4: {  	s8 =	sshll.u32 s2, $0x8;
	s26 =	sshll.u32 s2, $0xD;
	s31 =	sshll.u32 s2, $0x10  }
0x5: {  	s5 =	sshll.u32 s2, $0x6;
	_ =	strace $0x80000050;
	s9 =	sshll.u32 s29, $0x7  }
0x6: {  	s30 =	sadd.s32 s26, s11;
	s6 =	sadd.s32 s31, s1;
	s5 =	sor.u32 $0x1C04, s5  }
0x7: {  	s4 =	sadd.s32 $0x28200, s30;
	s7 =	sshrl.u32 s6, $0x3;
	s6 =	simm.s32 $0x4  }
0x8: {  	[spmem:s7], [sflag:s5] =	dma.local [hbm:s4], $0x2000  }
0x9: {  	s8 =	sor.u32 s9, s8;
	_ =	swait.ge [sflag:s6], $0x2000  }
0xa: {  	s9 =	sadd.s32 s8, s11;
	[sflag:s6] =	ssyncset.done $0x0  }
0xb: {  	s8 =	sadd.s32 $0x88E00, s9;
	[sflag:s6] =	ssyncadd.s32 $0xFFFFE000  }
0xc: {  	[tilespmem:s3], [sflag:$0x4] =	stream.linear.gather [hbm4b:s8+s3], $0x300, $0x38;
	[tilespmem:$0x1C800] =	vst v63  }
0xd: {  	_ =	swait.ge [sflag:s6], $0x300  }
0xe: {  	[sflag:s6] =	ssyncset.done $0x0  }
0xf: {  	s10 =	simm.s32 $0x400;
	s9 =	sadd.s32 $0xB9E00, s9;
	[sflag:s6] =	ssyncadd.s32 $0xFFFFFD00  }
0x10: {  	[tilespmem:s10], [sflag:$0x4] =	stream.linear.gather [hbm4b:s9+s3], $0x300, $0x38;
	[tilespmem:$0x1C800] =	vst v63  }
0x11: {  	_ =	swait.ge [sflag:s6], $0x300  }
0x12: {  	[sflag:s6] =	ssyncset.done $0x0  }
0x13: {  	s12 =	simm.s32 $0x80;
	[sflag:s6] =	ssyncadd.s32 $0xFFFFFD00  }
0x14: {  	s13 =	simm.s32 $0x800;
	s11 =	sadd.s32 $0x11E400, s11;
	[bflag:$0x0] =	sbarrier.arrive $0xFFFF  }
0x15: {  	[tilespmem:s13], [sflag:$0x1] =	stream.indirect.gather [hbm4b:s11+s12], $0x80, s10, s12, $0xb8;
	[tilespmem:$0x1C800] =	vst v63  }
0x16: {  	s14 =	simm.s32 $0x480;
	s15 =	simm.s32 $0x4800  }
0x17: {  	[tilespmem:s15], [sflag:$0x2] =	stream.indirect.gather [hbm4b:s11+s12], $0x80, s14, s12, $0xb8;
	[tilespmem:$0x1C800] =	vst v63  }
0x18: {  	s16 =	simm.s32 $0x500;
	s17 =	simm.s32 $0x8800;
	s18 =	simm.s32 $0x1  }
0x19: {  	[tilespmem:s17], [sflag:$0x3] =	stream.indirect.gather [hbm4b:s11+s12], $0x80, s16, s12, $0xb8;
	[tilespmem:$0x1C800] =	vst v63  }
0x1a: {  	_ =	swait.ge [sflag:s18], $0x4000  }
0x1b: {  	[sflag:s18] =	ssyncset.done $0x0  }
0x1c: {  	[sflag:s18] =	ssyncadd.s32 $0xFFFFC000  }
0x1d: {  	[spmem:s1] =	stream.indirect.scatter.add.f32 [tilespmem:s13], [sflag:$0x4], $0x80, s3, s12, $0xb8;
	[tilespmem:$0x1C800] =	vst v63  }
0x1e: {  	_ =	swait.ge [sflag:s6], $0x4000  }
0x1f: {  	[sflag:s6] =	ssyncset.done $0x0  }
0x20: {  	s19 =	simm.s32 $0x580;
	s20 =	simm.s32 $0x2;
	[sflag:s6] =	ssyncadd.s32 $0xFFFFC000  }
0x21: {  	[tilespmem:s13], [sflag:$0x1] =	stream.indirect.gather [hbm4b:s11+s12], $0x80, s19, s12, $0xb8;
	[tilespmem:$0x1C800] =	vst v63  }
0x22: {  	_ =	swait.ge [sflag:s20], $0x4000  }
0x23: {  	[sflag:s20] =	ssyncset.done $0x0  }
0x24: {  	[sflag:s20] =	ssyncadd.s32 $0xFFFFC000  }
0x25: {  	[spmem:s1] =	stream.indirect.scatter.add.f32 [tilespmem:s15], [sflag:$0x4], $0x80, s12, s12, $0xb8;
	[tilespmem:$0x1C800] =	vst v63  }
0x26: {  	_ =	swait.ge [sflag:s6], $0x4000  }
0x27: {  	[sflag:s6] =	ssyncset.done $0x0  }
0x28: {  	s21 =	simm.s32 $0x600;
	s22 =	simm.s32 $0x3;
	[sflag:s6] =	ssyncadd.s32 $0xFFFFC000  }
0x29: {  	[tilespmem:s15], [sflag:$0x2] =	stream.indirect.gather [hbm4b:s11+s12], $0x80, s21, s12, $0xb8;
	[tilespmem:$0x1C800] =	vst v63  }
0x2a: {  	_ =	swait.ge [sflag:s22], $0x4000  }
0x2b: {  	[sflag:s22] =	ssyncset.done $0x0  }
0x2c: {  	s23 =	simm.s32 $0x100;
	[sflag:s22] =	ssyncadd.s32 $0xFFFFC000  }
0x2d: {  	[spmem:s1] =	stream.indirect.scatter.add.f32 [tilespmem:s17], [sflag:$0x4], $0x80, s23, s12, $0xb8;
	[tilespmem:$0x1C800] =	vst v63  }
0x2e: {  	_ =	swait.ge [sflag:s6], $0x4000  }
0x2f: {  	[sflag:s6] =	ssyncset.done $0x0  }
0x30: {  	s24 =	simm.s32 $0x680;
	[sflag:s6] =	ssyncadd.s32 $0xFFFFC000  }
0x31: {  	[tilespmem:s17], [sflag:$0x3] =	stream.indirect.gather [hbm4b:s11+s12], $0x80, s24, s12, $0xb8;
	[tilespmem:$0x1C800] =	vst v63  }
0x32: {  	_ =	swait.ge [sflag:s18], $0x4000  }
0x33: {  	[sflag:s18] =	ssyncset.done $0x0  }
0x34: {  	s25 =	simm.s32 $0x180;
	[sflag:s18] =	ssyncadd.s32 $0xFFFFC000  }
0x35: {  	[spmem:s1] =	stream.indirect.scatter.add.f32 [tilespmem:s13], [sflag:$0x4], $0x80, s25, s12, $0xb8;
	[tilespmem:$0x1C800] =	vst v63  }
0x36: {  	_ =	swait.ge [sflag:s6], $0x4000  }
0x37: {  	[sflag:s6] =	ssyncset.done $0x0  }
0x38: {  	[sflag:s6] =	ssyncadd.s32 $0xFFFFC000  }
0x39: {  	_ =	swait.ge [sflag:s20], $0x4000  }
0x3a: {  	[sflag:s20] =	ssyncset.done $0x0  }
0x3b: {  	s26 =	simm.s32 $0x200;
	[sflag:s20] =	ssyncadd.s32 $0xFFFFC000  }
0x3c: {  	[spmem:s1] =	stream.indirect.scatter.add.f32 [tilespmem:s15], [sflag:$0x4], $0x80, s26, s12, $0xb8;
	[tilespmem:$0x1C800] =	vst v63  }
0x3d: {  	_ =	swait.ge [sflag:s6], $0x4000  }
0x3e: {  	[sflag:s6] =	ssyncset.done $0x0  }
0x3f: {  	[sflag:s6] =	ssyncadd.s32 $0xFFFFC000  }
0x40: {  	s31 =	ssub.s32 $0x2, s29;
	_ =	swait.ge [sflag:s22], $0x4000  }
0x41: {  	s0 =	sshrl.u32 s31, $0x1;
	[sflag:s22] =	ssyncset.done $0x0  }
0x42: {  	s28 =	simm.s32 $0x280;
	s0 =	ssub.s32 s31, s0;
	[sflag:s22] =	ssyncadd.s32 $0xFFFFC000  }
0x43: {  	[spmem:s1] =	stream.indirect.scatter.add.f32 [tilespmem:s17], [sflag:$0x4], $0x80, s28, s12, $0xb8;
	[tilespmem:$0x1C800] =	vst v63  }
0x44: {  	s0 =	smax.u32 s0, $0x1;
	_ =	swait.ge [sflag:s6], $0x4000  }
0x45: {  	s29 =	sshll.u32 s29, $0x11;
	p0 =	sne.s32 s0, $0x1;
	[sflag:s6] =	ssyncset.done $0x0  }
.Ltmp0:
0x46: {  	s29 =	sadd.s32 s29, s30;
	[sflag:s6] =	ssyncadd.s32 $0xFFFFC000;
	(pc) =	sbr.rel @!p0 .LBB2_2-.Ltmp0, $4  }
0x47: {  	s29 =	sadd.s32 $0x48200, s29;
	[bflag:$0x0] =	sbarrier.arrive $0xFFFF  }
0x48: {  	[hbm:s29], [sflag:s5] =	dma.local [spmem:s7], $0x2000  }
0x49: {  	_ =	swait.ge [sflag:s6], $0x2000  }
0x4a: {  	s30 =	sadd.s32 $0xFFFFFFFF, s0;
	[sflag:s6] =	ssyncset.done $0x0  }
.LBB2_1:
0x4b: {  	p0 =	sne.s32 s30, $0x1;
	s30 =	sadd.s32 $0xFFFFFFFF, s30;
	[sflag:s6] =	ssyncadd.s32 $0xFFFFE000  }
0x4c: {  	[spmem:s7], [sflag:s5] =	dma.local [hbm:s4], $0x2000  }
0x4d: {  	_ =	swait.ge [sflag:s6], $0x2000  }
0x4e: {  	[sflag:s6] =	ssyncset.done $0x0  }
0x4f: {  	[sflag:s6] =	ssyncadd.s32 $0xFFFFE000  }
0x50: {  	[tilespmem:s3], [sflag:$0x4] =	stream.linear.gather [hbm4b:s8+s3], $0x300, $0x38;
	[tilespmem:$0x1C800] =	vst v63  }
0x51: {  	_ =	swait.ge [sflag:s6], $0x300  }
0x52: {  	[sflag:s6] =	ssyncset.done $0x0  }
0x53: {  	[sflag:s6] =	ssyncadd.s32 $0xFFFFFD00  }
0x54: {  	[tilespmem:s10], [sflag:$0x4] =	stream.linear.gather [hbm4b:s9+s3], $0x300, $0x38;
	[tilespmem:$0x1C800] =	vst v63  }
0x55: {  	_ =	swait.ge [sflag:s6], $0x300  }
0x56: {  	[sflag:s6] =	ssyncset.done $0x0  }
0x57: {  	[sflag:s6] =	ssyncadd.s32 $0xFFFFFD00  }
0x58: {  	[bflag:$0x0] =	sbarrier.arrive $0xFFFF  }
0x59: {  	[tilespmem:s13], [sflag:$0x1] =	stream.indirect.gather [hbm4b:s11+s12], $0x80, s10, s12, $0xb8;
	[tilespmem:$0x1C800] =	vst v63  }
0x5a: {  	_ = 	snop  }
0x5b: {  	[tilespmem:s15], [sflag:$0x2] =	stream.indirect.gather [hbm4b:s11+s12], $0x80, s14, s12, $0xb8;
	[tilespmem:$0x1C800] =	vst v63  }
0x5c: {  	_ = 	snop  }
0x5d: {  	[tilespmem:s17], [sflag:$0x3] =	stream.indirect.gather [hbm4b:s11+s12], $0x80, s16, s12, $0xb8;
	[tilespmem:$0x1C800] =	vst v63  }
0x5e: {  	_ =	swait.ge [sflag:s18], $0x4000  }
0x5f: {  	[sflag:s18] =	ssyncset.done $0x0  }
0x60: {  	[sflag:s18] =	ssyncadd.s32 $0xFFFFC000  }
0x61: {  	[spmem:s1] =	stream.indirect.scatter.add.f32 [tilespmem:s13], [sflag:$0x4], $0x80, s3, s12, $0xb8;
	[tilespmem:$0x1C800] =	vst v63  }
0x62: {  	_ =	swait.ge [sflag:s6], $0x4000  }
0x63: {  	[sflag:s6] =	ssyncset.done $0x0  }
0x64: {  	[sflag:s6] =	ssyncadd.s32 $0xFFFFC000  }
0x65: {  	[tilespmem:s13], [sflag:$0x1] =	stream.indirect.gather [hbm4b:s11+s12], $0x80, s19, s12, $0xb8;
	[tilespmem:$0x1C800] =	vst v63  }
0x66: {  	_ =	swait.ge [sflag:s20], $0x4000  }
0x67: {  	[sflag:s20] =	ssyncset.done $0x0  }
0x68: {  	[sflag:s20] =	ssyncadd.s32 $0xFFFFC000  }
0x69: {  	[spmem:s1] =	stream.indirect.scatter.add.f32 [tilespmem:s15], [sflag:$0x4], $0x80, s12, s12, $0xb8;
	[tilespmem:$0x1C800] =	vst v63  }
0x6a: {  	_ =	swait.ge [sflag:s6], $0x4000  }
0x6b: {  	[sflag:s6] =	ssyncset.done $0x0  }
0x6c: {  	[sflag:s6] =	ssyncadd.s32 $0xFFFFC000  }
0x6d: {  	[tilespmem:s15], [sflag:$0x2] =	stream.indirect.gather [hbm4b:s11+s12], $0x80, s21, s12, $0xb8;
	[tilespmem:$0x1C800] =	vst v63  }
0x6e: {  	_ =	swait.ge [sflag:s22], $0x4000  }
0x6f: {  	[sflag:s22] =	ssyncset.done $0x0  }
0x70: {  	[sflag:s22] =	ssyncadd.s32 $0xFFFFC000  }
0x71: {  	[spmem:s1] =	stream.indirect.scatter.add.f32 [tilespmem:s17], [sflag:$0x4], $0x80, s23, s12, $0xb8;
	[tilespmem:$0x1C800] =	vst v63  }
0x72: {  	_ =	swait.ge [sflag:s6], $0x4000  }
0x73: {  	[sflag:s6] =	ssyncset.done $0x0  }
0x74: {  	[sflag:s6] =	ssyncadd.s32 $0xFFFFC000  }
0x75: {  	[tilespmem:s17], [sflag:$0x3] =	stream.indirect.gather [hbm4b:s11+s12], $0x80, s24, s12, $0xb8;
	[tilespmem:$0x1C800] =	vst v63  }
0x76: {  	_ =	swait.ge [sflag:s18], $0x4000  }
0x77: {  	[sflag:s18] =	ssyncset.done $0x0  }
0x78: {  	[sflag:s18] =	ssyncadd.s32 $0xFFFFC000  }
0x79: {  	[spmem:s1] =	stream.indirect.scatter.add.f32 [tilespmem:s13], [sflag:$0x4], $0x80, s25, s12, $0xb8;
	[tilespmem:$0x1C800] =	vst v63  }
0x7a: {  	_ =	swait.ge [sflag:s6], $0x4000  }
0x7b: {  	[sflag:s6] =	ssyncset.done $0x0  }
0x7c: {  	[sflag:s6] =	ssyncadd.s32 $0xFFFFC000  }
0x7d: {  	_ =	swait.ge [sflag:s20], $0x4000  }
0x7e: {  	[sflag:s20] =	ssyncset.done $0x0  }
0x7f: {  	[sflag:s20] =	ssyncadd.s32 $0xFFFFC000  }
0x80: {  	[spmem:s1] =	stream.indirect.scatter.add.f32 [tilespmem:s15], [sflag:$0x4], $0x80, s26, s12, $0xb8;
	[tilespmem:$0x1C800] =	vst v63  }
0x81: {  	_ =	swait.ge [sflag:s6], $0x4000  }
0x82: {  	[sflag:s6] =	ssyncset.done $0x0  }
0x83: {  	[sflag:s6] =	ssyncadd.s32 $0xFFFFC000  }
0x84: {  	_ =	swait.ge [sflag:s22], $0x4000  }
0x85: {  	[sflag:s22] =	ssyncset.done $0x0  }
0x86: {  	[sflag:s22] =	ssyncadd.s32 $0xFFFFC000  }
0x87: {  	[spmem:s1] =	stream.indirect.scatter.add.f32 [tilespmem:s17], [sflag:$0x4], $0x80, s28, s12, $0xb8;
	[tilespmem:$0x1C800] =	vst v63  }
0x88: {  	_ =	swait.ge [sflag:s6], $0x4000  }
0x89: {  	[sflag:s6] =	ssyncset.done $0x0  }
.Ltmp1:
0x8a: {  	[sflag:s6] =	ssyncadd.s32 $0xFFFFC000;
	(pc) =	sbr.rel @p0 .LBB2_1-.Ltmp1, $4  }
0x8b: {  	[bflag:$0x0] =	sbarrier.arrive $0xFFFF  }
0x8c: {  	[hbm:s29], [sflag:s5] =	dma.local [spmem:s7], $0x2000  }
0x8d: {  	_ =	swait.ge [sflag:s6], $0x2000  }
0x8e: {  	[sflag:s6] =	ssyncset.done $0x0  }
.LBB2_2:
0x8f: {  	[sflag:s6] =	ssyncadd.s32 $0xFFFFE000  }
0x90: {  	_ =	sfence.sel $0x180000  }
0x91: {  	[bflag:$0x0] =	sbarrier.arrive $0xFFFF  }
0x92: {  	_ =	strace $0x90000050  }
0x93: {  	[bflag:$0x2] =	sbarrier.arrive $0xFFFF  }
0x94: {  	p0 =	sne.s32 s2, $0x0;
	s0 =	rddreg [dreg:$0x2]  }
0x95: {  	s0 =	sadd.s32 @!p0 $0x100000, s0  }
0x96: {  	[sflag:s0] =	ssyncadd.tile.s32 @!p0 $0x1;
	_ =	shalt  }
.Lfunc_end2:
_tile_overlayer_lowered:
.L_overlay_start_2:
0x97: {  	(tag) =	ssettag $0x2  }
0x98: {  	s0 =	rddreg [dreg:$0x0];
	s2 =	stileid.u32  }
0x99: {  	s1 =	rddreg [dreg:$0x1];
	p0 =	sne.s32 s2, $0x0  }
0x9a: {  	s3 =	rddreg [dreg:$0x2];
	[bflag:$0x3] =	sbarrier.arrive $0xFFFF;
	s2 =	simm.s32 @!p0 $0x1C04  }
0x9b: {  	[timem:s3], [sflag:s2] =	dma.local @!p0 [hbm:s0], s1  }
0x9c: {  	s0 =	simm.s32 @!p0 $0x4  }
0x9d: {  	_ =	swait.ge @!p0 [sflag:s0], s1  }
0x9e: {  	s1 =	ssub.s32 @!p0 $0x0, s1;
	[sflag:s0] =	ssyncset.done @!p0 $0x0  }
0x9f: {  	[sflag:s0] =	ssyncadd.s32 @!p0 s1  }
0xa0: {  	[bflag:$0x3] =	sbarrier.arrive $0xFFFF  }
0xa1: {  	_ =	shalt  }

// kernel: kernel.26.cloned.1.call-start
scs
__scs_entry_jumppad:
0x0: {  	(pc) =	sbr.rel $0x88, $3  }
0x1: {  	(tag) =	ssettag $0x0;
	lr =	simm.s32 $0x1  }
0x2: {  	[smem:$0x3F93] =	sst lr;
	_ =	strace $0xD0000000  }
0x3: {  	_ = 	snop  }
0x4: {  	_ = 	snop  }
0x5: {  	_ = 	snop  }
0x6: {  	_ = 	snop  }
0x7: {  	_ = 	snop  }
__scs_overlays_trampoline_lowered:
0x8: {  	[smem:$0x3FA2] =	sst s0  }
0x9: {  	[smem:$0x3FA3] =	sst s1  }
0xa: {  	[smem:$0x3FA4] =	sst s2  }
0xb: {  	[smem:$0x3FA5] =	sst s3  }
0xc: {  	[smem:$0x3FA6] =	sst s4  }
0xd: {  	[smem:$0x3FA7] =	sst s5  }
0xe: {  	[smem:$0x3FA8] =	sst s6  }
0xf: {  	[smem:$0x3FA9] =	sst s7  }
0x10: {  	[smem:$0x3FAA] =	sst s8  }
0x11: {  	[smem:$0x3FAB] =	sst s9;
	s0 =	simm.s32 @!p0 $0x0  }
0x12: {  	s1 =	sld [smem:$0x3F91];
	s0 =	simm.s32 @p0 $0x1  }
0x13: {  	[smem:$0x3FAC] =	sst s0;
	s0 =	simm.s32 @!p1 $0x0  }
0x14: {  	s2 =	sld [smem:$0x3F90];
	s0 =	simm.s32 @p1 $0x1  }
0x15: {  	[smem:$0x3FAD] =	sst s0;
	s0 =	simm.s32 @!p2 $0x0  }
0x16: {  	s3 =	sld [smem:$0x3FDB];
	s0 =	simm.s32 @p2 $0x1  }
0x17: {  	s4 =	simm.s32 $0x1BF5;
	[smem:$0x3FAF] =	sst s0  }
0x18: {  	s0 =	sld [smem:$0x3F92];
	_ =	swait.ge [sflag:s4], $0x0  }
0x19: {  	s7 =	sld [smem:$0x3F93]  }
0x1a: {  	s8 =	sadd.s32 $0xFFFFE003, lr  }
0x1b: {  	s9 =	sadd.s32 $0xFFFFFEF7, lr;
	s5 =	simm.s32 $0xFFFFFFFF;
	p2 =	slt.u32 s8, $0xFFFFF086  }
0x1c: {  	p1 =	slt.u32 s9, $0xF7A;
	s5 =	simm.s32 @!p2 $0x0  }
0x1d: {  	s5 =	simm.s32 @p1 $0x1;
	p0 =	seq.s32 s7, s2  }
0x1e: {  	s7 =	smul.u32 @!p0 $0xF7A, s2;
	p2 =	seq.s32 @!p0 s5, $0x0  }
0x1f: {  	s9 =	smul.u32 $0xF7A, s1;
	s8 =	simm.s32 @!p0 $0x1BF5;
	p2 =	por !p2, p0  }
0x20: {  	[sflag:s8] =	ssyncset.s32 @!p0 $0xFFFFF086;
	s6 =	sadd.s32 @!p0 s3, s7;
	s7 =	simm.s32 @!p0 $0x108  }
0x21: {  	s3 =	sadd.s32 s3, s9;
	s6 =	sadd.s32 @!p0 $0x88, s6;
	s7 =	simm.s32 @p2 $0x1082  }
0x22: {  	[simem:s7], [sflag:s8] =	dma.local @!p0 [hbm:s6], $0xF7A  }
0x23: {  	s9 =	sor.u32 $0xD0000000, s2;
	s6 =	simm.s32 $0x108;
	_ =	swait.ge @!p0 [sflag:s8], $0x0  }
0x24: {  	s3 =	sadd.s32 $0x88, s3;
	s6 =	simm.s32 @!p1 $0x1082;
	[sflag:s4] =	ssyncset.s32 $0xFFFFF086  }
0x25: {  	[simem:s6], [sflag:s4] =	dma.local [hbm:s3], $0xF7A  }
0x26: {  	[smem:$0x3F93] =	sst s1;
	(tag) =	ssettag s2;
	_ =	strace s9  }
0x27: {  	s1 =	sld [smem:$0x3FA3]  }
0x28: {  	s2 =	sld [smem:$0x3FA4]  }
0x29: {  	s4 =	sld [smem:$0x3FA6]  }
0x2a: {  	p0 =	seq.s32 s5, $0x0;
	s5 =	sld [smem:$0x3FA7]  }
0x2b: {  	s6 =	sld [smem:$0x3FA8]  }
0x2c: {  	s7 =	sld [smem:$0x3FA9]  }
0x2d: {  	s3 =	simm.s32 $0x108;
	s8 =	sld [smem:$0x3FAA]  }
0x2e: {  	s3 =	simm.s32 @!p0 $0x1082;
	s9 =	sld [smem:$0x3FAB]  }
0x2f: {  	lr =	sadd.s32 s0, s3;
	s0 =	sld [smem:$0x3FA2]  }
0x30: {  	s3 =	sld [smem:$0x3FA5]  }
0x31: {  	[smem:$0x3FAE] =	sst s10  }
0x32: {  	s10 =	sld [smem:$0x3FAC];
	_ =	sdelay $0x3  }
0x33: {  	p0 =	seq.s32 s10, $0x1;
	s10 =	sld [smem:$0x3FAE];
	_ =	sdelay $0x3  }
0x34: {  	[smem:$0x3FAE] =	sst s10  }
0x35: {  	s10 =	sld [smem:$0x3FAD];
	_ =	sdelay $0x3  }
0x36: {  	p1 =	seq.s32 s10, $0x1;
	s10 =	sld [smem:$0x3FAE];
	_ =	sdelay $0x3  }
0x37: {  	[smem:$0x3FAE] =	sst s10  }
0x38: {  	s10 =	sld [smem:$0x3FAF]  }
0x39: {  	_ = 	snop;
	(pc) =	sbr.ind lr, $3  }
0x3a: {  	_ = 	snop  }
0x3b: {  	_ = 	snop  }
0x3c: {  	p2 =	seq.s32 s10, $0x1;
	s10 =	sld [smem:$0x3FAE]  }
0x3d: {  	_ =	shalt  }
0x3e: {  	_ =	shalt  }
0x3f: {  	_ =	shalt  }
0x40: {  	_ =	shalt  }
0x41: {  	_ =	shalt  }
0x42: {  	_ =	shalt  }
0x43: {  	_ =	shalt  }
0x44: {  	_ =	shalt  }
0x45: {  	_ =	shalt  }
0x46: {  	_ =	shalt  }
0x47: {  	_ =	shalt  }
0x48: {  	_ =	shalt  }
0x49: {  	_ =	shalt  }
0x4a: {  	_ =	shalt  }
0x4b: {  	_ =	shalt  }
0x4c: {  	_ =	shalt  }
0x4d: {  	_ =	shalt  }
0x4e: {  	_ =	shalt  }
0x4f: {  	_ =	shalt  }
0x50: {  	_ =	shalt  }
0x51: {  	_ =	shalt  }
0x52: {  	_ =	shalt  }
0x53: {  	_ =	shalt  }
0x54: {  	_ =	shalt  }
0x55: {  	_ =	shalt  }
0x56: {  	_ =	shalt  }
0x57: {  	_ =	shalt  }
0x58: {  	_ =	shalt  }
0x59: {  	_ =	shalt  }
0x5a: {  	_ =	shalt  }
0x5b: {  	_ =	shalt  }
0x5c: {  	_ =	shalt  }
0x5d: {  	_ =	shalt  }
0x5e: {  	_ =	shalt  }
0x5f: {  	_ =	shalt  }
0x60: {  	_ =	shalt  }
0x61: {  	_ =	shalt  }
0x62: {  	_ =	shalt  }
0x63: {  	_ =	shalt  }
0x64: {  	_ =	shalt  }
0x65: {  	_ =	shalt  }
0x66: {  	_ =	shalt  }
0x67: {  	_ =	shalt  }
0x68: {  	_ =	shalt  }
0x69: {  	_ =	shalt  }
0x6a: {  	_ =	shalt  }
0x6b: {  	_ =	shalt  }
0x6c: {  	_ =	shalt  }
0x6d: {  	_ =	shalt  }
0x6e: {  	_ =	shalt  }
0x6f: {  	_ =	shalt  }
0x70: {  	_ =	shalt  }
0x71: {  	_ =	shalt  }
0x72: {  	_ =	shalt  }
0x73: {  	_ =	shalt  }
0x74: {  	_ =	shalt  }
0x75: {  	_ =	shalt  }
0x76: {  	_ =	shalt  }
0x77: {  	_ =	shalt  }
0x78: {  	_ =	shalt  }
0x79: {  	_ =	shalt  }
0x7a: {  	_ =	shalt  }
0x7b: {  	_ =	shalt  }
0x7c: {  	_ =	shalt  }
0x7d: {  	_ =	shalt  }
0x7e: {  	_ =	shalt  }
0x7f: {  	_ =	shalt  }
0x80: {  	_ =	shalt  }
0x81: {  	_ =	shalt  }
0x82: {  	_ =	shalt  }
0x83: {  	_ =	shalt  }
0x84: {  	_ =	shalt  }
0x85: {  	_ =	shalt  }
0x86: {  	_ =	shalt  }
0x87: {  	_ =	shalt  }
.Lfunc_end0:
.L_simem_size_0:
called_computation.4_lowered:
.L_overlay_start_0:
0x88: {  	s2 =	sld [smem:$0x3FD9]  }
0x89: {  	s3 =	sld [smem:$0x3FFE];
	_ =	sdelay $0x1  }
0x8a: {  	s1 =	srdreg.scid  }
0x8b: {  	s0 =	sand.u32 $0x1, s1  }
0x8c: {  	s16 =	sshll.u32 s0, $0xA;
	s2 =	sadd.s32 s3, s2  }
0x8d: {  	s2 =	sadd.s32 s2, s16  }
0x8e: {  	[smem:$0x3FBA] =	sst s2  }
0x8f: {  	_ = 	snop  }
0x90: {  	(tm) =	ssettm $0x1  }
0x91: {  	s17 =	sld [smem:$0x3FFB];
	_ =	sdelay $0x3  }
0x92: {  	_ =	strace s17  }
0x93: {  	s2 =	sld [smem:$0x3FFC];
	_ =	sdelay $0x3  }
0x94: {  	_ =	strace s2  }
0x95: {  	s2 =	sld [smem:$0x3FFD];
	_ =	sdelay $0x3  }
0x96: {  	_ =	strace s2  }
0x97: {  	_ =	strace $0x8FFFFFFF  }
0x98: {  	s18 =	sld [smem:$0x3FDB];
	_ =	sdelay $0x1  }
0x99: {  	s19 =	simm.s32 $_scs_section_size  }
0x9a: {  	s4 =	simm.s32 $_size__tile_overlayer_lowered;
	s5 =	simm.s32 $_tile_overlayer_lowered  }
0x9b: {  	s22 =	simm.s32 $0x1BFF;
	s21 =	sshll.u32 s5, $0x1;
	s2 =	sadd.s32 s19, s18  }
0x9c: {  	s6 =	simm.s32 $0x0;
	s20 =	sshll.u32 s4, $0x1;
	s4 =	sadd.s32 s21, s2  }
0x9d: {  	[timem:s6], [sflag:s22] =	dma.local [hbm:s4], s20  }
0x9e: {  	_ =	swait.ge [sflag:s22], s20  }
0x9f: {  	s3 =	ssub.s32 $0x0, s20;
	[sflag:s22] =	ssyncset.done $0x0  }
0xa0: {  	[sflag:s22] =	ssyncadd.s32 s3;
	_ =	sdelay $0x1  }
0xa1: {  	s23 =	simm.s32 $0x1B8B  }
0xa2: {  	_ =	swait.ge [sflag:s23], $0x1  }
0xa3: {  	[sflag:s23] =	ssyncset.done $0x0  }
0xa4: {  	s25 =	simm.s32 $0x1B8E;
	s24 =	sld [smem:$0x3FFE];
	[sflag:s23] =	ssyncadd.s32 $0xFFFFFFFF  }
0xa5: {  	s26 =	simm.s32 $execute0_lowered;
	[smem:$0x3FD2] =	sst s25  }
0xa6: {  	s4 =	sshll.u32 s26, $0x1;
	_ =	strace $0x80000052;
	[dreg:$0x1] =	wrdreg $0xFFFFFFFF  }
0xa7: {  	s28 =	simm.s32 $_size_execute0_lowered;
	s2 =	sadd.s32 s2, s4;
	[dreg:$0x0] =	wrdreg $0x0  }
0xa8: {  	s4 =	sshll.u32 s28, $0x1;
	[dreg:$0x2] =	wrdreg s2  }
0xa9: {  	[dreg:$0x3] =	wrdreg s4  }
0xaa: {  	[dreg:$0x4] =	wrdreg $0xC0  }
0xab: {  	_ =	task [dreg:s6], $0x5FFFF  }
0xac: {  	[dreg:$0x1] =	wrdreg $0xFFFFFFFF  }
0xad: {  	[dreg:$0x0] =	wrdreg $0x60  }
0xae: {  	[dreg:$0x2] =	wrdreg s24  }
0xaf: {  	[dreg:$0x3] =	wrdreg $0x9  }
0xb0: {  	_ =	task.clear_ibuf [dreg:s6], $0x4FFFF;
	_ =	strace $0x90000052  }
0xb1: {  	s29 =	simm.s32 $0x9;
	_ =	strace $0x80000054  }
0xb2: {  	_ =	swait.ge [sflag:s29], $0x1  }
0xb3: {  	[sflag:s29] =	ssyncadd.s32 $0xFFFFFFFF  }
0xb4: {  	_ =	strace $0x90000054  }
0xb5: {  	_ =	sfence  }
0xb6: {  	s30 =	sld [smem:$0x0];
	_ =	sdelay $0x2  }
0xb7: {  	s31 =	sshll.u32 s1, $0xD;
	s1 =	sshrl.u32 s1, $0x2  }
0xb8: {  	s3 =	sand.u32 $0x4000, s31;
	s1 =	sadd.s32 s1, s30  }
0xb9: {  	s0 =	sor.u32 s3, s0;
	s1 =	sshll.u32 s1, $0x11  }
0xba: {  	s0 =	sor.u32 s1, s0  }
0xbb: {  	s0 =	sadd.s32 $0x8F2B, s0  }
0xbc: {  	[sflag:s0] =	ssyncadd.remote.s32 $0x1  }
0xbd: {  	_ =	sfence.sel $0xFFFF  }
0xbe: {  	[dreg:$0x0] =	wrdreg $0xFFFFFFFF;
	(pc) =	sbr.abs _section_cstart, $3  }
0xbf: {  	[dreg:$0x1] =	wrdreg $0xFFFFFFFF  }
0xc0: {  	_ =	task.clear_ibuf [dreg:s6], $0x2FFFF;
	_ =	strace $0x9FFFFFFF  }
0xc1: {  	(tm) =	ssettm $0x7FFFFFFF  }
tec
execute0_lowered:
.L_overlay_start_1:
0x0: {  	(tag) =	ssettag $0x1  }
0x1: {  	s1 =	srdreg.scid;
	s0 =	stileid.u32  }
0x2: {  	s18 =	sand.u32 $0x1, s1;
	s29 =	sshll.u32 s0, $0x1  }
0x3: {  	s19 =	rddreg [dreg:$0x0];
	s20 =	sor.u32 s18, s29  }
0x4: {  	s2 =	simm.s32 $0x0;
	s1 =	rddreg [dreg:$0x1];
	s3 =	sshll.u32 s20, $0x7  }
0x5: {  	[smem:$0x7FF] =	sst s2;
	s3 =	sadd.s32 s3, s19  }
0x6: {  	_ =	strace $0x80000053;
	s4 =	sadd.s32 $0x7200, s3;
	s3 =	simm.s32 $0x2  }
0x7: {  	[tilespmem:s2], [sflag:$0x2] =	stream.linear.gather [hbm4b:s4+s2], $0x300, $0x38;
	[tilespmem:$0x18400] =	vst v63  }
0x8: {  	_ =	swait.ge [sflag:s3], $0x300  }
0x9: {  	s6 =	simm.s32 $0x80;
	[sflag:s3] =	ssyncset.done $0x0  }
0xa: {  	s7 =	simm.s32 $0x400;
	s5 =	sadd.s32 $0x8200, s19;
	[sflag:s3] =	ssyncadd.s32 $0xFFFFFD00  }
0xb: {  	[tilespmem:s7], [sflag:$0x1] =	stream.indirect.gather [hbm4b:s5+s6], $0x80, s2, s6, $0xb8;
	[tilespmem:$0x18400] =	vst v63  }
0xc: {  	s8 =	simm.s32 $0x4400  }
0xd: {  	[tilespmem:s8], [sflag:$0x1] =	stream.indirect.gather [hbm4b:s5+s6], $0x80, s6, s6, $0xb8;
	[tilespmem:$0x18400] =	vst v63  }
0xe: {  	s9 =	simm.s32 $0x100;
	s10 =	simm.s32 $0x8400  }
0xf: {  	[tilespmem:s10], [sflag:$0x1] =	stream.indirect.gather [hbm4b:s5+s6], $0x80, s9, s6, $0xb8;
	[tilespmem:$0x18400] =	vst v63  }
0x10: {  	s11 =	simm.s32 $0x180;
	s12 =	simm.s32 $0xC400  }
0x11: {  	[tilespmem:s12], [sflag:$0x1] =	stream.indirect.gather [hbm4b:s5+s6], $0x80, s11, s6, $0xb8;
	[tilespmem:$0x18400] =	vst v63  }
0x12: {  	s13 =	simm.s32 $0x200;
	s14 =	simm.s32 $0x10400  }
0x13: {  	[tilespmem:s14], [sflag:$0x1] =	stream.indirect.gather [hbm4b:s5+s6], $0x80, s13, s6, $0xb8;
	[tilespmem:$0x18400] =	vst v63  }
0x14: {  	s15 =	simm.s32 $0x280;
	s16 =	simm.s32 $0x14400;
	s17 =	simm.s32 $0x1  }
0x15: {  	[tilespmem:s16], [sflag:$0x1] =	stream.indirect.gather [hbm4b:s5+s6], $0x80, s15, s6, $0xb8;
	[tilespmem:$0x18400] =	vst v63  }
0x16: {  	_ =	swait.ge [sflag:s17], $0x4000  }
0x17: {  	[sflag:s17] =	ssyncset.done $0x0  }
0x18: {  	[sflag:s17] =	ssyncadd.s32 $0xFFFFC000  }
0x19: {  	_ =	swait.ge [sflag:s17], $0x4000  }
0x1a: {  	[sflag:s17] =	ssyncset.done $0x0  }
0x1b: {  	[sflag:s17] =	ssyncadd.s32 $0xFFFFC000  }
0x1c: {  	_ =	swait.ge [sflag:s17], $0x4000  }
0x1d: {  	[sflag:s17] =	ssyncset.done $0x0  }
0x1e: {  	[sflag:s17] =	ssyncadd.s32 $0xFFFFC000  }
0x1f: {  	_ =	swait.ge [sflag:s17], $0x4000  }
0x20: {  	[sflag:s17] =	ssyncset.done $0x0  }
0x21: {  	s18 =	ssub.s32 $0x2, s18;
	[sflag:s17] =	ssyncadd.s32 $0xFFFFC000  }
0x22: {  	s21 =	sshrl.u32 s18, $0x1;
	_ =	swait.ge [sflag:s17], $0x4000  }
0x23: {  	s30 =	ssub.s32 s18, s21;
	[sflag:s17] =	ssyncset.done $0x0  }
0x24: {  	s20 =	smul.u32 $0x3000, s20;
	s31 =	smax.u32 s30, $0x1;
	[sflag:s17] =	ssyncadd.s32 $0xFFFFC000  }
0x25: {  	p0 =	sne.s32 s31, $0x1;
	_ =	swait.ge [sflag:s17], $0x4000  }
.Ltmp0:
0x26: {  	s19 =	sadd.s32 s20, s19;
	[sflag:s17] =	ssyncset.done $0x0;
	(pc) =	sbr.rel @!p0 .LBB2_2-.Ltmp0, $4  }
0x27: {  	s18 =	sadd.s32 $0xBAE00, s19;
	[sflag:s17] =	ssyncadd.s32 $0xFFFFC000  }
0x28: {  	[hbm4b:s18+s2] =	stream.linear.scatter [tilespmem:s7], [sflag:$0x2], $0x18000, $0x38;
	[tilespmem:$0x18400] =	vst v63  }
0x29: {  	_ =	swait.ge [sflag:s3], $0x18000  }
0x2a: {  	s19 =	sadd.s32 $0xFFFFFFFF, s31;
	[sflag:s3] =	ssyncset.done $0x0  }
.LBB2_1:
0x2b: {  	p0 =	sne.s32 s19, $0x1;
	s19 =	sadd.s32 $0xFFFFFFFF, s19;
	[sflag:s3] =	ssyncadd.s32 $0xFFFE8000  }
0x2c: {  	[tilespmem:s2], [sflag:$0x2] =	stream.linear.gather [hbm4b:s4+s2], $0x300, $0x38;
	[tilespmem:$0x18400] =	vst v63  }
0x2d: {  	_ =	swait.ge [sflag:s3], $0x300  }
0x2e: {  	[sflag:s3] =	ssyncset.done $0x0  }
0x2f: {  	[sflag:s3] =	ssyncadd.s32 $0xFFFFFD00  }
0x30: {  	[tilespmem:s7], [sflag:$0x1] =	stream.indirect.gather [hbm4b:s5+s6], $0x80, s2, s6, $0xb8;
	[tilespmem:$0x18400] =	vst v63  }
0x31: {  	_ = 	snop  }
0x32: {  	[tilespmem:s8], [sflag:$0x1] =	stream.indirect.gather [hbm4b:s5+s6], $0x80, s6, s6, $0xb8;
	[tilespmem:$0x18400] =	vst v63  }
0x33: {  	_ = 	snop  }
0x34: {  	[tilespmem:s10], [sflag:$0x1] =	stream.indirect.gather [hbm4b:s5+s6], $0x80, s9, s6, $0xb8;
	[tilespmem:$0x18400] =	vst v63  }
0x35: {  	_ = 	snop  }
0x36: {  	[tilespmem:s12], [sflag:$0x1] =	stream.indirect.gather [hbm4b:s5+s6], $0x80, s11, s6, $0xb8;
	[tilespmem:$0x18400] =	vst v63  }
0x37: {  	_ = 	snop  }
0x38: {  	[tilespmem:s14], [sflag:$0x1] =	stream.indirect.gather [hbm4b:s5+s6], $0x80, s13, s6, $0xb8;
	[tilespmem:$0x18400] =	vst v63  }
0x39: {  	_ = 	snop  }
0x3a: {  	[tilespmem:s16], [sflag:$0x1] =	stream.indirect.gather [hbm4b:s5+s6], $0x80, s15, s6, $0xb8;
	[tilespmem:$0x18400] =	vst v63  }
0x3b: {  	_ =	swait.ge [sflag:s17], $0x4000  }
0x3c: {  	[sflag:s17] =	ssyncset.done $0x0  }
0x3d: {  	[sflag:s17] =	ssyncadd.s32 $0xFFFFC000  }
0x3e: {  	_ =	swait.ge [sflag:s17], $0x4000  }
0x3f: {  	[sflag:s17] =	ssyncset.done $0x0  }
0x40: {  	[sflag:s17] =	ssyncadd.s32 $0xFFFFC000  }
0x41: {  	_ =	swait.ge [sflag:s17], $0x4000  }
0x42: {  	[sflag:s17] =	ssyncset.done $0x0  }
0x43: {  	[sflag:s17] =	ssyncadd.s32 $0xFFFFC000  }
0x44: {  	_ =	swait.ge [sflag:s17], $0x4000  }
0x45: {  	[sflag:s17] =	ssyncset.done $0x0  }
0x46: {  	[sflag:s17] =	ssyncadd.s32 $0xFFFFC000  }
0x47: {  	_ =	swait.ge [sflag:s17], $0x4000  }
0x48: {  	[sflag:s17] =	ssyncset.done $0x0  }
0x49: {  	[sflag:s17] =	ssyncadd.s32 $0xFFFFC000  }
0x4a: {  	_ =	swait.ge [sflag:s17], $0x4000  }
.Ltmp1:
0x4b: {  	[sflag:s17] =	ssyncset.done $0x0;
	(pc) =	sbr.rel @p0 .LBB2_1-.Ltmp1, $4  }
0x4c: {  	[sflag:s17] =	ssyncadd.s32 $0xFFFFC000  }
0x4d: {  	[hbm4b:s18+s2] =	stream.linear.scatter [tilespmem:s7], [sflag:$0x2], $0x18000, $0x38;
	[tilespmem:$0x18400] =	vst v63  }
0x4e: {  	_ =	swait.ge [sflag:s3], $0x18000  }
0x4f: {  	[sflag:s3] =	ssyncset.done $0x0  }
.LBB2_2:
0x50: {  	[sflag:s3] =	ssyncadd.s32 $0xFFFE8000  }
0x51: {  	_ =	sfence.sel $0x180000  }
0x52: {  	[bflag:$0x0] =	sbarrier.arrive $0xFFFF  }
0x53: {  	p0 =	sne.s32 s0, $0x0;
	_ =	strace $0x90000053  }
0x54: {  	s0 =	sadd.s32 @!p0 $0x100000, s1;
	[bflag:$0x2] =	sbarrier.arrive $0xFFFF  }
0x55: {  	[sflag:s0] =	ssyncadd.tile.s32 @!p0 $0x1;
	_ =	shalt  }
.Lfunc_end2:
_tile_overlayer_lowered:
.L_overlay_start_2:
0x56: {  	(tag) =	ssettag $0x2  }
0x57: {  	s0 =	rddreg [dreg:$0x0];
	s2 =	stileid.u32  }
0x58: {  	s1 =	rddreg [dreg:$0x1];
	p0 =	sne.s32 s2, $0x0  }
0x59: {  	s3 =	rddreg [dreg:$0x2];
	[bflag:$0x3] =	sbarrier.arrive $0xFFFF;
	s2 =	simm.s32 @!p0 $0x1C02  }
0x5a: {  	[timem:s3], [sflag:s2] =	dma.local @!p0 [hbm:s0], s1  }
0x5b: {  	s0 =	simm.s32 @!p0 $0x2  }
0x5c: {  	_ =	swait.ge @!p0 [sflag:s0], s1  }
0x5d: {  	s1 =	ssub.s32 @!p0 $0x0, s1;
	[sflag:s0] =	ssyncset.done @!p0 $0x0  }
0x5e: {  	[sflag:s0] =	ssyncadd.s32 @!p0 s1  }
0x5f: {  	[bflag:$0x3] =	sbarrier.arrive $0xFFFF  }
0x60: {  	_ =	shalt  }

// kernel: kernel.29.cloned.1.call-start
scs
__scs_entry_jumppad:
0x0: {  	(pc) =	sbr.rel $0x88, $3  }
0x1: {  	(tag) =	ssettag $0x0;
	lr =	simm.s32 $0x1  }
0x2: {  	[smem:$0x3F93] =	sst lr;
	_ =	strace $0xD0000000  }
0x3: {  	_ = 	snop  }
0x4: {  	_ = 	snop  }
0x5: {  	_ = 	snop  }
0x6: {  	_ = 	snop  }
0x7: {  	_ = 	snop  }
__scs_overlays_trampoline_lowered:
0x8: {  	[smem:$0x3FA2] =	sst s0  }
0x9: {  	[smem:$0x3FA3] =	sst s1  }
0xa: {  	[smem:$0x3FA4] =	sst s2  }
0xb: {  	[smem:$0x3FA5] =	sst s3  }
0xc: {  	[smem:$0x3FA6] =	sst s4  }
0xd: {  	[smem:$0x3FA7] =	sst s5  }
0xe: {  	[smem:$0x3FA8] =	sst s6  }
0xf: {  	[smem:$0x3FA9] =	sst s7  }
0x10: {  	[smem:$0x3FAA] =	sst s8  }
0x11: {  	[smem:$0x3FAB] =	sst s9;
	s0 =	simm.s32 @!p0 $0x0  }
0x12: {  	s1 =	sld [smem:$0x3F91];
	s0 =	simm.s32 @p0 $0x1  }
0x13: {  	[smem:$0x3FAC] =	sst s0;
	s0 =	simm.s32 @!p1 $0x0  }
0x14: {  	s2 =	sld [smem:$0x3F90];
	s0 =	simm.s32 @p1 $0x1  }
0x15: {  	[smem:$0x3FAD] =	sst s0;
	s0 =	simm.s32 @!p2 $0x0  }
0x16: {  	s3 =	sld [smem:$0x3FDB];
	s0 =	simm.s32 @p2 $0x1  }
0x17: {  	s4 =	simm.s32 $0x1BF5;
	[smem:$0x3FAF] =	sst s0  }
0x18: {  	s0 =	sld [smem:$0x3F92];
	_ =	swait.ge [sflag:s4], $0x0  }
0x19: {  	s7 =	sld [smem:$0x3F93]  }
0x1a: {  	s8 =	sadd.s32 $0xFFFFE003, lr  }
0x1b: {  	s9 =	sadd.s32 $0xFFFFFEF7, lr;
	s5 =	simm.s32 $0xFFFFFFFF;
	p2 =	slt.u32 s8, $0xFFFFF086  }
0x1c: {  	p1 =	slt.u32 s9, $0xF7A;
	s5 =	simm.s32 @!p2 $0x0  }
0x1d: {  	s5 =	simm.s32 @p1 $0x1;
	p0 =	seq.s32 s7, s2  }
0x1e: {  	s7 =	smul.u32 @!p0 $0xF7A, s2;
	p2 =	seq.s32 @!p0 s5, $0x0  }
0x1f: {  	s9 =	smul.u32 $0xF7A, s1;
	s8 =	simm.s32 @!p0 $0x1BF5;
	p2 =	por !p2, p0  }
0x20: {  	[sflag:s8] =	ssyncset.s32 @!p0 $0xFFFFF086;
	s6 =	sadd.s32 @!p0 s3, s7;
	s7 =	simm.s32 @!p0 $0x108  }
0x21: {  	s3 =	sadd.s32 s3, s9;
	s6 =	sadd.s32 @!p0 $0x88, s6;
	s7 =	simm.s32 @p2 $0x1082  }
0x22: {  	[simem:s7], [sflag:s8] =	dma.local @!p0 [hbm:s6], $0xF7A  }
0x23: {  	s9 =	sor.u32 $0xD0000000, s2;
	s6 =	simm.s32 $0x108;
	_ =	swait.ge @!p0 [sflag:s8], $0x0  }
0x24: {  	s3 =	sadd.s32 $0x88, s3;
	s6 =	simm.s32 @!p1 $0x1082;
	[sflag:s4] =	ssyncset.s32 $0xFFFFF086  }
0x25: {  	[simem:s6], [sflag:s4] =	dma.local [hbm:s3], $0xF7A  }
0x26: {  	[smem:$0x3F93] =	sst s1;
	(tag) =	ssettag s2;
	_ =	strace s9  }
0x27: {  	s1 =	sld [smem:$0x3FA3]  }
0x28: {  	s2 =	sld [smem:$0x3FA4]  }
0x29: {  	s4 =	sld [smem:$0x3FA6]  }
0x2a: {  	p0 =	seq.s32 s5, $0x0;
	s5 =	sld [smem:$0x3FA7]  }
0x2b: {  	s6 =	sld [smem:$0x3FA8]  }
0x2c: {  	s7 =	sld [smem:$0x3FA9]  }
0x2d: {  	s3 =	simm.s32 $0x108;
	s8 =	sld [smem:$0x3FAA]  }
0x2e: {  	s3 =	simm.s32 @!p0 $0x1082;
	s9 =	sld [smem:$0x3FAB]  }
0x2f: {  	lr =	sadd.s32 s0, s3;
	s0 =	sld [smem:$0x3FA2]  }
0x30: {  	s3 =	sld [smem:$0x3FA5]  }
0x31: {  	[smem:$0x3FAE] =	sst s10  }
0x32: {  	s10 =	sld [smem:$0x3FAC];
	_ =	sdelay $0x3  }
0x33: {  	p0 =	seq.s32 s10, $0x1;
	s10 =	sld [smem:$0x3FAE];
	_ =	sdelay $0x3  }
0x34: {  	[smem:$0x3FAE] =	sst s10  }
0x35: {  	s10 =	sld [smem:$0x3FAD];
	_ =	sdelay $0x3  }
0x36: {  	p1 =	seq.s32 s10, $0x1;
	s10 =	sld [smem:$0x3FAE];
	_ =	sdelay $0x3  }
0x37: {  	[smem:$0x3FAE] =	sst s10  }
0x38: {  	s10 =	sld [smem:$0x3FAF]  }
0x39: {  	_ = 	snop;
	(pc) =	sbr.ind lr, $3  }
0x3a: {  	_ = 	snop  }
0x3b: {  	_ = 	snop  }
0x3c: {  	p2 =	seq.s32 s10, $0x1;
	s10 =	sld [smem:$0x3FAE]  }
0x3d: {  	_ =	shalt  }
0x3e: {  	_ =	shalt  }
0x3f: {  	_ =	shalt  }
0x40: {  	_ =	shalt  }
0x41: {  	_ =	shalt  }
0x42: {  	_ =	shalt  }
0x43: {  	_ =	shalt  }
0x44: {  	_ =	shalt  }
0x45: {  	_ =	shalt  }
0x46: {  	_ =	shalt  }
0x47: {  	_ =	shalt  }
0x48: {  	_ =	shalt  }
0x49: {  	_ =	shalt  }
0x4a: {  	_ =	shalt  }
0x4b: {  	_ =	shalt  }
0x4c: {  	_ =	shalt  }
0x4d: {  	_ =	shalt  }
0x4e: {  	_ =	shalt  }
0x4f: {  	_ =	shalt  }
0x50: {  	_ =	shalt  }
0x51: {  	_ =	shalt  }
0x52: {  	_ =	shalt  }
0x53: {  	_ =	shalt  }
0x54: {  	_ =	shalt  }
0x55: {  	_ =	shalt  }
0x56: {  	_ =	shalt  }
0x57: {  	_ =	shalt  }
0x58: {  	_ =	shalt  }
0x59: {  	_ =	shalt  }
0x5a: {  	_ =	shalt  }
0x5b: {  	_ =	shalt  }
0x5c: {  	_ =	shalt  }
0x5d: {  	_ =	shalt  }
0x5e: {  	_ =	shalt  }
0x5f: {  	_ =	shalt  }
0x60: {  	_ =	shalt  }
0x61: {  	_ =	shalt  }
0x62: {  	_ =	shalt  }
0x63: {  	_ =	shalt  }
0x64: {  	_ =	shalt  }
0x65: {  	_ =	shalt  }
0x66: {  	_ =	shalt  }
0x67: {  	_ =	shalt  }
0x68: {  	_ =	shalt  }
0x69: {  	_ =	shalt  }
0x6a: {  	_ =	shalt  }
0x6b: {  	_ =	shalt  }
0x6c: {  	_ =	shalt  }
0x6d: {  	_ =	shalt  }
0x6e: {  	_ =	shalt  }
0x6f: {  	_ =	shalt  }
0x70: {  	_ =	shalt  }
0x71: {  	_ =	shalt  }
0x72: {  	_ =	shalt  }
0x73: {  	_ =	shalt  }
0x74: {  	_ =	shalt  }
0x75: {  	_ =	shalt  }
0x76: {  	_ =	shalt  }
0x77: {  	_ =	shalt  }
0x78: {  	_ =	shalt  }
0x79: {  	_ =	shalt  }
0x7a: {  	_ =	shalt  }
0x7b: {  	_ =	shalt  }
0x7c: {  	_ =	shalt  }
0x7d: {  	_ =	shalt  }
0x7e: {  	_ =	shalt  }
0x7f: {  	_ =	shalt  }
0x80: {  	_ =	shalt  }
0x81: {  	_ =	shalt  }
0x82: {  	_ =	shalt  }
0x83: {  	_ =	shalt  }
0x84: {  	_ =	shalt  }
0x85: {  	_ =	shalt  }
0x86: {  	_ =	shalt  }
0x87: {  	_ =	shalt  }
.Lfunc_end0:
.L_simem_size_0:
called_computation.5_lowered:
.L_overlay_start_0:
0x88: {  	s2 =	sld [smem:$0x3FD9]  }
0x89: {  	s3 =	sld [smem:$0x3FFE];
	_ =	sdelay $0x1  }
0x8a: {  	s1 =	srdreg.scid  }
0x8b: {  	s0 =	sand.u32 $0x1, s1  }
0x8c: {  	s16 =	sshll.u32 s0, $0xA;
	s2 =	sadd.s32 s3, s2  }
0x8d: {  	s2 =	sadd.s32 s2, s16  }
0x8e: {  	[smem:$0x3FBA] =	sst s2  }
0x8f: {  	_ = 	snop  }
0x90: {  	(tm) =	ssettm $0x1  }
0x91: {  	s17 =	sld [smem:$0x3FFB];
	_ =	sdelay $0x3  }
0x92: {  	_ =	strace s17  }
0x93: {  	s2 =	sld [smem:$0x3FFC];
	_ =	sdelay $0x3  }
0x94: {  	_ =	strace s2  }
0x95: {  	s2 =	sld [smem:$0x3FFD];
	_ =	sdelay $0x3  }
0x96: {  	_ =	strace s2  }
0x97: {  	_ =	strace $0x8FFFFFFF  }
0x98: {  	s18 =	sld [smem:$0x3FDB];
	_ =	sdelay $0x1  }
0x99: {  	s19 =	simm.s32 $_scs_section_size  }
0x9a: {  	s4 =	simm.s32 $_size__tile_overlayer_lowered;
	s5 =	simm.s32 $_tile_overlayer_lowered  }
0x9b: {  	s22 =	simm.s32 $0x1BFF;
	s21 =	sshll.u32 s5, $0x1;
	s2 =	sadd.s32 s19, s18  }
0x9c: {  	s6 =	simm.s32 $0x0;
	s20 =	sshll.u32 s4, $0x1;
	s4 =	sadd.s32 s21, s2  }
0x9d: {  	[timem:s6], [sflag:s22] =	dma.local [hbm:s4], s20  }
0x9e: {  	_ =	swait.ge [sflag:s22], s20  }
0x9f: {  	s3 =	ssub.s32 $0x0, s20;
	[sflag:s22] =	ssyncset.done $0x0  }
0xa0: {  	[sflag:s22] =	ssyncadd.s32 s3;
	_ =	sdelay $0x1  }
0xa1: {  	s23 =	simm.s32 $0x1B8B  }
0xa2: {  	_ =	swait.ge [sflag:s23], $0x1  }
0xa3: {  	[sflag:s23] =	ssyncset.done $0x0  }
0xa4: {  	s25 =	simm.s32 $0x1B8E;
	s24 =	sld [smem:$0x3FFE];
	[sflag:s23] =	ssyncadd.s32 $0xFFFFFFFF  }
0xa5: {  	s26 =	simm.s32 $execute0_lowered;
	[smem:$0x3FD2] =	sst s25  }
0xa6: {  	s4 =	sshll.u32 s26, $0x1;
	_ =	strace $0x80000055;
	[dreg:$0x1] =	wrdreg $0xFFFFFFFF  }
0xa7: {  	s28 =	simm.s32 $_size_execute0_lowered;
	s2 =	sadd.s32 s2, s4;
	[dreg:$0x0] =	wrdreg $0x0  }
0xa8: {  	s4 =	sshll.u32 s28, $0x1;
	[dreg:$0x2] =	wrdreg s2  }
0xa9: {  	[dreg:$0x3] =	wrdreg s4  }
0xaa: {  	[dreg:$0x4] =	wrdreg $0xC0  }
0xab: {  	_ =	task [dreg:s6], $0x5FFFF  }
0xac: {  	[dreg:$0x1] =	wrdreg $0xFFFFFFFF  }
0xad: {  	[dreg:$0x0] =	wrdreg $0x60  }
0xae: {  	[dreg:$0x2] =	wrdreg s24  }
0xaf: {  	[dreg:$0x3] =	wrdreg $0xC8000  }
0xb0: {  	[dreg:$0x4] =	wrdreg $0x9  }
0xb1: {  	_ =	task.clear_ibuf [dreg:s6], $0x5FFFF;
	_ =	strace $0x90000055  }
0xb2: {  	s29 =	simm.s32 $0x9;
	_ =	strace $0x80000057  }
0xb3: {  	_ =	swait.ge [sflag:s29], $0x1  }
0xb4: {  	[sflag:s29] =	ssyncadd.s32 $0xFFFFFFFF  }
0xb5: {  	_ =	strace $0x90000057  }
0xb6: {  	_ =	sfence  }
0xb7: {  	s30 =	sld [smem:$0x0];
	_ =	sdelay $0x2  }
0xb8: {  	s31 =	sshll.u32 s1, $0xD;
	s1 =	sshrl.u32 s1, $0x2  }
0xb9: {  	s3 =	sand.u32 $0x4000, s31;
	s1 =	sadd.s32 s1, s30  }
0xba: {  	s0 =	sor.u32 s3, s0;
	s1 =	sshll.u32 s1, $0x11  }
0xbb: {  	s0 =	sor.u32 s1, s0  }
0xbc: {  	s0 =	sadd.s32 $0x8F2B, s0  }
0xbd: {  	[sflag:s0] =	ssyncadd.remote.s32 $0x1  }
0xbe: {  	_ =	sfence.sel $0xFFFF  }
0xbf: {  	[dreg:$0x0] =	wrdreg $0xFFFFFFFF;
	(pc) =	sbr.abs _section_cstart, $3  }
0xc0: {  	[dreg:$0x1] =	wrdreg $0xFFFFFFFF  }
0xc1: {  	_ =	task.clear_ibuf [dreg:s6], $0x2FFFF;
	_ =	strace $0x9FFFFFFF  }
0xc2: {  	(tm) =	ssettm $0x7FFFFFFF  }
0xc3: {  	_ =	shalt  }
tec
execute0_lowered:
.L_overlay_start_1:
0x0: {  	(tag) =	ssettag $0x1  }
0x1: {  	s11 =	rddreg [dreg:$0x0]  }
0x2: {  	s1 =	rddreg [dreg:$0x1];
	s3 =	simm.s32 $0x0;
	s4 =	srdreg.scid  }
0x3: {  	s2 =	stileid.u32;
	[smem:$0x7FF] =	sst s3;
	s29 =	sand.u32 $0x1, s4  }
0x4: {  	s8 =	sshll.u32 s2, $0x8;
	s26 =	sshll.u32 s2, $0xD;
	s31 =	sshll.u32 s2, $0x10  }
0x5: {  	s5 =	sshll.u32 s2, $0x6;
	_ =	strace $0x80000056;
	s9 =	sshll.u32 s29, $0x7  }
0x6: {  	s30 =	sadd.s32 s26, s11;
	s6 =	sadd.s32 s31, s1;
	s5 =	sor.u32 $0x1C04, s5  }
0x7: {  	s4 =	sadd.s32 $0x28200, s30;
	s7 =	sshrl.u32 s6, $0x3;
	s6 =	simm.s32 $0x4  }
0x8: {  	[spmem:s7], [sflag:s5] =	dma.local [hbm:s4], $0x2000  }
0x9: {  	s8 =	sor.u32 s9, s8;
	_ =	swait.ge [sflag:s6], $0x2000  }
0xa: {  	s9 =	sadd.s32 s8, s11;
	[sflag:s6] =	ssyncset.done $0x0  }
0xb: {  	s8 =	sadd.s32 $0x88E00, s9;
	[sflag:s6] =	ssyncadd.s32 $0xFFFFE000  }
0xc: {  	[tilespmem:s3], [sflag:$0x4] =	stream.linear.gather [hbm4b:s8+s3], $0x300, $0x38;
	[tilespmem:$0x1C800] =	vst v63  }
0xd: {  	_ =	swait.ge [sflag:s6], $0x300  }
0xe: {  	[sflag:s6] =	ssyncset.done $0x0  }
0xf: {  	s10 =	simm.s32 $0x400;
	s9 =	sadd.s32 $0xB9E00, s9;
	[sflag:s6] =	ssyncadd.s32 $0xFFFFFD00  }
0x10: {  	[tilespmem:s10], [sflag:$0x4] =	stream.linear.gather [hbm4b:s9+s3], $0x300, $0x38;
	[tilespmem:$0x1C800] =	vst v63  }
0x11: {  	_ =	swait.ge [sflag:s6], $0x300  }
0x12: {  	[sflag:s6] =	ssyncset.done $0x0  }
0x13: {  	s12 =	simm.s32 $0x80;
	[sflag:s6] =	ssyncadd.s32 $0xFFFFFD00  }
0x14: {  	s13 =	simm.s32 $0x800;
	s11 =	sadd.s32 $0x11E400, s11;
	[bflag:$0x0] =	sbarrier.arrive $0xFFFF  }
0x15: {  	[tilespmem:s13], [sflag:$0x1] =	stream.indirect.gather [hbm4b:s11+s12], $0x80, s10, s12, $0xb8;
	[tilespmem:$0x1C800] =	vst v63  }
0x16: {  	s14 =	simm.s32 $0x480;
	s15 =	simm.s32 $0x4800  }
0x17: {  	[tilespmem:s15], [sflag:$0x2] =	stream.indirect.gather [hbm4b:s11+s12], $0x80, s14, s12, $0xb8;
	[tilespmem:$0x1C800] =	vst v63  }
0x18: {  	s16 =	simm.s32 $0x500;
	s17 =	simm.s32 $0x8800;
	s18 =	simm.s32 $0x1  }
0x19: {  	[tilespmem:s17], [sflag:$0x3] =	stream.indirect.gather [hbm4b:s11+s12], $0x80, s16, s12, $0xb8;
	[tilespmem:$0x1C800] =	vst v63  }
0x1a: {  	_ =	swait.ge [sflag:s18], $0x4000  }
0x1b: {  	[sflag:s18] =	ssyncset.done $0x0  }
0x1c: {  	[sflag:s18] =	ssyncadd.s32 $0xFFFFC000  }
0x1d: {  	[spmem:s1] =	stream.indirect.scatter.add.f32 [tilespmem:s13], [sflag:$0x4], $0x80, s3, s12, $0xb8;
	[tilespmem:$0x1C800] =	vst v63  }
0x1e: {  	_ =	swait.ge [sflag:s6], $0x4000  }
0x1f: {  	[sflag:s6] =	ssyncset.done $0x0  }
0x20: {  	s19 =	simm.s32 $0x580;
	s20 =	simm.s32 $0x2;
	[sflag:s6] =	ssyncadd.s32 $0xFFFFC000  }
0x21: {  	[tilespmem:s13], [sflag:$0x1] =	stream.indirect.gather [hbm4b:s11+s12], $0x80, s19, s12, $0xb8;
	[tilespmem:$0x1C800] =	vst v63  }
0x22: {  	_ =	swait.ge [sflag:s20], $0x4000  }
0x23: {  	[sflag:s20] =	ssyncset.done $0x0  }
0x24: {  	[sflag:s20] =	ssyncadd.s32 $0xFFFFC000  }
0x25: {  	[spmem:s1] =	stream.indirect.scatter.add.f32 [tilespmem:s15], [sflag:$0x4], $0x80, s12, s12, $0xb8;
	[tilespmem:$0x1C800] =	vst v63  }
0x26: {  	_ =	swait.ge [sflag:s6], $0x4000  }
0x27: {  	[sflag:s6] =	ssyncset.done $0x0  }
0x28: {  	s21 =	simm.s32 $0x600;
	s22 =	simm.s32 $0x3;
	[sflag:s6] =	ssyncadd.s32 $0xFFFFC000  }
0x29: {  	[tilespmem:s15], [sflag:$0x2] =	stream.indirect.gather [hbm4b:s11+s12], $0x80, s21, s12, $0xb8;
	[tilespmem:$0x1C800] =	vst v63  }
0x2a: {  	_ =	swait.ge [sflag:s22], $0x4000  }
0x2b: {  	[sflag:s22] =	ssyncset.done $0x0  }
0x2c: {  	s23 =	simm.s32 $0x100;
	[sflag:s22] =	ssyncadd.s32 $0xFFFFC000  }
0x2d: {  	[spmem:s1] =	stream.indirect.scatter.add.f32 [tilespmem:s17], [sflag:$0x4], $0x80, s23, s12, $0xb8;
	[tilespmem:$0x1C800] =	vst v63  }
0x2e: {  	_ =	swait.ge [sflag:s6], $0x4000  }
0x2f: {  	[sflag:s6] =	ssyncset.done $0x0  }
0x30: {  	s24 =	simm.s32 $0x680;
	[sflag:s6] =	ssyncadd.s32 $0xFFFFC000  }
0x31: {  	[tilespmem:s17], [sflag:$0x3] =	stream.indirect.gather [hbm4b:s11+s12], $0x80, s24, s12, $0xb8;
	[tilespmem:$0x1C800] =	vst v63  }
0x32: {  	_ =	swait.ge [sflag:s18], $0x4000  }
0x33: {  	[sflag:s18] =	ssyncset.done $0x0  }
0x34: {  	s25 =	simm.s32 $0x180;
	[sflag:s18] =	ssyncadd.s32 $0xFFFFC000  }
0x35: {  	[spmem:s1] =	stream.indirect.scatter.add.f32 [tilespmem:s13], [sflag:$0x4], $0x80, s25, s12, $0xb8;
	[tilespmem:$0x1C800] =	vst v63  }
0x36: {  	_ =	swait.ge [sflag:s6], $0x4000  }
0x37: {  	[sflag:s6] =	ssyncset.done $0x0  }
0x38: {  	[sflag:s6] =	ssyncadd.s32 $0xFFFFC000  }
0x39: {  	_ =	swait.ge [sflag:s20], $0x4000  }
0x3a: {  	[sflag:s20] =	ssyncset.done $0x0  }
0x3b: {  	s26 =	simm.s32 $0x200;
	[sflag:s20] =	ssyncadd.s32 $0xFFFFC000  }
0x3c: {  	[spmem:s1] =	stream.indirect.scatter.add.f32 [tilespmem:s15], [sflag:$0x4], $0x80, s26, s12, $0xb8;
	[tilespmem:$0x1C800] =	vst v63  }
0x3d: {  	_ =	swait.ge [sflag:s6], $0x4000  }
0x3e: {  	[sflag:s6] =	ssyncset.done $0x0  }
0x3f: {  	[sflag:s6] =	ssyncadd.s32 $0xFFFFC000  }
0x40: {  	s31 =	ssub.s32 $0x2, s29;
	_ =	swait.ge [sflag:s22], $0x4000  }
0x41: {  	s0 =	sshrl.u32 s31, $0x1;
	[sflag:s22] =	ssyncset.done $0x0  }
0x42: {  	s28 =	simm.s32 $0x280;
	s0 =	ssub.s32 s31, s0;
	[sflag:s22] =	ssyncadd.s32 $0xFFFFC000  }
0x43: {  	[spmem:s1] =	stream.indirect.scatter.add.f32 [tilespmem:s17], [sflag:$0x4], $0x80, s28, s12, $0xb8;
	[tilespmem:$0x1C800] =	vst v63  }
0x44: {  	s0 =	smax.u32 s0, $0x1;
	_ =	swait.ge [sflag:s6], $0x4000  }
0x45: {  	s29 =	sshll.u32 s29, $0x11;
	p0 =	sne.s32 s0, $0x1;
	[sflag:s6] =	ssyncset.done $0x0  }
.Ltmp0:
0x46: {  	s29 =	sadd.s32 s29, s30;
	[sflag:s6] =	ssyncadd.s32 $0xFFFFC000;
	(pc) =	sbr.rel @!p0 .LBB2_2-.Ltmp0, $4  }
0x47: {  	s29 =	sadd.s32 $0x48200, s29;
	[bflag:$0x0] =	sbarrier.arrive $0xFFFF  }
0x48: {  	[hbm:s29], [sflag:s5] =	dma.local [spmem:s7], $0x2000  }
0x49: {  	_ =	swait.ge [sflag:s6], $0x2000  }
0x4a: {  	s30 =	sadd.s32 $0xFFFFFFFF, s0;
	[sflag:s6] =	ssyncset.done $0x0  }
.LBB2_1:
0x4b: {  	p0 =	sne.s32 s30, $0x1;
	s30 =	sadd.s32 $0xFFFFFFFF, s30;
	[sflag:s6] =	ssyncadd.s32 $0xFFFFE000  }
0x4c: {  	[spmem:s7], [sflag:s5] =	dma.local [hbm:s4], $0x2000  }
0x4d: {  	_ =	swait.ge [sflag:s6], $0x2000  }
0x4e: {  	[sflag:s6] =	ssyncset.done $0x0  }
0x4f: {  	[sflag:s6] =	ssyncadd.s32 $0xFFFFE000  }
0x50: {  	[tilespmem:s3], [sflag:$0x4] =	stream.linear.gather [hbm4b:s8+s3], $0x300, $0x38;
	[tilespmem:$0x1C800] =	vst v63  }
0x51: {  	_ =	swait.ge [sflag:s6], $0x300  }
0x52: {  	[sflag:s6] =	ssyncset.done $0x0  }
0x53: {  	[sflag:s6] =	ssyncadd.s32 $0xFFFFFD00  }
0x54: {  	[tilespmem:s10], [sflag:$0x4] =	stream.linear.gather [hbm4b:s9+s3], $0x300, $0x38;
	[tilespmem:$0x1C800] =	vst v63  }
0x55: {  	_ =	swait.ge [sflag:s6], $0x300  }
0x56: {  	[sflag:s6] =	ssyncset.done $0x0  }
0x57: {  	[sflag:s6] =	ssyncadd.s32 $0xFFFFFD00  }
0x58: {  	[bflag:$0x0] =	sbarrier.arrive $0xFFFF  }
0x59: {  	[tilespmem:s13], [sflag:$0x1] =	stream.indirect.gather [hbm4b:s11+s12], $0x80, s10, s12, $0xb8;
	[tilespmem:$0x1C800] =	vst v63  }
0x5a: {  	_ = 	snop  }
0x5b: {  	[tilespmem:s15], [sflag:$0x2] =	stream.indirect.gather [hbm4b:s11+s12], $0x80, s14, s12, $0xb8;
	[tilespmem:$0x1C800] =	vst v63  }
0x5c: {  	_ = 	snop  }
0x5d: {  	[tilespmem:s17], [sflag:$0x3] =	stream.indirect.gather [hbm4b:s11+s12], $0x80, s16, s12, $0xb8;
	[tilespmem:$0x1C800] =	vst v63  }
0x5e: {  	_ =	swait.ge [sflag:s18], $0x4000  }
0x5f: {  	[sflag:s18] =	ssyncset.done $0x0  }
0x60: {  	[sflag:s18] =	ssyncadd.s32 $0xFFFFC000  }
0x61: {  	[spmem:s1] =	stream.indirect.scatter.add.f32 [tilespmem:s13], [sflag:$0x4], $0x80, s3, s12, $0xb8;
	[tilespmem:$0x1C800] =	vst v63  }
0x62: {  	_ =	swait.ge [sflag:s6], $0x4000  }
0x63: {  	[sflag:s6] =	ssyncset.done $0x0  }
0x64: {  	[sflag:s6] =	ssyncadd.s32 $0xFFFFC000  }
0x65: {  	[tilespmem:s13], [sflag:$0x1] =	stream.indirect.gather [hbm4b:s11+s12], $0x80, s19, s12, $0xb8;
	[tilespmem:$0x1C800] =	vst v63  }
0x66: {  	_ =	swait.ge [sflag:s20], $0x4000  }
0x67: {  	[sflag:s20] =	ssyncset.done $0x0  }
0x68: {  	[sflag:s20] =	ssyncadd.s32 $0xFFFFC000  }
0x69: {  	[spmem:s1] =	stream.indirect.scatter.add.f32 [tilespmem:s15], [sflag:$0x4], $0x80, s12, s12, $0xb8;
	[tilespmem:$0x1C800] =	vst v63  }
0x6a: {  	_ =	swait.ge [sflag:s6], $0x4000  }
0x6b: {  	[sflag:s6] =	ssyncset.done $0x0  }
0x6c: {  	[sflag:s6] =	ssyncadd.s32 $0xFFFFC000  }
0x6d: {  	[tilespmem:s15], [sflag:$0x2] =	stream.indirect.gather [hbm4b:s11+s12], $0x80, s21, s12, $0xb8;
	[tilespmem:$0x1C800] =	vst v63  }
0x6e: {  	_ =	swait.ge [sflag:s22], $0x4000  }
0x6f: {  	[sflag:s22] =	ssyncset.done $0x0  }
0x70: {  	[sflag:s22] =	ssyncadd.s32 $0xFFFFC000  }
0x71: {  	[spmem:s1] =	stream.indirect.scatter.add.f32 [tilespmem:s17], [sflag:$0x4], $0x80, s23, s12, $0xb8;
	[tilespmem:$0x1C800] =	vst v63  }
0x72: {  	_ =	swait.ge [sflag:s6], $0x4000  }
0x73: {  	[sflag:s6] =	ssyncset.done $0x0  }
0x74: {  	[sflag:s6] =	ssyncadd.s32 $0xFFFFC000  }
0x75: {  	[tilespmem:s17], [sflag:$0x3] =	stream.indirect.gather [hbm4b:s11+s12], $0x80, s24, s12, $0xb8;
	[tilespmem:$0x1C800] =	vst v63  }
0x76: {  	_ =	swait.ge [sflag:s18], $0x4000  }
0x77: {  	[sflag:s18] =	ssyncset.done $0x0  }
0x78: {  	[sflag:s18] =	ssyncadd.s32 $0xFFFFC000  }
0x79: {  	[spmem:s1] =	stream.indirect.scatter.add.f32 [tilespmem:s13], [sflag:$0x4], $0x80, s25, s12, $0xb8;
	[tilespmem:$0x1C800] =	vst v63  }
0x7a: {  	_ =	swait.ge [sflag:s6], $0x4000  }
0x7b: {  	[sflag:s6] =	ssyncset.done $0x0  }
0x7c: {  	[sflag:s6] =	ssyncadd.s32 $0xFFFFC000  }
0x7d: {  	_ =	swait.ge [sflag:s20], $0x4000  }
0x7e: {  	[sflag:s20] =	ssyncset.done $0x0  }
0x7f: {  	[sflag:s20] =	ssyncadd.s32 $0xFFFFC000  }
0x80: {  	[spmem:s1] =	stream.indirect.scatter.add.f32 [tilespmem:s15], [sflag:$0x4], $0x80, s26, s12, $0xb8;
	[tilespmem:$0x1C800] =	vst v63  }
0x81: {  	_ =	swait.ge [sflag:s6], $0x4000  }
0x82: {  	[sflag:s6] =	ssyncset.done $0x0  }
0x83: {  	[sflag:s6] =	ssyncadd.s32 $0xFFFFC000  }
0x84: {  	_ =	swait.ge [sflag:s22], $0x4000  }
0x85: {  	[sflag:s22] =	ssyncset.done $0x0  }
0x86: {  	[sflag:s22] =	ssyncadd.s32 $0xFFFFC000  }
0x87: {  	[spmem:s1] =	stream.indirect.scatter.add.f32 [tilespmem:s17], [sflag:$0x4], $0x80, s28, s12, $0xb8;
	[tilespmem:$0x1C800] =	vst v63  }
0x88: {  	_ =	swait.ge [sflag:s6], $0x4000  }
0x89: {  	[sflag:s6] =	ssyncset.done $0x0  }
.Ltmp1:
0x8a: {  	[sflag:s6] =	ssyncadd.s32 $0xFFFFC000;
	(pc) =	sbr.rel @p0 .LBB2_1-.Ltmp1, $4  }
0x8b: {  	[bflag:$0x0] =	sbarrier.arrive $0xFFFF  }
0x8c: {  	[hbm:s29], [sflag:s5] =	dma.local [spmem:s7], $0x2000  }
0x8d: {  	_ =	swait.ge [sflag:s6], $0x2000  }
0x8e: {  	[sflag:s6] =	ssyncset.done $0x0  }
.LBB2_2:
0x8f: {  	[sflag:s6] =	ssyncadd.s32 $0xFFFFE000  }
0x90: {  	_ =	sfence.sel $0x180000  }
0x91: {  	[bflag:$0x0] =	sbarrier.arrive $0xFFFF  }
0x92: {  	_ =	strace $0x90000056  }
0x93: {  	[bflag:$0x2] =	sbarrier.arrive $0xFFFF  }
0x94: {  	p0 =	sne.s32 s2, $0x0;
	s0 =	rddreg [dreg:$0x2]  }
0x95: {  	s0 =	sadd.s32 @!p0 $0x100000, s0  }
0x96: {  	[sflag:s0] =	ssyncadd.tile.s32 @!p0 $0x1;
	_ =	shalt  }
.Lfunc_end2:
_tile_overlayer_lowered:
.L_overlay_start_2:
0x97: {  	(tag) =	ssettag $0x2  }
0x98: {  	s0 =	rddreg [dreg:$0x0];
	s2 =	stileid.u32  }
0x99: {  	s1 =	rddreg [dreg:$0x1];
	p0 =	sne.s32 s2, $0x0  }
0x9a: {  	s3 =	rddreg [dreg:$0x2];
	[bflag:$0x3] =	sbarrier.arrive $0xFFFF;
	s2 =	simm.s32 @!p0 $0x1C04  }
0x9b: {  	[timem:s3], [sflag:s2] =	dma.local @!p0 [hbm:s0], s1  }
0x9c: {  	s0 =	simm.s32 @!p0 $0x4  }
0x9d: {  	_ =	swait.ge @!p0 [sflag:s0], s1  }
0x9e: {  	s1 =	ssub.s32 @!p0 $0x0, s1;
	[sflag:s0] =	ssyncset.done @!p0 $0x0  }
0x9f: {  	[sflag:s0] =	ssyncadd.s32 @!p0 s1  }
0xa0: {  	[bflag:$0x3] =	sbarrier.arrive $0xFFFF  }
0xa1: {  	_ =	shalt  }

</sc_bundles>
